<compile_context>
chip_gen: v7x
topology: tpu7x:2x2x1
jax: 0.10.2.dev20260603
libtpu: 0.0.44.dev20260713+nightly
codegen_flags: <defaults>
</compile_context>

<pallas_src>
import functools

import jax
import jax.numpy as jnp
from jax import lax
from jax.experimental import pallas as pl
from jax.experimental.pallas import tpu as pltpu
from jax.experimental.pallas import tpu_sc as plsc

IN_CHANNELS = 384
N_EXPERTS = 64
TOP_K = 8
ROUTE_SCALE = 1.0

B = 32
H = 56
W_SP = 56
SPATIAL = H * W_SP

TC_H = 42
BATCH_BLK = 8
H_BLK = 14
N_BATCH_BLKS = B // BATCH_BLK
N_H_BLKS = TC_H // H_BLK

SC_H = H - TC_H
SC_CHUNK = 2
SC_STEPS = SC_H // SC_CHUNK
N_CREG = IN_CHANNELS // 16


def _tc_pool_kernel(x_ref, out_ref):
    hi = pl.program_id(1)
    part = jnp.sum(x_ref[...], axis=(1, 2))

    @pl.when(hi == 0)
    def _init():
        out_ref[...] = part

    @pl.when(hi != 0)
    def _accum():
        out_ref[...] += part


_sc_mesh = plsc.VectorSubcoreMesh(core_axis_name="c", subcore_axis_name="s")


@functools.partial(
    pl.kernel,
    mesh=_sc_mesh,
    out_type=jax.ShapeDtypeStruct((B, IN_CHANNELS), jnp.float32),
    scratch_types=[
        pltpu.VMEM((SC_CHUNK, W_SP, IN_CHANNELS), jnp.float32),
        pltpu.VMEM((SC_CHUNK, W_SP, IN_CHANNELS), jnp.float32),
        pltpu.VMEM((IN_CHANNELS,), jnp.float32),
        pltpu.SemaphoreType.DMA,
        pltpu.SemaphoreType.DMA,
    ],
)
def _sc_pool_kernel(x_hbm, out_hbm, buf0, buf1, accv, sem0, sem1):
    b = lax.axis_index("s") * 2 + lax.axis_index("c")
    bufs = (buf0, buf1)
    sems = (sem0, sem1)

    pltpu.async_copy(x_hbm.at[b, pl.ds(TC_H, SC_CHUNK)], buf0, sem0)

    accs = tuple(jnp.zeros((16,), jnp.float32) for _ in range(N_CREG))
    for t in range(SC_STEPS):
        if t + 1 < SC_STEPS:
            pltpu.async_copy(
                x_hbm.at[b, pl.ds(TC_H + (t + 1) * SC_CHUNK, SC_CHUNK)],
                bufs[(t + 1) % 2],
                sems[(t + 1) % 2],
            )
        pltpu.make_async_copy(
            x_hbm.at[b, pl.ds(TC_H + t * SC_CHUNK, SC_CHUNK)],
            bufs[t % 2],
            sems[t % 2],
        ).wait()
        buf = bufs[t % 2]
        for tt in range(SC_CHUNK):

            def row_body(i, accs, _buf=buf, _tt=tt):
                return tuple(
                    accs[j] + _buf[_tt, i, pl.ds(16 * j, 16)]
                    for j in range(N_CREG)
                )

            accs = lax.fori_loop(0, W_SP, row_body, accs)

    for j in range(N_CREG):
        accv[pl.ds(16 * j, 16)] = accs[j]
    pltpu.sync_copy(accv, out_hbm.at[b])


def _router_kernel(p_ref, q_ref, w_ref, b_ref, bias_ref, wout_ref, iout_ref):
    pooled = (p_ref[...] + q_ref[...]) * (1.0 / SPATIAL)
    logits = jax.lax.dot_general(
        pooled,
        w_ref[...],
        (((1,), (1,)), ((), ())),
        preferred_element_type=jnp.float32,
    ) + b_ref[...]
    scores = jax.nn.sigmoid(logits)
    s = scores + bias_ref[...]

    iota = jax.lax.broadcasted_iota(jnp.int32, (B, N_EXPERTS), 1)
    idx_cols = []
    w_cols = []
    for _ in range(TOP_K):
        m = jnp.max(s, axis=1, keepdims=True)
        idx = jnp.min(
            jnp.where(s == m, iota, N_EXPERTS), axis=1, keepdims=True
        )
        onehot = iota == idx
        w = jnp.sum(jnp.where(onehot, scores, 0.0), axis=1, keepdims=True)
        idx_cols.append(idx)
        w_cols.append(w)
        s = jnp.where(onehot, -jnp.inf, s)
    indices = jnp.concatenate(idx_cols, axis=1)
    weights = jnp.concatenate(w_cols, axis=1)
    weights = weights / jnp.sum(weights, axis=1, keepdims=True)
    wout_ref[...] = weights * ROUTE_SCALE
    iout_ref[...] = indices


@jax.jit
def kernel(x, W, b, bias_buf):
    xt = x.transpose(0, 2, 3, 1)

    sums_sc = _sc_pool_kernel(xt)

    sums_tc = pl.pallas_call(
        _tc_pool_kernel,
        grid=(N_BATCH_BLKS, N_H_BLKS),
        in_specs=[
            pl.BlockSpec(
                (BATCH_BLK, H_BLK, W_SP, IN_CHANNELS), lambda bi, hi: (bi, hi, 0, 0)
            ),
        ],
        out_specs=pl.BlockSpec((BATCH_BLK, IN_CHANNELS), lambda bi, hi: (bi, 0)),
        out_shape=jax.ShapeDtypeStruct((B, IN_CHANNELS), jnp.float32),
    )(xt)

    weights, indices = pl.pallas_call(
        _router_kernel,
        in_specs=[
            pl.BlockSpec((B, IN_CHANNELS), lambda: (0, 0)),
            pl.BlockSpec((B, IN_CHANNELS), lambda: (0, 0)),
            pl.BlockSpec((N_EXPERTS, IN_CHANNELS), lambda: (0, 0)),
            pl.BlockSpec((1, N_EXPERTS), lambda: (0, 0)),
            pl.BlockSpec((1, N_EXPERTS), lambda: (0, 0)),
        ],
        out_specs=[
            pl.BlockSpec((B, TOP_K), lambda: (0, 0)),
            pl.BlockSpec((B, TOP_K), lambda: (0, 0)),
        ],
        out_shape=[
            jax.ShapeDtypeStruct((B, TOP_K), x.dtype),
            jax.ShapeDtypeStruct((B, TOP_K), jnp.int32),
        ],
    )(sums_tc, sums_sc, W, b.reshape(1, N_EXPERTS), bias_buf.reshape(1, N_EXPERTS))
    return weights, indices

# --- scband reference (transcript-rebuilt; emitter-appended) ---
"""Pipeline reference for scband-gate-28905129902147 (READ-ONLY COPY).

The authoritative reference and input builder live on the scoring server;
editing this copy changes nothing except your own understanding.
"""

import jax, jax.numpy as jnp
import numpy as np

IN_CHANNELS = 384
N_EXPERTS = 64
TOP_K = 8
ROUTE_SCALE = 1.0


def setup_inputs(seed: int = 0) -> dict:
    key = jax.random.key(seed)
    k1, k2, k3 = jax.random.split(key, 3)
    x = jax.random.normal(k1, (32, IN_CHANNELS, 56, 56), dtype=jnp.float32)
    W = jax.random.normal(k2, (N_EXPERTS, IN_CHANNELS), dtype=jnp.float32) * (1.0 / np.sqrt(IN_CHANNELS))
    b = jax.random.normal(k3, (N_EXPERTS,), dtype=jnp.float32) * 0.01
    bias_buf = jnp.zeros((N_EXPERTS,), dtype=jnp.float32)
    return {"x": x, "W": W, "b": b, "bias_buf": bias_buf}


def reference(x, W, b, bias_buf):
    B = x.shape[0]
    # nn.AdaptiveAvgPool2d(1) + Flatten -> global average pool over spatial dims
    pooled = jnp.mean(x, axis=(2, 3))
    # nn.Linear(in_channels, n_experts)
    logits = pooled @ W.T + b
    scores = jax.nn.sigmoid(logits)
    original_scores = scores
    scores_biased = scores + bias_buf
    # topk over biased scores, gather weights from original scores
    _, indices = jax.lax.top_k(scores_biased, TOP_K)
    weights = jnp.take_along_axis(original_scores, indices, axis=-1)
    weights = weights / jnp.sum(weights, axis=-1, keepdims=True)
    weights = weights * ROUTE_SCALE
    # parity with torch.bincount buffer update (side effect only)
    _counts = jnp.bincount(indices.reshape(-1), length=N_EXPERTS)
    return (weights.astype(x.dtype).reshape(B, -1), indices.reshape(B, -1))

if __name__ == "__main__":
    import jax
    _d = setup_inputs()
    print(jax.jit(kernel)(*tuple(_d.values())))

</pallas_src>

<mosaic_0001>
#map = affine_map<(d0, d1) -> (0, 0, 0, 0)>
#map1 = affine_map<(d0, d1) -> (0, 0)>
module attributes {stable_mosaic.version = 14 : i64} {
  func.func @_sc_pool_kernel(%arg0: i32, %arg1: i32, %arg2: memref<32x56x56x384xf32, #tpu.memory_space<hbm>>, %arg3: memref<32x384xf32, #tpu.memory_space<hbm>>, %arg4: memref<2x56x384xf32, #tpu.memory_space<vmem>>, %arg5: memref<2x56x384xf32, #tpu.memory_space<vmem>>, %arg6: memref<384xf32, #tpu.memory_space<vmem>>, %arg7: memref<!tpu.dma_semaphore, #tpu.memory_space<semaphore_mem>>, %arg8: memref<!tpu.dma_semaphore, #tpu.memory_space<semaphore_mem>>) attributes {dimension_semantics = [#tpu.dimension_semantics<core_parallel>, #tpu.dimension_semantics<subcore_parallel>], iteration_bounds = array<i64: 2, 16>, scalar_prefetch = 0 : i64, scratch_operands = 5 : i64, tpu.core_type = #tpu.core_type<sc_vector_subcore>, window_params = [{transform_indices = #map}, {transform_indices = #map1}]} {
    %mul3A = arith.constant 2 : i32
    %mul3A_0 = arith.muli %arg1, %mul3A : i32
    %add3A = arith.addi %mul3A_0, %arg0 : i32
    %dma_start3A = arith.constant 42 : i32
    %dma_start3A_1 = arith.constant 0 : i32
    %dma_start3A_2 = arith.constant 0 : i32
    %dma_start3A_3 = tpu.memref_slice %arg2[%add3A, %dma_start3A, %dma_start3A_1, %dma_start3A_2] : memref<32x56x56x384xf32, #tpu.memory_space<hbm>> -> memref<1x2x56x384xf32, #tpu.memory_space<hbm>>
    %dma_start3A_4 = tpu.memref_squeeze %dma_start3A_3 : memref<1x2x56x384xf32, #tpu.memory_space<hbm>> -> memref<2x56x384xf32, #tpu.memory_space<hbm>>
    %dma_start3A_5 = arith.constant 42 : i32
    %dma_start3A_6 = arith.constant 0 : i32
    %dma_start3A_7 = arith.constant 0 : i32
    %dma_start3A_8 = tpu.memref_slice %arg2[%add3A, %dma_start3A_5, %dma_start3A_6, %dma_start3A_7] : memref<32x56x56x384xf32, #tpu.memory_space<hbm>> -> memref<1x2x56x384xf32, #tpu.memory_space<hbm>>
    %dma_start3A_9 = tpu.memref_squeeze %dma_start3A_8 : memref<1x2x56x384xf32, #tpu.memory_space<hbm>> -> memref<2x56x384xf32, #tpu.memory_space<hbm>>
    tpu.enqueue_dma source(%dma_start3A_9 : memref<2x56x384xf32, #tpu.memory_space<hbm>>) target(%arg4 : memref<2x56x384xf32, #tpu.memory_space<vmem>>) target_semaphore(%arg7 : memref<!tpu.dma_semaphore, #tpu.memory_space<semaphore_mem>>)
    %broadcast_in_dim3A = arith.constant 0.000000e+00 : f32
    %broadcast_in_dim3A_10 = vector.broadcast %broadcast_in_dim3A : f32 to vector<16xf32>
    %broadcast_in_dim3A_11 = arith.constant 0.000000e+00 : f32
    %broadcast_in_dim3A_12 = vector.broadcast %broadcast_in_dim3A_11 : f32 to vector<16xf32>
    %broadcast_in_dim3A_13 = arith.constant 0.000000e+00 : f32
    %broadcast_in_dim3A_14 = vector.broadcast %broadcast_in_dim3A_13 : f32 to vector<16xf32>
    %broadcast_in_dim3A_15 = arith.constant 0.000000e+00 : f32
    %broadcast_in_dim3A_16 = vector.broadcast %broadcast_in_dim3A_15 : f32 to vector<16xf32>
    %broadcast_in_dim3A_17 = arith.constant 0.000000e+00 : f32
    %broadcast_in_dim3A_18 = vector.broadcast %broadcast_in_dim3A_17 : f32 to vector<16xf32>
    %broadcast_in_dim3A_19 = arith.constant 0.000000e+00 : f32
    %broadcast_in_dim3A_20 = vector.broadcast %broadcast_in_dim3A_19 : f32 to vector<16xf32>
    %broadcast_in_dim3A_21 = arith.constant 0.000000e+00 : f32
    %broadcast_in_dim3A_22 = vector.broadcast %broadcast_in_dim3A_21 : f32 to vector<16xf32>
    %broadcast_in_dim3A_23 = arith.constant 0.000000e+00 : f32
    %broadcast_in_dim3A_24 = vector.broadcast %broadcast_in_dim3A_23 : f32 to vector<16xf32>
    %broadcast_in_dim3A_25 = arith.constant 0.000000e+00 : f32
    %broadcast_in_dim3A_26 = vector.broadcast %broadcast_in_dim3A_25 : f32 to vector<16xf32>
    %broadcast_in_dim3A_27 = arith.constant 0.000000e+00 : f32
    %broadcast_in_dim3A_28 = vector.broadcast %broadcast_in_dim3A_27 : f32 to vector<16xf32>
    %broadcast_in_dim3A_29 = arith.constant 0.000000e+00 : f32
    %broadcast_in_dim3A_30 = vector.broadcast %broadcast_in_dim3A_29 : f32 to vector<16xf32>
    %broadcast_in_dim3A_31 = arith.constant 0.000000e+00 : f32
    %broadcast_in_dim3A_32 = vector.broadcast %broadcast_in_dim3A_31 : f32 to vector<16xf32>
    %broadcast_in_dim3A_33 = arith.constant 0.000000e+00 : f32
    %broadcast_in_dim3A_34 = vector.broadcast %broadcast_in_dim3A_33 : f32 to vector<16xf32>
    %broadcast_in_dim3A_35 = arith.constant 0.000000e+00 : f32
    %broadcast_in_dim3A_36 = vector.broadcast %broadcast_in_dim3A_35 : f32 to vector<16xf32>
    %broadcast_in_dim3A_37 = arith.constant 0.000000e+00 : f32
    %broadcast_in_dim3A_38 = vector.broadcast %broadcast_in_dim3A_37 : f32 to vector<16xf32>
    %broadcast_in_dim3A_39 = arith.constant 0.000000e+00 : f32
    %broadcast_in_dim3A_40 = vector.broadcast %broadcast_in_dim3A_39 : f32 to vector<16xf32>
    %broadcast_in_dim3A_41 = arith.constant 0.000000e+00 : f32
    %broadcast_in_dim3A_42 = vector.broadcast %broadcast_in_dim3A_41 : f32 to vector<16xf32>
    %broadcast_in_dim3A_43 = arith.constant 0.000000e+00 : f32
    %broadcast_in_dim3A_44 = vector.broadcast %broadcast_in_dim3A_43 : f32 to vector<16xf32>
    %broadcast_in_dim3A_45 = arith.constant 0.000000e+00 : f32
    %broadcast_in_dim3A_46 = vector.broadcast %broadcast_in_dim3A_45 : f32 to vector<16xf32>
    %broadcast_in_dim3A_47 = arith.constant 0.000000e+00 : f32
    %broadcast_in_dim3A_48 = vector.broadcast %broadcast_in_dim3A_47 : f32 to vector<16xf32>
    %broadcast_in_dim3A_49 = arith.constant 0.000000e+00 : f32
    %broadcast_in_dim3A_50 = vector.broadcast %broadcast_in_dim3A_49 : f32 to vector<16xf32>
    %broadcast_in_dim3A_51 = arith.constant 0.000000e+00 : f32
    %broadcast_in_dim3A_52 = vector.broadcast %broadcast_in_dim3A_51 : f32 to vector<16xf32>
    %broadcast_in_dim3A_53 = arith.constant 0.000000e+00 : f32
    %broadcast_in_dim3A_54 = vector.broadcast %broadcast_in_dim3A_53 : f32 to vector<16xf32>
    %broadcast_in_dim3A_55 = arith.constant 0.000000e+00 : f32
    %broadcast_in_dim3A_56 = vector.broadcast %broadcast_in_dim3A_55 : f32 to vector<16xf32>
    %dma_start3A_57 = arith.constant 44 : i32
    %dma_start3A_58 = arith.constant 0 : i32
    %dma_start3A_59 = arith.constant 0 : i32
    %dma_start3A_60 = tpu.memref_slice %arg2[%add3A, %dma_start3A_57, %dma_start3A_58, %dma_start3A_59] : memref<32x56x56x384xf32, #tpu.memory_space<hbm>> -> memref<1x2x56x384xf32, #tpu.memory_space<hbm>>
    %dma_start3A_61 = tpu.memref_squeeze %dma_start3A_60 : memref<1x2x56x384xf32, #tpu.memory_space<hbm>> -> memref<2x56x384xf32, #tpu.memory_space<hbm>>
    %dma_start3A_62 = arith.constant 44 : i32
    %dma_start3A_63 = arith.constant 0 : i32
    %dma_start3A_64 = arith.constant 0 : i32
    %dma_start3A_65 = tpu.memref_slice %arg2[%add3A, %dma_start3A_62, %dma_start3A_63, %dma_start3A_64] : memref<32x56x56x384xf32, #tpu.memory_space<hbm>> -> memref<1x2x56x384xf32, #tpu.memory_space<hbm>>
    %dma_start3A_66 = tpu.memref_squeeze %dma_start3A_65 : memref<1x2x56x384xf32, #tpu.memory_space<hbm>> -> memref<2x56x384xf32, #tpu.memory_space<hbm>>
    tpu.enqueue_dma source(%dma_start3A_66 : memref<2x56x384xf32, #tpu.memory_space<hbm>>) target(%arg5 : memref<2x56x384xf32, #tpu.memory_space<vmem>>) target_semaphore(%arg8 : memref<!tpu.dma_semaphore, #tpu.memory_space<semaphore_mem>>)
    %dma_wait3A = arith.constant 42 : i32
    %dma_wait3A_67 = arith.constant 0 : i32
    %dma_wait3A_68 = arith.constant 0 : i32
    %dma_wait3A_69 = tpu.memref_slice %arg2[%add3A, %dma_wait3A, %dma_wait3A_67, %dma_wait3A_68] : memref<32x56x56x384xf32, #tpu.memory_space<hbm>> -> memref<1x2x56x384xf32, #tpu.memory_space<hbm>>
    %dma_wait3A_70 = tpu.memref_squeeze %dma_wait3A_69 : memref<1x2x56x384xf32, #tpu.memory_space<hbm>> -> memref<2x56x384xf32, #tpu.memory_space<hbm>>
    %dma_wait3A_71 = arith.constant 42 : i32
    %dma_wait3A_72 = arith.constant 0 : i32
    %dma_wait3A_73 = arith.constant 0 : i32
    %dma_wait3A_74 = tpu.memref_slice %arg2[%add3A, %dma_wait3A_71, %dma_wait3A_72, %dma_wait3A_73] : memref<32x56x56x384xf32, #tpu.memory_space<hbm>> -> memref<1x2x56x384xf32, #tpu.memory_space<hbm>>
    %dma_wait3A_75 = tpu.memref_squeeze %dma_wait3A_74 : memref<1x2x56x384xf32, #tpu.memory_space<hbm>> -> memref<2x56x384xf32, #tpu.memory_space<hbm>>
    tpu.wait_dma2 semaphore(%arg7 : memref<!tpu.dma_semaphore, #tpu.memory_space<semaphore_mem>>) src(%dma_wait3A_75 : memref<2x56x384xf32, #tpu.memory_space<hbm>>) dst(%arg4 : memref<2x56x384xf32, #tpu.memory_space<vmem>>)
    %scan3A = arith.constant 0 : i32
    %scan3A_76 = arith.constant 56 : i32
    %scan3A_77 = arith.addi %scan3A, %scan3A_76 : i32
    %scan3A_78 = arith.constant 1 : i32
    %scan3A_79:24 = scf.for %scan3A_364 = %scan3A to %scan3A_77 step %scan3A_78 iter_args(%scan3A_365 = %broadcast_in_dim3A_10, %scan3A_366 = %broadcast_in_dim3A_12, %scan3A_367 = %broadcast_in_dim3A_14, %scan3A_368 = %broadcast_in_dim3A_16, %scan3A_369 = %broadcast_in_dim3A_18, %scan3A_370 = %broadcast_in_dim3A_20, %scan3A_371 = %broadcast_in_dim3A_22, %scan3A_372 = %broadcast_in_dim3A_24, %scan3A_373 = %broadcast_in_dim3A_26, %scan3A_374 = %broadcast_in_dim3A_28, %scan3A_375 = %broadcast_in_dim3A_30, %scan3A_376 = %broadcast_in_dim3A_32, %scan3A_377 = %broadcast_in_dim3A_34, %scan3A_378 = %broadcast_in_dim3A_36, %scan3A_379 = %broadcast_in_dim3A_38, %scan3A_380 = %broadcast_in_dim3A_40, %scan3A_381 = %broadcast_in_dim3A_42, %scan3A_382 = %broadcast_in_dim3A_44, %scan3A_383 = %broadcast_in_dim3A_46, %scan3A_384 = %broadcast_in_dim3A_48, %scan3A_385 = %broadcast_in_dim3A_50, %scan3A_386 = %broadcast_in_dim3A_52, %scan3A_387 = %broadcast_in_dim3A_54, %scan3A_388 = %broadcast_in_dim3A_56) -> (vector<16xf32>, vector<16xf32>, vector<16xf32>, vector<16xf32>, vector<16xf32>, vector<16xf32>, vector<16xf32>, vector<16xf32>, vector<16xf32>, vector<16xf32>, vector<16xf32>, vector<16xf32>, vector<16xf32>, vector<16xf32>, vector<16xf32>, vector<16xf32>, vector<16xf32>, vector<16xf32>, vector<16xf32>, vector<16xf32>, vector<16xf32>, vector<16xf32>, vector<16xf32>, vector<16xf32>)  : i32 {
      %get3A = arith.constant 0 : i32
      %get3A_389 = arith.index_cast %get3A : i32 to index
      %get3A_390 = arith.index_cast %scan3A_364 : i32 to index
      %get3A_391 = arith.constant 0 : index
      %get3A_392 = tpu.vector_load %arg4[%get3A_389, %get3A_390, %get3A_391] {strides = array<i32>} : memref<2x56x384xf32, #tpu.memory_space<vmem>>, vector<1x1x16xf32>,
      %get3A_393 = vector.shape_cast %get3A_392 : vector<1x1x16xf32> to vector<16xf32>
      %add3A_394 = arith.addf %scan3A_365, %get3A_393 : vector<16xf32>
      %get3A_395 = arith.constant 0 : i32
      %get3A_396 = arith.index_cast %get3A_395 : i32 to index
      %get3A_397 = arith.index_cast %scan3A_364 : i32 to index
      %get3A_398 = arith.constant 16 : index
      %get3A_399 = tpu.vector_load %arg4[%get3A_396, %get3A_397, %get3A_398] {strides = array<i32>} : memref<2x56x384xf32, #tpu.memory_space<vmem>>, vector<1x1x16xf32>,
      %get3A_400 = vector.shape_cast %get3A_399 : vector<1x1x16xf32> to vector<16xf32>
      %add3A_401 = arith.addf %scan3A_366, %get3A_400 : vector<16xf32>
      %get3A_402 = arith.constant 0 : i32
      %get3A_403 = arith.index_cast %get3A_402 : i32 to index
      %get3A_404 = arith.index_cast %scan3A_364 : i32 to index
      %get3A_405 = arith.constant 32 : index
      %get3A_406 = tpu.vector_load %arg4[%get3A_403, %get3A_404, %get3A_405] {strides = array<i32>} : memref<2x56x384xf32, #tpu.memory_space<vmem>>, vector<1x1x16xf32>,
      %get3A_407 = vector.shape_cast %get3A_406 : vector<1x1x16xf32> to vector<16xf32>
      %add3A_408 = arith.addf %scan3A_367, %get3A_407 : vector<16xf32>
      %get3A_409 = arith.constant 0 : i32
      %get3A_410 = arith.index_cast %get3A_409 : i32 to index
      %get3A_411 = arith.index_cast %scan3A_364 : i32 to index
      %get3A_412 = arith.constant 48 : index
      %get3A_413 = tpu.vector_load %arg4[%get3A_410, %get3A_411, %get3A_412] {strides = array<i32>} : memref<2x56x384xf32, #tpu.memory_space<vmem>>, vector<1x1x16xf32>,
      %get3A_414 = vector.shape_cast %get3A_413 : vector<1x1x16xf32> to vector<16xf32>
      %add3A_415 = arith.addf %scan3A_368, %get3A_414 : vector<16xf32>
      %get3A_416 = arith.constant 0 : i32
      %get3A_417 = arith.index_cast %get3A_416 : i32 to index
      %get3A_418 = arith.index_cast %scan3A_364 : i32 to index
      %get3A_419 = arith.constant 64 : index
      %get3A_420 = tpu.vector_load %arg4[%get3A_417, %get3A_418, %get3A_419] {strides = array<i32>} : memref<2x56x384xf32, #tpu.memory_space<vmem>>, vector<1x1x16xf32>,
      %get3A_421 = vector.shape_cast %get3A_420 : vector<1x1x16xf32> to vector<16xf32>
      %add3A_422 = arith.addf %scan3A_369, %get3A_421 : vector<16xf32>
      %get3A_423 = arith.constant 0 : i32
      %get3A_424 = arith.index_cast %get3A_423 : i32 to index
      %get3A_425 = arith.index_cast %scan3A_364 : i32 to index
      %get3A_426 = arith.constant 80 : index
      %get3A_427 = tpu.vector_load %arg4[%get3A_424, %get3A_425, %get3A_426] {strides = array<i32>} : memref<2x56x384xf32, #tpu.memory_space<vmem>>, vector<1x1x16xf32>,
      %get3A_428 = vector.shape_cast %get3A_427 : vector<1x1x16xf32> to vector<16xf32>
      %add3A_429 = arith.addf %scan3A_370, %get3A_428 : vector<16xf32>
      %get3A_430 = arith.constant 0 : i32
      %get3A_431 = arith.index_cast %get3A_430 : i32 to index
      %get3A_432 = arith.index_cast %scan3A_364 : i32 to index
      %get3A_433 = arith.constant 96 : index
      %get3A_434 = tpu.vector_load %arg4[%get3A_431, %get3A_432, %get3A_433] {strides = array<i32>} : memref<2x56x384xf32, #tpu.memory_space<vmem>>, vector<1x1x16xf32>,
      %get3A_435 = vector.shape_cast %get3A_434 : vector<1x1x16xf32> to vector<16xf32>
      %add3A_436 = arith.addf %scan3A_371, %get3A_435 : vector<16xf32>
      %get3A_437 = arith.constant 0 : i32
      %get3A_438 = arith.index_cast %get3A_437 : i32 to index
      %get3A_439 = arith.index_cast %scan3A_364 : i32 to index
      %get3A_440 = arith.constant 112 : index
      %get3A_441 = tpu.vector_load %arg4[%get3A_438, %get3A_439, %get3A_440] {strides = array<i32>} : memref<2x56x384xf32, #tpu.memory_space<vmem>>, vector<1x1x16xf32>,
      %get3A_442 = vector.shape_cast %get3A_441 : vector<1x1x16xf32> to vector<16xf32>
      %add3A_443 = arith.addf %scan3A_372, %get3A_442 : vector<16xf32>
      %get3A_444 = arith.constant 0 : i32
      %get3A_445 = arith.index_cast %get3A_444 : i32 to index
      %get3A_446 = arith.index_cast %scan3A_364 : i32 to index
      %get3A_447 = arith.constant 128 : index
      %get3A_448 = tpu.vector_load %arg4[%get3A_445, %get3A_446, %get3A_447] {strides = array<i32>} : memref<2x56x384xf32, #tpu.memory_space<vmem>>, vector<1x1x16xf32>,
      %get3A_449 = vector.shape_cast %get3A_448 : vector<1x1x16xf32> to vector<16xf32>
      %add3A_450 = arith.addf %scan3A_373, %get3A_449 : vector<16xf32>
      %get3A_451 = arith.constant 0 : i32
      %get3A_452 = arith.index_cast %get3A_451 : i32 to index
      %get3A_453 = arith.index_cast %scan3A_364 : i32 to index
      %get3A_454 = arith.constant 144 : index
      %get3A_455 = tpu.vector_load %arg4[%get3A_452, %get3A_453, %get3A_454] {strides = array<i32>} : memref<2x56x384xf32, #tpu.memory_space<vmem>>, vector<1x1x16xf32>,
      %get3A_456 = vector.shape_cast %get3A_455 : vector<1x1x16xf32> to vector<16xf32>
      %add3A_457 = arith.addf %scan3A_374, %get3A_456 : vector<16xf32>
      %get3A_458 = arith.constant 0 : i32
      %get3A_459 = arith.index_cast %get3A_458 : i32 to index
      %get3A_460 = arith.index_cast %scan3A_364 : i32 to index
      %get3A_461 = arith.constant 160 : index
      %get3A_462 = tpu.vector_load %arg4[%get3A_459, %get3A_460, %get3A_461] {strides = array<i32>} : memref<2x56x384xf32, #tpu.memory_space<vmem>>, vector<1x1x16xf32>,
      %get3A_463 = vector.shape_cast %get3A_462 : vector<1x1x16xf32> to vector<16xf32>
      %add3A_464 = arith.addf %scan3A_375, %get3A_463 : vector<16xf32>
      %get3A_465 = arith.constant 0 : i32
      %get3A_466 = arith.index_cast %get3A_465 : i32 to index
      %get3A_467 = arith.index_cast %scan3A_364 : i32 to index
      %get3A_468 = arith.constant 176 : index
      %get3A_469 = tpu.vector_load %arg4[%get3A_466, %get3A_467, %get3A_468] {strides = array<i32>} : memref<2x56x384xf32, #tpu.memory_space<vmem>>, vector<1x1x16xf32>,
      %get3A_470 = vector.shape_cast %get3A_469 : vector<1x1x16xf32> to vector<16xf32>
      %add3A_471 = arith.addf %scan3A_376, %get3A_470 : vector<16xf32>
      %get3A_472 = arith.constant 0 : i32
      %get3A_473 = arith.index_cast %get3A_472 : i32 to index
      %get3A_474 = arith.index_cast %scan3A_364 : i32 to index
      %get3A_475 = arith.constant 192 : index
      %get3A_476 = tpu.vector_load %arg4[%get3A_473, %get3A_474, %get3A_475] {strides = array<i32>} : memref<2x56x384xf32, #tpu.memory_space<vmem>>, vector<1x1x16xf32>,
      %get3A_477 = vector.shape_cast %get3A_476 : vector<1x1x16xf32> to vector<16xf32>
      %add3A_478 = arith.addf %scan3A_377, %get3A_477 : vector<16xf32>
      %get3A_479 = arith.constant 0 : i32
      %get3A_480 = arith.index_cast %get3A_479 : i32 to index
      %get3A_481 = arith.index_cast %scan3A_364 : i32 to index
      %get3A_482 = arith.constant 208 : index
      %get3A_483 = tpu.vector_load %arg4[%get3A_480, %get3A_481, %get3A_482] {strides = array<i32>} : memref<2x56x384xf32, #tpu.memory_space<vmem>>, vector<1x1x16xf32>,
      %get3A_484 = vector.shape_cast %get3A_483 : vector<1x1x16xf32> to vector<16xf32>
      %add3A_485 = arith.addf %scan3A_378, %get3A_484 : vector<16xf32>
      %get3A_486 = arith.constant 0 : i32
      %get3A_487 = arith.index_cast %get3A_486 : i32 to index
      %get3A_488 = arith.index_cast %scan3A_364 : i32 to index
      %get3A_489 = arith.constant 224 : index
      %get3A_490 = tpu.vector_load %arg4[%get3A_487, %get3A_488, %get3A_489] {strides = array<i32>} : memref<2x56x384xf32, #tpu.memory_space<vmem>>, vector<1x1x16xf32>,
      %get3A_491 = vector.shape_cast %get3A_490 : vector<1x1x16xf32> to vector<16xf32>
      %add3A_492 = arith.addf %scan3A_379, %get3A_491 : vector<16xf32>
      %get3A_493 = arith.constant 0 : i32
      %get3A_494 = arith.index_cast %get3A_493 : i32 to index
      %get3A_495 = arith.index_cast %scan3A_364 : i32 to index
      %get3A_496 = arith.constant 240 : index
      %get3A_497 = tpu.vector_load %arg4[%get3A_494, %get3A_495, %get3A_496] {strides = array<i32>} : memref<2x56x384xf32, #tpu.memory_space<vmem>>, vector<1x1x16xf32>,
      %get3A_498 = vector.shape_cast %get3A_497 : vector<1x1x16xf32> to vector<16xf32>
      %add3A_499 = arith.addf %scan3A_380, %get3A_498 : vector<16xf32>
      %get3A_500 = arith.constant 0 : i32
      %get3A_501 = arith.index_cast %get3A_500 : i32 to index
      %get3A_502 = arith.index_cast %scan3A_364 : i32 to index
      %get3A_503 = arith.constant 256 : index
      %get3A_504 = tpu.vector_load %arg4[%get3A_501, %get3A_502, %get3A_503] {strides = array<i32>} : memref<2x56x384xf32, #tpu.memory_space<vmem>>, vector<1x1x16xf32>,
      %get3A_505 = vector.shape_cast %get3A_504 : vector<1x1x16xf32> to vector<16xf32>
      %add3A_506 = arith.addf %scan3A_381, %get3A_505 : vector<16xf32>
      %get3A_507 = arith.constant 0 : i32
      %get3A_508 = arith.index_cast %get3A_507 : i32 to index
      %get3A_509 = arith.index_cast %scan3A_364 : i32 to index
      %get3A_510 = arith.constant 272 : index
      %get3A_511 = tpu.vector_load %arg4[%get3A_508, %get3A_509, %get3A_510] {strides = array<i32>} : memref<2x56x384xf32, #tpu.memory_space<vmem>>, vector<1x1x16xf32>,
      %get3A_512 = vector.shape_cast %get3A_511 : vector<1x1x16xf32> to vector<16xf32>
      %add3A_513 = arith.addf %scan3A_382, %get3A_512 : vector<16xf32>
      %get3A_514 = arith.constant 0 : i32
      %get3A_515 = arith.index_cast %get3A_514 : i32 to index
      %get3A_516 = arith.index_cast %scan3A_364 : i32 to index
      %get3A_517 = arith.constant 288 : index
      %get3A_518 = tpu.vector_load %arg4[%get3A_515, %get3A_516, %get3A_517] {strides = array<i32>} : memref<2x56x384xf32, #tpu.memory_space<vmem>>, vector<1x1x16xf32>,
      %get3A_519 = vector.shape_cast %get3A_518 : vector<1x1x16xf32> to vector<16xf32>
      %add3A_520 = arith.addf %scan3A_383, %get3A_519 : vector<16xf32>
      %get3A_521 = arith.constant 0 : i32
      %get3A_522 = arith.index_cast %get3A_521 : i32 to index
      %get3A_523 = arith.index_cast %scan3A_364 : i32 to index
      %get3A_524 = arith.constant 304 : index
      %get3A_525 = tpu.vector_load %arg4[%get3A_522, %get3A_523, %get3A_524] {strides = array<i32>} : memref<2x56x384xf32, #tpu.memory_space<vmem>>, vector<1x1x16xf32>,
      %get3A_526 = vector.shape_cast %get3A_525 : vector<1x1x16xf32> to vector<16xf32>
      %add3A_527 = arith.addf %scan3A_384, %get3A_526 : vector<16xf32>
      %get3A_528 = arith.constant 0 : i32
      %get3A_529 = arith.index_cast %get3A_528 : i32 to index
      %get3A_530 = arith.index_cast %scan3A_364 : i32 to index
      %get3A_531 = arith.constant 320 : index
      %get3A_532 = tpu.vector_load %arg4[%get3A_529, %get3A_530, %get3A_531] {strides = array<i32>} : memref<2x56x384xf32, #tpu.memory_space<vmem>>, vector<1x1x16xf32>,
      %get3A_533 = vector.shape_cast %get3A_532 : vector<1x1x16xf32> to vector<16xf32>
      %add3A_534 = arith.addf %scan3A_385, %get3A_533 : vector<16xf32>
      %get3A_535 = arith.constant 0 : i32
      %get3A_536 = arith.index_cast %get3A_535 : i32 to index
      %get3A_537 = arith.index_cast %scan3A_364 : i32 to index
      %get3A_538 = arith.constant 336 : index
      %get3A_539 = tpu.vector_load %arg4[%get3A_536, %get3A_537, %get3A_538] {strides = array<i32>} : memref<2x56x384xf32, #tpu.memory_space<vmem>>, vector<1x1x16xf32>,
      %get3A_540 = vector.shape_cast %get3A_539 : vector<1x1x16xf32> to vector<16xf32>
      %add3A_541 = arith.addf %scan3A_386, %get3A_540 : vector<16xf32>
      %get3A_542 = arith.constant 0 : i32
      %get3A_543 = arith.index_cast %get3A_542 : i32 to index
      %get3A_544 = arith.index_cast %scan3A_364 : i32 to index
      %get3A_545 = arith.constant 352 : index
      %get3A_546 = tpu.vector_load %arg4[%get3A_543, %get3A_544, %get3A_545] {strides = array<i32>} : memref<2x56x384xf32, #tpu.memory_space<vmem>>, vector<1x1x16xf32>,
      %get3A_547 = vector.shape_cast %get3A_546 : vector<1x1x16xf32> to vector<16xf32>
      %add3A_548 = arith.addf %scan3A_387, %get3A_547 : vector<16xf32>
      %get3A_549 = arith.constant 0 : i32
      %get3A_550 = arith.index_cast %get3A_549 : i32 to index
      %get3A_551 = arith.index_cast %scan3A_364 : i32 to index
      %get3A_552 = arith.constant 368 : index
      %get3A_553 = tpu.vector_load %arg4[%get3A_550, %get3A_551, %get3A_552] {strides = array<i32>} : memref<2x56x384xf32, #tpu.memory_space<vmem>>, vector<1x1x16xf32>,
      %get3A_554 = vector.shape_cast %get3A_553 : vector<1x1x16xf32> to vector<16xf32>
      %add3A_555 = arith.addf %scan3A_388, %get3A_554 : vector<16xf32>
      scf.yield %add3A_394, %add3A_401, %add3A_408, %add3A_415, %add3A_422, %add3A_429, %add3A_436, %add3A_443, %add3A_450, %add3A_457, %add3A_464, %add3A_471, %add3A_478, %add3A_485, %add3A_492, %add3A_499, %add3A_506, %add3A_513, %add3A_520, %add3A_527, %add3A_534, %add3A_541, %add3A_548, %add3A_555 : vector<16xf32>, vector<16xf32>, vector<16xf32>, vector<16xf32>, vector<16xf32>, vector<16xf32>, vector<16xf32>, vector<16xf32>, vector<16xf32>, vector<16xf32>, vector<16xf32>, vector<16xf32>, vector<16xf32>, vector<16xf32>, vector<16xf32>, vector<16xf32>, vector<16xf32>, vector<16xf32>, vector<16xf32>, vector<16xf32>, vector<16xf32>, vector<16xf32>, vector<16xf32>, vector<16xf32>
    }
    %scan3A_80 = arith.constant 56 : i32
    %scan3A_81 = arith.constant 0 : i32
    %scan3A_82 = arith.constant 56 : i32
    %scan3A_83 = arith.addi %scan3A_81, %scan3A_82 : i32
    %scan3A_84 = arith.constant 1 : i32
    %scan3A_85:24 = scf.for %scan3A_364 = %scan3A_81 to %scan3A_83 step %scan3A_84 iter_args(%scan3A_365 = %scan3A_79#0, %scan3A_366 = %scan3A_79#1, %scan3A_367 = %scan3A_79#2, %scan3A_368 = %scan3A_79#3, %scan3A_369 = %scan3A_79#4, %scan3A_370 = %scan3A_79#5, %scan3A_371 = %scan3A_79#6, %scan3A_372 = %scan3A_79#7, %scan3A_373 = %scan3A_79#8, %scan3A_374 = %scan3A_79#9, %scan3A_375 = %scan3A_79#10, %scan3A_376 = %scan3A_79#11, %scan3A_377 = %scan3A_79#12, %scan3A_378 = %scan3A_79#13, %scan3A_379 = %scan3A_79#14, %scan3A_380 = %scan3A_79#15, %scan3A_381 = %scan3A_79#16, %scan3A_382 = %scan3A_79#17, %scan3A_383 = %scan3A_79#18, %scan3A_384 = %scan3A_79#19, %scan3A_385 = %scan3A_79#20, %scan3A_386 = %scan3A_79#21, %scan3A_387 = %scan3A_79#22, %scan3A_388 = %scan3A_79#23) -> (vector<16xf32>, vector<16xf32>, vector<16xf32>, vector<16xf32>, vector<16xf32>, vector<16xf32>, vector<16xf32>, vector<16xf32>, vector<16xf32>, vector<16xf32>, vector<16xf32>, vector<16xf32>, vector<16xf32>, vector<16xf32>, vector<16xf32>, vector<16xf32>, vector<16xf32>, vector<16xf32>, vector<16xf32>, vector<16xf32>, vector<16xf32>, vector<16xf32>, vector<16xf32>, vector<16xf32>)  : i32 {
      %get3A = arith.constant 1 : i32
      %get3A_389 = arith.index_cast %get3A : i32 to index
      %get3A_390 = arith.index_cast %scan3A_364 : i32 to index
      %get3A_391 = arith.constant 0 : index
      %get3A_392 = tpu.vector_load %arg4[%get3A_389, %get3A_390, %get3A_391] {strides = array<i32>} : memref<2x56x384xf32, #tpu.memory_space<vmem>>, vector<1x1x16xf32>,
      %get3A_393 = vector.shape_cast %get3A_392 : vector<1x1x16xf32> to vector<16xf32>
      %add3A_394 = arith.addf %scan3A_365, %get3A_393 : vector<16xf32>
      %get3A_395 = arith.constant 1 : i32
      %get3A_396 = arith.index_cast %get3A_395 : i32 to index
      %get3A_397 = arith.index_cast %scan3A_364 : i32 to index
      %get3A_398 = arith.constant 16 : index
      %get3A_399 = tpu.vector_load %arg4[%get3A_396, %get3A_397, %get3A_398] {strides = array<i32>} : memref<2x56x384xf32, #tpu.memory_space<vmem>>, vector<1x1x16xf32>,
      %get3A_400 = vector.shape_cast %get3A_399 : vector<1x1x16xf32> to vector<16xf32>
      %add3A_401 = arith.addf %scan3A_366, %get3A_400 : vector<16xf32>
      %get3A_402 = arith.constant 1 : i32
      %get3A_403 = arith.index_cast %get3A_402 : i32 to index
      %get3A_404 = arith.index_cast %scan3A_364 : i32 to index
      %get3A_405 = arith.constant 32 : index
      %get3A_406 = tpu.vector_load %arg4[%get3A_403, %get3A_404, %get3A_405] {strides = array<i32>} : memref<2x56x384xf32, #tpu.memory_space<vmem>>, vector<1x1x16xf32>,
      %get3A_407 = vector.shape_cast %get3A_406 : vector<1x1x16xf32> to vector<16xf32>
      %add3A_408 = arith.addf %scan3A_367, %get3A_407 : vector<16xf32>
      %get3A_409 = arith.constant 1 : i32
      %get3A_410 = arith.index_cast %get3A_409 : i32 to index
      %get3A_411 = arith.index_cast %scan3A_364 : i32 to index
      %get3A_412 = arith.constant 48 : index
      %get3A_413 = tpu.vector_load %arg4[%get3A_410, %get3A_411, %get3A_412] {strides = array<i32>} : memref<2x56x384xf32, #tpu.memory_space<vmem>>, vector<1x1x16xf32>,
      %get3A_414 = vector.shape_cast %get3A_413 : vector<1x1x16xf32> to vector<16xf32>
      %add3A_415 = arith.addf %scan3A_368, %get3A_414 : vector<16xf32>
      %get3A_416 = arith.constant 1 : i32
      %get3A_417 = arith.index_cast %get3A_416 : i32 to index
      %get3A_418 = arith.index_cast %scan3A_364 : i32 to index
      %get3A_419 = arith.constant 64 : index
      %get3A_420 = tpu.vector_load %arg4[%get3A_417, %get3A_418, %get3A_419] {strides = array<i32>} : memref<2x56x384xf32, #tpu.memory_space<vmem>>, vector<1x1x16xf32>,
      %get3A_421 = vector.shape_cast %get3A_420 : vector<1x1x16xf32> to vector<16xf32>
      %add3A_422 = arith.addf %scan3A_369, %get3A_421 : vector<16xf32>
      %get3A_423 = arith.constant 1 : i32
      %get3A_424 = arith.index_cast %get3A_423 : i32 to index
      %get3A_425 = arith.index_cast %scan3A_364 : i32 to index
      %get3A_426 = arith.constant 80 : index
      %get3A_427 = tpu.vector_load %arg4[%get3A_424, %get3A_425, %get3A_426] {strides = array<i32>} : memref<2x56x384xf32, #tpu.memory_space<vmem>>, vector<1x1x16xf32>,
      %get3A_428 = vector.shape_cast %get3A_427 : vector<1x1x16xf32> to vector<16xf32>
      %add3A_429 = arith.addf %scan3A_370, %get3A_428 : vector<16xf32>
      %get3A_430 = arith.constant 1 : i32
      %get3A_431 = arith.index_cast %get3A_430 : i32 to index
      %get3A_432 = arith.index_cast %scan3A_364 : i32 to index
      %get3A_433 = arith.constant 96 : index
      %get3A_434 = tpu.vector_load %arg4[%get3A_431, %get3A_432, %get3A_433] {strides = array<i32>} : memref<2x56x384xf32, #tpu.memory_space<vmem>>, vector<1x1x16xf32>,
      %get3A_435 = vector.shape_cast %get3A_434 : vector<1x1x16xf32> to vector<16xf32>
      %add3A_436 = arith.addf %scan3A_371, %get3A_435 : vector<16xf32>
      %get3A_437 = arith.constant 1 : i32
      %get3A_438 = arith.index_cast %get3A_437 : i32 to index
      %get3A_439 = arith.index_cast %scan3A_364 : i32 to index
      %get3A_440 = arith.constant 112 : index
      %get3A_441 = tpu.vector_load %arg4[%get3A_438, %get3A_439, %get3A_440] {strides = array<i32>} : memref<2x56x384xf32, #tpu.memory_space<vmem>>, vector<1x1x16xf32>,
      %get3A_442 = vector.shape_cast %get3A_441 : vector<1x1x16xf32> to vector<16xf32>
      %add3A_443 = arith.addf %scan3A_372, %get3A_442 : vector<16xf32>
      %get3A_444 = arith.constant 1 : i32
      %get3A_445 = arith.index_cast %get3A_444 : i32 to index
      %get3A_446 = arith.index_cast %scan3A_364 : i32 to index
      %get3A_447 = arith.constant 128 : index
      %get3A_448 = tpu.vector_load %arg4[%get3A_445, %get3A_446, %get3A_447] {strides = array<i32>} : memref<2x56x384xf32, #tpu.memory_space<vmem>>, vector<1x1x16xf32>,
      %get3A_449 = vector.shape_cast %get3A_448 : vector<1x1x16xf32> to vector<16xf32>
      %add3A_450 = arith.addf %scan3A_373, %get3A_449 : vector<16xf32>
      %get3A_451 = arith.constant 1 : i32
      %get3A_452 = arith.index_cast %get3A_451 : i32 to index
      %get3A_453 = arith.index_cast %scan3A_364 : i32 to index
      %get3A_454 = arith.constant 144 : index
      %get3A_455 = tpu.vector_load %arg4[%get3A_452, %get3A_453, %get3A_454] {strides = array<i32>} : memref<2x56x384xf32, #tpu.memory_space<vmem>>, vector<1x1x16xf32>,
      %get3A_456 = vector.shape_cast %get3A_455 : vector<1x1x16xf32> to vector<16xf32>
      %add3A_457 = arith.addf %scan3A_374, %get3A_456 : vector<16xf32>
      %get3A_458 = arith.constant 1 : i32
      %get3A_459 = arith.index_cast %get3A_458 : i32 to index
      %get3A_460 = arith.index_cast %scan3A_364 : i32 to index
      %get3A_461 = arith.constant 160 : index
      %get3A_462 = tpu.vector_load %arg4[%get3A_459, %get3A_460, %get3A_461] {strides = array<i32>} : memref<2x56x384xf32, #tpu.memory_space<vmem>>, vector<1x1x16xf32>,
      %get3A_463 = vector.shape_cast %get3A_462 : vector<1x1x16xf32> to vector<16xf32>
      %add3A_464 = arith.addf %scan3A_375, %get3A_463 : vector<16xf32>
      %get3A_465 = arith.constant 1 : i32
      %get3A_466 = arith.index_cast %get3A_465 : i32 to index
      %get3A_467 = arith.index_cast %scan3A_364 : i32 to index
      %get3A_468 = arith.constant 176 : index
      %get3A_469 = tpu.vector_load %arg4[%get3A_466, %get3A_467, %get3A_468] {strides = array<i32>} : memref<2x56x384xf32, #tpu.memory_space<vmem>>, vector<1x1x16xf32>,
      %get3A_470 = vector.shape_cast %get3A_469 : vector<1x1x16xf32> to vector<16xf32>
      %add3A_471 = arith.addf %scan3A_376, %get3A_470 : vector<16xf32>
      %get3A_472 = arith.constant 1 : i32
      %get3A_473 = arith.index_cast %get3A_472 : i32 to index
      %get3A_474 = arith.index_cast %scan3A_364 : i32 to index
      %get3A_475 = arith.constant 192 : index
      %get3A_476 = tpu.vector_load %arg4[%get3A_473, %get3A_474, %get3A_475] {strides = array<i32>} : memref<2x56x384xf32, #tpu.memory_space<vmem>>, vector<1x1x16xf32>,
      %get3A_477 = vector.shape_cast %get3A_476 : vector<1x1x16xf32> to vector<16xf32>
      %add3A_478 = arith.addf %scan3A_377, %get3A_477 : vector<16xf32>
      %get3A_479 = arith.constant 1 : i32
      %get3A_480 = arith.index_cast %get3A_479 : i32 to index
      %get3A_481 = arith.index_cast %scan3A_364 : i32 to index
      %get3A_482 = arith.constant 208 : index
      %get3A_483 = tpu.vector_load %arg4[%get3A_480, %get3A_481, %get3A_482] {strides = array<i32>} : memref<2x56x384xf32, #tpu.memory_space<vmem>>, vector<1x1x16xf32>,
      %get3A_484 = vector.shape_cast %get3A_483 : vector<1x1x16xf32> to vector<16xf32>
      %add3A_485 = arith.addf %scan3A_378, %get3A_484 : vector<16xf32>
      %get3A_486 = arith.constant 1 : i32
      %get3A_487 = arith.index_cast %get3A_486 : i32 to index
      %get3A_488 = arith.index_cast %scan3A_364 : i32 to index
      %get3A_489 = arith.constant 224 : index
      %get3A_490 = tpu.vector_load %arg4[%get3A_487, %get3A_488, %get3A_489] {strides = array<i32>} : memref<2x56x384xf32, #tpu.memory_space<vmem>>, vector<1x1x16xf32>,
      %get3A_491 = vector.shape_cast %get3A_490 : vector<1x1x16xf32> to vector<16xf32>
      %add3A_492 = arith.addf %scan3A_379, %get3A_491 : vector<16xf32>
      %get3A_493 = arith.constant 1 : i32
      %get3A_494 = arith.index_cast %get3A_493 : i32 to index
      %get3A_495 = arith.index_cast %scan3A_364 : i32 to index
      %get3A_496 = arith.constant 240 : index
      %get3A_497 = tpu.vector_load %arg4[%get3A_494, %get3A_495, %get3A_496] {strides = array<i32>} : memref<2x56x384xf32, #tpu.memory_space<vmem>>, vector<1x1x16xf32>,
      %get3A_498 = vector.shape_cast %get3A_497 : vector<1x1x16xf32> to vector<16xf32>
      %add3A_499 = arith.addf %scan3A_380, %get3A_498 : vector<16xf32>
      %get3A_500 = arith.constant 1 : i32
      %get3A_501 = arith.index_cast %get3A_500 : i32 to index
      %get3A_502 = arith.index_cast %scan3A_364 : i32 to index
      %get3A_503 = arith.constant 256 : index
      %get3A_504 = tpu.vector_load %arg4[%get3A_501, %get3A_502, %get3A_503] {strides = array<i32>} : memref<2x56x384xf32, #tpu.memory_space<vmem>>, vector<1x1x16xf32>,
      %get3A_505 = vector.shape_cast %get3A_504 : vector<1x1x16xf32> to vector<16xf32>
      %add3A_506 = arith.addf %scan3A_381, %get3A_505 : vector<16xf32>
      %get3A_507 = arith.constant 1 : i32
      %get3A_508 = arith.index_cast %get3A_507 : i32 to index
      %get3A_509 = arith.index_cast %scan3A_364 : i32 to index
      %get3A_510 = arith.constant 272 : index
      %get3A_511 = tpu.vector_load %arg4[%get3A_508, %get3A_509, %get3A_510] {strides = array<i32>} : memref<2x56x384xf32, #tpu.memory_space<vmem>>, vector<1x1x16xf32>,
      %get3A_512 = vector.shape_cast %get3A_511 : vector<1x1x16xf32> to vector<16xf32>
      %add3A_513 = arith.addf %scan3A_382, %get3A_512 : vector<16xf32>
      %get3A_514 = arith.constant 1 : i32
      %get3A_515 = arith.index_cast %get3A_514 : i32 to index
      %get3A_516 = arith.index_cast %scan3A_364 : i32 to index
      %get3A_517 = arith.constant 288 : index
      %get3A_518 = tpu.vector_load %arg4[%get3A_515, %get3A_516, %get3A_517] {strides = array<i32>} : memref<2x56x384xf32, #tpu.memory_space<vmem>>, vector<1x1x16xf32>,
      %get3A_519 = vector.shape_cast %get3A_518 : vector<1x1x16xf32> to vector<16xf32>
      %add3A_520 = arith.addf %scan3A_383, %get3A_519 : vector<16xf32>
      %get3A_521 = arith.constant 1 : i32
      %get3A_522 = arith.index_cast %get3A_521 : i32 to index
      %get3A_523 = arith.index_cast %scan3A_364 : i32 to index
      %get3A_524 = arith.constant 304 : index
      %get3A_525 = tpu.vector_load %arg4[%get3A_522, %get3A_523, %get3A_524] {strides = array<i32>} : memref<2x56x384xf32, #tpu.memory_space<vmem>>, vector<1x1x16xf32>,
      %get3A_526 = vector.shape_cast %get3A_525 : vector<1x1x16xf32> to vector<16xf32>
      %add3A_527 = arith.addf %scan3A_384, %get3A_526 : vector<16xf32>
      %get3A_528 = arith.constant 1 : i32
      %get3A_529 = arith.index_cast %get3A_528 : i32 to index
      %get3A_530 = arith.index_cast %scan3A_364 : i32 to index
      %get3A_531 = arith.constant 320 : index
      %get3A_532 = tpu.vector_load %arg4[%get3A_529, %get3A_530, %get3A_531] {strides = array<i32>} : memref<2x56x384xf32, #tpu.memory_space<vmem>>, vector<1x1x16xf32>,
      %get3A_533 = vector.shape_cast %get3A_532 : vector<1x1x16xf32> to vector<16xf32>
      %add3A_534 = arith.addf %scan3A_385, %get3A_533 : vector<16xf32>
      %get3A_535 = arith.constant 1 : i32
      %get3A_536 = arith.index_cast %get3A_535 : i32 to index
      %get3A_537 = arith.index_cast %scan3A_364 : i32 to index
      %get3A_538 = arith.constant 336 : index
      %get3A_539 = tpu.vector_load %arg4[%get3A_536, %get3A_537, %get3A_538] {strides = array<i32>} : memref<2x56x384xf32, #tpu.memory_space<vmem>>, vector<1x1x16xf32>,
      %get3A_540 = vector.shape_cast %get3A_539 : vector<1x1x16xf32> to vector<16xf32>
      %add3A_541 = arith.addf %scan3A_386, %get3A_540 : vector<16xf32>
      %get3A_542 = arith.constant 1 : i32
      %get3A_543 = arith.index_cast %get3A_542 : i32 to index
      %get3A_544 = arith.index_cast %scan3A_364 : i32 to index
      %get3A_545 = arith.constant 352 : index
      %get3A_546 = tpu.vector_load %arg4[%get3A_543, %get3A_544, %get3A_545] {strides = array<i32>} : memref<2x56x384xf32, #tpu.memory_space<vmem>>, vector<1x1x16xf32>,
      %get3A_547 = vector.shape_cast %get3A_546 : vector<1x1x16xf32> to vector<16xf32>
      %add3A_548 = arith.addf %scan3A_387, %get3A_547 : vector<16xf32>
      %get3A_549 = arith.constant 1 : i32
      %get3A_550 = arith.index_cast %get3A_549 : i32 to index
      %get3A_551 = arith.index_cast %scan3A_364 : i32 to index
      %get3A_552 = arith.constant 368 : index
      %get3A_553 = tpu.vector_load %arg4[%get3A_550, %get3A_551, %get3A_552] {strides = array<i32>} : memref<2x56x384xf32, #tpu.memory_space<vmem>>, vector<1x1x16xf32>,
      %get3A_554 = vector.shape_cast %get3A_553 : vector<1x1x16xf32> to vector<16xf32>
      %add3A_555 = arith.addf %scan3A_388, %get3A_554 : vector<16xf32>
      scf.yield %add3A_394, %add3A_401, %add3A_408, %add3A_415, %add3A_422, %add3A_429, %add3A_436, %add3A_443, %add3A_450, %add3A_457, %add3A_464, %add3A_471, %add3A_478, %add3A_485, %add3A_492, %add3A_499, %add3A_506, %add3A_513, %add3A_520, %add3A_527, %add3A_534, %add3A_541, %add3A_548, %add3A_555 : vector<16xf32>, vector<16xf32>, vector<16xf32>, vector<16xf32>, vector<16xf32>, vector<16xf32>, vector<16xf32>, vector<16xf32>, vector<16xf32>, vector<16xf32>, vector<16xf32>, vector<16xf32>, vector<16xf32>, vector<16xf32>, vector<16xf32>, vector<16xf32>, vector<16xf32>, vector<16xf32>, vector<16xf32>, vector<16xf32>, vector<16xf32>, vector<16xf32>, vector<16xf32>, vector<16xf32>
    }
    %scan3A_86 = arith.constant 56 : i32
    %dma_start3A_87 = arith.constant 46 : i32
    %dma_start3A_88 = arith.constant 0 : i32
    %dma_start3A_89 = arith.constant 0 : i32
    %dma_start3A_90 = tpu.memref_slice %arg2[%add3A, %dma_start3A_87, %dma_start3A_88, %dma_start3A_89] : memref<32x56x56x384xf32, #tpu.memory_space<hbm>> -> memref<1x2x56x384xf32, #tpu.memory_space<hbm>>
    %dma_start3A_91 = tpu.memref_squeeze %dma_start3A_90 : memref<1x2x56x384xf32, #tpu.memory_space<hbm>> -> memref<2x56x384xf32, #tpu.memory_space<hbm>>
    %dma_start3A_92 = arith.constant 46 : i32
    %dma_start3A_93 = arith.constant 0 : i32
    %dma_start3A_94 = arith.constant 0 : i32
    %dma_start3A_95 = tpu.memref_slice %arg2[%add3A, %dma_start3A_92, %dma_start3A_93, %dma_start3A_94] : memref<32x56x56x384xf32, #tpu.memory_space<hbm>> -> memref<1x2x56x384xf32, #tpu.memory_space<hbm>>
    %dma_start3A_96 = tpu.memref_squeeze %dma_start3A_95 : memref<1x2x56x384xf32, #tpu.memory_space<hbm>> -> memref<2x56x384xf32, #tpu.memory_space<hbm>>
    tpu.enqueue_dma source(%dma_start3A_96 : memref<2x56x384xf32, #tpu.memory_space<hbm>>) target(%arg4 : memref<2x56x384xf32, #tpu.memory_space<vmem>>) target_semaphore(%arg7 : memref<!tpu.dma_semaphore, #tpu.memory_space<semaphore_mem>>)
    %dma_wait3A_97 = arith.constant 44 : i32
    %dma_wait3A_98 = arith.constant 0 : i32
    %dma_wait3A_99 = arith.constant 0 : i32
    %dma_wait3A_100 = tpu.memref_slice %arg2[%add3A, %dma_wait3A_97, %dma_wait3A_98, %dma_wait3A_99] : memref<32x56x56x384xf32, #tpu.memory_space<hbm>> -> memref<1x2x56x384xf32, #tpu.memory_space<hbm>>
    %dma_wait3A_101 = tpu.memref_squeeze %dma_wait3A_100 : memref<1x2x56x384xf32, #tpu.memory_space<hbm>> -> memref<2x56x384xf32, #tpu.memory_space<hbm>>
    %dma_wait3A_102 = arith.constant 44 : i32
    %dma_wait3A_103 = arith.constant 0 : i32
    %dma_wait3A_104 = arith.constant 0 : i32
    %dma_wait3A_105 = tpu.memref_slice %arg2[%add3A, %dma_wait3A_102, %dma_wait3A_103, %dma_wait3A_104] : memref<32x56x56x384xf32, #tpu.memory_space<hbm>> -> memref<1x2x56x384xf32, #tpu.memory_space<hbm>>
    %dma_wait3A_106 = tpu.memref_squeeze %dma_wait3A_105 : memref<1x2x56x384xf32, #tpu.memory_space<hbm>> -> memref<2x56x384xf32, #tpu.memory_space<hbm>>
    tpu.wait_dma2 semaphore(%arg8 : memref<!tpu.dma_semaphore, #tpu.memory_space<semaphore_mem>>) src(%dma_wait3A_106 : memref<2x56x384xf32, #tpu.memory_space<hbm>>) dst(%arg5 : memref<2x56x384xf32, #tpu.memory_space<vmem>>)
    %scan3A_107 = arith.constant 0 : i32
    %scan3A_108 = arith.constant 56 : i32
    %scan3A_109 = arith.addi %scan3A_107, %scan3A_108 : i32
    %scan3A_110 = arith.constant 1 : i32
    %scan3A_111:24 = scf.for %scan3A_364 = %scan3A_107 to %scan3A_109 step %scan3A_110 iter_args(%scan3A_365 = %scan3A_85#0, %scan3A_366 = %scan3A_85#1, %scan3A_367 = %scan3A_85#2, %scan3A_368 = %scan3A_85#3, %scan3A_369 = %scan3A_85#4, %scan3A_370 = %scan3A_85#5, %scan3A_371 = %scan3A_85#6, %scan3A_372 = %scan3A_85#7, %scan3A_373 = %scan3A_85#8, %scan3A_374 = %scan3A_85#9, %scan3A_375 = %scan3A_85#10, %scan3A_376 = %scan3A_85#11, %scan3A_377 = %scan3A_85#12, %scan3A_378 = %scan3A_85#13, %scan3A_379 = %scan3A_85#14, %scan3A_380 = %scan3A_85#15, %scan3A_381 = %scan3A_85#16, %scan3A_382 = %scan3A_85#17, %scan3A_383 = %scan3A_85#18, %scan3A_384 = %scan3A_85#19, %scan3A_385 = %scan3A_85#20, %scan3A_386 = %scan3A_85#21, %scan3A_387 = %scan3A_85#22, %scan3A_388 = %scan3A_85#23) -> (vector<16xf32>, vector<16xf32>, vector<16xf32>, vector<16xf32>, vector<16xf32>, vector<16xf32>, vector<16xf32>, vector<16xf32>, vector<16xf32>, vector<16xf32>, vector<16xf32>, vector<16xf32>, vector<16xf32>, vector<16xf32>, vector<16xf32>, vector<16xf32>, vector<16xf32>, vector<16xf32>, vector<16xf32>, vector<16xf32>, vector<16xf32>, vector<16xf32>, vector<16xf32>, vector<16xf32>)  : i32 {
      %get3A = arith.constant 0 : i32
      %get3A_389 = arith.index_cast %get3A : i32 to index
      %get3A_390 = arith.index_cast %scan3A_364 : i32 to index
      %get3A_391 = arith.constant 0 : index
      %get3A_392 = tpu.vector_load %arg5[%get3A_389, %get3A_390, %get3A_391] {strides = array<i32>} : memref<2x56x384xf32, #tpu.memory_space<vmem>>, vector<1x1x16xf32>,
      %get3A_393 = vector.shape_cast %get3A_392 : vector<1x1x16xf32> to vector<16xf32>
      %add3A_394 = arith.addf %scan3A_365, %get3A_393 : vector<16xf32>
      %get3A_395 = arith.constant 0 : i32
      %get3A_396 = arith.index_cast %get3A_395 : i32 to index
      %get3A_397 = arith.index_cast %scan3A_364 : i32 to index
      %get3A_398 = arith.constant 16 : index
      %get3A_399 = tpu.vector_load %arg5[%get3A_396, %get3A_397, %get3A_398] {strides = array<i32>} : memref<2x56x384xf32, #tpu.memory_space<vmem>>, vector<1x1x16xf32>,
      %get3A_400 = vector.shape_cast %get3A_399 : vector<1x1x16xf32> to vector<16xf32>
      %add3A_401 = arith.addf %scan3A_366, %get3A_400 : vector<16xf32>
      %get3A_402 = arith.constant 0 : i32
      %get3A_403 = arith.index_cast %get3A_402 : i32 to index
      %get3A_404 = arith.index_cast %scan3A_364 : i32 to index
      %get3A_405 = arith.constant 32 : index
      %get3A_406 = tpu.vector_load %arg5[%get3A_403, %get3A_404, %get3A_405] {strides = array<i32>} : memref<2x56x384xf32, #tpu.memory_space<vmem>>, vector<1x1x16xf32>,
      %get3A_407 = vector.shape_cast %get3A_406 : vector<1x1x16xf32> to vector<16xf32>
      %add3A_408 = arith.addf %scan3A_367, %get3A_407 : vector<16xf32>
      %get3A_409 = arith.constant 0 : i32
      %get3A_410 = arith.index_cast %get3A_409 : i32 to index
      %get3A_411 = arith.index_cast %scan3A_364 : i32 to index
      %get3A_412 = arith.constant 48 : index
      %get3A_413 = tpu.vector_load %arg5[%get3A_410, %get3A_411, %get3A_412] {strides = array<i32>} : memref<2x56x384xf32, #tpu.memory_space<vmem>>, vector<1x1x16xf32>,
      %get3A_414 = vector.shape_cast %get3A_413 : vector<1x1x16xf32> to vector<16xf32>
      %add3A_415 = arith.addf %scan3A_368, %get3A_414 : vector<16xf32>
      %get3A_416 = arith.constant 0 : i32
      %get3A_417 = arith.index_cast %get3A_416 : i32 to index
      %get3A_418 = arith.index_cast %scan3A_364 : i32 to index
      %get3A_419 = arith.constant 64 : index
      %get3A_420 = tpu.vector_load %arg5[%get3A_417, %get3A_418, %get3A_419] {strides = array<i32>} : memref<2x56x384xf32, #tpu.memory_space<vmem>>, vector<1x1x16xf32>,
      %get3A_421 = vector.shape_cast %get3A_420 : vector<1x1x16xf32> to vector<16xf32>
      %add3A_422 = arith.addf %scan3A_369, %get3A_421 : vector<16xf32>
      %get3A_423 = arith.constant 0 : i32
      %get3A_424 = arith.index_cast %get3A_423 : i32 to index
      %get3A_425 = arith.index_cast %scan3A_364 : i32 to index
      %get3A_426 = arith.constant 80 : index
      %get3A_427 = tpu.vector_load %arg5[%get3A_424, %get3A_425, %get3A_426] {strides = array<i32>} : memref<2x56x384xf32, #tpu.memory_space<vmem>>, vector<1x1x16xf32>,
      %get3A_428 = vector.shape_cast %get3A_427 : vector<1x1x16xf32> to vector<16xf32>
      %add3A_429 = arith.addf %scan3A_370, %get3A_428 : vector<16xf32>
      %get3A_430 = arith.constant 0 : i32
      %get3A_431 = arith.index_cast %get3A_430 : i32 to index
      %get3A_432 = arith.index_cast %scan3A_364 : i32 to index
      %get3A_433 = arith.constant 96 : index
      %get3A_434 = tpu.vector_load %arg5[%get3A_431, %get3A_432, %get3A_433] {strides = array<i32>} : memref<2x56x384xf32, #tpu.memory_space<vmem>>, vector<1x1x16xf32>,
      %get3A_435 = vector.shape_cast %get3A_434 : vector<1x1x16xf32> to vector<16xf32>
      %add3A_436 = arith.addf %scan3A_371, %get3A_435 : vector<16xf32>
      %get3A_437 = arith.constant 0 : i32
      %get3A_438 = arith.index_cast %get3A_437 : i32 to index
      %get3A_439 = arith.index_cast %scan3A_364 : i32 to index
      %get3A_440 = arith.constant 112 : index
      %get3A_441 = tpu.vector_load %arg5[%get3A_438, %get3A_439, %get3A_440] {strides = array<i32>} : memref<2x56x384xf32, #tpu.memory_space<vmem>>, vector<1x1x16xf32>,
      %get3A_442 = vector.shape_cast %get3A_441 : vector<1x1x16xf32> to vector<16xf32>
      %add3A_443 = arith.addf %scan3A_372, %get3A_442 : vector<16xf32>
      %get3A_444 = arith.constant 0 : i32
      %get3A_445 = arith.index_cast %get3A_444 : i32 to index
      %get3A_446 = arith.index_cast %scan3A_364 : i32 to index
      %get3A_447 = arith.constant 128 : index
      %get3A_448 = tpu.vector_load %arg5[%get3A_445, %get3A_446, %get3A_447] {strides = array<i32>} : memref<2x56x384xf32, #tpu.memory_space<vmem>>, vector<1x1x16xf32>,
      %get3A_449 = vector.shape_cast %get3A_448 : vector<1x1x16xf32> to vector<16xf32>
      %add3A_450 = arith.addf %scan3A_373, %get3A_449 : vector<16xf32>
      %get3A_451 = arith.constant 0 : i32
      %get3A_452 = arith.index_cast %get3A_451 : i32 to index
      %get3A_453 = arith.index_cast %scan3A_364 : i32 to index
      %get3A_454 = arith.constant 144 : index
      %get3A_455 = tpu.vector_load %arg5[%get3A_452, %get3A_453, %get3A_454] {strides = array<i32>} : memref<2x56x384xf32, #tpu.memory_space<vmem>>, vector<1x1x16xf32>,
      %get3A_456 = vector.shape_cast %get3A_455 : vector<1x1x16xf32> to vector<16xf32>
      %add3A_457 = arith.addf %scan3A_374, %get3A_456 : vector<16xf32>
      %get3A_458 = arith.constant 0 : i32
      %get3A_459 = arith.index_cast %get3A_458 : i32 to index
      %get3A_460 = arith.index_cast %scan3A_364 : i32 to index
      %get3A_461 = arith.constant 160 : index
      %get3A_462 = tpu.vector_load %arg5[%get3A_459, %get3A_460, %get3A_461] {strides = array<i32>} : memref<2x56x384xf32, #tpu.memory_space<vmem>>, vector<1x1x16xf32>,
      %get3A_463 = vector.shape_cast %get3A_462 : vector<1x1x16xf32> to vector<16xf32>
      %add3A_464 = arith.addf %scan3A_375, %get3A_463 : vector<16xf32>
      %get3A_465 = arith.constant 0 : i32
      %get3A_466 = arith.index_cast %get3A_465 : i32 to index
      %get3A_467 = arith.index_cast %scan3A_364 : i32 to index
      %get3A_468 = arith.constant 176 : index
      %get3A_469 = tpu.vector_load %arg5[%get3A_466, %get3A_467, %get3A_468] {strides = array<i32>} : memref<2x56x384xf32, #tpu.memory_space<vmem>>, vector<1x1x16xf32>,
      %get3A_470 = vector.shape_cast %get3A_469 : vector<1x1x16xf32> to vector<16xf32>
      %add3A_471 = arith.addf %scan3A_376, %get3A_470 : vector<16xf32>
      %get3A_472 = arith.constant 0 : i32
      %get3A_473 = arith.index_cast %get3A_472 : i32 to index
      %get3A_474 = arith.index_cast %scan3A_364 : i32 to index
      %get3A_475 = arith.constant 192 : index
      %get3A_476 = tpu.vector_load %arg5[%get3A_473, %get3A_474, %get3A_475] {strides = array<i32>} : memref<2x56x384xf32, #tpu.memory_space<vmem>>, vector<1x1x16xf32>,
      %get3A_477 = vector.shape_cast %get3A_476 : vector<1x1x16xf32> to vector<16xf32>
      %add3A_478 = arith.addf %scan3A_377, %get3A_477 : vector<16xf32>
      %get3A_479 = arith.constant 0 : i32
      %get3A_480 = arith.index_cast %get3A_479 : i32 to index
      %get3A_481 = arith.index_cast %scan3A_364 : i32 to index
      %get3A_482 = arith.constant 208 : index
      %get3A_483 = tpu.vector_load %arg5[%get3A_480, %get3A_481, %get3A_482] {strides = array<i32>} : memref<2x56x384xf32, #tpu.memory_space<vmem>>, vector<1x1x16xf32>,
      %get3A_484 = vector.shape_cast %get3A_483 : vector<1x1x16xf32> to vector<16xf32>
      %add3A_485 = arith.addf %scan3A_378, %get3A_484 : vector<16xf32>
      %get3A_486 = arith.constant 0 : i32
      %get3A_487 = arith.index_cast %get3A_486 : i32 to index
      %get3A_488 = arith.index_cast %scan3A_364 : i32 to index
      %get3A_489 = arith.constant 224 : index
      %get3A_490 = tpu.vector_load %arg5[%get3A_487, %get3A_488, %get3A_489] {strides = array<i32>} : memref<2x56x384xf32, #tpu.memory_space<vmem>>, vector<1x1x16xf32>,
      %get3A_491 = vector.shape_cast %get3A_490 : vector<1x1x16xf32> to vector<16xf32>
      %add3A_492 = arith.addf %scan3A_379, %get3A_491 : vector<16xf32>
      %get3A_493 = arith.constant 0 : i32
      %get3A_494 = arith.index_cast %get3A_493 : i32 to index
      %get3A_495 = arith.index_cast %scan3A_364 : i32 to index
      %get3A_496 = arith.constant 240 : index
      %get3A_497 = tpu.vector_load %arg5[%get3A_494, %get3A_495, %get3A_496] {strides = array<i32>} : memref<2x56x384xf32, #tpu.memory_space<vmem>>, vector<1x1x16xf32>,
      %get3A_498 = vector.shape_cast %get3A_497 : vector<1x1x16xf32> to vector<16xf32>
      %add3A_499 = arith.addf %scan3A_380, %get3A_498 : vector<16xf32>
      %get3A_500 = arith.constant 0 : i32
      %get3A_501 = arith.index_cast %get3A_500 : i32 to index
      %get3A_502 = arith.index_cast %scan3A_364 : i32 to index
      %get3A_503 = arith.constant 256 : index
      %get3A_504 = tpu.vector_load %arg5[%get3A_501, %get3A_502, %get3A_503] {strides = array<i32>} : memref<2x56x384xf32, #tpu.memory_space<vmem>>, vector<1x1x16xf32>,
      %get3A_505 = vector.shape_cast %get3A_504 : vector<1x1x16xf32> to vector<16xf32>
      %add3A_506 = arith.addf %scan3A_381, %get3A_505 : vector<16xf32>
      %get3A_507 = arith.constant 0 : i32
      %get3A_508 = arith.index_cast %get3A_507 : i32 to index
      %get3A_509 = arith.index_cast %scan3A_364 : i32 to index
      %get3A_510 = arith.constant 272 : index
      %get3A_511 = tpu.vector_load %arg5[%get3A_508, %get3A_509, %get3A_510] {strides = array<i32>} : memref<2x56x384xf32, #tpu.memory_space<vmem>>, vector<1x1x16xf32>,
      %get3A_512 = vector.shape_cast %get3A_511 : vector<1x1x16xf32> to vector<16xf32>
      %add3A_513 = arith.addf %scan3A_382, %get3A_512 : vector<16xf32>
      %get3A_514 = arith.constant 0 : i32
      %get3A_515 = arith.index_cast %get3A_514 : i32 to index
      %get3A_516 = arith.index_cast %scan3A_364 : i32 to index
      %get3A_517 = arith.constant 288 : index
      %get3A_518 = tpu.vector_load %arg5[%get3A_515, %get3A_516, %get3A_517] {strides = array<i32>} : memref<2x56x384xf32, #tpu.memory_space<vmem>>, vector<1x1x16xf32>,
      %get3A_519 = vector.shape_cast %get3A_518 : vector<1x1x16xf32> to vector<16xf32>
      %add3A_520 = arith.addf %scan3A_383, %get3A_519 : vector<16xf32>
      %get3A_521 = arith.constant 0 : i32
      %get3A_522 = arith.index_cast %get3A_521 : i32 to index
      %get3A_523 = arith.index_cast %scan3A_364 : i32 to index
      %get3A_524 = arith.constant 304 : index
      %get3A_525 = tpu.vector_load %arg5[%get3A_522, %get3A_523, %get3A_524] {strides = array<i32>} : memref<2x56x384xf32, #tpu.memory_space<vmem>>, vector<1x1x16xf32>,
      %get3A_526 = vector.shape_cast %get3A_525 : vector<1x1x16xf32> to vector<16xf32>
      %add3A_527 = arith.addf %scan3A_384, %get3A_526 : vector<16xf32>
      %get3A_528 = arith.constant 0 : i32
      %get3A_529 = arith.index_cast %get3A_528 : i32 to index
      %get3A_530 = arith.index_cast %scan3A_364 : i32 to index
      %get3A_531 = arith.constant 320 : index
      %get3A_532 = tpu.vector_load %arg5[%get3A_529, %get3A_530, %get3A_531] {strides = array<i32>} : memref<2x56x384xf32, #tpu.memory_space<vmem>>, vector<1x1x16xf32>,
      %get3A_533 = vector.shape_cast %get3A_532 : vector<1x1x16xf32> to vector<16xf32>
      %add3A_534 = arith.addf %scan3A_385, %get3A_533 : vector<16xf32>
      %get3A_535 = arith.constant 0 : i32
      %get3A_536 = arith.index_cast %get3A_535 : i32 to index
      %get3A_537 = arith.index_cast %scan3A_364 : i32 to index
      %get3A_538 = arith.constant 336 : index
      %get3A_539 = tpu.vector_load %arg5[%get3A_536, %get3A_537, %get3A_538] {strides = array<i32>} : memref<2x56x384xf32, #tpu.memory_space<vmem>>, vector<1x1x16xf32>,
      %get3A_540 = vector.shape_cast %get3A_539 : vector<1x1x16xf32> to vector<16xf32>
      %add3A_541 = arith.addf %scan3A_386, %get3A_540 : vector<16xf32>
      %get3A_542 = arith.constant 0 : i32
      %get3A_543 = arith.index_cast %get3A_542 : i32 to index
      %get3A_544 = arith.index_cast %scan3A_364 : i32 to index
      %get3A_545 = arith.constant 352 : index
      %get3A_546 = tpu.vector_load %arg5[%get3A_543, %get3A_544, %get3A_545] {strides = array<i32>} : memref<2x56x384xf32, #tpu.memory_space<vmem>>, vector<1x1x16xf32>,
      %get3A_547 = vector.shape_cast %get3A_546 : vector<1x1x16xf32> to vector<16xf32>
      %add3A_548 = arith.addf %scan3A_387, %get3A_547 : vector<16xf32>
      %get3A_549 = arith.constant 0 : i32
      %get3A_550 = arith.index_cast %get3A_549 : i32 to index
      %get3A_551 = arith.index_cast %scan3A_364 : i32 to index
      %get3A_552 = arith.constant 368 : index
      %get3A_553 = tpu.vector_load %arg5[%get3A_550, %get3A_551, %get3A_552] {strides = array<i32>} : memref<2x56x384xf32, #tpu.memory_space<vmem>>, vector<1x1x16xf32>,
      %get3A_554 = vector.shape_cast %get3A_553 : vector<1x1x16xf32> to vector<16xf32>
      %add3A_555 = arith.addf %scan3A_388, %get3A_554 : vector<16xf32>
      scf.yield %add3A_394, %add3A_401, %add3A_408, %add3A_415, %add3A_422, %add3A_429, %add3A_436, %add3A_443, %add3A_450, %add3A_457, %add3A_464, %add3A_471, %add3A_478, %add3A_485, %add3A_492, %add3A_499, %add3A_506, %add3A_513, %add3A_520, %add3A_527, %add3A_534, %add3A_541, %add3A_548, %add3A_555 : vector<16xf32>, vector<16xf32>, vector<16xf32>, vector<16xf32>, vector<16xf32>, vector<16xf32>, vector<16xf32>, vector<16xf32>, vector<16xf32>, vector<16xf32>, vector<16xf32>, vector<16xf32>, vector<16xf32>, vector<16xf32>, vector<16xf32>, vector<16xf32>, vector<16xf32>, vector<16xf32>, vector<16xf32>, vector<16xf32>, vector<16xf32>, vector<16xf32>, vector<16xf32>, vector<16xf32>
    }
    %scan3A_112 = arith.constant 56 : i32
    %scan3A_113 = arith.constant 0 : i32
    %scan3A_114 = arith.constant 56 : i32
    %scan3A_115 = arith.addi %scan3A_113, %scan3A_114 : i32
    %scan3A_116 = arith.constant 1 : i32
    %scan3A_117:24 = scf.for %scan3A_364 = %scan3A_113 to %scan3A_115 step %scan3A_116 iter_args(%scan3A_365 = %scan3A_111#0, %scan3A_366 = %scan3A_111#1, %scan3A_367 = %scan3A_111#2, %scan3A_368 = %scan3A_111#3, %scan3A_369 = %scan3A_111#4, %scan3A_370 = %scan3A_111#5, %scan3A_371 = %scan3A_111#6, %scan3A_372 = %scan3A_111#7, %scan3A_373 = %scan3A_111#8, %scan3A_374 = %scan3A_111#9, %scan3A_375 = %scan3A_111#10, %scan3A_376 = %scan3A_111#11, %scan3A_377 = %scan3A_111#12, %scan3A_378 = %scan3A_111#13, %scan3A_379 = %scan3A_111#14, %scan3A_380 = %scan3A_111#15, %scan3A_381 = %scan3A_111#16, %scan3A_382 = %scan3A_111#17, %scan3A_383 = %scan3A_111#18, %scan3A_384 = %scan3A_111#19, %scan3A_385 = %scan3A_111#20, %scan3A_386 = %scan3A_111#21, %scan3A_387 = %scan3A_111#22, %scan3A_388 = %scan3A_111#23) -> (vector<16xf32>, vector<16xf32>, vector<16xf32>, vector<16xf32>, vector<16xf32>, vector<16xf32>, vector<16xf32>, vector<16xf32>, vector<16xf32>, vector<16xf32>, vector<16xf32>, vector<16xf32>, vector<16xf32>, vector<16xf32>, vector<16xf32>, vector<16xf32>, vector<16xf32>, vector<16xf32>, vector<16xf32>, vector<16xf32>, vector<16xf32>, vector<16xf32>, vector<16xf32>, vector<16xf32>)  : i32 {
      %get3A = arith.constant 1 : i32
      %get3A_389 = arith.index_cast %get3A : i32 to index
      %get3A_390 = arith.index_cast %scan3A_364 : i32 to index
      %get3A_391 = arith.constant 0 : index
      %get3A_392 = tpu.vector_load %arg5[%get3A_389, %get3A_390, %get3A_391] {strides = array<i32>} : memref<2x56x384xf32, #tpu.memory_space<vmem>>, vector<1x1x16xf32>,
      %get3A_393 = vector.shape_cast %get3A_392 : vector<1x1x16xf32> to vector<16xf32>
      %add3A_394 = arith.addf %scan3A_365, %get3A_393 : vector<16xf32>
      %get3A_395 = arith.constant 1 : i32
      %get3A_396 = arith.index_cast %get3A_395 : i32 to index
      %get3A_397 = arith.index_cast %scan3A_364 : i32 to index
      %get3A_398 = arith.constant 16 : index
      %get3A_399 = tpu.vector_load %arg5[%get3A_396, %get3A_397, %get3A_398] {strides = array<i32>} : memref<2x56x384xf32, #tpu.memory_space<vmem>>, vector<1x1x16xf32>,
      %get3A_400 = vector.shape_cast %get3A_399 : vector<1x1x16xf32> to vector<16xf32>
      %add3A_401 = arith.addf %scan3A_366, %get3A_400 : vector<16xf32>
      %get3A_402 = arith.constant 1 : i32
      %get3A_403 = arith.index_cast %get3A_402 : i32 to index
      %get3A_404 = arith.index_cast %scan3A_364 : i32 to index
      %get3A_405 = arith.constant 32 : index
      %get3A_406 = tpu.vector_load %arg5[%get3A_403, %get3A_404, %get3A_405] {strides = array<i32>} : memref<2x56x384xf32, #tpu.memory_space<vmem>>, vector<1x1x16xf32>,
      %get3A_407 = vector.shape_cast %get3A_406 : vector<1x1x16xf32> to vector<16xf32>
      %add3A_408 = arith.addf %scan3A_367, %get3A_407 : vector<16xf32>
      %get3A_409 = arith.constant 1 : i32
      %get3A_410 = arith.index_cast %get3A_409 : i32 to index
      %get3A_411 = arith.index_cast %scan3A_364 : i32 to index
      %get3A_412 = arith.constant 48 : index
      %get3A_413 = tpu.vector_load %arg5[%get3A_410, %get3A_411, %get3A_412] {strides = array<i32>} : memref<2x56x384xf32, #tpu.memory_space<vmem>>, vector<1x1x16xf32>,
      %get3A_414 = vector.shape_cast %get3A_413 : vector<1x1x16xf32> to vector<16xf32>
      %add3A_415 = arith.addf %scan3A_368, %get3A_414 : vector<16xf32>
      %get3A_416 = arith.constant 1 : i32
      %get3A_417 = arith.index_cast %get3A_416 : i32 to index
      %get3A_418 = arith.index_cast %scan3A_364 : i32 to index
      %get3A_419 = arith.constant 64 : index
      %get3A_420 = tpu.vector_load %arg5[%get3A_417, %get3A_418, %get3A_419] {strides = array<i32>} : memref<2x56x384xf32, #tpu.memory_space<vmem>>, vector<1x1x16xf32>,
      %get3A_421 = vector.shape_cast %get3A_420 : vector<1x1x16xf32> to vector<16xf32>
      %add3A_422 = arith.addf %scan3A_369, %get3A_421 : vector<16xf32>
      %get3A_423 = arith.constant 1 : i32
      %get3A_424 = arith.index_cast %get3A_423 : i32 to index
      %get3A_425 = arith.index_cast %scan3A_364 : i32 to index
      %get3A_426 = arith.constant 80 : index
      %get3A_427 = tpu.vector_load %arg5[%get3A_424, %get3A_425, %get3A_426] {strides = array<i32>} : memref<2x56x384xf32, #tpu.memory_space<vmem>>, vector<1x1x16xf32>,
      %get3A_428 = vector.shape_cast %get3A_427 : vector<1x1x16xf32> to vector<16xf32>
      %add3A_429 = arith.addf %scan3A_370, %get3A_428 : vector<16xf32>
      %get3A_430 = arith.constant 1 : i32
      %get3A_431 = arith.index_cast %get3A_430 : i32 to index
      %get3A_432 = arith.index_cast %scan3A_364 : i32 to index
      %get3A_433 = arith.constant 96 : index
      %get3A_434 = tpu.vector_load %arg5[%get3A_431, %get3A_432, %get3A_433] {strides = array<i32>} : memref<2x56x384xf32, #tpu.memory_space<vmem>>, vector<1x1x16xf32>,
      %get3A_435 = vector.shape_cast %get3A_434 : vector<1x1x16xf32> to vector<16xf32>
      %add3A_436 = arith.addf %scan3A_371, %get3A_435 : vector<16xf32>
      %get3A_437 = arith.constant 1 : i32
      %get3A_438 = arith.index_cast %get3A_437 : i32 to index
      %get3A_439 = arith.index_cast %scan3A_364 : i32 to index
      %get3A_440 = arith.constant 112 : index
      %get3A_441 = tpu.vector_load %arg5[%get3A_438, %get3A_439, %get3A_440] {strides = array<i32>} : memref<2x56x384xf32, #tpu.memory_space<vmem>>, vector<1x1x16xf32>,
      %get3A_442 = vector.shape_cast %get3A_441 : vector<1x1x16xf32> to vector<16xf32>
      %add3A_443 = arith.addf %scan3A_372, %get3A_442 : vector<16xf32>
      %get3A_444 = arith.constant 1 : i32
      %get3A_445 = arith.index_cast %get3A_444 : i32 to index
      %get3A_446 = arith.index_cast %scan3A_364 : i32 to index
      %get3A_447 = arith.constant 128 : index
      %get3A_448 = tpu.vector_load %arg5[%get3A_445, %get3A_446, %get3A_447] {strides = array<i32>} : memref<2x56x384xf32, #tpu.memory_space<vmem>>, vector<1x1x16xf32>,
      %get3A_449 = vector.shape_cast %get3A_448 : vector<1x1x16xf32> to vector<16xf32>
      %add3A_450 = arith.addf %scan3A_373, %get3A_449 : vector<16xf32>
      %get3A_451 = arith.constant 1 : i32
      %get3A_452 = arith.index_cast %get3A_451 : i32 to index
      %get3A_453 = arith.index_cast %scan3A_364 : i32 to index
      %get3A_454 = arith.constant 144 : index
      %get3A_455 = tpu.vector_load %arg5[%get3A_452, %get3A_453, %get3A_454] {strides = array<i32>} : memref<2x56x384xf32, #tpu.memory_space<vmem>>, vector<1x1x16xf32>,
      %get3A_456 = vector.shape_cast %get3A_455 : vector<1x1x16xf32> to vector<16xf32>
      %add3A_457 = arith.addf %scan3A_374, %get3A_456 : vector<16xf32>
      %get3A_458 = arith.constant 1 : i32
      %get3A_459 = arith.index_cast %get3A_458 : i32 to index
      %get3A_460 = arith.index_cast %scan3A_364 : i32 to index
      %get3A_461 = arith.constant 160 : index
      %get3A_462 = tpu.vector_load %arg5[%get3A_459, %get3A_460, %get3A_461] {strides = array<i32>} : memref<2x56x384xf32, #tpu.memory_space<vmem>>, vector<1x1x16xf32>,
      %get3A_463 = vector.shape_cast %get3A_462 : vector<1x1x16xf32> to vector<16xf32>
      %add3A_464 = arith.addf %scan3A_375, %get3A_463 : vector<16xf32>
      %get3A_465 = arith.constant 1 : i32
      %get3A_466 = arith.index_cast %get3A_465 : i32 to index
      %get3A_467 = arith.index_cast %scan3A_364 : i32 to index
      %get3A_468 = arith.constant 176 : index
      %get3A_469 = tpu.vector_load %arg5[%get3A_466, %get3A_467, %get3A_468] {strides = array<i32>} : memref<2x56x384xf32, #tpu.memory_space<vmem>>, vector<1x1x16xf32>,
      %get3A_470 = vector.shape_cast %get3A_469 : vector<1x1x16xf32> to vector<16xf32>
      %add3A_471 = arith.addf %scan3A_376, %get3A_470 : vector<16xf32>
      %get3A_472 = arith.constant 1 : i32
      %get3A_473 = arith.index_cast %get3A_472 : i32 to index
      %get3A_474 = arith.index_cast %scan3A_364 : i32 to index
      %get3A_475 = arith.constant 192 : index
      %get3A_476 = tpu.vector_load %arg5[%get3A_473, %get3A_474, %get3A_475] {strides = array<i32>} : memref<2x56x384xf32, #tpu.memory_space<vmem>>, vector<1x1x16xf32>,
      %get3A_477 = vector.shape_cast %get3A_476 : vector<1x1x16xf32> to vector<16xf32>
      %add3A_478 = arith.addf %scan3A_377, %get3A_477 : vector<16xf32>
      %get3A_479 = arith.constant 1 : i32
      %get3A_480 = arith.index_cast %get3A_479 : i32 to index
      %get3A_481 = arith.index_cast %scan3A_364 : i32 to index
      %get3A_482 = arith.constant 208 : index
      %get3A_483 = tpu.vector_load %arg5[%get3A_480, %get3A_481, %get3A_482] {strides = array<i32>} : memref<2x56x384xf32, #tpu.memory_space<vmem>>, vector<1x1x16xf32>,
      %get3A_484 = vector.shape_cast %get3A_483 : vector<1x1x16xf32> to vector<16xf32>
      %add3A_485 = arith.addf %scan3A_378, %get3A_484 : vector<16xf32>
      %get3A_486 = arith.constant 1 : i32
      %get3A_487 = arith.index_cast %get3A_486 : i32 to index
      %get3A_488 = arith.index_cast %scan3A_364 : i32 to index
      %get3A_489 = arith.constant 224 : index
      %get3A_490 = tpu.vector_load %arg5[%get3A_487, %get3A_488, %get3A_489] {strides = array<i32>} : memref<2x56x384xf32, #tpu.memory_space<vmem>>, vector<1x1x16xf32>,
      %get3A_491 = vector.shape_cast %get3A_490 : vector<1x1x16xf32> to vector<16xf32>
      %add3A_492 = arith.addf %scan3A_379, %get3A_491 : vector<16xf32>
      %get3A_493 = arith.constant 1 : i32
      %get3A_494 = arith.index_cast %get3A_493 : i32 to index
      %get3A_495 = arith.index_cast %scan3A_364 : i32 to index
      %get3A_496 = arith.constant 240 : index
      %get3A_497 = tpu.vector_load %arg5[%get3A_494, %get3A_495, %get3A_496] {strides = array<i32>} : memref<2x56x384xf32, #tpu.memory_space<vmem>>, vector<1x1x16xf32>,
      %get3A_498 = vector.shape_cast %get3A_497 : vector<1x1x16xf32> to vector<16xf32>
      %add3A_499 = arith.addf %scan3A_380, %get3A_498 : vector<16xf32>
      %get3A_500 = arith.constant 1 : i32
      %get3A_501 = arith.index_cast %get3A_500 : i32 to index
      %get3A_502 = arith.index_cast %scan3A_364 : i32 to index
      %get3A_503 = arith.constant 256 : index
      %get3A_504 = tpu.vector_load %arg5[%get3A_501, %get3A_502, %get3A_503] {strides = array<i32>} : memref<2x56x384xf32, #tpu.memory_space<vmem>>, vector<1x1x16xf32>,
      %get3A_505 = vector.shape_cast %get3A_504 : vector<1x1x16xf32> to vector<16xf32>
      %add3A_506 = arith.addf %scan3A_381, %get3A_505 : vector<16xf32>
      %get3A_507 = arith.constant 1 : i32
      %get3A_508 = arith.index_cast %get3A_507 : i32 to index
      %get3A_509 = arith.index_cast %scan3A_364 : i32 to index
      %get3A_510 = arith.constant 272 : index
      %get3A_511 = tpu.vector_load %arg5[%get3A_508, %get3A_509, %get3A_510] {strides = array<i32>} : memref<2x56x384xf32, #tpu.memory_space<vmem>>, vector<1x1x16xf32>,
      %get3A_512 = vector.shape_cast %get3A_511 : vector<1x1x16xf32> to vector<16xf32>
      %add3A_513 = arith.addf %scan3A_382, %get3A_512 : vector<16xf32>
      %get3A_514 = arith.constant 1 : i32
      %get3A_515 = arith.index_cast %get3A_514 : i32 to index
      %get3A_516 = arith.index_cast %scan3A_364 : i32 to index
      %get3A_517 = arith.constant 288 : index
      %get3A_518 = tpu.vector_load %arg5[%get3A_515, %get3A_516, %get3A_517] {strides = array<i32>} : memref<2x56x384xf32, #tpu.memory_space<vmem>>, vector<1x1x16xf32>,
      %get3A_519 = vector.shape_cast %get3A_518 : vector<1x1x16xf32> to vector<16xf32>
      %add3A_520 = arith.addf %scan3A_383, %get3A_519 : vector<16xf32>
      %get3A_521 = arith.constant 1 : i32
      %get3A_522 = arith.index_cast %get3A_521 : i32 to index
      %get3A_523 = arith.index_cast %scan3A_364 : i32 to index
      %get3A_524 = arith.constant 304 : index
      %get3A_525 = tpu.vector_load %arg5[%get3A_522, %get3A_523, %get3A_524] {strides = array<i32>} : memref<2x56x384xf32, #tpu.memory_space<vmem>>, vector<1x1x16xf32>,
      %get3A_526 = vector.shape_cast %get3A_525 : vector<1x1x16xf32> to vector<16xf32>
      %add3A_527 = arith.addf %scan3A_384, %get3A_526 : vector<16xf32>
      %get3A_528 = arith.constant 1 : i32
      %get3A_529 = arith.index_cast %get3A_528 : i32 to index
      %get3A_530 = arith.index_cast %scan3A_364 : i32 to index
      %get3A_531 = arith.constant 320 : index
      %get3A_532 = tpu.vector_load %arg5[%get3A_529, %get3A_530, %get3A_531] {strides = array<i32>} : memref<2x56x384xf32, #tpu.memory_space<vmem>>, vector<1x1x16xf32>,
      %get3A_533 = vector.shape_cast %get3A_532 : vector<1x1x16xf32> to vector<16xf32>
      %add3A_534 = arith.addf %scan3A_385, %get3A_533 : vector<16xf32>
      %get3A_535 = arith.constant 1 : i32
      %get3A_536 = arith.index_cast %get3A_535 : i32 to index
      %get3A_537 = arith.index_cast %scan3A_364 : i32 to index
      %get3A_538 = arith.constant 336 : index
      %get3A_539 = tpu.vector_load %arg5[%get3A_536, %get3A_537, %get3A_538] {strides = array<i32>} : memref<2x56x384xf32, #tpu.memory_space<vmem>>, vector<1x1x16xf32>,
      %get3A_540 = vector.shape_cast %get3A_539 : vector<1x1x16xf32> to vector<16xf32>
      %add3A_541 = arith.addf %scan3A_386, %get3A_540 : vector<16xf32>
      %get3A_542 = arith.constant 1 : i32
      %get3A_543 = arith.index_cast %get3A_542 : i32 to index
      %get3A_544 = arith.index_cast %scan3A_364 : i32 to index
      %get3A_545 = arith.constant 352 : index
      %get3A_546 = tpu.vector_load %arg5[%get3A_543, %get3A_544, %get3A_545] {strides = array<i32>} : memref<2x56x384xf32, #tpu.memory_space<vmem>>, vector<1x1x16xf32>,
      %get3A_547 = vector.shape_cast %get3A_546 : vector<1x1x16xf32> to vector<16xf32>
      %add3A_548 = arith.addf %scan3A_387, %get3A_547 : vector<16xf32>
      %get3A_549 = arith.constant 1 : i32
      %get3A_550 = arith.index_cast %get3A_549 : i32 to index
      %get3A_551 = arith.index_cast %scan3A_364 : i32 to index
      %get3A_552 = arith.constant 368 : index
      %get3A_553 = tpu.vector_load %arg5[%get3A_550, %get3A_551, %get3A_552] {strides = array<i32>} : memref<2x56x384xf32, #tpu.memory_space<vmem>>, vector<1x1x16xf32>,
      %get3A_554 = vector.shape_cast %get3A_553 : vector<1x1x16xf32> to vector<16xf32>
      %add3A_555 = arith.addf %scan3A_388, %get3A_554 : vector<16xf32>
      scf.yield %add3A_394, %add3A_401, %add3A_408, %add3A_415, %add3A_422, %add3A_429, %add3A_436, %add3A_443, %add3A_450, %add3A_457, %add3A_464, %add3A_471, %add3A_478, %add3A_485, %add3A_492, %add3A_499, %add3A_506, %add3A_513, %add3A_520, %add3A_527, %add3A_534, %add3A_541, %add3A_548, %add3A_555 : vector<16xf32>, vector<16xf32>, vector<16xf32>, vector<16xf32>, vector<16xf32>, vector<16xf32>, vector<16xf32>, vector<16xf32>, vector<16xf32>, vector<16xf32>, vector<16xf32>, vector<16xf32>, vector<16xf32>, vector<16xf32>, vector<16xf32>, vector<16xf32>, vector<16xf32>, vector<16xf32>, vector<16xf32>, vector<16xf32>, vector<16xf32>, vector<16xf32>, vector<16xf32>, vector<16xf32>
    }
    %scan3A_118 = arith.constant 56 : i32
    %dma_start3A_119 = arith.constant 48 : i32
    %dma_start3A_120 = arith.constant 0 : i32
    %dma_start3A_121 = arith.constant 0 : i32
    %dma_start3A_122 = tpu.memref_slice %arg2[%add3A, %dma_start3A_119, %dma_start3A_120, %dma_start3A_121] : memref<32x56x56x384xf32, #tpu.memory_space<hbm>> -> memref<1x2x56x384xf32, #tpu.memory_space<hbm>>
    %dma_start3A_123 = tpu.memref_squeeze %dma_start3A_122 : memref<1x2x56x384xf32, #tpu.memory_space<hbm>> -> memref<2x56x384xf32, #tpu.memory_space<hbm>>
    %dma_start3A_124 = arith.constant 48 : i32
    %dma_start3A_125 = arith.constant 0 : i32
    %dma_start3A_126 = arith.constant 0 : i32
    %dma_start3A_127 = tpu.memref_slice %arg2[%add3A, %dma_start3A_124, %dma_start3A_125, %dma_start3A_126] : memref<32x56x56x384xf32, #tpu.memory_space<hbm>> -> memref<1x2x56x384xf32, #tpu.memory_space<hbm>>
    %dma_start3A_128 = tpu.memref_squeeze %dma_start3A_127 : memref<1x2x56x384xf32, #tpu.memory_space<hbm>> -> memref<2x56x384xf32, #tpu.memory_space<hbm>>
    tpu.enqueue_dma source(%dma_start3A_128 : memref<2x56x384xf32, #tpu.memory_space<hbm>>) target(%arg5 : memref<2x56x384xf32, #tpu.memory_space<vmem>>) target_semaphore(%arg8 : memref<!tpu.dma_semaphore, #tpu.memory_space<semaphore_mem>>)
    %dma_wait3A_129 = arith.constant 46 : i32
    %dma_wait3A_130 = arith.constant 0 : i32
    %dma_wait3A_131 = arith.constant 0 : i32
    %dma_wait3A_132 = tpu.memref_slice %arg2[%add3A, %dma_wait3A_129, %dma_wait3A_130, %dma_wait3A_131] : memref<32x56x56x384xf32, #tpu.memory_space<hbm>> -> memref<1x2x56x384xf32, #tpu.memory_space<hbm>>
    %dma_wait3A_133 = tpu.memref_squeeze %dma_wait3A_132 : memref<1x2x56x384xf32, #tpu.memory_space<hbm>> -> memref<2x56x384xf32, #tpu.memory_space<hbm>>
    %dma_wait3A_134 = arith.constant 46 : i32
    %dma_wait3A_135 = arith.constant 0 : i32
    %dma_wait3A_136 = arith.constant 0 : i32
    %dma_wait3A_137 = tpu.memref_slice %arg2[%add3A, %dma_wait3A_134, %dma_wait3A_135, %dma_wait3A_136] : memref<32x56x56x384xf32, #tpu.memory_space<hbm>> -> memref<1x2x56x384xf32, #tpu.memory_space<hbm>>
    %dma_wait3A_138 = tpu.memref_squeeze %dma_wait3A_137 : memref<1x2x56x384xf32, #tpu.memory_space<hbm>> -> memref<2x56x384xf32, #tpu.memory_space<hbm>>
    tpu.wait_dma2 semaphore(%arg7 : memref<!tpu.dma_semaphore, #tpu.memory_space<semaphore_mem>>) src(%dma_wait3A_138 : memref<2x56x384xf32, #tpu.memory_space<hbm>>) dst(%arg4 : memref<2x56x384xf32, #tpu.memory_space<vmem>>)
    %scan3A_139 = arith.constant 0 : i32
    %scan3A_140 = arith.constant 56 : i32
    %scan3A_141 = arith.addi %scan3A_139, %scan3A_140 : i32
    %scan3A_142 = arith.constant 1 : i32
    %scan3A_143:24 = scf.for %scan3A_364 = %scan3A_139 to %scan3A_141 step %scan3A_142 iter_args(%scan3A_365 = %scan3A_117#0, %scan3A_366 = %scan3A_117#1, %scan3A_367 = %scan3A_117#2, %scan3A_368 = %scan3A_117#3, %scan3A_369 = %scan3A_117#4, %scan3A_370 = %scan3A_117#5, %scan3A_371 = %scan3A_117#6, %scan3A_372 = %scan3A_117#7, %scan3A_373 = %scan3A_117#8, %scan3A_374 = %scan3A_117#9, %scan3A_375 = %scan3A_117#10, %scan3A_376 = %scan3A_117#11, %scan3A_377 = %scan3A_117#12, %scan3A_378 = %scan3A_117#13, %scan3A_379 = %scan3A_117#14, %scan3A_380 = %scan3A_117#15, %scan3A_381 = %scan3A_117#16, %scan3A_382 = %scan3A_117#17, %scan3A_383 = %scan3A_117#18, %scan3A_384 = %scan3A_117#19, %scan3A_385 = %scan3A_117#20, %scan3A_386 = %scan3A_117#21, %scan3A_387 = %scan3A_117#22, %scan3A_388 = %scan3A_117#23) -> (vector<16xf32>, vector<16xf32>, vector<16xf32>, vector<16xf32>, vector<16xf32>, vector<16xf32>, vector<16xf32>, vector<16xf32>, vector<16xf32>, vector<16xf32>, vector<16xf32>, vector<16xf32>, vector<16xf32>, vector<16xf32>, vector<16xf32>, vector<16xf32>, vector<16xf32>, vector<16xf32>, vector<16xf32>, vector<16xf32>, vector<16xf32>, vector<16xf32>, vector<16xf32>, vector<16xf32>)  : i32 {
      %get3A = arith.constant 0 : i32
      %get3A_389 = arith.index_cast %get3A : i32 to index
      %get3A_390 = arith.index_cast %scan3A_364 : i32 to index
      %get3A_391 = arith.constant 0 : index
      %get3A_392 = tpu.vector_load %arg4[%get3A_389, %get3A_390, %get3A_391] {strides = array<i32>} : memref<2x56x384xf32, #tpu.memory_space<vmem>>, vector<1x1x16xf32>,
      %get3A_393 = vector.shape_cast %get3A_392 : vector<1x1x16xf32> to vector<16xf32>
      %add3A_394 = arith.addf %scan3A_365, %get3A_393 : vector<16xf32>
      %get3A_395 = arith.constant 0 : i32
      %get3A_396 = arith.index_cast %get3A_395 : i32 to index
      %get3A_397 = arith.index_cast %scan3A_364 : i32 to index
      %get3A_398 = arith.constant 16 : index
      %get3A_399 = tpu.vector_load %arg4[%get3A_396, %get3A_397, %get3A_398] {strides = array<i32>} : memref<2x56x384xf32, #tpu.memory_space<vmem>>, vector<1x1x16xf32>,
      %get3A_400 = vector.shape_cast %get3A_399 : vector<1x1x16xf32> to vector<16xf32>
      %add3A_401 = arith.addf %scan3A_366, %get3A_400 : vector<16xf32>
      %get3A_402 = arith.constant 0 : i32
      %get3A_403 = arith.index_cast %get3A_402 : i32 to index
      %get3A_404 = arith.index_cast %scan3A_364 : i32 to index
      %get3A_405 = arith.constant 32 : index
      %get3A_406 = tpu.vector_load %arg4[%get3A_403, %get3A_404, %get3A_405] {strides = array<i32>} : memref<2x56x384xf32, #tpu.memory_space<vmem>>, vector<1x1x16xf32>,
      %get3A_407 = vector.shape_cast %get3A_406 : vector<1x1x16xf32> to vector<16xf32>
      %add3A_408 = arith.addf %scan3A_367, %get3A_407 : vector<16xf32>
      %get3A_409 = arith.constant 0 : i32
      %get3A_410 = arith.index_cast %get3A_409 : i32 to index
      %get3A_411 = arith.index_cast %scan3A_364 : i32 to index
      %get3A_412 = arith.constant 48 : index
      %get3A_413 = tpu.vector_load %arg4[%get3A_410, %get3A_411, %get3A_412] {strides = array<i32>} : memref<2x56x384xf32, #tpu.memory_space<vmem>>, vector<1x1x16xf32>,
      %get3A_414 = vector.shape_cast %get3A_413 : vector<1x1x16xf32> to vector<16xf32>
      %add3A_415 = arith.addf %scan3A_368, %get3A_414 : vector<16xf32>
      %get3A_416 = arith.constant 0 : i32
      %get3A_417 = arith.index_cast %get3A_416 : i32 to index
      %get3A_418 = arith.index_cast %scan3A_364 : i32 to index
      %get3A_419 = arith.constant 64 : index
      %get3A_420 = tpu.vector_load %arg4[%get3A_417, %get3A_418, %get3A_419] {strides = array<i32>} : memref<2x56x384xf32, #tpu.memory_space<vmem>>, vector<1x1x16xf32>,
      %get3A_421 = vector.shape_cast %get3A_420 : vector<1x1x16xf32> to vector<16xf32>
      %add3A_422 = arith.addf %scan3A_369, %get3A_421 : vector<16xf32>
      %get3A_423 = arith.constant 0 : i32
      %get3A_424 = arith.index_cast %get3A_423 : i32 to index
      %get3A_425 = arith.index_cast %scan3A_364 : i32 to index
      %get3A_426 = arith.constant 80 : index
      %get3A_427 = tpu.vector_load %arg4[%get3A_424, %get3A_425, %get3A_426] {strides = array<i32>} : memref<2x56x384xf32, #tpu.memory_space<vmem>>, vector<1x1x16xf32>,
      %get3A_428 = vector.shape_cast %get3A_427 : vector<1x1x16xf32> to vector<16xf32>
      %add3A_429 = arith.addf %scan3A_370, %get3A_428 : vector<16xf32>
      %get3A_430 = arith.constant 0 : i32
      %get3A_431 = arith.index_cast %get3A_430 : i32 to index
      %get3A_432 = arith.index_cast %scan3A_364 : i32 to index
      %get3A_433 = arith.constant 96 : index
      %get3A_434 = tpu.vector_load %arg4[%get3A_431, %get3A_432, %get3A_433] {strides = array<i32>} : memref<2x56x384xf32, #tpu.memory_space<vmem>>, vector<1x1x16xf32>,
      %get3A_435 = vector.shape_cast %get3A_434 : vector<1x1x16xf32> to vector<16xf32>
      %add3A_436 = arith.addf %scan3A_371, %get3A_435 : vector<16xf32>
      %get3A_437 = arith.constant 0 : i32
      %get3A_438 = arith.index_cast %get3A_437 : i32 to index
      %get3A_439 = arith.index_cast %scan3A_364 : i32 to index
      %get3A_440 = arith.constant 112 : index
      %get3A_441 = tpu.vector_load %arg4[%get3A_438, %get3A_439, %get3A_440] {strides = array<i32>} : memref<2x56x384xf32, #tpu.memory_space<vmem>>, vector<1x1x16xf32>,
      %get3A_442 = vector.shape_cast %get3A_441 : vector<1x1x16xf32> to vector<16xf32>
      %add3A_443 = arith.addf %scan3A_372, %get3A_442 : vector<16xf32>
      %get3A_444 = arith.constant 0 : i32
      %get3A_445 = arith.index_cast %get3A_444 : i32 to index
      %get3A_446 = arith.index_cast %scan3A_364 : i32 to index
      %get3A_447 = arith.constant 128 : index
      %get3A_448 = tpu.vector_load %arg4[%get3A_445, %get3A_446, %get3A_447] {strides = array<i32>} : memref<2x56x384xf32, #tpu.memory_space<vmem>>, vector<1x1x16xf32>,
      %get3A_449 = vector.shape_cast %get3A_448 : vector<1x1x16xf32> to vector<16xf32>
      %add3A_450 = arith.addf %scan3A_373, %get3A_449 : vector<16xf32>
      %get3A_451 = arith.constant 0 : i32
      %get3A_452 = arith.index_cast %get3A_451 : i32 to index
      %get3A_453 = arith.index_cast %scan3A_364 : i32 to index
      %get3A_454 = arith.constant 144 : index
      %get3A_455 = tpu.vector_load %arg4[%get3A_452, %get3A_453, %get3A_454] {strides = array<i32>} : memref<2x56x384xf32, #tpu.memory_space<vmem>>, vector<1x1x16xf32>,
      %get3A_456 = vector.shape_cast %get3A_455 : vector<1x1x16xf32> to vector<16xf32>
      %add3A_457 = arith.addf %scan3A_374, %get3A_456 : vector<16xf32>
      %get3A_458 = arith.constant 0 : i32
      %get3A_459 = arith.index_cast %get3A_458 : i32 to index
      %get3A_460 = arith.index_cast %scan3A_364 : i32 to index
      %get3A_461 = arith.constant 160 : index
      %get3A_462 = tpu.vector_load %arg4[%get3A_459, %get3A_460, %get3A_461] {strides = array<i32>} : memref<2x56x384xf32, #tpu.memory_space<vmem>>, vector<1x1x16xf32>,
      %get3A_463 = vector.shape_cast %get3A_462 : vector<1x1x16xf32> to vector<16xf32>
      %add3A_464 = arith.addf %scan3A_375, %get3A_463 : vector<16xf32>
      %get3A_465 = arith.constant 0 : i32
      %get3A_466 = arith.index_cast %get3A_465 : i32 to index
      %get3A_467 = arith.index_cast %scan3A_364 : i32 to index
      %get3A_468 = arith.constant 176 : index
      %get3A_469 = tpu.vector_load %arg4[%get3A_466, %get3A_467, %get3A_468] {strides = array<i32>} : memref<2x56x384xf32, #tpu.memory_space<vmem>>, vector<1x1x16xf32>,
      %get3A_470 = vector.shape_cast %get3A_469 : vector<1x1x16xf32> to vector<16xf32>
      %add3A_471 = arith.addf %scan3A_376, %get3A_470 : vector<16xf32>
      %get3A_472 = arith.constant 0 : i32
      %get3A_473 = arith.index_cast %get3A_472 : i32 to index
      %get3A_474 = arith.index_cast %scan3A_364 : i32 to index
      %get3A_475 = arith.constant 192 : index
      %get3A_476 = tpu.vector_load %arg4[%get3A_473, %get3A_474, %get3A_475] {strides = array<i32>} : memref<2x56x384xf32, #tpu.memory_space<vmem>>, vector<1x1x16xf32>,
      %get3A_477 = vector.shape_cast %get3A_476 : vector<1x1x16xf32> to vector<16xf32>
      %add3A_478 = arith.addf %scan3A_377, %get3A_477 : vector<16xf32>
      %get3A_479 = arith.constant 0 : i32
      %get3A_480 = arith.index_cast %get3A_479 : i32 to index
      %get3A_481 = arith.index_cast %scan3A_364 : i32 to index
      %get3A_482 = arith.constant 208 : index
      %get3A_483 = tpu.vector_load %arg4[%get3A_480, %get3A_481, %get3A_482] {strides = array<i32>} : memref<2x56x384xf32, #tpu.memory_space<vmem>>, vector<1x1x16xf32>,
      %get3A_484 = vector.shape_cast %get3A_483 : vector<1x1x16xf32> to vector<16xf32>
      %add3A_485 = arith.addf %scan3A_378, %get3A_484 : vector<16xf32>
      %get3A_486 = arith.constant 0 : i32
      %get3A_487 = arith.index_cast %get3A_486 : i32 to index
      %get3A_488 = arith.index_cast %scan3A_364 : i32 to index
      %get3A_489 = arith.constant 224 : index
      %get3A_490 = tpu.vector_load %arg4[%get3A_487, %get3A_488, %get3A_489] {strides = array<i32>} : memref<2x56x384xf32, #tpu.memory_space<vmem>>, vector<1x1x16xf32>,
      %get3A_491 = vector.shape_cast %get3A_490 : vector<1x1x16xf32> to vector<16xf32>
      %add3A_492 = arith.addf %scan3A_379, %get3A_491 : vector<16xf32>
      %get3A_493 = arith.constant 0 : i32
      %get3A_494 = arith.index_cast %get3A_493 : i32 to index
      %get3A_495 = arith.index_cast %scan3A_364 : i32 to index
      %get3A_496 = arith.constant 240 : index
      %get3A_497 = tpu.vector_load %arg4[%get3A_494, %get3A_495, %get3A_496] {strides = array<i32>} : memref<2x56x384xf32, #tpu.memory_space<vmem>>, vector<1x1x16xf32>,
      %get3A_498 = vector.shape_cast %get3A_497 : vector<1x1x16xf32> to vector<16xf32>
      %add3A_499 = arith.addf %scan3A_380, %get3A_498 : vector<16xf32>
      %get3A_500 = arith.constant 0 : i32
      %get3A_501 = arith.index_cast %get3A_500 : i32 to index
      %get3A_502 = arith.index_cast %scan3A_364 : i32 to index
      %get3A_503 = arith.constant 256 : index
      %get3A_504 = tpu.vector_load %arg4[%get3A_501, %get3A_502, %get3A_503] {strides = array<i32>} : memref<2x56x384xf32, #tpu.memory_space<vmem>>, vector<1x1x16xf32>,
      %get3A_505 = vector.shape_cast %get3A_504 : vector<1x1x16xf32> to vector<16xf32>
      %add3A_506 = arith.addf %scan3A_381, %get3A_505 : vector<16xf32>
      %get3A_507 = arith.constant 0 : i32
      %get3A_508 = arith.index_cast %get3A_507 : i32 to index
      %get3A_509 = arith.index_cast %scan3A_364 : i32 to index
      %get3A_510 = arith.constant 272 : index
      %get3A_511 = tpu.vector_load %arg4[%get3A_508, %get3A_509, %get3A_510] {strides = array<i32>} : memref<2x56x384xf32, #tpu.memory_space<vmem>>, vector<1x1x16xf32>,
      %get3A_512 = vector.shape_cast %get3A_511 : vector<1x1x16xf32> to vector<16xf32>
      %add3A_513 = arith.addf %scan3A_382, %get3A_512 : vector<16xf32>
      %get3A_514 = arith.constant 0 : i32
      %get3A_515 = arith.index_cast %get3A_514 : i32 to index
      %get3A_516 = arith.index_cast %scan3A_364 : i32 to index
      %get3A_517 = arith.constant 288 : index
      %get3A_518 = tpu.vector_load %arg4[%get3A_515, %get3A_516, %get3A_517] {strides = array<i32>} : memref<2x56x384xf32, #tpu.memory_space<vmem>>, vector<1x1x16xf32>,
      %get3A_519 = vector.shape_cast %get3A_518 : vector<1x1x16xf32> to vector<16xf32>
      %add3A_520 = arith.addf %scan3A_383, %get3A_519 : vector<16xf32>
      %get3A_521 = arith.constant 0 : i32
      %get3A_522 = arith.index_cast %get3A_521 : i32 to index
      %get3A_523 = arith.index_cast %scan3A_364 : i32 to index
      %get3A_524 = arith.constant 304 : index
      %get3A_525 = tpu.vector_load %arg4[%get3A_522, %get3A_523, %get3A_524] {strides = array<i32>} : memref<2x56x384xf32, #tpu.memory_space<vmem>>, vector<1x1x16xf32>,
      %get3A_526 = vector.shape_cast %get3A_525 : vector<1x1x16xf32> to vector<16xf32>
      %add3A_527 = arith.addf %scan3A_384, %get3A_526 : vector<16xf32>
      %get3A_528 = arith.constant 0 : i32
      %get3A_529 = arith.index_cast %get3A_528 : i32 to index
      %get3A_530 = arith.index_cast %scan3A_364 : i32 to index
      %get3A_531 = arith.constant 320 : index
      %get3A_532 = tpu.vector_load %arg4[%get3A_529, %get3A_530, %get3A_531] {strides = array<i32>} : memref<2x56x384xf32, #tpu.memory_space<vmem>>, vector<1x1x16xf32>,
      %get3A_533 = vector.shape_cast %get3A_532 : vector<1x1x16xf32> to vector<16xf32>
      %add3A_534 = arith.addf %scan3A_385, %get3A_533 : vector<16xf32>
      %get3A_535 = arith.constant 0 : i32
      %get3A_536 = arith.index_cast %get3A_535 : i32 to index
      %get3A_537 = arith.index_cast %scan3A_364 : i32 to index
      %get3A_538 = arith.constant 336 : index
      %get3A_539 = tpu.vector_load %arg4[%get3A_536, %get3A_537, %get3A_538] {strides = array<i32>} : memref<2x56x384xf32, #tpu.memory_space<vmem>>, vector<1x1x16xf32>,
      %get3A_540 = vector.shape_cast %get3A_539 : vector<1x1x16xf32> to vector<16xf32>
      %add3A_541 = arith.addf %scan3A_386, %get3A_540 : vector<16xf32>
      %get3A_542 = arith.constant 0 : i32
      %get3A_543 = arith.index_cast %get3A_542 : i32 to index
      %get3A_544 = arith.index_cast %scan3A_364 : i32 to index
      %get3A_545 = arith.constant 352 : index
      %get3A_546 = tpu.vector_load %arg4[%get3A_543, %get3A_544, %get3A_545] {strides = array<i32>} : memref<2x56x384xf32, #tpu.memory_space<vmem>>, vector<1x1x16xf32>,
      %get3A_547 = vector.shape_cast %get3A_546 : vector<1x1x16xf32> to vector<16xf32>
      %add3A_548 = arith.addf %scan3A_387, %get3A_547 : vector<16xf32>
      %get3A_549 = arith.constant 0 : i32
      %get3A_550 = arith.index_cast %get3A_549 : i32 to index
      %get3A_551 = arith.index_cast %scan3A_364 : i32 to index
      %get3A_552 = arith.constant 368 : index
      %get3A_553 = tpu.vector_load %arg4[%get3A_550, %get3A_551, %get3A_552] {strides = array<i32>} : memref<2x56x384xf32, #tpu.memory_space<vmem>>, vector<1x1x16xf32>,
      %get3A_554 = vector.shape_cast %get3A_553 : vector<1x1x16xf32> to vector<16xf32>
      %add3A_555 = arith.addf %scan3A_388, %get3A_554 : vector<16xf32>
      scf.yield %add3A_394, %add3A_401, %add3A_408, %add3A_415, %add3A_422, %add3A_429, %add3A_436, %add3A_443, %add3A_450, %add3A_457, %add3A_464, %add3A_471, %add3A_478, %add3A_485, %add3A_492, %add3A_499, %add3A_506, %add3A_513, %add3A_520, %add3A_527, %add3A_534, %add3A_541, %add3A_548, %add3A_555 : vector<16xf32>, vector<16xf32>, vector<16xf32>, vector<16xf32>, vector<16xf32>, vector<16xf32>, vector<16xf32>, vector<16xf32>, vector<16xf32>, vector<16xf32>, vector<16xf32>, vector<16xf32>, vector<16xf32>, vector<16xf32>, vector<16xf32>, vector<16xf32>, vector<16xf32>, vector<16xf32>, vector<16xf32>, vector<16xf32>, vector<16xf32>, vector<16xf32>, vector<16xf32>, vector<16xf32>
    }
    %scan3A_144 = arith.constant 56 : i32
    %scan3A_145 = arith.constant 0 : i32
    %scan3A_146 = arith.constant 56 : i32
    %scan3A_147 = arith.addi %scan3A_145, %scan3A_146 : i32
    %scan3A_148 = arith.constant 1 : i32
    %scan3A_149:24 = scf.for %scan3A_364 = %scan3A_145 to %scan3A_147 step %scan3A_148 iter_args(%scan3A_365 = %scan3A_143#0, %scan3A_366 = %scan3A_143#1, %scan3A_367 = %scan3A_143#2, %scan3A_368 = %scan3A_143#3, %scan3A_369 = %scan3A_143#4, %scan3A_370 = %scan3A_143#5, %scan3A_371 = %scan3A_143#6, %scan3A_372 = %scan3A_143#7, %scan3A_373 = %scan3A_143#8, %scan3A_374 = %scan3A_143#9, %scan3A_375 = %scan3A_143#10, %scan3A_376 = %scan3A_143#11, %scan3A_377 = %scan3A_143#12, %scan3A_378 = %scan3A_143#13, %scan3A_379 = %scan3A_143#14, %scan3A_380 = %scan3A_143#15, %scan3A_381 = %scan3A_143#16, %scan3A_382 = %scan3A_143#17, %scan3A_383 = %scan3A_143#18, %scan3A_384 = %scan3A_143#19, %scan3A_385 = %scan3A_143#20, %scan3A_386 = %scan3A_143#21, %scan3A_387 = %scan3A_143#22, %scan3A_388 = %scan3A_143#23) -> (vector<16xf32>, vector<16xf32>, vector<16xf32>, vector<16xf32>, vector<16xf32>, vector<16xf32>, vector<16xf32>, vector<16xf32>, vector<16xf32>, vector<16xf32>, vector<16xf32>, vector<16xf32>, vector<16xf32>, vector<16xf32>, vector<16xf32>, vector<16xf32>, vector<16xf32>, vector<16xf32>, vector<16xf32>, vector<16xf32>, vector<16xf32>, vector<16xf32>, vector<16xf32>, vector<16xf32>)  : i32 {
      %get3A = arith.constant 1 : i32
      %get3A_389 = arith.index_cast %get3A : i32 to index
      %get3A_390 = arith.index_cast %scan3A_364 : i32 to index
      %get3A_391 = arith.constant 0 : index
      %get3A_392 = tpu.vector_load %arg4[%get3A_389, %get3A_390, %get3A_391] {strides = array<i32>} : memref<2x56x384xf32, #tpu.memory_space<vmem>>, vector<1x1x16xf32>,
      %get3A_393 = vector.shape_cast %get3A_392 : vector<1x1x16xf32> to vector<16xf32>
      %add3A_394 = arith.addf %scan3A_365, %get3A_393 : vector<16xf32>
      %get3A_395 = arith.constant 1 : i32
      %get3A_396 = arith.index_cast %get3A_395 : i32 to index
      %get3A_397 = arith.index_cast %scan3A_364 : i32 to index
      %get3A_398 = arith.constant 16 : index
      %get3A_399 = tpu.vector_load %arg4[%get3A_396, %get3A_397, %get3A_398] {strides = array<i32>} : memref<2x56x384xf32, #tpu.memory_space<vmem>>, vector<1x1x16xf32>,
      %get3A_400 = vector.shape_cast %get3A_399 : vector<1x1x16xf32> to vector<16xf32>
      %add3A_401 = arith.addf %scan3A_366, %get3A_400 : vector<16xf32>
      %get3A_402 = arith.constant 1 : i32
      %get3A_403 = arith.index_cast %get3A_402 : i32 to index
      %get3A_404 = arith.index_cast %scan3A_364 : i32 to index
      %get3A_405 = arith.constant 32 : index
      %get3A_406 = tpu.vector_load %arg4[%get3A_403, %get3A_404, %get3A_405] {strides = array<i32>} : memref<2x56x384xf32, #tpu.memory_space<vmem>>, vector<1x1x16xf32>,
      %get3A_407 = vector.shape_cast %get3A_406 : vector<1x1x16xf32> to vector<16xf32>
      %add3A_408 = arith.addf %scan3A_367, %get3A_407 : vector<16xf32>
      %get3A_409 = arith.constant 1 : i32
      %get3A_410 = arith.index_cast %get3A_409 : i32 to index
      %get3A_411 = arith.index_cast %scan3A_364 : i32 to index
      %get3A_412 = arith.constant 48 : index
      %get3A_413 = tpu.vector_load %arg4[%get3A_410, %get3A_411, %get3A_412] {strides = array<i32>} : memref<2x56x384xf32, #tpu.memory_space<vmem>>, vector<1x1x16xf32>,
      %get3A_414 = vector.shape_cast %get3A_413 : vector<1x1x16xf32> to vector<16xf32>
      %add3A_415 = arith.addf %scan3A_368, %get3A_414 : vector<16xf32>
      %get3A_416 = arith.constant 1 : i32
      %get3A_417 = arith.index_cast %get3A_416 : i32 to index
      %get3A_418 = arith.index_cast %scan3A_364 : i32 to index
      %get3A_419 = arith.constant 64 : index
      %get3A_420 = tpu.vector_load %arg4[%get3A_417, %get3A_418, %get3A_419] {strides = array<i32>} : memref<2x56x384xf32, #tpu.memory_space<vmem>>, vector<1x1x16xf32>,
      %get3A_421 = vector.shape_cast %get3A_420 : vector<1x1x16xf32> to vector<16xf32>
      %add3A_422 = arith.addf %scan3A_369, %get3A_421 : vector<16xf32>
      %get3A_423 = arith.constant 1 : i32
      %get3A_424 = arith.index_cast %get3A_423 : i32 to index
      %get3A_425 = arith.index_cast %scan3A_364 : i32 to index
      %get3A_426 = arith.constant 80 : index
      %get3A_427 = tpu.vector_load %arg4[%get3A_424, %get3A_425, %get3A_426] {strides = array<i32>} : memref<2x56x384xf32, #tpu.memory_space<vmem>>, vector<1x1x16xf32>,
      %get3A_428 = vector.shape_cast %get3A_427 : vector<1x1x16xf32> to vector<16xf32>
      %add3A_429 = arith.addf %scan3A_370, %get3A_428 : vector<16xf32>
      %get3A_430 = arith.constant 1 : i32
      %get3A_431 = arith.index_cast %get3A_430 : i32 to index
      %get3A_432 = arith.index_cast %scan3A_364 : i32 to index
      %get3A_433 = arith.constant 96 : index
      %get3A_434 = tpu.vector_load %arg4[%get3A_431, %get3A_432, %get3A_433] {strides = array<i32>} : memref<2x56x384xf32, #tpu.memory_space<vmem>>, vector<1x1x16xf32>,
      %get3A_435 = vector.shape_cast %get3A_434 : vector<1x1x16xf32> to vector<16xf32>
      %add3A_436 = arith.addf %scan3A_371, %get3A_435 : vector<16xf32>
      %get3A_437 = arith.constant 1 : i32
      %get3A_438 = arith.index_cast %get3A_437 : i32 to index
      %get3A_439 = arith.index_cast %scan3A_364 : i32 to index
      %get3A_440 = arith.constant 112 : index
      %get3A_441 = tpu.vector_load %arg4[%get3A_438, %get3A_439, %get3A_440] {strides = array<i32>} : memref<2x56x384xf32, #tpu.memory_space<vmem>>, vector<1x1x16xf32>,
      %get3A_442 = vector.shape_cast %get3A_441 : vector<1x1x16xf32> to vector<16xf32>
      %add3A_443 = arith.addf %scan3A_372, %get3A_442 : vector<16xf32>
      %get3A_444 = arith.constant 1 : i32
      %get3A_445 = arith.index_cast %get3A_444 : i32 to index
      %get3A_446 = arith.index_cast %scan3A_364 : i32 to index
      %get3A_447 = arith.constant 128 : index
      %get3A_448 = tpu.vector_load %arg4[%get3A_445, %get3A_446, %get3A_447] {strides = array<i32>} : memref<2x56x384xf32, #tpu.memory_space<vmem>>, vector<1x1x16xf32>,
      %get3A_449 = vector.shape_cast %get3A_448 : vector<1x1x16xf32> to vector<16xf32>
      %add3A_450 = arith.addf %scan3A_373, %get3A_449 : vector<16xf32>
      %get3A_451 = arith.constant 1 : i32
      %get3A_452 = arith.index_cast %get3A_451 : i32 to index
      %get3A_453 = arith.index_cast %scan3A_364 : i32 to index
      %get3A_454 = arith.constant 144 : index
      %get3A_455 = tpu.vector_load %arg4[%get3A_452, %get3A_453, %get3A_454] {strides = array<i32>} : memref<2x56x384xf32, #tpu.memory_space<vmem>>, vector<1x1x16xf32>,
      %get3A_456 = vector.shape_cast %get3A_455 : vector<1x1x16xf32> to vector<16xf32>
      %add3A_457 = arith.addf %scan3A_374, %get3A_456 : vector<16xf32>
      %get3A_458 = arith.constant 1 : i32
      %get3A_459 = arith.index_cast %get3A_458 : i32 to index
      %get3A_460 = arith.index_cast %scan3A_364 : i32 to index
      %get3A_461 = arith.constant 160 : index
      %get3A_462 = tpu.vector_load %arg4[%get3A_459, %get3A_460, %get3A_461] {strides = array<i32>} : memref<2x56x384xf32, #tpu.memory_space<vmem>>, vector<1x1x16xf32>,
      %get3A_463 = vector.shape_cast %get3A_462 : vector<1x1x16xf32> to vector<16xf32>
      %add3A_464 = arith.addf %scan3A_375, %get3A_463 : vector<16xf32>
      %get3A_465 = arith.constant 1 : i32
      %get3A_466 = arith.index_cast %get3A_465 : i32 to index
      %get3A_467 = arith.index_cast %scan3A_364 : i32 to index
      %get3A_468 = arith.constant 176 : index
      %get3A_469 = tpu.vector_load %arg4[%get3A_466, %get3A_467, %get3A_468] {strides = array<i32>} : memref<2x56x384xf32, #tpu.memory_space<vmem>>, vector<1x1x16xf32>,
      %get3A_470 = vector.shape_cast %get3A_469 : vector<1x1x16xf32> to vector<16xf32>
      %add3A_471 = arith.addf %scan3A_376, %get3A_470 : vector<16xf32>
      %get3A_472 = arith.constant 1 : i32
      %get3A_473 = arith.index_cast %get3A_472 : i32 to index
      %get3A_474 = arith.index_cast %scan3A_364 : i32 to index
      %get3A_475 = arith.constant 192 : index
      %get3A_476 = tpu.vector_load %arg4[%get3A_473, %get3A_474, %get3A_475] {strides = array<i32>} : memref<2x56x384xf32, #tpu.memory_space<vmem>>, vector<1x1x16xf32>,
      %get3A_477 = vector.shape_cast %get3A_476 : vector<1x1x16xf32> to vector<16xf32>
      %add3A_478 = arith.addf %scan3A_377, %get3A_477 : vector<16xf32>
      %get3A_479 = arith.constant 1 : i32
      %get3A_480 = arith.index_cast %get3A_479 : i32 to index
      %get3A_481 = arith.index_cast %scan3A_364 : i32 to index
      %get3A_482 = arith.constant 208 : index
      %get3A_483 = tpu.vector_load %arg4[%get3A_480, %get3A_481, %get3A_482] {strides = array<i32>} : memref<2x56x384xf32, #tpu.memory_space<vmem>>, vector<1x1x16xf32>,
      %get3A_484 = vector.shape_cast %get3A_483 : vector<1x1x16xf32> to vector<16xf32>
      %add3A_485 = arith.addf %scan3A_378, %get3A_484 : vector<16xf32>
      %get3A_486 = arith.constant 1 : i32
      %get3A_487 = arith.index_cast %get3A_486 : i32 to index
      %get3A_488 = arith.index_cast %scan3A_364 : i32 to index
      %get3A_489 = arith.constant 224 : index
      %get3A_490 = tpu.vector_load %arg4[%get3A_487, %get3A_488, %get3A_489] {strides = array<i32>} : memref<2x56x384xf32, #tpu.memory_space<vmem>>, vector<1x1x16xf32>,
      %get3A_491 = vector.shape_cast %get3A_490 : vector<1x1x16xf32> to vector<16xf32>
      %add3A_492 = arith.addf %scan3A_379, %get3A_491 : vector<16xf32>
      %get3A_493 = arith.constant 1 : i32
      %get3A_494 = arith.index_cast %get3A_493 : i32 to index
      %get3A_495 = arith.index_cast %scan3A_364 : i32 to index
      %get3A_496 = arith.constant 240 : index
      %get3A_497 = tpu.vector_load %arg4[%get3A_494, %get3A_495, %get3A_496] {strides = array<i32>} : memref<2x56x384xf32, #tpu.memory_space<vmem>>, vector<1x1x16xf32>,
      %get3A_498 = vector.shape_cast %get3A_497 : vector<1x1x16xf32> to vector<16xf32>
      %add3A_499 = arith.addf %scan3A_380, %get3A_498 : vector<16xf32>
      %get3A_500 = arith.constant 1 : i32
      %get3A_501 = arith.index_cast %get3A_500 : i32 to index
      %get3A_502 = arith.index_cast %scan3A_364 : i32 to index
      %get3A_503 = arith.constant 256 : index
      %get3A_504 = tpu.vector_load %arg4[%get3A_501, %get3A_502, %get3A_503] {strides = array<i32>} : memref<2x56x384xf32, #tpu.memory_space<vmem>>, vector<1x1x16xf32>,
      %get3A_505 = vector.shape_cast %get3A_504 : vector<1x1x16xf32> to vector<16xf32>
      %add3A_506 = arith.addf %scan3A_381, %get3A_505 : vector<16xf32>
      %get3A_507 = arith.constant 1 : i32
      %get3A_508 = arith.index_cast %get3A_507 : i32 to index
      %get3A_509 = arith.index_cast %scan3A_364 : i32 to index
      %get3A_510 = arith.constant 272 : index
      %get3A_511 = tpu.vector_load %arg4[%get3A_508, %get3A_509, %get3A_510] {strides = array<i32>} : memref<2x56x384xf32, #tpu.memory_space<vmem>>, vector<1x1x16xf32>,
      %get3A_512 = vector.shape_cast %get3A_511 : vector<1x1x16xf32> to vector<16xf32>
      %add3A_513 = arith.addf %scan3A_382, %get3A_512 : vector<16xf32>
      %get3A_514 = arith.constant 1 : i32
      %get3A_515 = arith.index_cast %get3A_514 : i32 to index
      %get3A_516 = arith.index_cast %scan3A_364 : i32 to index
      %get3A_517 = arith.constant 288 : index
      %get3A_518 = tpu.vector_load %arg4[%get3A_515, %get3A_516, %get3A_517] {strides = array<i32>} : memref<2x56x384xf32, #tpu.memory_space<vmem>>, vector<1x1x16xf32>,
      %get3A_519 = vector.shape_cast %get3A_518 : vector<1x1x16xf32> to vector<16xf32>
      %add3A_520 = arith.addf %scan3A_383, %get3A_519 : vector<16xf32>
      %get3A_521 = arith.constant 1 : i32
      %get3A_522 = arith.index_cast %get3A_521 : i32 to index
      %get3A_523 = arith.index_cast %scan3A_364 : i32 to index
      %get3A_524 = arith.constant 304 : index
      %get3A_525 = tpu.vector_load %arg4[%get3A_522, %get3A_523, %get3A_524] {strides = array<i32>} : memref<2x56x384xf32, #tpu.memory_space<vmem>>, vector<1x1x16xf32>,
      %get3A_526 = vector.shape_cast %get3A_525 : vector<1x1x16xf32> to vector<16xf32>
      %add3A_527 = arith.addf %scan3A_384, %get3A_526 : vector<16xf32>
      %get3A_528 = arith.constant 1 : i32
      %get3A_529 = arith.index_cast %get3A_528 : i32 to index
      %get3A_530 = arith.index_cast %scan3A_364 : i32 to index
      %get3A_531 = arith.constant 320 : index
      %get3A_532 = tpu.vector_load %arg4[%get3A_529, %get3A_530, %get3A_531] {strides = array<i32>} : memref<2x56x384xf32, #tpu.memory_space<vmem>>, vector<1x1x16xf32>,
      %get3A_533 = vector.shape_cast %get3A_532 : vector<1x1x16xf32> to vector<16xf32>
      %add3A_534 = arith.addf %scan3A_385, %get3A_533 : vector<16xf32>
      %get3A_535 = arith.constant 1 : i32
      %get3A_536 = arith.index_cast %get3A_535 : i32 to index
      %get3A_537 = arith.index_cast %scan3A_364 : i32 to index
      %get3A_538 = arith.constant 336 : index
      %get3A_539 = tpu.vector_load %arg4[%get3A_536, %get3A_537, %get3A_538] {strides = array<i32>} : memref<2x56x384xf32, #tpu.memory_space<vmem>>, vector<1x1x16xf32>,
      %get3A_540 = vector.shape_cast %get3A_539 : vector<1x1x16xf32> to vector<16xf32>
      %add3A_541 = arith.addf %scan3A_386, %get3A_540 : vector<16xf32>
      %get3A_542 = arith.constant 1 : i32
      %get3A_543 = arith.index_cast %get3A_542 : i32 to index
      %get3A_544 = arith.index_cast %scan3A_364 : i32 to index
      %get3A_545 = arith.constant 352 : index
      %get3A_546 = tpu.vector_load %arg4[%get3A_543, %get3A_544, %get3A_545] {strides = array<i32>} : memref<2x56x384xf32, #tpu.memory_space<vmem>>, vector<1x1x16xf32>,
      %get3A_547 = vector.shape_cast %get3A_546 : vector<1x1x16xf32> to vector<16xf32>
      %add3A_548 = arith.addf %scan3A_387, %get3A_547 : vector<16xf32>
      %get3A_549 = arith.constant 1 : i32
      %get3A_550 = arith.index_cast %get3A_549 : i32 to index
      %get3A_551 = arith.index_cast %scan3A_364 : i32 to index
      %get3A_552 = arith.constant 368 : index
      %get3A_553 = tpu.vector_load %arg4[%get3A_550, %get3A_551, %get3A_552] {strides = array<i32>} : memref<2x56x384xf32, #tpu.memory_space<vmem>>, vector<1x1x16xf32>,
      %get3A_554 = vector.shape_cast %get3A_553 : vector<1x1x16xf32> to vector<16xf32>
      %add3A_555 = arith.addf %scan3A_388, %get3A_554 : vector<16xf32>
      scf.yield %add3A_394, %add3A_401, %add3A_408, %add3A_415, %add3A_422, %add3A_429, %add3A_436, %add3A_443, %add3A_450, %add3A_457, %add3A_464, %add3A_471, %add3A_478, %add3A_485, %add3A_492, %add3A_499, %add3A_506, %add3A_513, %add3A_520, %add3A_527, %add3A_534, %add3A_541, %add3A_548, %add3A_555 : vector<16xf32>, vector<16xf32>, vector<16xf32>, vector<16xf32>, vector<16xf32>, vector<16xf32>, vector<16xf32>, vector<16xf32>, vector<16xf32>, vector<16xf32>, vector<16xf32>, vector<16xf32>, vector<16xf32>, vector<16xf32>, vector<16xf32>, vector<16xf32>, vector<16xf32>, vector<16xf32>, vector<16xf32>, vector<16xf32>, vector<16xf32>, vector<16xf32>, vector<16xf32>, vector<16xf32>
    }
    %scan3A_150 = arith.constant 56 : i32
    %dma_start3A_151 = arith.constant 50 : i32
    %dma_start3A_152 = arith.constant 0 : i32
    %dma_start3A_153 = arith.constant 0 : i32
    %dma_start3A_154 = tpu.memref_slice %arg2[%add3A, %dma_start3A_151, %dma_start3A_152, %dma_start3A_153] : memref<32x56x56x384xf32, #tpu.memory_space<hbm>> -> memref<1x2x56x384xf32, #tpu.memory_space<hbm>>
    %dma_start3A_155 = tpu.memref_squeeze %dma_start3A_154 : memref<1x2x56x384xf32, #tpu.memory_space<hbm>> -> memref<2x56x384xf32, #tpu.memory_space<hbm>>
    %dma_start3A_156 = arith.constant 50 : i32
    %dma_start3A_157 = arith.constant 0 : i32
    %dma_start3A_158 = arith.constant 0 : i32
    %dma_start3A_159 = tpu.memref_slice %arg2[%add3A, %dma_start3A_156, %dma_start3A_157, %dma_start3A_158] : memref<32x56x56x384xf32, #tpu.memory_space<hbm>> -> memref<1x2x56x384xf32, #tpu.memory_space<hbm>>
    %dma_start3A_160 = tpu.memref_squeeze %dma_start3A_159 : memref<1x2x56x384xf32, #tpu.memory_space<hbm>> -> memref<2x56x384xf32, #tpu.memory_space<hbm>>
    tpu.enqueue_dma source(%dma_start3A_160 : memref<2x56x384xf32, #tpu.memory_space<hbm>>) target(%arg4 : memref<2x56x384xf32, #tpu.memory_space<vmem>>) target_semaphore(%arg7 : memref<!tpu.dma_semaphore, #tpu.memory_space<semaphore_mem>>)
    %dma_wait3A_161 = arith.constant 48 : i32
    %dma_wait3A_162 = arith.constant 0 : i32
    %dma_wait3A_163 = arith.constant 0 : i32
    %dma_wait3A_164 = tpu.memref_slice %arg2[%add3A, %dma_wait3A_161, %dma_wait3A_162, %dma_wait3A_163] : memref<32x56x56x384xf32, #tpu.memory_space<hbm>> -> memref<1x2x56x384xf32, #tpu.memory_space<hbm>>
    %dma_wait3A_165 = tpu.memref_squeeze %dma_wait3A_164 : memref<1x2x56x384xf32, #tpu.memory_space<hbm>> -> memref<2x56x384xf32, #tpu.memory_space<hbm>>
    %dma_wait3A_166 = arith.constant 48 : i32
    %dma_wait3A_167 = arith.constant 0 : i32
    %dma_wait3A_168 = arith.constant 0 : i32
    %dma_wait3A_169 = tpu.memref_slice %arg2[%add3A, %dma_wait3A_166, %dma_wait3A_167, %dma_wait3A_168] : memref<32x56x56x384xf32, #tpu.memory_space<hbm>> -> memref<1x2x56x384xf32, #tpu.memory_space<hbm>>
    %dma_wait3A_170 = tpu.memref_squeeze %dma_wait3A_169 : memref<1x2x56x384xf32, #tpu.memory_space<hbm>> -> memref<2x56x384xf32, #tpu.memory_space<hbm>>
    tpu.wait_dma2 semaphore(%arg8 : memref<!tpu.dma_semaphore, #tpu.memory_space<semaphore_mem>>) src(%dma_wait3A_170 : memref<2x56x384xf32, #tpu.memory_space<hbm>>) dst(%arg5 : memref<2x56x384xf32, #tpu.memory_space<vmem>>)
    %scan3A_171 = arith.constant 0 : i32
    %scan3A_172 = arith.constant 56 : i32
    %scan3A_173 = arith.addi %scan3A_171, %scan3A_172 : i32
    %scan3A_174 = arith.constant 1 : i32
    %scan3A_175:24 = scf.for %scan3A_364 = %scan3A_171 to %scan3A_173 step %scan3A_174 iter_args(%scan3A_365 = %scan3A_149#0, %scan3A_366 = %scan3A_149#1, %scan3A_367 = %scan3A_149#2, %scan3A_368 = %scan3A_149#3, %scan3A_369 = %scan3A_149#4, %scan3A_370 = %scan3A_149#5, %scan3A_371 = %scan3A_149#6, %scan3A_372 = %scan3A_149#7, %scan3A_373 = %scan3A_149#8, %scan3A_374 = %scan3A_149#9, %scan3A_375 = %scan3A_149#10, %scan3A_376 = %scan3A_149#11, %scan3A_377 = %scan3A_149#12, %scan3A_378 = %scan3A_149#13, %scan3A_379 = %scan3A_149#14, %scan3A_380 = %scan3A_149#15, %scan3A_381 = %scan3A_149#16, %scan3A_382 = %scan3A_149#17, %scan3A_383 = %scan3A_149#18, %scan3A_384 = %scan3A_149#19, %scan3A_385 = %scan3A_149#20, %scan3A_386 = %scan3A_149#21, %scan3A_387 = %scan3A_149#22, %scan3A_388 = %scan3A_149#23) -> (vector<16xf32>, vector<16xf32>, vector<16xf32>, vector<16xf32>, vector<16xf32>, vector<16xf32>, vector<16xf32>, vector<16xf32>, vector<16xf32>, vector<16xf32>, vector<16xf32>, vector<16xf32>, vector<16xf32>, vector<16xf32>, vector<16xf32>, vector<16xf32>, vector<16xf32>, vector<16xf32>, vector<16xf32>, vector<16xf32>, vector<16xf32>, vector<16xf32>, vector<16xf32>, vector<16xf32>)  : i32 {
      %get3A = arith.constant 0 : i32
      %get3A_389 = arith.index_cast %get3A : i32 to index
      %get3A_390 = arith.index_cast %scan3A_364 : i32 to index
      %get3A_391 = arith.constant 0 : index
      %get3A_392 = tpu.vector_load %arg5[%get3A_389, %get3A_390, %get3A_391] {strides = array<i32>} : memref<2x56x384xf32, #tpu.memory_space<vmem>>, vector<1x1x16xf32>,
      %get3A_393 = vector.shape_cast %get3A_392 : vector<1x1x16xf32> to vector<16xf32>
      %add3A_394 = arith.addf %scan3A_365, %get3A_393 : vector<16xf32>
      %get3A_395 = arith.constant 0 : i32
      %get3A_396 = arith.index_cast %get3A_395 : i32 to index
      %get3A_397 = arith.index_cast %scan3A_364 : i32 to index
      %get3A_398 = arith.constant 16 : index
      %get3A_399 = tpu.vector_load %arg5[%get3A_396, %get3A_397, %get3A_398] {strides = array<i32>} : memref<2x56x384xf32, #tpu.memory_space<vmem>>, vector<1x1x16xf32>,
      %get3A_400 = vector.shape_cast %get3A_399 : vector<1x1x16xf32> to vector<16xf32>
      %add3A_401 = arith.addf %scan3A_366, %get3A_400 : vector<16xf32>
      %get3A_402 = arith.constant 0 : i32
      %get3A_403 = arith.index_cast %get3A_402 : i32 to index
      %get3A_404 = arith.index_cast %scan3A_364 : i32 to index
      %get3A_405 = arith.constant 32 : index
      %get3A_406 = tpu.vector_load %arg5[%get3A_403, %get3A_404, %get3A_405] {strides = array<i32>} : memref<2x56x384xf32, #tpu.memory_space<vmem>>, vector<1x1x16xf32>,
      %get3A_407 = vector.shape_cast %get3A_406 : vector<1x1x16xf32> to vector<16xf32>
      %add3A_408 = arith.addf %scan3A_367, %get3A_407 : vector<16xf32>
      %get3A_409 = arith.constant 0 : i32
      %get3A_410 = arith.index_cast %get3A_409 : i32 to index
      %get3A_411 = arith.index_cast %scan3A_364 : i32 to index
      %get3A_412 = arith.constant 48 : index
      %get3A_413 = tpu.vector_load %arg5[%get3A_410, %get3A_411, %get3A_412] {strides = array<i32>} : memref<2x56x384xf32, #tpu.memory_space<vmem>>, vector<1x1x16xf32>,
      %get3A_414 = vector.shape_cast %get3A_413 : vector<1x1x16xf32> to vector<16xf32>
      %add3A_415 = arith.addf %scan3A_368, %get3A_414 : vector<16xf32>
      %get3A_416 = arith.constant 0 : i32
      %get3A_417 = arith.index_cast %get3A_416 : i32 to index
      %get3A_418 = arith.index_cast %scan3A_364 : i32 to index
      %get3A_419 = arith.constant 64 : index
      %get3A_420 = tpu.vector_load %arg5[%get3A_417, %get3A_418, %get3A_419] {strides = array<i32>} : memref<2x56x384xf32, #tpu.memory_space<vmem>>, vector<1x1x16xf32>,
      %get3A_421 = vector.shape_cast %get3A_420 : vector<1x1x16xf32> to vector<16xf32>
      %add3A_422 = arith.addf %scan3A_369, %get3A_421 : vector<16xf32>
      %get3A_423 = arith.constant 0 : i32
      %get3A_424 = arith.index_cast %get3A_423 : i32 to index
      %get3A_425 = arith.index_cast %scan3A_364 : i32 to index
      %get3A_426 = arith.constant 80 : index
      %get3A_427 = tpu.vector_load %arg5[%get3A_424, %get3A_425, %get3A_426] {strides = array<i32>} : memref<2x56x384xf32, #tpu.memory_space<vmem>>, vector<1x1x16xf32>,
      %get3A_428 = vector.shape_cast %get3A_427 : vector<1x1x16xf32> to vector<16xf32>
      %add3A_429 = arith.addf %scan3A_370, %get3A_428 : vector<16xf32>
      %get3A_430 = arith.constant 0 : i32
      %get3A_431 = arith.index_cast %get3A_430 : i32 to index
      %get3A_432 = arith.index_cast %scan3A_364 : i32 to index
      %get3A_433 = arith.constant 96 : index
      %get3A_434 = tpu.vector_load %arg5[%get3A_431, %get3A_432, %get3A_433] {strides = array<i32>} : memref<2x56x384xf32, #tpu.memory_space<vmem>>, vector<1x1x16xf32>,
      %get3A_435 = vector.shape_cast %get3A_434 : vector<1x1x16xf32> to vector<16xf32>
      %add3A_436 = arith.addf %scan3A_371, %get3A_435 : vector<16xf32>
      %get3A_437 = arith.constant 0 : i32
      %get3A_438 = arith.index_cast %get3A_437 : i32 to index
      %get3A_439 = arith.index_cast %scan3A_364 : i32 to index
      %get3A_440 = arith.constant 112 : index
      %get3A_441 = tpu.vector_load %arg5[%get3A_438, %get3A_439, %get3A_440] {strides = array<i32>} : memref<2x56x384xf32, #tpu.memory_space<vmem>>, vector<1x1x16xf32>,
      %get3A_442 = vector.shape_cast %get3A_441 : vector<1x1x16xf32> to vector<16xf32>
      %add3A_443 = arith.addf %scan3A_372, %get3A_442 : vector<16xf32>
      %get3A_444 = arith.constant 0 : i32
      %get3A_445 = arith.index_cast %get3A_444 : i32 to index
      %get3A_446 = arith.index_cast %scan3A_364 : i32 to index
      %get3A_447 = arith.constant 128 : index
      %get3A_448 = tpu.vector_load %arg5[%get3A_445, %get3A_446, %get3A_447] {strides = array<i32>} : memref<2x56x384xf32, #tpu.memory_space<vmem>>, vector<1x1x16xf32>,
      %get3A_449 = vector.shape_cast %get3A_448 : vector<1x1x16xf32> to vector<16xf32>
      %add3A_450 = arith.addf %scan3A_373, %get3A_449 : vector<16xf32>
      %get3A_451 = arith.constant 0 : i32
      %get3A_452 = arith.index_cast %get3A_451 : i32 to index
      %get3A_453 = arith.index_cast %scan3A_364 : i32 to index
      %get3A_454 = arith.constant 144 : index
      %get3A_455 = tpu.vector_load %arg5[%get3A_452, %get3A_453, %get3A_454] {strides = array<i32>} : memref<2x56x384xf32, #tpu.memory_space<vmem>>, vector<1x1x16xf32>,
      %get3A_456 = vector.shape_cast %get3A_455 : vector<1x1x16xf32> to vector<16xf32>
      %add3A_457 = arith.addf %scan3A_374, %get3A_456 : vector<16xf32>
      %get3A_458 = arith.constant 0 : i32
      %get3A_459 = arith.index_cast %get3A_458 : i32 to index
      %get3A_460 = arith.index_cast %scan3A_364 : i32 to index
      %get3A_461 = arith.constant 160 : index
      %get3A_462 = tpu.vector_load %arg5[%get3A_459, %get3A_460, %get3A_461] {strides = array<i32>} : memref<2x56x384xf32, #tpu.memory_space<vmem>>, vector<1x1x16xf32>,
      %get3A_463 = vector.shape_cast %get3A_462 : vector<1x1x16xf32> to vector<16xf32>
      %add3A_464 = arith.addf %scan3A_375, %get3A_463 : vector<16xf32>
      %get3A_465 = arith.constant 0 : i32
      %get3A_466 = arith.index_cast %get3A_465 : i32 to index
      %get3A_467 = arith.index_cast %scan3A_364 : i32 to index
      %get3A_468 = arith.constant 176 : index
      %get3A_469 = tpu.vector_load %arg5[%get3A_466, %get3A_467, %get3A_468] {strides = array<i32>} : memref<2x56x384xf32, #tpu.memory_space<vmem>>, vector<1x1x16xf32>,
      %get3A_470 = vector.shape_cast %get3A_469 : vector<1x1x16xf32> to vector<16xf32>
      %add3A_471 = arith.addf %scan3A_376, %get3A_470 : vector<16xf32>
      %get3A_472 = arith.constant 0 : i32
      %get3A_473 = arith.index_cast %get3A_472 : i32 to index
      %get3A_474 = arith.index_cast %scan3A_364 : i32 to index
      %get3A_475 = arith.constant 192 : index
      %get3A_476 = tpu.vector_load %arg5[%get3A_473, %get3A_474, %get3A_475] {strides = array<i32>} : memref<2x56x384xf32, #tpu.memory_space<vmem>>, vector<1x1x16xf32>,
      %get3A_477 = vector.shape_cast %get3A_476 : vector<1x1x16xf32> to vector<16xf32>
      %add3A_478 = arith.addf %scan3A_377, %get3A_477 : vector<16xf32>
      %get3A_479 = arith.constant 0 : i32
      %get3A_480 = arith.index_cast %get3A_479 : i32 to index
      %get3A_481 = arith.index_cast %scan3A_364 : i32 to index
      %get3A_482 = arith.constant 208 : index
      %get3A_483 = tpu.vector_load %arg5[%get3A_480, %get3A_481, %get3A_482] {strides = array<i32>} : memref<2x56x384xf32, #tpu.memory_space<vmem>>, vector<1x1x16xf32>,
      %get3A_484 = vector.shape_cast %get3A_483 : vector<1x1x16xf32> to vector<16xf32>
      %add3A_485 = arith.addf %scan3A_378, %get3A_484 : vector<16xf32>
      %get3A_486 = arith.constant 0 : i32
      %get3A_487 = arith.index_cast %get3A_486 : i32 to index
      %get3A_488 = arith.index_cast %scan3A_364 : i32 to index
      %get3A_489 = arith.constant 224 : index
      %get3A_490 = tpu.vector_load %arg5[%get3A_487, %get3A_488, %get3A_489] {strides = array<i32>} : memref<2x56x384xf32, #tpu.memory_space<vmem>>, vector<1x1x16xf32>,
      %get3A_491 = vector.shape_cast %get3A_490 : vector<1x1x16xf32> to vector<16xf32>
      %add3A_492 = arith.addf %scan3A_379, %get3A_491 : vector<16xf32>
      %get3A_493 = arith.constant 0 : i32
      %get3A_494 = arith.index_cast %get3A_493 : i32 to index
      %get3A_495 = arith.index_cast %scan3A_364 : i32 to index
      %get3A_496 = arith.constant 240 : index
      %get3A_497 = tpu.vector_load %arg5[%get3A_494, %get3A_495, %get3A_496] {strides = array<i32>} : memref<2x56x384xf32, #tpu.memory_space<vmem>>, vector<1x1x16xf32>,
      %get3A_498 = vector.shape_cast %get3A_497 : vector<1x1x16xf32> to vector<16xf32>
      %add3A_499 = arith.addf %scan3A_380, %get3A_498 : vector<16xf32>
      %get3A_500 = arith.constant 0 : i32
      %get3A_501 = arith.index_cast %get3A_500 : i32 to index
      %get3A_502 = arith.index_cast %scan3A_364 : i32 to index
      %get3A_503 = arith.constant 256 : index
      %get3A_504 = tpu.vector_load %arg5[%get3A_501, %get3A_502, %get3A_503] {strides = array<i32>} : memref<2x56x384xf32, #tpu.memory_space<vmem>>, vector<1x1x16xf32>,
      %get3A_505 = vector.shape_cast %get3A_504 : vector<1x1x16xf32> to vector<16xf32>
      %add3A_506 = arith.addf %scan3A_381, %get3A_505 : vector<16xf32>
      %get3A_507 = arith.constant 0 : i32
      %get3A_508 = arith.index_cast %get3A_507 : i32 to index
      %get3A_509 = arith.index_cast %scan3A_364 : i32 to index
      %get3A_510 = arith.constant 272 : index
      %get3A_511 = tpu.vector_load %arg5[%get3A_508, %get3A_509, %get3A_510] {strides = array<i32>} : memref<2x56x384xf32, #tpu.memory_space<vmem>>, vector<1x1x16xf32>,
      %get3A_512 = vector.shape_cast %get3A_511 : vector<1x1x16xf32> to vector<16xf32>
      %add3A_513 = arith.addf %scan3A_382, %get3A_512 : vector<16xf32>
      %get3A_514 = arith.constant 0 : i32
      %get3A_515 = arith.index_cast %get3A_514 : i32 to index
      %get3A_516 = arith.index_cast %scan3A_364 : i32 to index
      %get3A_517 = arith.constant 288 : index
      %get3A_518 = tpu.vector_load %arg5[%get3A_515, %get3A_516, %get3A_517] {strides = array<i32>} : memref<2x56x384xf32, #tpu.memory_space<vmem>>, vector<1x1x16xf32>,
      %get3A_519 = vector.shape_cast %get3A_518 : vector<1x1x16xf32> to vector<16xf32>
      %add3A_520 = arith.addf %scan3A_383, %get3A_519 : vector<16xf32>
      %get3A_521 = arith.constant 0 : i32
      %get3A_522 = arith.index_cast %get3A_521 : i32 to index
      %get3A_523 = arith.index_cast %scan3A_364 : i32 to index
      %get3A_524 = arith.constant 304 : index
      %get3A_525 = tpu.vector_load %arg5[%get3A_522, %get3A_523, %get3A_524] {strides = array<i32>} : memref<2x56x384xf32, #tpu.memory_space<vmem>>, vector<1x1x16xf32>,
      %get3A_526 = vector.shape_cast %get3A_525 : vector<1x1x16xf32> to vector<16xf32>
      %add3A_527 = arith.addf %scan3A_384, %get3A_526 : vector<16xf32>
      %get3A_528 = arith.constant 0 : i32
      %get3A_529 = arith.index_cast %get3A_528 : i32 to index
      %get3A_530 = arith.index_cast %scan3A_364 : i32 to index
      %get3A_531 = arith.constant 320 : index
      %get3A_532 = tpu.vector_load %arg5[%get3A_529, %get3A_530, %get3A_531] {strides = array<i32>} : memref<2x56x384xf32, #tpu.memory_space<vmem>>, vector<1x1x16xf32>,
      %get3A_533 = vector.shape_cast %get3A_532 : vector<1x1x16xf32> to vector<16xf32>
      %add3A_534 = arith.addf %scan3A_385, %get3A_533 : vector<16xf32>
      %get3A_535 = arith.constant 0 : i32
      %get3A_536 = arith.index_cast %get3A_535 : i32 to index
      %get3A_537 = arith.index_cast %scan3A_364 : i32 to index
      %get3A_538 = arith.constant 336 : index
      %get3A_539 = tpu.vector_load %arg5[%get3A_536, %get3A_537, %get3A_538] {strides = array<i32>} : memref<2x56x384xf32, #tpu.memory_space<vmem>>, vector<1x1x16xf32>,
      %get3A_540 = vector.shape_cast %get3A_539 : vector<1x1x16xf32> to vector<16xf32>
      %add3A_541 = arith.addf %scan3A_386, %get3A_540 : vector<16xf32>
      %get3A_542 = arith.constant 0 : i32
      %get3A_543 = arith.index_cast %get3A_542 : i32 to index
      %get3A_544 = arith.index_cast %scan3A_364 : i32 to index
      %get3A_545 = arith.constant 352 : index
      %get3A_546 = tpu.vector_load %arg5[%get3A_543, %get3A_544, %get3A_545] {strides = array<i32>} : memref<2x56x384xf32, #tpu.memory_space<vmem>>, vector<1x1x16xf32>,
      %get3A_547 = vector.shape_cast %get3A_546 : vector<1x1x16xf32> to vector<16xf32>
      %add3A_548 = arith.addf %scan3A_387, %get3A_547 : vector<16xf32>
      %get3A_549 = arith.constant 0 : i32
      %get3A_550 = arith.index_cast %get3A_549 : i32 to index
      %get3A_551 = arith.index_cast %scan3A_364 : i32 to index
      %get3A_552 = arith.constant 368 : index
      %get3A_553 = tpu.vector_load %arg5[%get3A_550, %get3A_551, %get3A_552] {strides = array<i32>} : memref<2x56x384xf32, #tpu.memory_space<vmem>>, vector<1x1x16xf32>,
      %get3A_554 = vector.shape_cast %get3A_553 : vector<1x1x16xf32> to vector<16xf32>
      %add3A_555 = arith.addf %scan3A_388, %get3A_554 : vector<16xf32>
      scf.yield %add3A_394, %add3A_401, %add3A_408, %add3A_415, %add3A_422, %add3A_429, %add3A_436, %add3A_443, %add3A_450, %add3A_457, %add3A_464, %add3A_471, %add3A_478, %add3A_485, %add3A_492, %add3A_499, %add3A_506, %add3A_513, %add3A_520, %add3A_527, %add3A_534, %add3A_541, %add3A_548, %add3A_555 : vector<16xf32>, vector<16xf32>, vector<16xf32>, vector<16xf32>, vector<16xf32>, vector<16xf32>, vector<16xf32>, vector<16xf32>, vector<16xf32>, vector<16xf32>, vector<16xf32>, vector<16xf32>, vector<16xf32>, vector<16xf32>, vector<16xf32>, vector<16xf32>, vector<16xf32>, vector<16xf32>, vector<16xf32>, vector<16xf32>, vector<16xf32>, vector<16xf32>, vector<16xf32>, vector<16xf32>
    }
    %scan3A_176 = arith.constant 56 : i32
    %scan3A_177 = arith.constant 0 : i32
    %scan3A_178 = arith.constant 56 : i32
    %scan3A_179 = arith.addi %scan3A_177, %scan3A_178 : i32
    %scan3A_180 = arith.constant 1 : i32
    %scan3A_181:24 = scf.for %scan3A_364 = %scan3A_177 to %scan3A_179 step %scan3A_180 iter_args(%scan3A_365 = %scan3A_175#0, %scan3A_366 = %scan3A_175#1, %scan3A_367 = %scan3A_175#2, %scan3A_368 = %scan3A_175#3, %scan3A_369 = %scan3A_175#4, %scan3A_370 = %scan3A_175#5, %scan3A_371 = %scan3A_175#6, %scan3A_372 = %scan3A_175#7, %scan3A_373 = %scan3A_175#8, %scan3A_374 = %scan3A_175#9, %scan3A_375 = %scan3A_175#10, %scan3A_376 = %scan3A_175#11, %scan3A_377 = %scan3A_175#12, %scan3A_378 = %scan3A_175#13, %scan3A_379 = %scan3A_175#14, %scan3A_380 = %scan3A_175#15, %scan3A_381 = %scan3A_175#16, %scan3A_382 = %scan3A_175#17, %scan3A_383 = %scan3A_175#18, %scan3A_384 = %scan3A_175#19, %scan3A_385 = %scan3A_175#20, %scan3A_386 = %scan3A_175#21, %scan3A_387 = %scan3A_175#22, %scan3A_388 = %scan3A_175#23) -> (vector<16xf32>, vector<16xf32>, vector<16xf32>, vector<16xf32>, vector<16xf32>, vector<16xf32>, vector<16xf32>, vector<16xf32>, vector<16xf32>, vector<16xf32>, vector<16xf32>, vector<16xf32>, vector<16xf32>, vector<16xf32>, vector<16xf32>, vector<16xf32>, vector<16xf32>, vector<16xf32>, vector<16xf32>, vector<16xf32>, vector<16xf32>, vector<16xf32>, vector<16xf32>, vector<16xf32>)  : i32 {
      %get3A = arith.constant 1 : i32
      %get3A_389 = arith.index_cast %get3A : i32 to index
      %get3A_390 = arith.index_cast %scan3A_364 : i32 to index
      %get3A_391 = arith.constant 0 : index
      %get3A_392 = tpu.vector_load %arg5[%get3A_389, %get3A_390, %get3A_391] {strides = array<i32>} : memref<2x56x384xf32, #tpu.memory_space<vmem>>, vector<1x1x16xf32>,
      %get3A_393 = vector.shape_cast %get3A_392 : vector<1x1x16xf32> to vector<16xf32>
      %add3A_394 = arith.addf %scan3A_365, %get3A_393 : vector<16xf32>
      %get3A_395 = arith.constant 1 : i32
      %get3A_396 = arith.index_cast %get3A_395 : i32 to index
      %get3A_397 = arith.index_cast %scan3A_364 : i32 to index
      %get3A_398 = arith.constant 16 : index
      %get3A_399 = tpu.vector_load %arg5[%get3A_396, %get3A_397, %get3A_398] {strides = array<i32>} : memref<2x56x384xf32, #tpu.memory_space<vmem>>, vector<1x1x16xf32>,
      %get3A_400 = vector.shape_cast %get3A_399 : vector<1x1x16xf32> to vector<16xf32>
      %add3A_401 = arith.addf %scan3A_366, %get3A_400 : vector<16xf32>
      %get3A_402 = arith.constant 1 : i32
      %get3A_403 = arith.index_cast %get3A_402 : i32 to index
      %get3A_404 = arith.index_cast %scan3A_364 : i32 to index
      %get3A_405 = arith.constant 32 : index
      %get3A_406 = tpu.vector_load %arg5[%get3A_403, %get3A_404, %get3A_405] {strides = array<i32>} : memref<2x56x384xf32, #tpu.memory_space<vmem>>, vector<1x1x16xf32>,
      %get3A_407 = vector.shape_cast %get3A_406 : vector<1x1x16xf32> to vector<16xf32>
      %add3A_408 = arith.addf %scan3A_367, %get3A_407 : vector<16xf32>
      %get3A_409 = arith.constant 1 : i32
      %get3A_410 = arith.index_cast %get3A_409 : i32 to index
      %get3A_411 = arith.index_cast %scan3A_364 : i32 to index
      %get3A_412 = arith.constant 48 : index
      %get3A_413 = tpu.vector_load %arg5[%get3A_410, %get3A_411, %get3A_412] {strides = array<i32>} : memref<2x56x384xf32, #tpu.memory_space<vmem>>, vector<1x1x16xf32>,
      %get3A_414 = vector.shape_cast %get3A_413 : vector<1x1x16xf32> to vector<16xf32>
      %add3A_415 = arith.addf %scan3A_368, %get3A_414 : vector<16xf32>
      %get3A_416 = arith.constant 1 : i32
      %get3A_417 = arith.index_cast %get3A_416 : i32 to index
      %get3A_418 = arith.index_cast %scan3A_364 : i32 to index
      %get3A_419 = arith.constant 64 : index
      %get3A_420 = tpu.vector_load %arg5[%get3A_417, %get3A_418, %get3A_419] {strides = array<i32>} : memref<2x56x384xf32, #tpu.memory_space<vmem>>, vector<1x1x16xf32>,
      %get3A_421 = vector.shape_cast %get3A_420 : vector<1x1x16xf32> to vector<16xf32>
      %add3A_422 = arith.addf %scan3A_369, %get3A_421 : vector<16xf32>
      %get3A_423 = arith.constant 1 : i32
      %get3A_424 = arith.index_cast %get3A_423 : i32 to index
      %get3A_425 = arith.index_cast %scan3A_364 : i32 to index
      %get3A_426 = arith.constant 80 : index
      %get3A_427 = tpu.vector_load %arg5[%get3A_424, %get3A_425, %get3A_426] {strides = array<i32>} : memref<2x56x384xf32, #tpu.memory_space<vmem>>, vector<1x1x16xf32>,
      %get3A_428 = vector.shape_cast %get3A_427 : vector<1x1x16xf32> to vector<16xf32>
      %add3A_429 = arith.addf %scan3A_370, %get3A_428 : vector<16xf32>
      %get3A_430 = arith.constant 1 : i32
      %get3A_431 = arith.index_cast %get3A_430 : i32 to index
      %get3A_432 = arith.index_cast %scan3A_364 : i32 to index
      %get3A_433 = arith.constant 96 : index
      %get3A_434 = tpu.vector_load %arg5[%get3A_431, %get3A_432, %get3A_433] {strides = array<i32>} : memref<2x56x384xf32, #tpu.memory_space<vmem>>, vector<1x1x16xf32>,
      %get3A_435 = vector.shape_cast %get3A_434 : vector<1x1x16xf32> to vector<16xf32>
      %add3A_436 = arith.addf %scan3A_371, %get3A_435 : vector<16xf32>
      %get3A_437 = arith.constant 1 : i32
      %get3A_438 = arith.index_cast %get3A_437 : i32 to index
      %get3A_439 = arith.index_cast %scan3A_364 : i32 to index
      %get3A_440 = arith.constant 112 : index
      %get3A_441 = tpu.vector_load %arg5[%get3A_438, %get3A_439, %get3A_440] {strides = array<i32>} : memref<2x56x384xf32, #tpu.memory_space<vmem>>, vector<1x1x16xf32>,
      %get3A_442 = vector.shape_cast %get3A_441 : vector<1x1x16xf32> to vector<16xf32>
      %add3A_443 = arith.addf %scan3A_372, %get3A_442 : vector<16xf32>
      %get3A_444 = arith.constant 1 : i32
      %get3A_445 = arith.index_cast %get3A_444 : i32 to index
      %get3A_446 = arith.index_cast %scan3A_364 : i32 to index
      %get3A_447 = arith.constant 128 : index
      %get3A_448 = tpu.vector_load %arg5[%get3A_445, %get3A_446, %get3A_447] {strides = array<i32>} : memref<2x56x384xf32, #tpu.memory_space<vmem>>, vector<1x1x16xf32>,
      %get3A_449 = vector.shape_cast %get3A_448 : vector<1x1x16xf32> to vector<16xf32>
      %add3A_450 = arith.addf %scan3A_373, %get3A_449 : vector<16xf32>
      %get3A_451 = arith.constant 1 : i32
      %get3A_452 = arith.index_cast %get3A_451 : i32 to index
      %get3A_453 = arith.index_cast %scan3A_364 : i32 to index
      %get3A_454 = arith.constant 144 : index
      %get3A_455 = tpu.vector_load %arg5[%get3A_452, %get3A_453, %get3A_454] {strides = array<i32>} : memref<2x56x384xf32, #tpu.memory_space<vmem>>, vector<1x1x16xf32>,
      %get3A_456 = vector.shape_cast %get3A_455 : vector<1x1x16xf32> to vector<16xf32>
      %add3A_457 = arith.addf %scan3A_374, %get3A_456 : vector<16xf32>
      %get3A_458 = arith.constant 1 : i32
      %get3A_459 = arith.index_cast %get3A_458 : i32 to index
      %get3A_460 = arith.index_cast %scan3A_364 : i32 to index
      %get3A_461 = arith.constant 160 : index
      %get3A_462 = tpu.vector_load %arg5[%get3A_459, %get3A_460, %get3A_461] {strides = array<i32>} : memref<2x56x384xf32, #tpu.memory_space<vmem>>, vector<1x1x16xf32>,
      %get3A_463 = vector.shape_cast %get3A_462 : vector<1x1x16xf32> to vector<16xf32>
      %add3A_464 = arith.addf %scan3A_375, %get3A_463 : vector<16xf32>
      %get3A_465 = arith.constant 1 : i32
      %get3A_466 = arith.index_cast %get3A_465 : i32 to index
      %get3A_467 = arith.index_cast %scan3A_364 : i32 to index
      %get3A_468 = arith.constant 176 : index
      %get3A_469 = tpu.vector_load %arg5[%get3A_466, %get3A_467, %get3A_468] {strides = array<i32>} : memref<2x56x384xf32, #tpu.memory_space<vmem>>, vector<1x1x16xf32>,
      %get3A_470 = vector.shape_cast %get3A_469 : vector<1x1x16xf32> to vector<16xf32>
      %add3A_471 = arith.addf %scan3A_376, %get3A_470 : vector<16xf32>
      %get3A_472 = arith.constant 1 : i32
      %get3A_473 = arith.index_cast %get3A_472 : i32 to index
      %get3A_474 = arith.index_cast %scan3A_364 : i32 to index
      %get3A_475 = arith.constant 192 : index
      %get3A_476 = tpu.vector_load %arg5[%get3A_473, %get3A_474, %get3A_475] {strides = array<i32>} : memref<2x56x384xf32, #tpu.memory_space<vmem>>, vector<1x1x16xf32>,
      %get3A_477 = vector.shape_cast %get3A_476 : vector<1x1x16xf32> to vector<16xf32>
      %add3A_478 = arith.addf %scan3A_377, %get3A_477 : vector<16xf32>
      %get3A_479 = arith.constant 1 : i32
      %get3A_480 = arith.index_cast %get3A_479 : i32 to index
      %get3A_481 = arith.index_cast %scan3A_364 : i32 to index
      %get3A_482 = arith.constant 208 : index
      %get3A_483 = tpu.vector_load %arg5[%get3A_480, %get3A_481, %get3A_482] {strides = array<i32>} : memref<2x56x384xf32, #tpu.memory_space<vmem>>, vector<1x1x16xf32>,
      %get3A_484 = vector.shape_cast %get3A_483 : vector<1x1x16xf32> to vector<16xf32>
      %add3A_485 = arith.addf %scan3A_378, %get3A_484 : vector<16xf32>
      %get3A_486 = arith.constant 1 : i32
      %get3A_487 = arith.index_cast %get3A_486 : i32 to index
      %get3A_488 = arith.index_cast %scan3A_364 : i32 to index
      %get3A_489 = arith.constant 224 : index
      %get3A_490 = tpu.vector_load %arg5[%get3A_487, %get3A_488, %get3A_489] {strides = array<i32>} : memref<2x56x384xf32, #tpu.memory_space<vmem>>, vector<1x1x16xf32>,
      %get3A_491 = vector.shape_cast %get3A_490 : vector<1x1x16xf32> to vector<16xf32>
      %add3A_492 = arith.addf %scan3A_379, %get3A_491 : vector<16xf32>
      %get3A_493 = arith.constant 1 : i32
      %get3A_494 = arith.index_cast %get3A_493 : i32 to index
      %get3A_495 = arith.index_cast %scan3A_364 : i32 to index
      %get3A_496 = arith.constant 240 : index
      %get3A_497 = tpu.vector_load %arg5[%get3A_494, %get3A_495, %get3A_496] {strides = array<i32>} : memref<2x56x384xf32, #tpu.memory_space<vmem>>, vector<1x1x16xf32>,
      %get3A_498 = vector.shape_cast %get3A_497 : vector<1x1x16xf32> to vector<16xf32>
      %add3A_499 = arith.addf %scan3A_380, %get3A_498 : vector<16xf32>
      %get3A_500 = arith.constant 1 : i32
      %get3A_501 = arith.index_cast %get3A_500 : i32 to index
      %get3A_502 = arith.index_cast %scan3A_364 : i32 to index
      %get3A_503 = arith.constant 256 : index
      %get3A_504 = tpu.vector_load %arg5[%get3A_501, %get3A_502, %get3A_503] {strides = array<i32>} : memref<2x56x384xf32, #tpu.memory_space<vmem>>, vector<1x1x16xf32>,
      %get3A_505 = vector.shape_cast %get3A_504 : vector<1x1x16xf32> to vector<16xf32>
      %add3A_506 = arith.addf %scan3A_381, %get3A_505 : vector<16xf32>
      %get3A_507 = arith.constant 1 : i32
      %get3A_508 = arith.index_cast %get3A_507 : i32 to index
      %get3A_509 = arith.index_cast %scan3A_364 : i32 to index
      %get3A_510 = arith.constant 272 : index
      %get3A_511 = tpu.vector_load %arg5[%get3A_508, %get3A_509, %get3A_510] {strides = array<i32>} : memref<2x56x384xf32, #tpu.memory_space<vmem>>, vector<1x1x16xf32>,
      %get3A_512 = vector.shape_cast %get3A_511 : vector<1x1x16xf32> to vector<16xf32>
      %add3A_513 = arith.addf %scan3A_382, %get3A_512 : vector<16xf32>
      %get3A_514 = arith.constant 1 : i32
      %get3A_515 = arith.index_cast %get3A_514 : i32 to index
      %get3A_516 = arith.index_cast %scan3A_364 : i32 to index
      %get3A_517 = arith.constant 288 : index
      %get3A_518 = tpu.vector_load %arg5[%get3A_515, %get3A_516, %get3A_517] {strides = array<i32>} : memref<2x56x384xf32, #tpu.memory_space<vmem>>, vector<1x1x16xf32>,
      %get3A_519 = vector.shape_cast %get3A_518 : vector<1x1x16xf32> to vector<16xf32>
      %add3A_520 = arith.addf %scan3A_383, %get3A_519 : vector<16xf32>
      %get3A_521 = arith.constant 1 : i32
      %get3A_522 = arith.index_cast %get3A_521 : i32 to index
      %get3A_523 = arith.index_cast %scan3A_364 : i32 to index
      %get3A_524 = arith.constant 304 : index
      %get3A_525 = tpu.vector_load %arg5[%get3A_522, %get3A_523, %get3A_524] {strides = array<i32>} : memref<2x56x384xf32, #tpu.memory_space<vmem>>, vector<1x1x16xf32>,
      %get3A_526 = vector.shape_cast %get3A_525 : vector<1x1x16xf32> to vector<16xf32>
      %add3A_527 = arith.addf %scan3A_384, %get3A_526 : vector<16xf32>
      %get3A_528 = arith.constant 1 : i32
      %get3A_529 = arith.index_cast %get3A_528 : i32 to index
      %get3A_530 = arith.index_cast %scan3A_364 : i32 to index
      %get3A_531 = arith.constant 320 : index
      %get3A_532 = tpu.vector_load %arg5[%get3A_529, %get3A_530, %get3A_531] {strides = array<i32>} : memref<2x56x384xf32, #tpu.memory_space<vmem>>, vector<1x1x16xf32>,
      %get3A_533 = vector.shape_cast %get3A_532 : vector<1x1x16xf32> to vector<16xf32>
      %add3A_534 = arith.addf %scan3A_385, %get3A_533 : vector<16xf32>
      %get3A_535 = arith.constant 1 : i32
      %get3A_536 = arith.index_cast %get3A_535 : i32 to index
      %get3A_537 = arith.index_cast %scan3A_364 : i32 to index
      %get3A_538 = arith.constant 336 : index
      %get3A_539 = tpu.vector_load %arg5[%get3A_536, %get3A_537, %get3A_538] {strides = array<i32>} : memref<2x56x384xf32, #tpu.memory_space<vmem>>, vector<1x1x16xf32>,
      %get3A_540 = vector.shape_cast %get3A_539 : vector<1x1x16xf32> to vector<16xf32>
      %add3A_541 = arith.addf %scan3A_386, %get3A_540 : vector<16xf32>
      %get3A_542 = arith.constant 1 : i32
      %get3A_543 = arith.index_cast %get3A_542 : i32 to index
      %get3A_544 = arith.index_cast %scan3A_364 : i32 to index
      %get3A_545 = arith.constant 352 : index
      %get3A_546 = tpu.vector_load %arg5[%get3A_543, %get3A_544, %get3A_545] {strides = array<i32>} : memref<2x56x384xf32, #tpu.memory_space<vmem>>, vector<1x1x16xf32>,
      %get3A_547 = vector.shape_cast %get3A_546 : vector<1x1x16xf32> to vector<16xf32>
      %add3A_548 = arith.addf %scan3A_387, %get3A_547 : vector<16xf32>
      %get3A_549 = arith.constant 1 : i32
      %get3A_550 = arith.index_cast %get3A_549 : i32 to index
      %get3A_551 = arith.index_cast %scan3A_364 : i32 to index
      %get3A_552 = arith.constant 368 : index
      %get3A_553 = tpu.vector_load %arg5[%get3A_550, %get3A_551, %get3A_552] {strides = array<i32>} : memref<2x56x384xf32, #tpu.memory_space<vmem>>, vector<1x1x16xf32>,
      %get3A_554 = vector.shape_cast %get3A_553 : vector<1x1x16xf32> to vector<16xf32>
      %add3A_555 = arith.addf %scan3A_388, %get3A_554 : vector<16xf32>
      scf.yield %add3A_394, %add3A_401, %add3A_408, %add3A_415, %add3A_422, %add3A_429, %add3A_436, %add3A_443, %add3A_450, %add3A_457, %add3A_464, %add3A_471, %add3A_478, %add3A_485, %add3A_492, %add3A_499, %add3A_506, %add3A_513, %add3A_520, %add3A_527, %add3A_534, %add3A_541, %add3A_548, %add3A_555 : vector<16xf32>, vector<16xf32>, vector<16xf32>, vector<16xf32>, vector<16xf32>, vector<16xf32>, vector<16xf32>, vector<16xf32>, vector<16xf32>, vector<16xf32>, vector<16xf32>, vector<16xf32>, vector<16xf32>, vector<16xf32>, vector<16xf32>, vector<16xf32>, vector<16xf32>, vector<16xf32>, vector<16xf32>, vector<16xf32>, vector<16xf32>, vector<16xf32>, vector<16xf32>, vector<16xf32>
    }
    %scan3A_182 = arith.constant 56 : i32
    %dma_start3A_183 = arith.constant 52 : i32
    %dma_start3A_184 = arith.constant 0 : i32
    %dma_start3A_185 = arith.constant 0 : i32
    %dma_start3A_186 = tpu.memref_slice %arg2[%add3A, %dma_start3A_183, %dma_start3A_184, %dma_start3A_185] : memref<32x56x56x384xf32, #tpu.memory_space<hbm>> -> memref<1x2x56x384xf32, #tpu.memory_space<hbm>>
    %dma_start3A_187 = tpu.memref_squeeze %dma_start3A_186 : memref<1x2x56x384xf32, #tpu.memory_space<hbm>> -> memref<2x56x384xf32, #tpu.memory_space<hbm>>
    %dma_start3A_188 = arith.constant 52 : i32
    %dma_start3A_189 = arith.constant 0 : i32
    %dma_start3A_190 = arith.constant 0 : i32
    %dma_start3A_191 = tpu.memref_slice %arg2[%add3A, %dma_start3A_188, %dma_start3A_189, %dma_start3A_190] : memref<32x56x56x384xf32, #tpu.memory_space<hbm>> -> memref<1x2x56x384xf32, #tpu.memory_space<hbm>>
    %dma_start3A_192 = tpu.memref_squeeze %dma_start3A_191 : memref<1x2x56x384xf32, #tpu.memory_space<hbm>> -> memref<2x56x384xf32, #tpu.memory_space<hbm>>
    tpu.enqueue_dma source(%dma_start3A_192 : memref<2x56x384xf32, #tpu.memory_space<hbm>>) target(%arg5 : memref<2x56x384xf32, #tpu.memory_space<vmem>>) target_semaphore(%arg8 : memref<!tpu.dma_semaphore, #tpu.memory_space<semaphore_mem>>)
    %dma_wait3A_193 = arith.constant 50 : i32
    %dma_wait3A_194 = arith.constant 0 : i32
    %dma_wait3A_195 = arith.constant 0 : i32
    %dma_wait3A_196 = tpu.memref_slice %arg2[%add3A, %dma_wait3A_193, %dma_wait3A_194, %dma_wait3A_195] : memref<32x56x56x384xf32, #tpu.memory_space<hbm>> -> memref<1x2x56x384xf32, #tpu.memory_space<hbm>>
    %dma_wait3A_197 = tpu.memref_squeeze %dma_wait3A_196 : memref<1x2x56x384xf32, #tpu.memory_space<hbm>> -> memref<2x56x384xf32, #tpu.memory_space<hbm>>
    %dma_wait3A_198 = arith.constant 50 : i32
    %dma_wait3A_199 = arith.constant 0 : i32
    %dma_wait3A_200 = arith.constant 0 : i32
    %dma_wait3A_201 = tpu.memref_slice %arg2[%add3A, %dma_wait3A_198, %dma_wait3A_199, %dma_wait3A_200] : memref<32x56x56x384xf32, #tpu.memory_space<hbm>> -> memref<1x2x56x384xf32, #tpu.memory_space<hbm>>
    %dma_wait3A_202 = tpu.memref_squeeze %dma_wait3A_201 : memref<1x2x56x384xf32, #tpu.memory_space<hbm>> -> memref<2x56x384xf32, #tpu.memory_space<hbm>>
    tpu.wait_dma2 semaphore(%arg7 : memref<!tpu.dma_semaphore, #tpu.memory_space<semaphore_mem>>) src(%dma_wait3A_202 : memref<2x56x384xf32, #tpu.memory_space<hbm>>) dst(%arg4 : memref<2x56x384xf32, #tpu.memory_space<vmem>>)
    %scan3A_203 = arith.constant 0 : i32
    %scan3A_204 = arith.constant 56 : i32
    %scan3A_205 = arith.addi %scan3A_203, %scan3A_204 : i32
    %scan3A_206 = arith.constant 1 : i32
    %scan3A_207:24 = scf.for %scan3A_364 = %scan3A_203 to %scan3A_205 step %scan3A_206 iter_args(%scan3A_365 = %scan3A_181#0, %scan3A_366 = %scan3A_181#1, %scan3A_367 = %scan3A_181#2, %scan3A_368 = %scan3A_181#3, %scan3A_369 = %scan3A_181#4, %scan3A_370 = %scan3A_181#5, %scan3A_371 = %scan3A_181#6, %scan3A_372 = %scan3A_181#7, %scan3A_373 = %scan3A_181#8, %scan3A_374 = %scan3A_181#9, %scan3A_375 = %scan3A_181#10, %scan3A_376 = %scan3A_181#11, %scan3A_377 = %scan3A_181#12, %scan3A_378 = %scan3A_181#13, %scan3A_379 = %scan3A_181#14, %scan3A_380 = %scan3A_181#15, %scan3A_381 = %scan3A_181#16, %scan3A_382 = %scan3A_181#17, %scan3A_383 = %scan3A_181#18, %scan3A_384 = %scan3A_181#19, %scan3A_385 = %scan3A_181#20, %scan3A_386 = %scan3A_181#21, %scan3A_387 = %scan3A_181#22, %scan3A_388 = %scan3A_181#23) -> (vector<16xf32>, vector<16xf32>, vector<16xf32>, vector<16xf32>, vector<16xf32>, vector<16xf32>, vector<16xf32>, vector<16xf32>, vector<16xf32>, vector<16xf32>, vector<16xf32>, vector<16xf32>, vector<16xf32>, vector<16xf32>, vector<16xf32>, vector<16xf32>, vector<16xf32>, vector<16xf32>, vector<16xf32>, vector<16xf32>, vector<16xf32>, vector<16xf32>, vector<16xf32>, vector<16xf32>)  : i32 {
      %get3A = arith.constant 0 : i32
      %get3A_389 = arith.index_cast %get3A : i32 to index
      %get3A_390 = arith.index_cast %scan3A_364 : i32 to index
      %get3A_391 = arith.constant 0 : index
      %get3A_392 = tpu.vector_load %arg4[%get3A_389, %get3A_390, %get3A_391] {strides = array<i32>} : memref<2x56x384xf32, #tpu.memory_space<vmem>>, vector<1x1x16xf32>,
      %get3A_393 = vector.shape_cast %get3A_392 : vector<1x1x16xf32> to vector<16xf32>
      %add3A_394 = arith.addf %scan3A_365, %get3A_393 : vector<16xf32>
      %get3A_395 = arith.constant 0 : i32
      %get3A_396 = arith.index_cast %get3A_395 : i32 to index
      %get3A_397 = arith.index_cast %scan3A_364 : i32 to index
      %get3A_398 = arith.constant 16 : index
      %get3A_399 = tpu.vector_load %arg4[%get3A_396, %get3A_397, %get3A_398] {strides = array<i32>} : memref<2x56x384xf32, #tpu.memory_space<vmem>>, vector<1x1x16xf32>,
      %get3A_400 = vector.shape_cast %get3A_399 : vector<1x1x16xf32> to vector<16xf32>
      %add3A_401 = arith.addf %scan3A_366, %get3A_400 : vector<16xf32>
      %get3A_402 = arith.constant 0 : i32
      %get3A_403 = arith.index_cast %get3A_402 : i32 to index
      %get3A_404 = arith.index_cast %scan3A_364 : i32 to index
      %get3A_405 = arith.constant 32 : index
      %get3A_406 = tpu.vector_load %arg4[%get3A_403, %get3A_404, %get3A_405] {strides = array<i32>} : memref<2x56x384xf32, #tpu.memory_space<vmem>>, vector<1x1x16xf32>,
      %get3A_407 = vector.shape_cast %get3A_406 : vector<1x1x16xf32> to vector<16xf32>
      %add3A_408 = arith.addf %scan3A_367, %get3A_407 : vector<16xf32>
      %get3A_409 = arith.constant 0 : i32
      %get3A_410 = arith.index_cast %get3A_409 : i32 to index
      %get3A_411 = arith.index_cast %scan3A_364 : i32 to index
      %get3A_412 = arith.constant 48 : index
      %get3A_413 = tpu.vector_load %arg4[%get3A_410, %get3A_411, %get3A_412] {strides = array<i32>} : memref<2x56x384xf32, #tpu.memory_space<vmem>>, vector<1x1x16xf32>,
      %get3A_414 = vector.shape_cast %get3A_413 : vector<1x1x16xf32> to vector<16xf32>
      %add3A_415 = arith.addf %scan3A_368, %get3A_414 : vector<16xf32>
      %get3A_416 = arith.constant 0 : i32
      %get3A_417 = arith.index_cast %get3A_416 : i32 to index
      %get3A_418 = arith.index_cast %scan3A_364 : i32 to index
      %get3A_419 = arith.constant 64 : index
      %get3A_420 = tpu.vector_load %arg4[%get3A_417, %get3A_418, %get3A_419] {strides = array<i32>} : memref<2x56x384xf32, #tpu.memory_space<vmem>>, vector<1x1x16xf32>,
      %get3A_421 = vector.shape_cast %get3A_420 : vector<1x1x16xf32> to vector<16xf32>
      %add3A_422 = arith.addf %scan3A_369, %get3A_421 : vector<16xf32>
      %get3A_423 = arith.constant 0 : i32
      %get3A_424 = arith.index_cast %get3A_423 : i32 to index
      %get3A_425 = arith.index_cast %scan3A_364 : i32 to index
      %get3A_426 = arith.constant 80 : index
      %get3A_427 = tpu.vector_load %arg4[%get3A_424, %get3A_425, %get3A_426] {strides = array<i32>} : memref<2x56x384xf32, #tpu.memory_space<vmem>>, vector<1x1x16xf32>,
      %get3A_428 = vector.shape_cast %get3A_427 : vector<1x1x16xf32> to vector<16xf32>
      %add3A_429 = arith.addf %scan3A_370, %get3A_428 : vector<16xf32>
      %get3A_430 = arith.constant 0 : i32
      %get3A_431 = arith.index_cast %get3A_430 : i32 to index
      %get3A_432 = arith.index_cast %scan3A_364 : i32 to index
      %get3A_433 = arith.constant 96 : index
      %get3A_434 = tpu.vector_load %arg4[%get3A_431, %get3A_432, %get3A_433] {strides = array<i32>} : memref<2x56x384xf32, #tpu.memory_space<vmem>>, vector<1x1x16xf32>,
      %get3A_435 = vector.shape_cast %get3A_434 : vector<1x1x16xf32> to vector<16xf32>
      %add3A_436 = arith.addf %scan3A_371, %get3A_435 : vector<16xf32>
      %get3A_437 = arith.constant 0 : i32
      %get3A_438 = arith.index_cast %get3A_437 : i32 to index
      %get3A_439 = arith.index_cast %scan3A_364 : i32 to index
      %get3A_440 = arith.constant 112 : index
      %get3A_441 = tpu.vector_load %arg4[%get3A_438, %get3A_439, %get3A_440] {strides = array<i32>} : memref<2x56x384xf32, #tpu.memory_space<vmem>>, vector<1x1x16xf32>,
      %get3A_442 = vector.shape_cast %get3A_441 : vector<1x1x16xf32> to vector<16xf32>
      %add3A_443 = arith.addf %scan3A_372, %get3A_442 : vector<16xf32>
      %get3A_444 = arith.constant 0 : i32
      %get3A_445 = arith.index_cast %get3A_444 : i32 to index
      %get3A_446 = arith.index_cast %scan3A_364 : i32 to index
      %get3A_447 = arith.constant 128 : index
      %get3A_448 = tpu.vector_load %arg4[%get3A_445, %get3A_446, %get3A_447] {strides = array<i32>} : memref<2x56x384xf32, #tpu.memory_space<vmem>>, vector<1x1x16xf32>,
      %get3A_449 = vector.shape_cast %get3A_448 : vector<1x1x16xf32> to vector<16xf32>
      %add3A_450 = arith.addf %scan3A_373, %get3A_449 : vector<16xf32>
      %get3A_451 = arith.constant 0 : i32
      %get3A_452 = arith.index_cast %get3A_451 : i32 to index
      %get3A_453 = arith.index_cast %scan3A_364 : i32 to index
      %get3A_454 = arith.constant 144 : index
      %get3A_455 = tpu.vector_load %arg4[%get3A_452, %get3A_453, %get3A_454] {strides = array<i32>} : memref<2x56x384xf32, #tpu.memory_space<vmem>>, vector<1x1x16xf32>,
      %get3A_456 = vector.shape_cast %get3A_455 : vector<1x1x16xf32> to vector<16xf32>
      %add3A_457 = arith.addf %scan3A_374, %get3A_456 : vector<16xf32>
      %get3A_458 = arith.constant 0 : i32
      %get3A_459 = arith.index_cast %get3A_458 : i32 to index
      %get3A_460 = arith.index_cast %scan3A_364 : i32 to index
      %get3A_461 = arith.constant 160 : index
      %get3A_462 = tpu.vector_load %arg4[%get3A_459, %get3A_460, %get3A_461] {strides = array<i32>} : memref<2x56x384xf32, #tpu.memory_space<vmem>>, vector<1x1x16xf32>,
      %get3A_463 = vector.shape_cast %get3A_462 : vector<1x1x16xf32> to vector<16xf32>
      %add3A_464 = arith.addf %scan3A_375, %get3A_463 : vector<16xf32>
      %get3A_465 = arith.constant 0 : i32
      %get3A_466 = arith.index_cast %get3A_465 : i32 to index
      %get3A_467 = arith.index_cast %scan3A_364 : i32 to index
      %get3A_468 = arith.constant 176 : index
      %get3A_469 = tpu.vector_load %arg4[%get3A_466, %get3A_467, %get3A_468] {strides = array<i32>} : memref<2x56x384xf32, #tpu.memory_space<vmem>>, vector<1x1x16xf32>,
      %get3A_470 = vector.shape_cast %get3A_469 : vector<1x1x16xf32> to vector<16xf32>
      %add3A_471 = arith.addf %scan3A_376, %get3A_470 : vector<16xf32>
      %get3A_472 = arith.constant 0 : i32
      %get3A_473 = arith.index_cast %get3A_472 : i32 to index
      %get3A_474 = arith.index_cast %scan3A_364 : i32 to index
      %get3A_475 = arith.constant 192 : index
      %get3A_476 = tpu.vector_load %arg4[%get3A_473, %get3A_474, %get3A_475] {strides = array<i32>} : memref<2x56x384xf32, #tpu.memory_space<vmem>>, vector<1x1x16xf32>,
      %get3A_477 = vector.shape_cast %get3A_476 : vector<1x1x16xf32> to vector<16xf32>
      %add3A_478 = arith.addf %scan3A_377, %get3A_477 : vector<16xf32>
      %get3A_479 = arith.constant 0 : i32
      %get3A_480 = arith.index_cast %get3A_479 : i32 to index
      %get3A_481 = arith.index_cast %scan3A_364 : i32 to index
      %get3A_482 = arith.constant 208 : index
      %get3A_483 = tpu.vector_load %arg4[%get3A_480, %get3A_481, %get3A_482] {strides = array<i32>} : memref<2x56x384xf32, #tpu.memory_space<vmem>>, vector<1x1x16xf32>,
      %get3A_484 = vector.shape_cast %get3A_483 : vector<1x1x16xf32> to vector<16xf32>
      %add3A_485 = arith.addf %scan3A_378, %get3A_484 : vector<16xf32>
      %get3A_486 = arith.constant 0 : i32
      %get3A_487 = arith.index_cast %get3A_486 : i32 to index
      %get3A_488 = arith.index_cast %scan3A_364 : i32 to index
      %get3A_489 = arith.constant 224 : index
      %get3A_490 = tpu.vector_load %arg4[%get3A_487, %get3A_488, %get3A_489] {strides = array<i32>} : memref<2x56x384xf32, #tpu.memory_space<vmem>>, vector<1x1x16xf32>,
      %get3A_491 = vector.shape_cast %get3A_490 : vector<1x1x16xf32> to vector<16xf32>
      %add3A_492 = arith.addf %scan3A_379, %get3A_491 : vector<16xf32>
      %get3A_493 = arith.constant 0 : i32
      %get3A_494 = arith.index_cast %get3A_493 : i32 to index
      %get3A_495 = arith.index_cast %scan3A_364 : i32 to index
      %get3A_496 = arith.constant 240 : index
      %get3A_497 = tpu.vector_load %arg4[%get3A_494, %get3A_495, %get3A_496] {strides = array<i32>} : memref<2x56x384xf32, #tpu.memory_space<vmem>>, vector<1x1x16xf32>,
      %get3A_498 = vector.shape_cast %get3A_497 : vector<1x1x16xf32> to vector<16xf32>
      %add3A_499 = arith.addf %scan3A_380, %get3A_498 : vector<16xf32>
      %get3A_500 = arith.constant 0 : i32
      %get3A_501 = arith.index_cast %get3A_500 : i32 to index
      %get3A_502 = arith.index_cast %scan3A_364 : i32 to index
      %get3A_503 = arith.constant 256 : index
      %get3A_504 = tpu.vector_load %arg4[%get3A_501, %get3A_502, %get3A_503] {strides = array<i32>} : memref<2x56x384xf32, #tpu.memory_space<vmem>>, vector<1x1x16xf32>,
      %get3A_505 = vector.shape_cast %get3A_504 : vector<1x1x16xf32> to vector<16xf32>
      %add3A_506 = arith.addf %scan3A_381, %get3A_505 : vector<16xf32>
      %get3A_507 = arith.constant 0 : i32
      %get3A_508 = arith.index_cast %get3A_507 : i32 to index
      %get3A_509 = arith.index_cast %scan3A_364 : i32 to index
      %get3A_510 = arith.constant 272 : index
      %get3A_511 = tpu.vector_load %arg4[%get3A_508, %get3A_509, %get3A_510] {strides = array<i32>} : memref<2x56x384xf32, #tpu.memory_space<vmem>>, vector<1x1x16xf32>,
      %get3A_512 = vector.shape_cast %get3A_511 : vector<1x1x16xf32> to vector<16xf32>
      %add3A_513 = arith.addf %scan3A_382, %get3A_512 : vector<16xf32>
      %get3A_514 = arith.constant 0 : i32
      %get3A_515 = arith.index_cast %get3A_514 : i32 to index
      %get3A_516 = arith.index_cast %scan3A_364 : i32 to index
      %get3A_517 = arith.constant 288 : index
      %get3A_518 = tpu.vector_load %arg4[%get3A_515, %get3A_516, %get3A_517] {strides = array<i32>} : memref<2x56x384xf32, #tpu.memory_space<vmem>>, vector<1x1x16xf32>,
      %get3A_519 = vector.shape_cast %get3A_518 : vector<1x1x16xf32> to vector<16xf32>
      %add3A_520 = arith.addf %scan3A_383, %get3A_519 : vector<16xf32>
      %get3A_521 = arith.constant 0 : i32
      %get3A_522 = arith.index_cast %get3A_521 : i32 to index
      %get3A_523 = arith.index_cast %scan3A_364 : i32 to index
      %get3A_524 = arith.constant 304 : index
      %get3A_525 = tpu.vector_load %arg4[%get3A_522, %get3A_523, %get3A_524] {strides = array<i32>} : memref<2x56x384xf32, #tpu.memory_space<vmem>>, vector<1x1x16xf32>,
      %get3A_526 = vector.shape_cast %get3A_525 : vector<1x1x16xf32> to vector<16xf32>
      %add3A_527 = arith.addf %scan3A_384, %get3A_526 : vector<16xf32>
      %get3A_528 = arith.constant 0 : i32
      %get3A_529 = arith.index_cast %get3A_528 : i32 to index
      %get3A_530 = arith.index_cast %scan3A_364 : i32 to index
      %get3A_531 = arith.constant 320 : index
      %get3A_532 = tpu.vector_load %arg4[%get3A_529, %get3A_530, %get3A_531] {strides = array<i32>} : memref<2x56x384xf32, #tpu.memory_space<vmem>>, vector<1x1x16xf32>,
      %get3A_533 = vector.shape_cast %get3A_532 : vector<1x1x16xf32> to vector<16xf32>
      %add3A_534 = arith.addf %scan3A_385, %get3A_533 : vector<16xf32>
      %get3A_535 = arith.constant 0 : i32
      %get3A_536 = arith.index_cast %get3A_535 : i32 to index
      %get3A_537 = arith.index_cast %scan3A_364 : i32 to index
      %get3A_538 = arith.constant 336 : index
      %get3A_539 = tpu.vector_load %arg4[%get3A_536, %get3A_537, %get3A_538] {strides = array<i32>} : memref<2x56x384xf32, #tpu.memory_space<vmem>>, vector<1x1x16xf32>,
      %get3A_540 = vector.shape_cast %get3A_539 : vector<1x1x16xf32> to vector<16xf32>
      %add3A_541 = arith.addf %scan3A_386, %get3A_540 : vector<16xf32>
      %get3A_542 = arith.constant 0 : i32
      %get3A_543 = arith.index_cast %get3A_542 : i32 to index
      %get3A_544 = arith.index_cast %scan3A_364 : i32 to index
      %get3A_545 = arith.constant 352 : index
      %get3A_546 = tpu.vector_load %arg4[%get3A_543, %get3A_544, %get3A_545] {strides = array<i32>} : memref<2x56x384xf32, #tpu.memory_space<vmem>>, vector<1x1x16xf32>,
      %get3A_547 = vector.shape_cast %get3A_546 : vector<1x1x16xf32> to vector<16xf32>
      %add3A_548 = arith.addf %scan3A_387, %get3A_547 : vector<16xf32>
      %get3A_549 = arith.constant 0 : i32
      %get3A_550 = arith.index_cast %get3A_549 : i32 to index
      %get3A_551 = arith.index_cast %scan3A_364 : i32 to index
      %get3A_552 = arith.constant 368 : index
      %get3A_553 = tpu.vector_load %arg4[%get3A_550, %get3A_551, %get3A_552] {strides = array<i32>} : memref<2x56x384xf32, #tpu.memory_space<vmem>>, vector<1x1x16xf32>,
      %get3A_554 = vector.shape_cast %get3A_553 : vector<1x1x16xf32> to vector<16xf32>
      %add3A_555 = arith.addf %scan3A_388, %get3A_554 : vector<16xf32>
      scf.yield %add3A_394, %add3A_401, %add3A_408, %add3A_415, %add3A_422, %add3A_429, %add3A_436, %add3A_443, %add3A_450, %add3A_457, %add3A_464, %add3A_471, %add3A_478, %add3A_485, %add3A_492, %add3A_499, %add3A_506, %add3A_513, %add3A_520, %add3A_527, %add3A_534, %add3A_541, %add3A_548, %add3A_555 : vector<16xf32>, vector<16xf32>, vector<16xf32>, vector<16xf32>, vector<16xf32>, vector<16xf32>, vector<16xf32>, vector<16xf32>, vector<16xf32>, vector<16xf32>, vector<16xf32>, vector<16xf32>, vector<16xf32>, vector<16xf32>, vector<16xf32>, vector<16xf32>, vector<16xf32>, vector<16xf32>, vector<16xf32>, vector<16xf32>, vector<16xf32>, vector<16xf32>, vector<16xf32>, vector<16xf32>
    }
    %scan3A_208 = arith.constant 56 : i32
    %scan3A_209 = arith.constant 0 : i32
    %scan3A_210 = arith.constant 56 : i32
    %scan3A_211 = arith.addi %scan3A_209, %scan3A_210 : i32
    %scan3A_212 = arith.constant 1 : i32
    %scan3A_213:24 = scf.for %scan3A_364 = %scan3A_209 to %scan3A_211 step %scan3A_212 iter_args(%scan3A_365 = %scan3A_207#0, %scan3A_366 = %scan3A_207#1, %scan3A_367 = %scan3A_207#2, %scan3A_368 = %scan3A_207#3, %scan3A_369 = %scan3A_207#4, %scan3A_370 = %scan3A_207#5, %scan3A_371 = %scan3A_207#6, %scan3A_372 = %scan3A_207#7, %scan3A_373 = %scan3A_207#8, %scan3A_374 = %scan3A_207#9, %scan3A_375 = %scan3A_207#10, %scan3A_376 = %scan3A_207#11, %scan3A_377 = %scan3A_207#12, %scan3A_378 = %scan3A_207#13, %scan3A_379 = %scan3A_207#14, %scan3A_380 = %scan3A_207#15, %scan3A_381 = %scan3A_207#16, %scan3A_382 = %scan3A_207#17, %scan3A_383 = %scan3A_207#18, %scan3A_384 = %scan3A_207#19, %scan3A_385 = %scan3A_207#20, %scan3A_386 = %scan3A_207#21, %scan3A_387 = %scan3A_207#22, %scan3A_388 = %scan3A_207#23) -> (vector<16xf32>, vector<16xf32>, vector<16xf32>, vector<16xf32>, vector<16xf32>, vector<16xf32>, vector<16xf32>, vector<16xf32>, vector<16xf32>, vector<16xf32>, vector<16xf32>, vector<16xf32>, vector<16xf32>, vector<16xf32>, vector<16xf32>, vector<16xf32>, vector<16xf32>, vector<16xf32>, vector<16xf32>, vector<16xf32>, vector<16xf32>, vector<16xf32>, vector<16xf32>, vector<16xf32>)  : i32 {
      %get3A = arith.constant 1 : i32
      %get3A_389 = arith.index_cast %get3A : i32 to index
      %get3A_390 = arith.index_cast %scan3A_364 : i32 to index
      %get3A_391 = arith.constant 0 : index
      %get3A_392 = tpu.vector_load %arg4[%get3A_389, %get3A_390, %get3A_391] {strides = array<i32>} : memref<2x56x384xf32, #tpu.memory_space<vmem>>, vector<1x1x16xf32>,
      %get3A_393 = vector.shape_cast %get3A_392 : vector<1x1x16xf32> to vector<16xf32>
      %add3A_394 = arith.addf %scan3A_365, %get3A_393 : vector<16xf32>
      %get3A_395 = arith.constant 1 : i32
      %get3A_396 = arith.index_cast %get3A_395 : i32 to index
      %get3A_397 = arith.index_cast %scan3A_364 : i32 to index
      %get3A_398 = arith.constant 16 : index
      %get3A_399 = tpu.vector_load %arg4[%get3A_396, %get3A_397, %get3A_398] {strides = array<i32>} : memref<2x56x384xf32, #tpu.memory_space<vmem>>, vector<1x1x16xf32>,
      %get3A_400 = vector.shape_cast %get3A_399 : vector<1x1x16xf32> to vector<16xf32>
      %add3A_401 = arith.addf %scan3A_366, %get3A_400 : vector<16xf32>
      %get3A_402 = arith.constant 1 : i32
      %get3A_403 = arith.index_cast %get3A_402 : i32 to index
      %get3A_404 = arith.index_cast %scan3A_364 : i32 to index
      %get3A_405 = arith.constant 32 : index
      %get3A_406 = tpu.vector_load %arg4[%get3A_403, %get3A_404, %get3A_405] {strides = array<i32>} : memref<2x56x384xf32, #tpu.memory_space<vmem>>, vector<1x1x16xf32>,
      %get3A_407 = vector.shape_cast %get3A_406 : vector<1x1x16xf32> to vector<16xf32>
      %add3A_408 = arith.addf %scan3A_367, %get3A_407 : vector<16xf32>
      %get3A_409 = arith.constant 1 : i32
      %get3A_410 = arith.index_cast %get3A_409 : i32 to index
      %get3A_411 = arith.index_cast %scan3A_364 : i32 to index
      %get3A_412 = arith.constant 48 : index
      %get3A_413 = tpu.vector_load %arg4[%get3A_410, %get3A_411, %get3A_412] {strides = array<i32>} : memref<2x56x384xf32, #tpu.memory_space<vmem>>, vector<1x1x16xf32>,
      %get3A_414 = vector.shape_cast %get3A_413 : vector<1x1x16xf32> to vector<16xf32>
      %add3A_415 = arith.addf %scan3A_368, %get3A_414 : vector<16xf32>
      %get3A_416 = arith.constant 1 : i32
      %get3A_417 = arith.index_cast %get3A_416 : i32 to index
      %get3A_418 = arith.index_cast %scan3A_364 : i32 to index
      %get3A_419 = arith.constant 64 : index
      %get3A_420 = tpu.vector_load %arg4[%get3A_417, %get3A_418, %get3A_419] {strides = array<i32>} : memref<2x56x384xf32, #tpu.memory_space<vmem>>, vector<1x1x16xf32>,
      %get3A_421 = vector.shape_cast %get3A_420 : vector<1x1x16xf32> to vector<16xf32>
      %add3A_422 = arith.addf %scan3A_369, %get3A_421 : vector<16xf32>
      %get3A_423 = arith.constant 1 : i32
      %get3A_424 = arith.index_cast %get3A_423 : i32 to index
      %get3A_425 = arith.index_cast %scan3A_364 : i32 to index
      %get3A_426 = arith.constant 80 : index
      %get3A_427 = tpu.vector_load %arg4[%get3A_424, %get3A_425, %get3A_426] {strides = array<i32>} : memref<2x56x384xf32, #tpu.memory_space<vmem>>, vector<1x1x16xf32>,
      %get3A_428 = vector.shape_cast %get3A_427 : vector<1x1x16xf32> to vector<16xf32>
      %add3A_429 = arith.addf %scan3A_370, %get3A_428 : vector<16xf32>
      %get3A_430 = arith.constant 1 : i32
      %get3A_431 = arith.index_cast %get3A_430 : i32 to index
      %get3A_432 = arith.index_cast %scan3A_364 : i32 to index
      %get3A_433 = arith.constant 96 : index
      %get3A_434 = tpu.vector_load %arg4[%get3A_431, %get3A_432, %get3A_433] {strides = array<i32>} : memref<2x56x384xf32, #tpu.memory_space<vmem>>, vector<1x1x16xf32>,
      %get3A_435 = vector.shape_cast %get3A_434 : vector<1x1x16xf32> to vector<16xf32>
      %add3A_436 = arith.addf %scan3A_371, %get3A_435 : vector<16xf32>
      %get3A_437 = arith.constant 1 : i32
      %get3A_438 = arith.index_cast %get3A_437 : i32 to index
      %get3A_439 = arith.index_cast %scan3A_364 : i32 to index
      %get3A_440 = arith.constant 112 : index
      %get3A_441 = tpu.vector_load %arg4[%get3A_438, %get3A_439, %get3A_440] {strides = array<i32>} : memref<2x56x384xf32, #tpu.memory_space<vmem>>, vector<1x1x16xf32>,
      %get3A_442 = vector.shape_cast %get3A_441 : vector<1x1x16xf32> to vector<16xf32>
      %add3A_443 = arith.addf %scan3A_372, %get3A_442 : vector<16xf32>
      %get3A_444 = arith.constant 1 : i32
      %get3A_445 = arith.index_cast %get3A_444 : i32 to index
      %get3A_446 = arith.index_cast %scan3A_364 : i32 to index
      %get3A_447 = arith.constant 128 : index
      %get3A_448 = tpu.vector_load %arg4[%get3A_445, %get3A_446, %get3A_447] {strides = array<i32>} : memref<2x56x384xf32, #tpu.memory_space<vmem>>, vector<1x1x16xf32>,
      %get3A_449 = vector.shape_cast %get3A_448 : vector<1x1x16xf32> to vector<16xf32>
      %add3A_450 = arith.addf %scan3A_373, %get3A_449 : vector<16xf32>
      %get3A_451 = arith.constant 1 : i32
      %get3A_452 = arith.index_cast %get3A_451 : i32 to index
      %get3A_453 = arith.index_cast %scan3A_364 : i32 to index
      %get3A_454 = arith.constant 144 : index
      %get3A_455 = tpu.vector_load %arg4[%get3A_452, %get3A_453, %get3A_454] {strides = array<i32>} : memref<2x56x384xf32, #tpu.memory_space<vmem>>, vector<1x1x16xf32>,
      %get3A_456 = vector.shape_cast %get3A_455 : vector<1x1x16xf32> to vector<16xf32>
      %add3A_457 = arith.addf %scan3A_374, %get3A_456 : vector<16xf32>
      %get3A_458 = arith.constant 1 : i32
      %get3A_459 = arith.index_cast %get3A_458 : i32 to index
      %get3A_460 = arith.index_cast %scan3A_364 : i32 to index
      %get3A_461 = arith.constant 160 : index
      %get3A_462 = tpu.vector_load %arg4[%get3A_459, %get3A_460, %get3A_461] {strides = array<i32>} : memref<2x56x384xf32, #tpu.memory_space<vmem>>, vector<1x1x16xf32>,
      %get3A_463 = vector.shape_cast %get3A_462 : vector<1x1x16xf32> to vector<16xf32>
      %add3A_464 = arith.addf %scan3A_375, %get3A_463 : vector<16xf32>
      %get3A_465 = arith.constant 1 : i32
      %get3A_466 = arith.index_cast %get3A_465 : i32 to index
      %get3A_467 = arith.index_cast %scan3A_364 : i32 to index
      %get3A_468 = arith.constant 176 : index
      %get3A_469 = tpu.vector_load %arg4[%get3A_466, %get3A_467, %get3A_468] {strides = array<i32>} : memref<2x56x384xf32, #tpu.memory_space<vmem>>, vector<1x1x16xf32>,
      %get3A_470 = vector.shape_cast %get3A_469 : vector<1x1x16xf32> to vector<16xf32>
      %add3A_471 = arith.addf %scan3A_376, %get3A_470 : vector<16xf32>
      %get3A_472 = arith.constant 1 : i32
      %get3A_473 = arith.index_cast %get3A_472 : i32 to index
      %get3A_474 = arith.index_cast %scan3A_364 : i32 to index
      %get3A_475 = arith.constant 192 : index
      %get3A_476 = tpu.vector_load %arg4[%get3A_473, %get3A_474, %get3A_475] {strides = array<i32>} : memref<2x56x384xf32, #tpu.memory_space<vmem>>, vector<1x1x16xf32>,
      %get3A_477 = vector.shape_cast %get3A_476 : vector<1x1x16xf32> to vector<16xf32>
      %add3A_478 = arith.addf %scan3A_377, %get3A_477 : vector<16xf32>
      %get3A_479 = arith.constant 1 : i32
      %get3A_480 = arith.index_cast %get3A_479 : i32 to index
      %get3A_481 = arith.index_cast %scan3A_364 : i32 to index
      %get3A_482 = arith.constant 208 : index
      %get3A_483 = tpu.vector_load %arg4[%get3A_480, %get3A_481, %get3A_482] {strides = array<i32>} : memref<2x56x384xf32, #tpu.memory_space<vmem>>, vector<1x1x16xf32>,
      %get3A_484 = vector.shape_cast %get3A_483 : vector<1x1x16xf32> to vector<16xf32>
      %add3A_485 = arith.addf %scan3A_378, %get3A_484 : vector<16xf32>
      %get3A_486 = arith.constant 1 : i32
      %get3A_487 = arith.index_cast %get3A_486 : i32 to index
      %get3A_488 = arith.index_cast %scan3A_364 : i32 to index
      %get3A_489 = arith.constant 224 : index
      %get3A_490 = tpu.vector_load %arg4[%get3A_487, %get3A_488, %get3A_489] {strides = array<i32>} : memref<2x56x384xf32, #tpu.memory_space<vmem>>, vector<1x1x16xf32>,
      %get3A_491 = vector.shape_cast %get3A_490 : vector<1x1x16xf32> to vector<16xf32>
      %add3A_492 = arith.addf %scan3A_379, %get3A_491 : vector<16xf32>
      %get3A_493 = arith.constant 1 : i32
      %get3A_494 = arith.index_cast %get3A_493 : i32 to index
      %get3A_495 = arith.index_cast %scan3A_364 : i32 to index
      %get3A_496 = arith.constant 240 : index
      %get3A_497 = tpu.vector_load %arg4[%get3A_494, %get3A_495, %get3A_496] {strides = array<i32>} : memref<2x56x384xf32, #tpu.memory_space<vmem>>, vector<1x1x16xf32>,
      %get3A_498 = vector.shape_cast %get3A_497 : vector<1x1x16xf32> to vector<16xf32>
      %add3A_499 = arith.addf %scan3A_380, %get3A_498 : vector<16xf32>
      %get3A_500 = arith.constant 1 : i32
      %get3A_501 = arith.index_cast %get3A_500 : i32 to index
      %get3A_502 = arith.index_cast %scan3A_364 : i32 to index
      %get3A_503 = arith.constant 256 : index
      %get3A_504 = tpu.vector_load %arg4[%get3A_501, %get3A_502, %get3A_503] {strides = array<i32>} : memref<2x56x384xf32, #tpu.memory_space<vmem>>, vector<1x1x16xf32>,
      %get3A_505 = vector.shape_cast %get3A_504 : vector<1x1x16xf32> to vector<16xf32>
      %add3A_506 = arith.addf %scan3A_381, %get3A_505 : vector<16xf32>
      %get3A_507 = arith.constant 1 : i32
      %get3A_508 = arith.index_cast %get3A_507 : i32 to index
      %get3A_509 = arith.index_cast %scan3A_364 : i32 to index
      %get3A_510 = arith.constant 272 : index
      %get3A_511 = tpu.vector_load %arg4[%get3A_508, %get3A_509, %get3A_510] {strides = array<i32>} : memref<2x56x384xf32, #tpu.memory_space<vmem>>, vector<1x1x16xf32>,
      %get3A_512 = vector.shape_cast %get3A_511 : vector<1x1x16xf32> to vector<16xf32>
      %add3A_513 = arith.addf %scan3A_382, %get3A_512 : vector<16xf32>
      %get3A_514 = arith.constant 1 : i32
      %get3A_515 = arith.index_cast %get3A_514 : i32 to index
      %get3A_516 = arith.index_cast %scan3A_364 : i32 to index
      %get3A_517 = arith.constant 288 : index
      %get3A_518 = tpu.vector_load %arg4[%get3A_515, %get3A_516, %get3A_517] {strides = array<i32>} : memref<2x56x384xf32, #tpu.memory_space<vmem>>, vector<1x1x16xf32>,
      %get3A_519 = vector.shape_cast %get3A_518 : vector<1x1x16xf32> to vector<16xf32>
      %add3A_520 = arith.addf %scan3A_383, %get3A_519 : vector<16xf32>
      %get3A_521 = arith.constant 1 : i32
      %get3A_522 = arith.index_cast %get3A_521 : i32 to index
      %get3A_523 = arith.index_cast %scan3A_364 : i32 to index
      %get3A_524 = arith.constant 304 : index
      %get3A_525 = tpu.vector_load %arg4[%get3A_522, %get3A_523, %get3A_524] {strides = array<i32>} : memref<2x56x384xf32, #tpu.memory_space<vmem>>, vector<1x1x16xf32>,
      %get3A_526 = vector.shape_cast %get3A_525 : vector<1x1x16xf32> to vector<16xf32>
      %add3A_527 = arith.addf %scan3A_384, %get3A_526 : vector<16xf32>
      %get3A_528 = arith.constant 1 : i32
      %get3A_529 = arith.index_cast %get3A_528 : i32 to index
      %get3A_530 = arith.index_cast %scan3A_364 : i32 to index
      %get3A_531 = arith.constant 320 : index
      %get3A_532 = tpu.vector_load %arg4[%get3A_529, %get3A_530, %get3A_531] {strides = array<i32>} : memref<2x56x384xf32, #tpu.memory_space<vmem>>, vector<1x1x16xf32>,
      %get3A_533 = vector.shape_cast %get3A_532 : vector<1x1x16xf32> to vector<16xf32>
      %add3A_534 = arith.addf %scan3A_385, %get3A_533 : vector<16xf32>
      %get3A_535 = arith.constant 1 : i32
      %get3A_536 = arith.index_cast %get3A_535 : i32 to index
      %get3A_537 = arith.index_cast %scan3A_364 : i32 to index
      %get3A_538 = arith.constant 336 : index
      %get3A_539 = tpu.vector_load %arg4[%get3A_536, %get3A_537, %get3A_538] {strides = array<i32>} : memref<2x56x384xf32, #tpu.memory_space<vmem>>, vector<1x1x16xf32>,
      %get3A_540 = vector.shape_cast %get3A_539 : vector<1x1x16xf32> to vector<16xf32>
      %add3A_541 = arith.addf %scan3A_386, %get3A_540 : vector<16xf32>
      %get3A_542 = arith.constant 1 : i32
      %get3A_543 = arith.index_cast %get3A_542 : i32 to index
      %get3A_544 = arith.index_cast %scan3A_364 : i32 to index
      %get3A_545 = arith.constant 352 : index
      %get3A_546 = tpu.vector_load %arg4[%get3A_543, %get3A_544, %get3A_545] {strides = array<i32>} : memref<2x56x384xf32, #tpu.memory_space<vmem>>, vector<1x1x16xf32>,
      %get3A_547 = vector.shape_cast %get3A_546 : vector<1x1x16xf32> to vector<16xf32>
      %add3A_548 = arith.addf %scan3A_387, %get3A_547 : vector<16xf32>
      %get3A_549 = arith.constant 1 : i32
      %get3A_550 = arith.index_cast %get3A_549 : i32 to index
      %get3A_551 = arith.index_cast %scan3A_364 : i32 to index
      %get3A_552 = arith.constant 368 : index
      %get3A_553 = tpu.vector_load %arg4[%get3A_550, %get3A_551, %get3A_552] {strides = array<i32>} : memref<2x56x384xf32, #tpu.memory_space<vmem>>, vector<1x1x16xf32>,
      %get3A_554 = vector.shape_cast %get3A_553 : vector<1x1x16xf32> to vector<16xf32>
      %add3A_555 = arith.addf %scan3A_388, %get3A_554 : vector<16xf32>
      scf.yield %add3A_394, %add3A_401, %add3A_408, %add3A_415, %add3A_422, %add3A_429, %add3A_436, %add3A_443, %add3A_450, %add3A_457, %add3A_464, %add3A_471, %add3A_478, %add3A_485, %add3A_492, %add3A_499, %add3A_506, %add3A_513, %add3A_520, %add3A_527, %add3A_534, %add3A_541, %add3A_548, %add3A_555 : vector<16xf32>, vector<16xf32>, vector<16xf32>, vector<16xf32>, vector<16xf32>, vector<16xf32>, vector<16xf32>, vector<16xf32>, vector<16xf32>, vector<16xf32>, vector<16xf32>, vector<16xf32>, vector<16xf32>, vector<16xf32>, vector<16xf32>, vector<16xf32>, vector<16xf32>, vector<16xf32>, vector<16xf32>, vector<16xf32>, vector<16xf32>, vector<16xf32>, vector<16xf32>, vector<16xf32>
    }
    %scan3A_214 = arith.constant 56 : i32
    %dma_start3A_215 = arith.constant 54 : i32
    %dma_start3A_216 = arith.constant 0 : i32
    %dma_start3A_217 = arith.constant 0 : i32
    %dma_start3A_218 = tpu.memref_slice %arg2[%add3A, %dma_start3A_215, %dma_start3A_216, %dma_start3A_217] : memref<32x56x56x384xf32, #tpu.memory_space<hbm>> -> memref<1x2x56x384xf32, #tpu.memory_space<hbm>>
    %dma_start3A_219 = tpu.memref_squeeze %dma_start3A_218 : memref<1x2x56x384xf32, #tpu.memory_space<hbm>> -> memref<2x56x384xf32, #tpu.memory_space<hbm>>
    %dma_start3A_220 = arith.constant 54 : i32
    %dma_start3A_221 = arith.constant 0 : i32
    %dma_start3A_222 = arith.constant 0 : i32
    %dma_start3A_223 = tpu.memref_slice %arg2[%add3A, %dma_start3A_220, %dma_start3A_221, %dma_start3A_222] : memref<32x56x56x384xf32, #tpu.memory_space<hbm>> -> memref<1x2x56x384xf32, #tpu.memory_space<hbm>>
    %dma_start3A_224 = tpu.memref_squeeze %dma_start3A_223 : memref<1x2x56x384xf32, #tpu.memory_space<hbm>> -> memref<2x56x384xf32, #tpu.memory_space<hbm>>
    tpu.enqueue_dma source(%dma_start3A_224 : memref<2x56x384xf32, #tpu.memory_space<hbm>>) target(%arg4 : memref<2x56x384xf32, #tpu.memory_space<vmem>>) target_semaphore(%arg7 : memref<!tpu.dma_semaphore, #tpu.memory_space<semaphore_mem>>)
    %dma_wait3A_225 = arith.constant 52 : i32
    %dma_wait3A_226 = arith.constant 0 : i32
    %dma_wait3A_227 = arith.constant 0 : i32
    %dma_wait3A_228 = tpu.memref_slice %arg2[%add3A, %dma_wait3A_225, %dma_wait3A_226, %dma_wait3A_227] : memref<32x56x56x384xf32, #tpu.memory_space<hbm>> -> memref<1x2x56x384xf32, #tpu.memory_space<hbm>>
    %dma_wait3A_229 = tpu.memref_squeeze %dma_wait3A_228 : memref<1x2x56x384xf32, #tpu.memory_space<hbm>> -> memref<2x56x384xf32, #tpu.memory_space<hbm>>
    %dma_wait3A_230 = arith.constant 52 : i32
    %dma_wait3A_231 = arith.constant 0 : i32
    %dma_wait3A_232 = arith.constant 0 : i32
    %dma_wait3A_233 = tpu.memref_slice %arg2[%add3A, %dma_wait3A_230, %dma_wait3A_231, %dma_wait3A_232] : memref<32x56x56x384xf32, #tpu.memory_space<hbm>> -> memref<1x2x56x384xf32, #tpu.memory_space<hbm>>
    %dma_wait3A_234 = tpu.memref_squeeze %dma_wait3A_233 : memref<1x2x56x384xf32, #tpu.memory_space<hbm>> -> memref<2x56x384xf32, #tpu.memory_space<hbm>>
    tpu.wait_dma2 semaphore(%arg8 : memref<!tpu.dma_semaphore, #tpu.memory_space<semaphore_mem>>) src(%dma_wait3A_234 : memref<2x56x384xf32, #tpu.memory_space<hbm>>) dst(%arg5 : memref<2x56x384xf32, #tpu.memory_space<vmem>>)
    %scan3A_235 = arith.constant 0 : i32
    %scan3A_236 = arith.constant 56 : i32
    %scan3A_237 = arith.addi %scan3A_235, %scan3A_236 : i32
    %scan3A_238 = arith.constant 1 : i32
    %scan3A_239:24 = scf.for %scan3A_364 = %scan3A_235 to %scan3A_237 step %scan3A_238 iter_args(%scan3A_365 = %scan3A_213#0, %scan3A_366 = %scan3A_213#1, %scan3A_367 = %scan3A_213#2, %scan3A_368 = %scan3A_213#3, %scan3A_369 = %scan3A_213#4, %scan3A_370 = %scan3A_213#5, %scan3A_371 = %scan3A_213#6, %scan3A_372 = %scan3A_213#7, %scan3A_373 = %scan3A_213#8, %scan3A_374 = %scan3A_213#9, %scan3A_375 = %scan3A_213#10, %scan3A_376 = %scan3A_213#11, %scan3A_377 = %scan3A_213#12, %scan3A_378 = %scan3A_213#13, %scan3A_379 = %scan3A_213#14, %scan3A_380 = %scan3A_213#15, %scan3A_381 = %scan3A_213#16, %scan3A_382 = %scan3A_213#17, %scan3A_383 = %scan3A_213#18, %scan3A_384 = %scan3A_213#19, %scan3A_385 = %scan3A_213#20, %scan3A_386 = %scan3A_213#21, %scan3A_387 = %scan3A_213#22, %scan3A_388 = %scan3A_213#23) -> (vector<16xf32>, vector<16xf32>, vector<16xf32>, vector<16xf32>, vector<16xf32>, vector<16xf32>, vector<16xf32>, vector<16xf32>, vector<16xf32>, vector<16xf32>, vector<16xf32>, vector<16xf32>, vector<16xf32>, vector<16xf32>, vector<16xf32>, vector<16xf32>, vector<16xf32>, vector<16xf32>, vector<16xf32>, vector<16xf32>, vector<16xf32>, vector<16xf32>, vector<16xf32>, vector<16xf32>)  : i32 {
      %get3A = arith.constant 0 : i32
      %get3A_389 = arith.index_cast %get3A : i32 to index
      %get3A_390 = arith.index_cast %scan3A_364 : i32 to index
      %get3A_391 = arith.constant 0 : index
      %get3A_392 = tpu.vector_load %arg5[%get3A_389, %get3A_390, %get3A_391] {strides = array<i32>} : memref<2x56x384xf32, #tpu.memory_space<vmem>>, vector<1x1x16xf32>,
      %get3A_393 = vector.shape_cast %get3A_392 : vector<1x1x16xf32> to vector<16xf32>
      %add3A_394 = arith.addf %scan3A_365, %get3A_393 : vector<16xf32>
      %get3A_395 = arith.constant 0 : i32
      %get3A_396 = arith.index_cast %get3A_395 : i32 to index
      %get3A_397 = arith.index_cast %scan3A_364 : i32 to index
      %get3A_398 = arith.constant 16 : index
      %get3A_399 = tpu.vector_load %arg5[%get3A_396, %get3A_397, %get3A_398] {strides = array<i32>} : memref<2x56x384xf32, #tpu.memory_space<vmem>>, vector<1x1x16xf32>,
      %get3A_400 = vector.shape_cast %get3A_399 : vector<1x1x16xf32> to vector<16xf32>
      %add3A_401 = arith.addf %scan3A_366, %get3A_400 : vector<16xf32>
      %get3A_402 = arith.constant 0 : i32
      %get3A_403 = arith.index_cast %get3A_402 : i32 to index
      %get3A_404 = arith.index_cast %scan3A_364 : i32 to index
      %get3A_405 = arith.constant 32 : index
      %get3A_406 = tpu.vector_load %arg5[%get3A_403, %get3A_404, %get3A_405] {strides = array<i32>} : memref<2x56x384xf32, #tpu.memory_space<vmem>>, vector<1x1x16xf32>,
      %get3A_407 = vector.shape_cast %get3A_406 : vector<1x1x16xf32> to vector<16xf32>
      %add3A_408 = arith.addf %scan3A_367, %get3A_407 : vector<16xf32>
      %get3A_409 = arith.constant 0 : i32
      %get3A_410 = arith.index_cast %get3A_409 : i32 to index
      %get3A_411 = arith.index_cast %scan3A_364 : i32 to index
      %get3A_412 = arith.constant 48 : index
      %get3A_413 = tpu.vector_load %arg5[%get3A_410, %get3A_411, %get3A_412] {strides = array<i32>} : memref<2x56x384xf32, #tpu.memory_space<vmem>>, vector<1x1x16xf32>,
      %get3A_414 = vector.shape_cast %get3A_413 : vector<1x1x16xf32> to vector<16xf32>
      %add3A_415 = arith.addf %scan3A_368, %get3A_414 : vector<16xf32>
      %get3A_416 = arith.constant 0 : i32
      %get3A_417 = arith.index_cast %get3A_416 : i32 to index
      %get3A_418 = arith.index_cast %scan3A_364 : i32 to index
      %get3A_419 = arith.constant 64 : index
      %get3A_420 = tpu.vector_load %arg5[%get3A_417, %get3A_418, %get3A_419] {strides = array<i32>} : memref<2x56x384xf32, #tpu.memory_space<vmem>>, vector<1x1x16xf32>,
      %get3A_421 = vector.shape_cast %get3A_420 : vector<1x1x16xf32> to vector<16xf32>
      %add3A_422 = arith.addf %scan3A_369, %get3A_421 : vector<16xf32>
      %get3A_423 = arith.constant 0 : i32
      %get3A_424 = arith.index_cast %get3A_423 : i32 to index
      %get3A_425 = arith.index_cast %scan3A_364 : i32 to index
      %get3A_426 = arith.constant 80 : index
      %get3A_427 = tpu.vector_load %arg5[%get3A_424, %get3A_425, %get3A_426] {strides = array<i32>} : memref<2x56x384xf32, #tpu.memory_space<vmem>>, vector<1x1x16xf32>,
      %get3A_428 = vector.shape_cast %get3A_427 : vector<1x1x16xf32> to vector<16xf32>
      %add3A_429 = arith.addf %scan3A_370, %get3A_428 : vector<16xf32>
      %get3A_430 = arith.constant 0 : i32
      %get3A_431 = arith.index_cast %get3A_430 : i32 to index
      %get3A_432 = arith.index_cast %scan3A_364 : i32 to index
      %get3A_433 = arith.constant 96 : index
      %get3A_434 = tpu.vector_load %arg5[%get3A_431, %get3A_432, %get3A_433] {strides = array<i32>} : memref<2x56x384xf32, #tpu.memory_space<vmem>>, vector<1x1x16xf32>,
      %get3A_435 = vector.shape_cast %get3A_434 : vector<1x1x16xf32> to vector<16xf32>
      %add3A_436 = arith.addf %scan3A_371, %get3A_435 : vector<16xf32>
      %get3A_437 = arith.constant 0 : i32
      %get3A_438 = arith.index_cast %get3A_437 : i32 to index
      %get3A_439 = arith.index_cast %scan3A_364 : i32 to index
      %get3A_440 = arith.constant 112 : index
      %get3A_441 = tpu.vector_load %arg5[%get3A_438, %get3A_439, %get3A_440] {strides = array<i32>} : memref<2x56x384xf32, #tpu.memory_space<vmem>>, vector<1x1x16xf32>,
      %get3A_442 = vector.shape_cast %get3A_441 : vector<1x1x16xf32> to vector<16xf32>
      %add3A_443 = arith.addf %scan3A_372, %get3A_442 : vector<16xf32>
      %get3A_444 = arith.constant 0 : i32
      %get3A_445 = arith.index_cast %get3A_444 : i32 to index
      %get3A_446 = arith.index_cast %scan3A_364 : i32 to index
      %get3A_447 = arith.constant 128 : index
      %get3A_448 = tpu.vector_load %arg5[%get3A_445, %get3A_446, %get3A_447] {strides = array<i32>} : memref<2x56x384xf32, #tpu.memory_space<vmem>>, vector<1x1x16xf32>,
      %get3A_449 = vector.shape_cast %get3A_448 : vector<1x1x16xf32> to vector<16xf32>
      %add3A_450 = arith.addf %scan3A_373, %get3A_449 : vector<16xf32>
      %get3A_451 = arith.constant 0 : i32
      %get3A_452 = arith.index_cast %get3A_451 : i32 to index
      %get3A_453 = arith.index_cast %scan3A_364 : i32 to index
      %get3A_454 = arith.constant 144 : index
      %get3A_455 = tpu.vector_load %arg5[%get3A_452, %get3A_453, %get3A_454] {strides = array<i32>} : memref<2x56x384xf32, #tpu.memory_space<vmem>>, vector<1x1x16xf32>,
      %get3A_456 = vector.shape_cast %get3A_455 : vector<1x1x16xf32> to vector<16xf32>
      %add3A_457 = arith.addf %scan3A_374, %get3A_456 : vector<16xf32>
      %get3A_458 = arith.constant 0 : i32
      %get3A_459 = arith.index_cast %get3A_458 : i32 to index
      %get3A_460 = arith.index_cast %scan3A_364 : i32 to index
      %get3A_461 = arith.constant 160 : index
      %get3A_462 = tpu.vector_load %arg5[%get3A_459, %get3A_460, %get3A_461] {strides = array<i32>} : memref<2x56x384xf32, #tpu.memory_space<vmem>>, vector<1x1x16xf32>,
      %get3A_463 = vector.shape_cast %get3A_462 : vector<1x1x16xf32> to vector<16xf32>
      %add3A_464 = arith.addf %scan3A_375, %get3A_463 : vector<16xf32>
      %get3A_465 = arith.constant 0 : i32
      %get3A_466 = arith.index_cast %get3A_465 : i32 to index
      %get3A_467 = arith.index_cast %scan3A_364 : i32 to index
      %get3A_468 = arith.constant 176 : index
      %get3A_469 = tpu.vector_load %arg5[%get3A_466, %get3A_467, %get3A_468] {strides = array<i32>} : memref<2x56x384xf32, #tpu.memory_space<vmem>>, vector<1x1x16xf32>,
      %get3A_470 = vector.shape_cast %get3A_469 : vector<1x1x16xf32> to vector<16xf32>
      %add3A_471 = arith.addf %scan3A_376, %get3A_470 : vector<16xf32>
      %get3A_472 = arith.constant 0 : i32
      %get3A_473 = arith.index_cast %get3A_472 : i32 to index
      %get3A_474 = arith.index_cast %scan3A_364 : i32 to index
      %get3A_475 = arith.constant 192 : index
      %get3A_476 = tpu.vector_load %arg5[%get3A_473, %get3A_474, %get3A_475] {strides = array<i32>} : memref<2x56x384xf32, #tpu.memory_space<vmem>>, vector<1x1x16xf32>,
      %get3A_477 = vector.shape_cast %get3A_476 : vector<1x1x16xf32> to vector<16xf32>
      %add3A_478 = arith.addf %scan3A_377, %get3A_477 : vector<16xf32>
      %get3A_479 = arith.constant 0 : i32
      %get3A_480 = arith.index_cast %get3A_479 : i32 to index
      %get3A_481 = arith.index_cast %scan3A_364 : i32 to index
      %get3A_482 = arith.constant 208 : index
      %get3A_483 = tpu.vector_load %arg5[%get3A_480, %get3A_481, %get3A_482] {strides = array<i32>} : memref<2x56x384xf32, #tpu.memory_space<vmem>>, vector<1x1x16xf32>,
      %get3A_484 = vector.shape_cast %get3A_483 : vector<1x1x16xf32> to vector<16xf32>
      %add3A_485 = arith.addf %scan3A_378, %get3A_484 : vector<16xf32>
      %get3A_486 = arith.constant 0 : i32
      %get3A_487 = arith.index_cast %get3A_486 : i32 to index
      %get3A_488 = arith.index_cast %scan3A_364 : i32 to index
      %get3A_489 = arith.constant 224 : index
      %get3A_490 = tpu.vector_load %arg5[%get3A_487, %get3A_488, %get3A_489] {strides = array<i32>} : memref<2x56x384xf32, #tpu.memory_space<vmem>>, vector<1x1x16xf32>,
      %get3A_491 = vector.shape_cast %get3A_490 : vector<1x1x16xf32> to vector<16xf32>
      %add3A_492 = arith.addf %scan3A_379, %get3A_491 : vector<16xf32>
      %get3A_493 = arith.constant 0 : i32
      %get3A_494 = arith.index_cast %get3A_493 : i32 to index
      %get3A_495 = arith.index_cast %scan3A_364 : i32 to index
      %get3A_496 = arith.constant 240 : index
      %get3A_497 = tpu.vector_load %arg5[%get3A_494, %get3A_495, %get3A_496] {strides = array<i32>} : memref<2x56x384xf32, #tpu.memory_space<vmem>>, vector<1x1x16xf32>,
      %get3A_498 = vector.shape_cast %get3A_497 : vector<1x1x16xf32> to vector<16xf32>
      %add3A_499 = arith.addf %scan3A_380, %get3A_498 : vector<16xf32>
      %get3A_500 = arith.constant 0 : i32
      %get3A_501 = arith.index_cast %get3A_500 : i32 to index
      %get3A_502 = arith.index_cast %scan3A_364 : i32 to index
      %get3A_503 = arith.constant 256 : index
      %get3A_504 = tpu.vector_load %arg5[%get3A_501, %get3A_502, %get3A_503] {strides = array<i32>} : memref<2x56x384xf32, #tpu.memory_space<vmem>>, vector<1x1x16xf32>,
      %get3A_505 = vector.shape_cast %get3A_504 : vector<1x1x16xf32> to vector<16xf32>
      %add3A_506 = arith.addf %scan3A_381, %get3A_505 : vector<16xf32>
      %get3A_507 = arith.constant 0 : i32
      %get3A_508 = arith.index_cast %get3A_507 : i32 to index
      %get3A_509 = arith.index_cast %scan3A_364 : i32 to index
      %get3A_510 = arith.constant 272 : index
      %get3A_511 = tpu.vector_load %arg5[%get3A_508, %get3A_509, %get3A_510] {strides = array<i32>} : memref<2x56x384xf32, #tpu.memory_space<vmem>>, vector<1x1x16xf32>,
      %get3A_512 = vector.shape_cast %get3A_511 : vector<1x1x16xf32> to vector<16xf32>
      %add3A_513 = arith.addf %scan3A_382, %get3A_512 : vector<16xf32>
      %get3A_514 = arith.constant 0 : i32
      %get3A_515 = arith.index_cast %get3A_514 : i32 to index
      %get3A_516 = arith.index_cast %scan3A_364 : i32 to index
      %get3A_517 = arith.constant 288 : index
      %get3A_518 = tpu.vector_load %arg5[%get3A_515, %get3A_516, %get3A_517] {strides = array<i32>} : memref<2x56x384xf32, #tpu.memory_space<vmem>>, vector<1x1x16xf32>,
      %get3A_519 = vector.shape_cast %get3A_518 : vector<1x1x16xf32> to vector<16xf32>
      %add3A_520 = arith.addf %scan3A_383, %get3A_519 : vector<16xf32>
      %get3A_521 = arith.constant 0 : i32
      %get3A_522 = arith.index_cast %get3A_521 : i32 to index
      %get3A_523 = arith.index_cast %scan3A_364 : i32 to index
      %get3A_524 = arith.constant 304 : index
      %get3A_525 = tpu.vector_load %arg5[%get3A_522, %get3A_523, %get3A_524] {strides = array<i32>} : memref<2x56x384xf32, #tpu.memory_space<vmem>>, vector<1x1x16xf32>,
      %get3A_526 = vector.shape_cast %get3A_525 : vector<1x1x16xf32> to vector<16xf32>
      %add3A_527 = arith.addf %scan3A_384, %get3A_526 : vector<16xf32>
      %get3A_528 = arith.constant 0 : i32
      %get3A_529 = arith.index_cast %get3A_528 : i32 to index
      %get3A_530 = arith.index_cast %scan3A_364 : i32 to index
      %get3A_531 = arith.constant 320 : index
      %get3A_532 = tpu.vector_load %arg5[%get3A_529, %get3A_530, %get3A_531] {strides = array<i32>} : memref<2x56x384xf32, #tpu.memory_space<vmem>>, vector<1x1x16xf32>,
      %get3A_533 = vector.shape_cast %get3A_532 : vector<1x1x16xf32> to vector<16xf32>
      %add3A_534 = arith.addf %scan3A_385, %get3A_533 : vector<16xf32>
      %get3A_535 = arith.constant 0 : i32
      %get3A_536 = arith.index_cast %get3A_535 : i32 to index
      %get3A_537 = arith.index_cast %scan3A_364 : i32 to index
      %get3A_538 = arith.constant 336 : index
      %get3A_539 = tpu.vector_load %arg5[%get3A_536, %get3A_537, %get3A_538] {strides = array<i32>} : memref<2x56x384xf32, #tpu.memory_space<vmem>>, vector<1x1x16xf32>,
      %get3A_540 = vector.shape_cast %get3A_539 : vector<1x1x16xf32> to vector<16xf32>
      %add3A_541 = arith.addf %scan3A_386, %get3A_540 : vector<16xf32>
      %get3A_542 = arith.constant 0 : i32
      %get3A_543 = arith.index_cast %get3A_542 : i32 to index
      %get3A_544 = arith.index_cast %scan3A_364 : i32 to index
      %get3A_545 = arith.constant 352 : index
      %get3A_546 = tpu.vector_load %arg5[%get3A_543, %get3A_544, %get3A_545] {strides = array<i32>} : memref<2x56x384xf32, #tpu.memory_space<vmem>>, vector<1x1x16xf32>,
      %get3A_547 = vector.shape_cast %get3A_546 : vector<1x1x16xf32> to vector<16xf32>
      %add3A_548 = arith.addf %scan3A_387, %get3A_547 : vector<16xf32>
      %get3A_549 = arith.constant 0 : i32
      %get3A_550 = arith.index_cast %get3A_549 : i32 to index
      %get3A_551 = arith.index_cast %scan3A_364 : i32 to index
      %get3A_552 = arith.constant 368 : index
      %get3A_553 = tpu.vector_load %arg5[%get3A_550, %get3A_551, %get3A_552] {strides = array<i32>} : memref<2x56x384xf32, #tpu.memory_space<vmem>>, vector<1x1x16xf32>,
      %get3A_554 = vector.shape_cast %get3A_553 : vector<1x1x16xf32> to vector<16xf32>
      %add3A_555 = arith.addf %scan3A_388, %get3A_554 : vector<16xf32>
      scf.yield %add3A_394, %add3A_401, %add3A_408, %add3A_415, %add3A_422, %add3A_429, %add3A_436, %add3A_443, %add3A_450, %add3A_457, %add3A_464, %add3A_471, %add3A_478, %add3A_485, %add3A_492, %add3A_499, %add3A_506, %add3A_513, %add3A_520, %add3A_527, %add3A_534, %add3A_541, %add3A_548, %add3A_555 : vector<16xf32>, vector<16xf32>, vector<16xf32>, vector<16xf32>, vector<16xf32>, vector<16xf32>, vector<16xf32>, vector<16xf32>, vector<16xf32>, vector<16xf32>, vector<16xf32>, vector<16xf32>, vector<16xf32>, vector<16xf32>, vector<16xf32>, vector<16xf32>, vector<16xf32>, vector<16xf32>, vector<16xf32>, vector<16xf32>, vector<16xf32>, vector<16xf32>, vector<16xf32>, vector<16xf32>
    }
    %scan3A_240 = arith.constant 56 : i32
    %scan3A_241 = arith.constant 0 : i32
    %scan3A_242 = arith.constant 56 : i32
    %scan3A_243 = arith.addi %scan3A_241, %scan3A_242 : i32
    %scan3A_244 = arith.constant 1 : i32
    %scan3A_245:24 = scf.for %scan3A_364 = %scan3A_241 to %scan3A_243 step %scan3A_244 iter_args(%scan3A_365 = %scan3A_239#0, %scan3A_366 = %scan3A_239#1, %scan3A_367 = %scan3A_239#2, %scan3A_368 = %scan3A_239#3, %scan3A_369 = %scan3A_239#4, %scan3A_370 = %scan3A_239#5, %scan3A_371 = %scan3A_239#6, %scan3A_372 = %scan3A_239#7, %scan3A_373 = %scan3A_239#8, %scan3A_374 = %scan3A_239#9, %scan3A_375 = %scan3A_239#10, %scan3A_376 = %scan3A_239#11, %scan3A_377 = %scan3A_239#12, %scan3A_378 = %scan3A_239#13, %scan3A_379 = %scan3A_239#14, %scan3A_380 = %scan3A_239#15, %scan3A_381 = %scan3A_239#16, %scan3A_382 = %scan3A_239#17, %scan3A_383 = %scan3A_239#18, %scan3A_384 = %scan3A_239#19, %scan3A_385 = %scan3A_239#20, %scan3A_386 = %scan3A_239#21, %scan3A_387 = %scan3A_239#22, %scan3A_388 = %scan3A_239#23) -> (vector<16xf32>, vector<16xf32>, vector<16xf32>, vector<16xf32>, vector<16xf32>, vector<16xf32>, vector<16xf32>, vector<16xf32>, vector<16xf32>, vector<16xf32>, vector<16xf32>, vector<16xf32>, vector<16xf32>, vector<16xf32>, vector<16xf32>, vector<16xf32>, vector<16xf32>, vector<16xf32>, vector<16xf32>, vector<16xf32>, vector<16xf32>, vector<16xf32>, vector<16xf32>, vector<16xf32>)  : i32 {
      %get3A = arith.constant 1 : i32
      %get3A_389 = arith.index_cast %get3A : i32 to index
      %get3A_390 = arith.index_cast %scan3A_364 : i32 to index
      %get3A_391 = arith.constant 0 : index
      %get3A_392 = tpu.vector_load %arg5[%get3A_389, %get3A_390, %get3A_391] {strides = array<i32>} : memref<2x56x384xf32, #tpu.memory_space<vmem>>, vector<1x1x16xf32>,
      %get3A_393 = vector.shape_cast %get3A_392 : vector<1x1x16xf32> to vector<16xf32>
      %add3A_394 = arith.addf %scan3A_365, %get3A_393 : vector<16xf32>
      %get3A_395 = arith.constant 1 : i32
      %get3A_396 = arith.index_cast %get3A_395 : i32 to index
      %get3A_397 = arith.index_cast %scan3A_364 : i32 to index
      %get3A_398 = arith.constant 16 : index
      %get3A_399 = tpu.vector_load %arg5[%get3A_396, %get3A_397, %get3A_398] {strides = array<i32>} : memref<2x56x384xf32, #tpu.memory_space<vmem>>, vector<1x1x16xf32>,
      %get3A_400 = vector.shape_cast %get3A_399 : vector<1x1x16xf32> to vector<16xf32>
      %add3A_401 = arith.addf %scan3A_366, %get3A_400 : vector<16xf32>
      %get3A_402 = arith.constant 1 : i32
      %get3A_403 = arith.index_cast %get3A_402 : i32 to index
      %get3A_404 = arith.index_cast %scan3A_364 : i32 to index
      %get3A_405 = arith.constant 32 : index
      %get3A_406 = tpu.vector_load %arg5[%get3A_403, %get3A_404, %get3A_405] {strides = array<i32>} : memref<2x56x384xf32, #tpu.memory_space<vmem>>, vector<1x1x16xf32>,
      %get3A_407 = vector.shape_cast %get3A_406 : vector<1x1x16xf32> to vector<16xf32>
      %add3A_408 = arith.addf %scan3A_367, %get3A_407 : vector<16xf32>
      %get3A_409 = arith.constant 1 : i32
      %get3A_410 = arith.index_cast %get3A_409 : i32 to index
      %get3A_411 = arith.index_cast %scan3A_364 : i32 to index
      %get3A_412 = arith.constant 48 : index
      %get3A_413 = tpu.vector_load %arg5[%get3A_410, %get3A_411, %get3A_412] {strides = array<i32>} : memref<2x56x384xf32, #tpu.memory_space<vmem>>, vector<1x1x16xf32>,
      %get3A_414 = vector.shape_cast %get3A_413 : vector<1x1x16xf32> to vector<16xf32>
      %add3A_415 = arith.addf %scan3A_368, %get3A_414 : vector<16xf32>
      %get3A_416 = arith.constant 1 : i32
      %get3A_417 = arith.index_cast %get3A_416 : i32 to index
      %get3A_418 = arith.index_cast %scan3A_364 : i32 to index
      %get3A_419 = arith.constant 64 : index
      %get3A_420 = tpu.vector_load %arg5[%get3A_417, %get3A_418, %get3A_419] {strides = array<i32>} : memref<2x56x384xf32, #tpu.memory_space<vmem>>, vector<1x1x16xf32>,
      %get3A_421 = vector.shape_cast %get3A_420 : vector<1x1x16xf32> to vector<16xf32>
      %add3A_422 = arith.addf %scan3A_369, %get3A_421 : vector<16xf32>
      %get3A_423 = arith.constant 1 : i32
      %get3A_424 = arith.index_cast %get3A_423 : i32 to index
      %get3A_425 = arith.index_cast %scan3A_364 : i32 to index
      %get3A_426 = arith.constant 80 : index
      %get3A_427 = tpu.vector_load %arg5[%get3A_424, %get3A_425, %get3A_426] {strides = array<i32>} : memref<2x56x384xf32, #tpu.memory_space<vmem>>, vector<1x1x16xf32>,
      %get3A_428 = vector.shape_cast %get3A_427 : vector<1x1x16xf32> to vector<16xf32>
      %add3A_429 = arith.addf %scan3A_370, %get3A_428 : vector<16xf32>
      %get3A_430 = arith.constant 1 : i32
      %get3A_431 = arith.index_cast %get3A_430 : i32 to index
      %get3A_432 = arith.index_cast %scan3A_364 : i32 to index
      %get3A_433 = arith.constant 96 : index
      %get3A_434 = tpu.vector_load %arg5[%get3A_431, %get3A_432, %get3A_433] {strides = array<i32>} : memref<2x56x384xf32, #tpu.memory_space<vmem>>, vector<1x1x16xf32>,
      %get3A_435 = vector.shape_cast %get3A_434 : vector<1x1x16xf32> to vector<16xf32>
      %add3A_436 = arith.addf %scan3A_371, %get3A_435 : vector<16xf32>
      %get3A_437 = arith.constant 1 : i32
      %get3A_438 = arith.index_cast %get3A_437 : i32 to index
      %get3A_439 = arith.index_cast %scan3A_364 : i32 to index
      %get3A_440 = arith.constant 112 : index
      %get3A_441 = tpu.vector_load %arg5[%get3A_438, %get3A_439, %get3A_440] {strides = array<i32>} : memref<2x56x384xf32, #tpu.memory_space<vmem>>, vector<1x1x16xf32>,
      %get3A_442 = vector.shape_cast %get3A_441 : vector<1x1x16xf32> to vector<16xf32>
      %add3A_443 = arith.addf %scan3A_372, %get3A_442 : vector<16xf32>
      %get3A_444 = arith.constant 1 : i32
      %get3A_445 = arith.index_cast %get3A_444 : i32 to index
      %get3A_446 = arith.index_cast %scan3A_364 : i32 to index
      %get3A_447 = arith.constant 128 : index
      %get3A_448 = tpu.vector_load %arg5[%get3A_445, %get3A_446, %get3A_447] {strides = array<i32>} : memref<2x56x384xf32, #tpu.memory_space<vmem>>, vector<1x1x16xf32>,
      %get3A_449 = vector.shape_cast %get3A_448 : vector<1x1x16xf32> to vector<16xf32>
      %add3A_450 = arith.addf %scan3A_373, %get3A_449 : vector<16xf32>
      %get3A_451 = arith.constant 1 : i32
      %get3A_452 = arith.index_cast %get3A_451 : i32 to index
      %get3A_453 = arith.index_cast %scan3A_364 : i32 to index
      %get3A_454 = arith.constant 144 : index
      %get3A_455 = tpu.vector_load %arg5[%get3A_452, %get3A_453, %get3A_454] {strides = array<i32>} : memref<2x56x384xf32, #tpu.memory_space<vmem>>, vector<1x1x16xf32>,
      %get3A_456 = vector.shape_cast %get3A_455 : vector<1x1x16xf32> to vector<16xf32>
      %add3A_457 = arith.addf %scan3A_374, %get3A_456 : vector<16xf32>
      %get3A_458 = arith.constant 1 : i32
      %get3A_459 = arith.index_cast %get3A_458 : i32 to index
      %get3A_460 = arith.index_cast %scan3A_364 : i32 to index
      %get3A_461 = arith.constant 160 : index
      %get3A_462 = tpu.vector_load %arg5[%get3A_459, %get3A_460, %get3A_461] {strides = array<i32>} : memref<2x56x384xf32, #tpu.memory_space<vmem>>, vector<1x1x16xf32>,
      %get3A_463 = vector.shape_cast %get3A_462 : vector<1x1x16xf32> to vector<16xf32>
      %add3A_464 = arith.addf %scan3A_375, %get3A_463 : vector<16xf32>
      %get3A_465 = arith.constant 1 : i32
      %get3A_466 = arith.index_cast %get3A_465 : i32 to index
      %get3A_467 = arith.index_cast %scan3A_364 : i32 to index
      %get3A_468 = arith.constant 176 : index
      %get3A_469 = tpu.vector_load %arg5[%get3A_466, %get3A_467, %get3A_468] {strides = array<i32>} : memref<2x56x384xf32, #tpu.memory_space<vmem>>, vector<1x1x16xf32>,
      %get3A_470 = vector.shape_cast %get3A_469 : vector<1x1x16xf32> to vector<16xf32>
      %add3A_471 = arith.addf %scan3A_376, %get3A_470 : vector<16xf32>
      %get3A_472 = arith.constant 1 : i32
      %get3A_473 = arith.index_cast %get3A_472 : i32 to index
      %get3A_474 = arith.index_cast %scan3A_364 : i32 to index
      %get3A_475 = arith.constant 192 : index
      %get3A_476 = tpu.vector_load %arg5[%get3A_473, %get3A_474, %get3A_475] {strides = array<i32>} : memref<2x56x384xf32, #tpu.memory_space<vmem>>, vector<1x1x16xf32>,
      %get3A_477 = vector.shape_cast %get3A_476 : vector<1x1x16xf32> to vector<16xf32>
      %add3A_478 = arith.addf %scan3A_377, %get3A_477 : vector<16xf32>
      %get3A_479 = arith.constant 1 : i32
      %get3A_480 = arith.index_cast %get3A_479 : i32 to index
      %get3A_481 = arith.index_cast %scan3A_364 : i32 to index
      %get3A_482 = arith.constant 208 : index
      %get3A_483 = tpu.vector_load %arg5[%get3A_480, %get3A_481, %get3A_482] {strides = array<i32>} : memref<2x56x384xf32, #tpu.memory_space<vmem>>, vector<1x1x16xf32>,
      %get3A_484 = vector.shape_cast %get3A_483 : vector<1x1x16xf32> to vector<16xf32>
      %add3A_485 = arith.addf %scan3A_378, %get3A_484 : vector<16xf32>
      %get3A_486 = arith.constant 1 : i32
      %get3A_487 = arith.index_cast %get3A_486 : i32 to index
      %get3A_488 = arith.index_cast %scan3A_364 : i32 to index
      %get3A_489 = arith.constant 224 : index
      %get3A_490 = tpu.vector_load %arg5[%get3A_487, %get3A_488, %get3A_489] {strides = array<i32>} : memref<2x56x384xf32, #tpu.memory_space<vmem>>, vector<1x1x16xf32>,
      %get3A_491 = vector.shape_cast %get3A_490 : vector<1x1x16xf32> to vector<16xf32>
      %add3A_492 = arith.addf %scan3A_379, %get3A_491 : vector<16xf32>
      %get3A_493 = arith.constant 1 : i32
      %get3A_494 = arith.index_cast %get3A_493 : i32 to index
      %get3A_495 = arith.index_cast %scan3A_364 : i32 to index
      %get3A_496 = arith.constant 240 : index
      %get3A_497 = tpu.vector_load %arg5[%get3A_494, %get3A_495, %get3A_496] {strides = array<i32>} : memref<2x56x384xf32, #tpu.memory_space<vmem>>, vector<1x1x16xf32>,
      %get3A_498 = vector.shape_cast %get3A_497 : vector<1x1x16xf32> to vector<16xf32>
      %add3A_499 = arith.addf %scan3A_380, %get3A_498 : vector<16xf32>
      %get3A_500 = arith.constant 1 : i32
      %get3A_501 = arith.index_cast %get3A_500 : i32 to index
      %get3A_502 = arith.index_cast %scan3A_364 : i32 to index
      %get3A_503 = arith.constant 256 : index
      %get3A_504 = tpu.vector_load %arg5[%get3A_501, %get3A_502, %get3A_503] {strides = array<i32>} : memref<2x56x384xf32, #tpu.memory_space<vmem>>, vector<1x1x16xf32>,
      %get3A_505 = vector.shape_cast %get3A_504 : vector<1x1x16xf32> to vector<16xf32>
      %add3A_506 = arith.addf %scan3A_381, %get3A_505 : vector<16xf32>
      %get3A_507 = arith.constant 1 : i32
      %get3A_508 = arith.index_cast %get3A_507 : i32 to index
      %get3A_509 = arith.index_cast %scan3A_364 : i32 to index
      %get3A_510 = arith.constant 272 : index
      %get3A_511 = tpu.vector_load %arg5[%get3A_508, %get3A_509, %get3A_510] {strides = array<i32>} : memref<2x56x384xf32, #tpu.memory_space<vmem>>, vector<1x1x16xf32>,
      %get3A_512 = vector.shape_cast %get3A_511 : vector<1x1x16xf32> to vector<16xf32>
      %add3A_513 = arith.addf %scan3A_382, %get3A_512 : vector<16xf32>
      %get3A_514 = arith.constant 1 : i32
      %get3A_515 = arith.index_cast %get3A_514 : i32 to index
      %get3A_516 = arith.index_cast %scan3A_364 : i32 to index
      %get3A_517 = arith.constant 288 : index
      %get3A_518 = tpu.vector_load %arg5[%get3A_515, %get3A_516, %get3A_517] {strides = array<i32>} : memref<2x56x384xf32, #tpu.memory_space<vmem>>, vector<1x1x16xf32>,
      %get3A_519 = vector.shape_cast %get3A_518 : vector<1x1x16xf32> to vector<16xf32>
      %add3A_520 = arith.addf %scan3A_383, %get3A_519 : vector<16xf32>
      %get3A_521 = arith.constant 1 : i32
      %get3A_522 = arith.index_cast %get3A_521 : i32 to index
      %get3A_523 = arith.index_cast %scan3A_364 : i32 to index
      %get3A_524 = arith.constant 304 : index
      %get3A_525 = tpu.vector_load %arg5[%get3A_522, %get3A_523, %get3A_524] {strides = array<i32>} : memref<2x56x384xf32, #tpu.memory_space<vmem>>, vector<1x1x16xf32>,
      %get3A_526 = vector.shape_cast %get3A_525 : vector<1x1x16xf32> to vector<16xf32>
      %add3A_527 = arith.addf %scan3A_384, %get3A_526 : vector<16xf32>
      %get3A_528 = arith.constant 1 : i32
      %get3A_529 = arith.index_cast %get3A_528 : i32 to index
      %get3A_530 = arith.index_cast %scan3A_364 : i32 to index
      %get3A_531 = arith.constant 320 : index
      %get3A_532 = tpu.vector_load %arg5[%get3A_529, %get3A_530, %get3A_531] {strides = array<i32>} : memref<2x56x384xf32, #tpu.memory_space<vmem>>, vector<1x1x16xf32>,
      %get3A_533 = vector.shape_cast %get3A_532 : vector<1x1x16xf32> to vector<16xf32>
      %add3A_534 = arith.addf %scan3A_385, %get3A_533 : vector<16xf32>
      %get3A_535 = arith.constant 1 : i32
      %get3A_536 = arith.index_cast %get3A_535 : i32 to index
      %get3A_537 = arith.index_cast %scan3A_364 : i32 to index
      %get3A_538 = arith.constant 336 : index
      %get3A_539 = tpu.vector_load %arg5[%get3A_536, %get3A_537, %get3A_538] {strides = array<i32>} : memref<2x56x384xf32, #tpu.memory_space<vmem>>, vector<1x1x16xf32>,
      %get3A_540 = vector.shape_cast %get3A_539 : vector<1x1x16xf32> to vector<16xf32>
      %add3A_541 = arith.addf %scan3A_386, %get3A_540 : vector<16xf32>
      %get3A_542 = arith.constant 1 : i32
      %get3A_543 = arith.index_cast %get3A_542 : i32 to index
      %get3A_544 = arith.index_cast %scan3A_364 : i32 to index
      %get3A_545 = arith.constant 352 : index
      %get3A_546 = tpu.vector_load %arg5[%get3A_543, %get3A_544, %get3A_545] {strides = array<i32>} : memref<2x56x384xf32, #tpu.memory_space<vmem>>, vector<1x1x16xf32>,
      %get3A_547 = vector.shape_cast %get3A_546 : vector<1x1x16xf32> to vector<16xf32>
      %add3A_548 = arith.addf %scan3A_387, %get3A_547 : vector<16xf32>
      %get3A_549 = arith.constant 1 : i32
      %get3A_550 = arith.index_cast %get3A_549 : i32 to index
      %get3A_551 = arith.index_cast %scan3A_364 : i32 to index
      %get3A_552 = arith.constant 368 : index
      %get3A_553 = tpu.vector_load %arg5[%get3A_550, %get3A_551, %get3A_552] {strides = array<i32>} : memref<2x56x384xf32, #tpu.memory_space<vmem>>, vector<1x1x16xf32>,
      %get3A_554 = vector.shape_cast %get3A_553 : vector<1x1x16xf32> to vector<16xf32>
      %add3A_555 = arith.addf %scan3A_388, %get3A_554 : vector<16xf32>
      scf.yield %add3A_394, %add3A_401, %add3A_408, %add3A_415, %add3A_422, %add3A_429, %add3A_436, %add3A_443, %add3A_450, %add3A_457, %add3A_464, %add3A_471, %add3A_478, %add3A_485, %add3A_492, %add3A_499, %add3A_506, %add3A_513, %add3A_520, %add3A_527, %add3A_534, %add3A_541, %add3A_548, %add3A_555 : vector<16xf32>, vector<16xf32>, vector<16xf32>, vector<16xf32>, vector<16xf32>, vector<16xf32>, vector<16xf32>, vector<16xf32>, vector<16xf32>, vector<16xf32>, vector<16xf32>, vector<16xf32>, vector<16xf32>, vector<16xf32>, vector<16xf32>, vector<16xf32>, vector<16xf32>, vector<16xf32>, vector<16xf32>, vector<16xf32>, vector<16xf32>, vector<16xf32>, vector<16xf32>, vector<16xf32>
    }
    %scan3A_246 = arith.constant 56 : i32
    %dma_wait3A_247 = arith.constant 54 : i32
    %dma_wait3A_248 = arith.constant 0 : i32
    %dma_wait3A_249 = arith.constant 0 : i32
    %dma_wait3A_250 = tpu.memref_slice %arg2[%add3A, %dma_wait3A_247, %dma_wait3A_248, %dma_wait3A_249] : memref<32x56x56x384xf32, #tpu.memory_space<hbm>> -> memref<1x2x56x384xf32, #tpu.memory_space<hbm>>
    %dma_wait3A_251 = tpu.memref_squeeze %dma_wait3A_250 : memref<1x2x56x384xf32, #tpu.memory_space<hbm>> -> memref<2x56x384xf32, #tpu.memory_space<hbm>>
    %dma_wait3A_252 = arith.constant 54 : i32
    %dma_wait3A_253 = arith.constant 0 : i32
    %dma_wait3A_254 = arith.constant 0 : i32
    %dma_wait3A_255 = tpu.memref_slice %arg2[%add3A, %dma_wait3A_252, %dma_wait3A_253, %dma_wait3A_254] : memref<32x56x56x384xf32, #tpu.memory_space<hbm>> -> memref<1x2x56x384xf32, #tpu.memory_space<hbm>>
    %dma_wait3A_256 = tpu.memref_squeeze %dma_wait3A_255 : memref<1x2x56x384xf32, #tpu.memory_space<hbm>> -> memref<2x56x384xf32, #tpu.memory_space<hbm>>
    tpu.wait_dma2 semaphore(%arg7 : memref<!tpu.dma_semaphore, #tpu.memory_space<semaphore_mem>>) src(%dma_wait3A_256 : memref<2x56x384xf32, #tpu.memory_space<hbm>>) dst(%arg4 : memref<2x56x384xf32, #tpu.memory_space<vmem>>)
    %scan3A_257 = arith.constant 0 : i32
    %scan3A_258 = arith.constant 56 : i32
    %scan3A_259 = arith.addi %scan3A_257, %scan3A_258 : i32
    %scan3A_260 = arith.constant 1 : i32
    %scan3A_261:24 = scf.for %scan3A_364 = %scan3A_257 to %scan3A_259 step %scan3A_260 iter_args(%scan3A_365 = %scan3A_245#0, %scan3A_366 = %scan3A_245#1, %scan3A_367 = %scan3A_245#2, %scan3A_368 = %scan3A_245#3, %scan3A_369 = %scan3A_245#4, %scan3A_370 = %scan3A_245#5, %scan3A_371 = %scan3A_245#6, %scan3A_372 = %scan3A_245#7, %scan3A_373 = %scan3A_245#8, %scan3A_374 = %scan3A_245#9, %scan3A_375 = %scan3A_245#10, %scan3A_376 = %scan3A_245#11, %scan3A_377 = %scan3A_245#12, %scan3A_378 = %scan3A_245#13, %scan3A_379 = %scan3A_245#14, %scan3A_380 = %scan3A_245#15, %scan3A_381 = %scan3A_245#16, %scan3A_382 = %scan3A_245#17, %scan3A_383 = %scan3A_245#18, %scan3A_384 = %scan3A_245#19, %scan3A_385 = %scan3A_245#20, %scan3A_386 = %scan3A_245#21, %scan3A_387 = %scan3A_245#22, %scan3A_388 = %scan3A_245#23) -> (vector<16xf32>, vector<16xf32>, vector<16xf32>, vector<16xf32>, vector<16xf32>, vector<16xf32>, vector<16xf32>, vector<16xf32>, vector<16xf32>, vector<16xf32>, vector<16xf32>, vector<16xf32>, vector<16xf32>, vector<16xf32>, vector<16xf32>, vector<16xf32>, vector<16xf32>, vector<16xf32>, vector<16xf32>, vector<16xf32>, vector<16xf32>, vector<16xf32>, vector<16xf32>, vector<16xf32>)  : i32 {
      %get3A = arith.constant 0 : i32
      %get3A_389 = arith.index_cast %get3A : i32 to index
      %get3A_390 = arith.index_cast %scan3A_364 : i32 to index
      %get3A_391 = arith.constant 0 : index
      %get3A_392 = tpu.vector_load %arg4[%get3A_389, %get3A_390, %get3A_391] {strides = array<i32>} : memref<2x56x384xf32, #tpu.memory_space<vmem>>, vector<1x1x16xf32>,
      %get3A_393 = vector.shape_cast %get3A_392 : vector<1x1x16xf32> to vector<16xf32>
      %add3A_394 = arith.addf %scan3A_365, %get3A_393 : vector<16xf32>
      %get3A_395 = arith.constant 0 : i32
      %get3A_396 = arith.index_cast %get3A_395 : i32 to index
      %get3A_397 = arith.index_cast %scan3A_364 : i32 to index
      %get3A_398 = arith.constant 16 : index
      %get3A_399 = tpu.vector_load %arg4[%get3A_396, %get3A_397, %get3A_398] {strides = array<i32>} : memref<2x56x384xf32, #tpu.memory_space<vmem>>, vector<1x1x16xf32>,
      %get3A_400 = vector.shape_cast %get3A_399 : vector<1x1x16xf32> to vector<16xf32>
      %add3A_401 = arith.addf %scan3A_366, %get3A_400 : vector<16xf32>
      %get3A_402 = arith.constant 0 : i32
      %get3A_403 = arith.index_cast %get3A_402 : i32 to index
      %get3A_404 = arith.index_cast %scan3A_364 : i32 to index
      %get3A_405 = arith.constant 32 : index
      %get3A_406 = tpu.vector_load %arg4[%get3A_403, %get3A_404, %get3A_405] {strides = array<i32>} : memref<2x56x384xf32, #tpu.memory_space<vmem>>, vector<1x1x16xf32>,
      %get3A_407 = vector.shape_cast %get3A_406 : vector<1x1x16xf32> to vector<16xf32>
      %add3A_408 = arith.addf %scan3A_367, %get3A_407 : vector<16xf32>
      %get3A_409 = arith.constant 0 : i32
      %get3A_410 = arith.index_cast %get3A_409 : i32 to index
      %get3A_411 = arith.index_cast %scan3A_364 : i32 to index
      %get3A_412 = arith.constant 48 : index
      %get3A_413 = tpu.vector_load %arg4[%get3A_410, %get3A_411, %get3A_412] {strides = array<i32>} : memref<2x56x384xf32, #tpu.memory_space<vmem>>, vector<1x1x16xf32>,
      %get3A_414 = vector.shape_cast %get3A_413 : vector<1x1x16xf32> to vector<16xf32>
      %add3A_415 = arith.addf %scan3A_368, %get3A_414 : vector<16xf32>
      %get3A_416 = arith.constant 0 : i32
      %get3A_417 = arith.index_cast %get3A_416 : i32 to index
      %get3A_418 = arith.index_cast %scan3A_364 : i32 to index
      %get3A_419 = arith.constant 64 : index
      %get3A_420 = tpu.vector_load %arg4[%get3A_417, %get3A_418, %get3A_419] {strides = array<i32>} : memref<2x56x384xf32, #tpu.memory_space<vmem>>, vector<1x1x16xf32>,
      %get3A_421 = vector.shape_cast %get3A_420 : vector<1x1x16xf32> to vector<16xf32>
      %add3A_422 = arith.addf %scan3A_369, %get3A_421 : vector<16xf32>
      %get3A_423 = arith.constant 0 : i32
      %get3A_424 = arith.index_cast %get3A_423 : i32 to index
      %get3A_425 = arith.index_cast %scan3A_364 : i32 to index
      %get3A_426 = arith.constant 80 : index
      %get3A_427 = tpu.vector_load %arg4[%get3A_424, %get3A_425, %get3A_426] {strides = array<i32>} : memref<2x56x384xf32, #tpu.memory_space<vmem>>, vector<1x1x16xf32>,
      %get3A_428 = vector.shape_cast %get3A_427 : vector<1x1x16xf32> to vector<16xf32>
      %add3A_429 = arith.addf %scan3A_370, %get3A_428 : vector<16xf32>
      %get3A_430 = arith.constant 0 : i32
      %get3A_431 = arith.index_cast %get3A_430 : i32 to index
      %get3A_432 = arith.index_cast %scan3A_364 : i32 to index
      %get3A_433 = arith.constant 96 : index
      %get3A_434 = tpu.vector_load %arg4[%get3A_431, %get3A_432, %get3A_433] {strides = array<i32>} : memref<2x56x384xf32, #tpu.memory_space<vmem>>, vector<1x1x16xf32>,
      %get3A_435 = vector.shape_cast %get3A_434 : vector<1x1x16xf32> to vector<16xf32>
      %add3A_436 = arith.addf %scan3A_371, %get3A_435 : vector<16xf32>
      %get3A_437 = arith.constant 0 : i32
      %get3A_438 = arith.index_cast %get3A_437 : i32 to index
      %get3A_439 = arith.index_cast %scan3A_364 : i32 to index
      %get3A_440 = arith.constant 112 : index
      %get3A_441 = tpu.vector_load %arg4[%get3A_438, %get3A_439, %get3A_440] {strides = array<i32>} : memref<2x56x384xf32, #tpu.memory_space<vmem>>, vector<1x1x16xf32>,
      %get3A_442 = vector.shape_cast %get3A_441 : vector<1x1x16xf32> to vector<16xf32>
      %add3A_443 = arith.addf %scan3A_372, %get3A_442 : vector<16xf32>
      %get3A_444 = arith.constant 0 : i32
      %get3A_445 = arith.index_cast %get3A_444 : i32 to index
      %get3A_446 = arith.index_cast %scan3A_364 : i32 to index
      %get3A_447 = arith.constant 128 : index
      %get3A_448 = tpu.vector_load %arg4[%get3A_445, %get3A_446, %get3A_447] {strides = array<i32>} : memref<2x56x384xf32, #tpu.memory_space<vmem>>, vector<1x1x16xf32>,
      %get3A_449 = vector.shape_cast %get3A_448 : vector<1x1x16xf32> to vector<16xf32>
      %add3A_450 = arith.addf %scan3A_373, %get3A_449 : vector<16xf32>
      %get3A_451 = arith.constant 0 : i32
      %get3A_452 = arith.index_cast %get3A_451 : i32 to index
      %get3A_453 = arith.index_cast %scan3A_364 : i32 to index
      %get3A_454 = arith.constant 144 : index
      %get3A_455 = tpu.vector_load %arg4[%get3A_452, %get3A_453, %get3A_454] {strides = array<i32>} : memref<2x56x384xf32, #tpu.memory_space<vmem>>, vector<1x1x16xf32>,
      %get3A_456 = vector.shape_cast %get3A_455 : vector<1x1x16xf32> to vector<16xf32>
      %add3A_457 = arith.addf %scan3A_374, %get3A_456 : vector<16xf32>
      %get3A_458 = arith.constant 0 : i32
      %get3A_459 = arith.index_cast %get3A_458 : i32 to index
      %get3A_460 = arith.index_cast %scan3A_364 : i32 to index
      %get3A_461 = arith.constant 160 : index
      %get3A_462 = tpu.vector_load %arg4[%get3A_459, %get3A_460, %get3A_461] {strides = array<i32>} : memref<2x56x384xf32, #tpu.memory_space<vmem>>, vector<1x1x16xf32>,
      %get3A_463 = vector.shape_cast %get3A_462 : vector<1x1x16xf32> to vector<16xf32>
      %add3A_464 = arith.addf %scan3A_375, %get3A_463 : vector<16xf32>
      %get3A_465 = arith.constant 0 : i32
      %get3A_466 = arith.index_cast %get3A_465 : i32 to index
      %get3A_467 = arith.index_cast %scan3A_364 : i32 to index
      %get3A_468 = arith.constant 176 : index
      %get3A_469 = tpu.vector_load %arg4[%get3A_466, %get3A_467, %get3A_468] {strides = array<i32>} : memref<2x56x384xf32, #tpu.memory_space<vmem>>, vector<1x1x16xf32>,
      %get3A_470 = vector.shape_cast %get3A_469 : vector<1x1x16xf32> to vector<16xf32>
      %add3A_471 = arith.addf %scan3A_376, %get3A_470 : vector<16xf32>
      %get3A_472 = arith.constant 0 : i32
      %get3A_473 = arith.index_cast %get3A_472 : i32 to index
      %get3A_474 = arith.index_cast %scan3A_364 : i32 to index
      %get3A_475 = arith.constant 192 : index
      %get3A_476 = tpu.vector_load %arg4[%get3A_473, %get3A_474, %get3A_475] {strides = array<i32>} : memref<2x56x384xf32, #tpu.memory_space<vmem>>, vector<1x1x16xf32>,
      %get3A_477 = vector.shape_cast %get3A_476 : vector<1x1x16xf32> to vector<16xf32>
      %add3A_478 = arith.addf %scan3A_377, %get3A_477 : vector<16xf32>
      %get3A_479 = arith.constant 0 : i32
      %get3A_480 = arith.index_cast %get3A_479 : i32 to index
      %get3A_481 = arith.index_cast %scan3A_364 : i32 to index
      %get3A_482 = arith.constant 208 : index
      %get3A_483 = tpu.vector_load %arg4[%get3A_480, %get3A_481, %get3A_482] {strides = array<i32>} : memref<2x56x384xf32, #tpu.memory_space<vmem>>, vector<1x1x16xf32>,
      %get3A_484 = vector.shape_cast %get3A_483 : vector<1x1x16xf32> to vector<16xf32>
      %add3A_485 = arith.addf %scan3A_378, %get3A_484 : vector<16xf32>
      %get3A_486 = arith.constant 0 : i32
      %get3A_487 = arith.index_cast %get3A_486 : i32 to index
      %get3A_488 = arith.index_cast %scan3A_364 : i32 to index
      %get3A_489 = arith.constant 224 : index
      %get3A_490 = tpu.vector_load %arg4[%get3A_487, %get3A_488, %get3A_489] {strides = array<i32>} : memref<2x56x384xf32, #tpu.memory_space<vmem>>, vector<1x1x16xf32>,
      %get3A_491 = vector.shape_cast %get3A_490 : vector<1x1x16xf32> to vector<16xf32>
      %add3A_492 = arith.addf %scan3A_379, %get3A_491 : vector<16xf32>
      %get3A_493 = arith.constant 0 : i32
      %get3A_494 = arith.index_cast %get3A_493 : i32 to index
      %get3A_495 = arith.index_cast %scan3A_364 : i32 to index
      %get3A_496 = arith.constant 240 : index
      %get3A_497 = tpu.vector_load %arg4[%get3A_494, %get3A_495, %get3A_496] {strides = array<i32>} : memref<2x56x384xf32, #tpu.memory_space<vmem>>, vector<1x1x16xf32>,
      %get3A_498 = vector.shape_cast %get3A_497 : vector<1x1x16xf32> to vector<16xf32>
      %add3A_499 = arith.addf %scan3A_380, %get3A_498 : vector<16xf32>
      %get3A_500 = arith.constant 0 : i32
      %get3A_501 = arith.index_cast %get3A_500 : i32 to index
      %get3A_502 = arith.index_cast %scan3A_364 : i32 to index
      %get3A_503 = arith.constant 256 : index
      %get3A_504 = tpu.vector_load %arg4[%get3A_501, %get3A_502, %get3A_503] {strides = array<i32>} : memref<2x56x384xf32, #tpu.memory_space<vmem>>, vector<1x1x16xf32>,
      %get3A_505 = vector.shape_cast %get3A_504 : vector<1x1x16xf32> to vector<16xf32>
      %add3A_506 = arith.addf %scan3A_381, %get3A_505 : vector<16xf32>
      %get3A_507 = arith.constant 0 : i32
      %get3A_508 = arith.index_cast %get3A_507 : i32 to index
      %get3A_509 = arith.index_cast %scan3A_364 : i32 to index
      %get3A_510 = arith.constant 272 : index
      %get3A_511 = tpu.vector_load %arg4[%get3A_508, %get3A_509, %get3A_510] {strides = array<i32>} : memref<2x56x384xf32, #tpu.memory_space<vmem>>, vector<1x1x16xf32>,
      %get3A_512 = vector.shape_cast %get3A_511 : vector<1x1x16xf32> to vector<16xf32>
      %add3A_513 = arith.addf %scan3A_382, %get3A_512 : vector<16xf32>
      %get3A_514 = arith.constant 0 : i32
      %get3A_515 = arith.index_cast %get3A_514 : i32 to index
      %get3A_516 = arith.index_cast %scan3A_364 : i32 to index
      %get3A_517 = arith.constant 288 : index
      %get3A_518 = tpu.vector_load %arg4[%get3A_515, %get3A_516, %get3A_517] {strides = array<i32>} : memref<2x56x384xf32, #tpu.memory_space<vmem>>, vector<1x1x16xf32>,
      %get3A_519 = vector.shape_cast %get3A_518 : vector<1x1x16xf32> to vector<16xf32>
      %add3A_520 = arith.addf %scan3A_383, %get3A_519 : vector<16xf32>
      %get3A_521 = arith.constant 0 : i32
      %get3A_522 = arith.index_cast %get3A_521 : i32 to index
      %get3A_523 = arith.index_cast %scan3A_364 : i32 to index
      %get3A_524 = arith.constant 304 : index
      %get3A_525 = tpu.vector_load %arg4[%get3A_522, %get3A_523, %get3A_524] {strides = array<i32>} : memref<2x56x384xf32, #tpu.memory_space<vmem>>, vector<1x1x16xf32>,
      %get3A_526 = vector.shape_cast %get3A_525 : vector<1x1x16xf32> to vector<16xf32>
      %add3A_527 = arith.addf %scan3A_384, %get3A_526 : vector<16xf32>
      %get3A_528 = arith.constant 0 : i32
      %get3A_529 = arith.index_cast %get3A_528 : i32 to index
      %get3A_530 = arith.index_cast %scan3A_364 : i32 to index
      %get3A_531 = arith.constant 320 : index
      %get3A_532 = tpu.vector_load %arg4[%get3A_529, %get3A_530, %get3A_531] {strides = array<i32>} : memref<2x56x384xf32, #tpu.memory_space<vmem>>, vector<1x1x16xf32>,
      %get3A_533 = vector.shape_cast %get3A_532 : vector<1x1x16xf32> to vector<16xf32>
      %add3A_534 = arith.addf %scan3A_385, %get3A_533 : vector<16xf32>
      %get3A_535 = arith.constant 0 : i32
      %get3A_536 = arith.index_cast %get3A_535 : i32 to index
      %get3A_537 = arith.index_cast %scan3A_364 : i32 to index
      %get3A_538 = arith.constant 336 : index
      %get3A_539 = tpu.vector_load %arg4[%get3A_536, %get3A_537, %get3A_538] {strides = array<i32>} : memref<2x56x384xf32, #tpu.memory_space<vmem>>, vector<1x1x16xf32>,
      %get3A_540 = vector.shape_cast %get3A_539 : vector<1x1x16xf32> to vector<16xf32>
      %add3A_541 = arith.addf %scan3A_386, %get3A_540 : vector<16xf32>
      %get3A_542 = arith.constant 0 : i32
      %get3A_543 = arith.index_cast %get3A_542 : i32 to index
      %get3A_544 = arith.index_cast %scan3A_364 : i32 to index
      %get3A_545 = arith.constant 352 : index
      %get3A_546 = tpu.vector_load %arg4[%get3A_543, %get3A_544, %get3A_545] {strides = array<i32>} : memref<2x56x384xf32, #tpu.memory_space<vmem>>, vector<1x1x16xf32>,
      %get3A_547 = vector.shape_cast %get3A_546 : vector<1x1x16xf32> to vector<16xf32>
      %add3A_548 = arith.addf %scan3A_387, %get3A_547 : vector<16xf32>
      %get3A_549 = arith.constant 0 : i32
      %get3A_550 = arith.index_cast %get3A_549 : i32 to index
      %get3A_551 = arith.index_cast %scan3A_364 : i32 to index
      %get3A_552 = arith.constant 368 : index
      %get3A_553 = tpu.vector_load %arg4[%get3A_550, %get3A_551, %get3A_552] {strides = array<i32>} : memref<2x56x384xf32, #tpu.memory_space<vmem>>, vector<1x1x16xf32>,
      %get3A_554 = vector.shape_cast %get3A_553 : vector<1x1x16xf32> to vector<16xf32>
      %add3A_555 = arith.addf %scan3A_388, %get3A_554 : vector<16xf32>
      scf.yield %add3A_394, %add3A_401, %add3A_408, %add3A_415, %add3A_422, %add3A_429, %add3A_436, %add3A_443, %add3A_450, %add3A_457, %add3A_464, %add3A_471, %add3A_478, %add3A_485, %add3A_492, %add3A_499, %add3A_506, %add3A_513, %add3A_520, %add3A_527, %add3A_534, %add3A_541, %add3A_548, %add3A_555 : vector<16xf32>, vector<16xf32>, vector<16xf32>, vector<16xf32>, vector<16xf32>, vector<16xf32>, vector<16xf32>, vector<16xf32>, vector<16xf32>, vector<16xf32>, vector<16xf32>, vector<16xf32>, vector<16xf32>, vector<16xf32>, vector<16xf32>, vector<16xf32>, vector<16xf32>, vector<16xf32>, vector<16xf32>, vector<16xf32>, vector<16xf32>, vector<16xf32>, vector<16xf32>, vector<16xf32>
    }
    %scan3A_262 = arith.constant 56 : i32
    %scan3A_263 = arith.constant 0 : i32
    %scan3A_264 = arith.constant 56 : i32
    %scan3A_265 = arith.addi %scan3A_263, %scan3A_264 : i32
    %scan3A_266 = arith.constant 1 : i32
    %scan3A_267:24 = scf.for %scan3A_364 = %scan3A_263 to %scan3A_265 step %scan3A_266 iter_args(%scan3A_365 = %scan3A_261#0, %scan3A_366 = %scan3A_261#1, %scan3A_367 = %scan3A_261#2, %scan3A_368 = %scan3A_261#3, %scan3A_369 = %scan3A_261#4, %scan3A_370 = %scan3A_261#5, %scan3A_371 = %scan3A_261#6, %scan3A_372 = %scan3A_261#7, %scan3A_373 = %scan3A_261#8, %scan3A_374 = %scan3A_261#9, %scan3A_375 = %scan3A_261#10, %scan3A_376 = %scan3A_261#11, %scan3A_377 = %scan3A_261#12, %scan3A_378 = %scan3A_261#13, %scan3A_379 = %scan3A_261#14, %scan3A_380 = %scan3A_261#15, %scan3A_381 = %scan3A_261#16, %scan3A_382 = %scan3A_261#17, %scan3A_383 = %scan3A_261#18, %scan3A_384 = %scan3A_261#19, %scan3A_385 = %scan3A_261#20, %scan3A_386 = %scan3A_261#21, %scan3A_387 = %scan3A_261#22, %scan3A_388 = %scan3A_261#23) -> (vector<16xf32>, vector<16xf32>, vector<16xf32>, vector<16xf32>, vector<16xf32>, vector<16xf32>, vector<16xf32>, vector<16xf32>, vector<16xf32>, vector<16xf32>, vector<16xf32>, vector<16xf32>, vector<16xf32>, vector<16xf32>, vector<16xf32>, vector<16xf32>, vector<16xf32>, vector<16xf32>, vector<16xf32>, vector<16xf32>, vector<16xf32>, vector<16xf32>, vector<16xf32>, vector<16xf32>)  : i32 {
      %get3A = arith.constant 1 : i32
      %get3A_389 = arith.index_cast %get3A : i32 to index
      %get3A_390 = arith.index_cast %scan3A_364 : i32 to index
      %get3A_391 = arith.constant 0 : index
      %get3A_392 = tpu.vector_load %arg4[%get3A_389, %get3A_390, %get3A_391] {strides = array<i32>} : memref<2x56x384xf32, #tpu.memory_space<vmem>>, vector<1x1x16xf32>,
      %get3A_393 = vector.shape_cast %get3A_392 : vector<1x1x16xf32> to vector<16xf32>
      %add3A_394 = arith.addf %scan3A_365, %get3A_393 : vector<16xf32>
      %get3A_395 = arith.constant 1 : i32
      %get3A_396 = arith.index_cast %get3A_395 : i32 to index
      %get3A_397 = arith.index_cast %scan3A_364 : i32 to index
      %get3A_398 = arith.constant 16 : index
      %get3A_399 = tpu.vector_load %arg4[%get3A_396, %get3A_397, %get3A_398] {strides = array<i32>} : memref<2x56x384xf32, #tpu.memory_space<vmem>>, vector<1x1x16xf32>,
      %get3A_400 = vector.shape_cast %get3A_399 : vector<1x1x16xf32> to vector<16xf32>
      %add3A_401 = arith.addf %scan3A_366, %get3A_400 : vector<16xf32>
      %get3A_402 = arith.constant 1 : i32
      %get3A_403 = arith.index_cast %get3A_402 : i32 to index
      %get3A_404 = arith.index_cast %scan3A_364 : i32 to index
      %get3A_405 = arith.constant 32 : index
      %get3A_406 = tpu.vector_load %arg4[%get3A_403, %get3A_404, %get3A_405] {strides = array<i32>} : memref<2x56x384xf32, #tpu.memory_space<vmem>>, vector<1x1x16xf32>,
      %get3A_407 = vector.shape_cast %get3A_406 : vector<1x1x16xf32> to vector<16xf32>
      %add3A_408 = arith.addf %scan3A_367, %get3A_407 : vector<16xf32>
      %get3A_409 = arith.constant 1 : i32
      %get3A_410 = arith.index_cast %get3A_409 : i32 to index
      %get3A_411 = arith.index_cast %scan3A_364 : i32 to index
      %get3A_412 = arith.constant 48 : index
      %get3A_413 = tpu.vector_load %arg4[%get3A_410, %get3A_411, %get3A_412] {strides = array<i32>} : memref<2x56x384xf32, #tpu.memory_space<vmem>>, vector<1x1x16xf32>,
      %get3A_414 = vector.shape_cast %get3A_413 : vector<1x1x16xf32> to vector<16xf32>
      %add3A_415 = arith.addf %scan3A_368, %get3A_414 : vector<16xf32>
      %get3A_416 = arith.constant 1 : i32
      %get3A_417 = arith.index_cast %get3A_416 : i32 to index
      %get3A_418 = arith.index_cast %scan3A_364 : i32 to index
      %get3A_419 = arith.constant 64 : index
      %get3A_420 = tpu.vector_load %arg4[%get3A_417, %get3A_418, %get3A_419] {strides = array<i32>} : memref<2x56x384xf32, #tpu.memory_space<vmem>>, vector<1x1x16xf32>,
      %get3A_421 = vector.shape_cast %get3A_420 : vector<1x1x16xf32> to vector<16xf32>
      %add3A_422 = arith.addf %scan3A_369, %get3A_421 : vector<16xf32>
      %get3A_423 = arith.constant 1 : i32
      %get3A_424 = arith.index_cast %get3A_423 : i32 to index
      %get3A_425 = arith.index_cast %scan3A_364 : i32 to index
      %get3A_426 = arith.constant 80 : index
      %get3A_427 = tpu.vector_load %arg4[%get3A_424, %get3A_425, %get3A_426] {strides = array<i32>} : memref<2x56x384xf32, #tpu.memory_space<vmem>>, vector<1x1x16xf32>,
      %get3A_428 = vector.shape_cast %get3A_427 : vector<1x1x16xf32> to vector<16xf32>
      %add3A_429 = arith.addf %scan3A_370, %get3A_428 : vector<16xf32>
      %get3A_430 = arith.constant 1 : i32
      %get3A_431 = arith.index_cast %get3A_430 : i32 to index
      %get3A_432 = arith.index_cast %scan3A_364 : i32 to index
      %get3A_433 = arith.constant 96 : index
      %get3A_434 = tpu.vector_load %arg4[%get3A_431, %get3A_432, %get3A_433] {strides = array<i32>} : memref<2x56x384xf32, #tpu.memory_space<vmem>>, vector<1x1x16xf32>,
      %get3A_435 = vector.shape_cast %get3A_434 : vector<1x1x16xf32> to vector<16xf32>
      %add3A_436 = arith.addf %scan3A_371, %get3A_435 : vector<16xf32>
      %get3A_437 = arith.constant 1 : i32
      %get3A_438 = arith.index_cast %get3A_437 : i32 to index
      %get3A_439 = arith.index_cast %scan3A_364 : i32 to index
      %get3A_440 = arith.constant 112 : index
      %get3A_441 = tpu.vector_load %arg4[%get3A_438, %get3A_439, %get3A_440] {strides = array<i32>} : memref<2x56x384xf32, #tpu.memory_space<vmem>>, vector<1x1x16xf32>,
      %get3A_442 = vector.shape_cast %get3A_441 : vector<1x1x16xf32> to vector<16xf32>
      %add3A_443 = arith.addf %scan3A_372, %get3A_442 : vector<16xf32>
      %get3A_444 = arith.constant 1 : i32
      %get3A_445 = arith.index_cast %get3A_444 : i32 to index
      %get3A_446 = arith.index_cast %scan3A_364 : i32 to index
      %get3A_447 = arith.constant 128 : index
      %get3A_448 = tpu.vector_load %arg4[%get3A_445, %get3A_446, %get3A_447] {strides = array<i32>} : memref<2x56x384xf32, #tpu.memory_space<vmem>>, vector<1x1x16xf32>,
      %get3A_449 = vector.shape_cast %get3A_448 : vector<1x1x16xf32> to vector<16xf32>
      %add3A_450 = arith.addf %scan3A_373, %get3A_449 : vector<16xf32>
      %get3A_451 = arith.constant 1 : i32
      %get3A_452 = arith.index_cast %get3A_451 : i32 to index
      %get3A_453 = arith.index_cast %scan3A_364 : i32 to index
      %get3A_454 = arith.constant 144 : index
      %get3A_455 = tpu.vector_load %arg4[%get3A_452, %get3A_453, %get3A_454] {strides = array<i32>} : memref<2x56x384xf32, #tpu.memory_space<vmem>>, vector<1x1x16xf32>,
      %get3A_456 = vector.shape_cast %get3A_455 : vector<1x1x16xf32> to vector<16xf32>
      %add3A_457 = arith.addf %scan3A_374, %get3A_456 : vector<16xf32>
      %get3A_458 = arith.constant 1 : i32
      %get3A_459 = arith.index_cast %get3A_458 : i32 to index
      %get3A_460 = arith.index_cast %scan3A_364 : i32 to index
      %get3A_461 = arith.constant 160 : index
      %get3A_462 = tpu.vector_load %arg4[%get3A_459, %get3A_460, %get3A_461] {strides = array<i32>} : memref<2x56x384xf32, #tpu.memory_space<vmem>>, vector<1x1x16xf32>,
      %get3A_463 = vector.shape_cast %get3A_462 : vector<1x1x16xf32> to vector<16xf32>
      %add3A_464 = arith.addf %scan3A_375, %get3A_463 : vector<16xf32>
      %get3A_465 = arith.constant 1 : i32
      %get3A_466 = arith.index_cast %get3A_465 : i32 to index
      %get3A_467 = arith.index_cast %scan3A_364 : i32 to index
      %get3A_468 = arith.constant 176 : index
      %get3A_469 = tpu.vector_load %arg4[%get3A_466, %get3A_467, %get3A_468] {strides = array<i32>} : memref<2x56x384xf32, #tpu.memory_space<vmem>>, vector<1x1x16xf32>,
      %get3A_470 = vector.shape_cast %get3A_469 : vector<1x1x16xf32> to vector<16xf32>
      %add3A_471 = arith.addf %scan3A_376, %get3A_470 : vector<16xf32>
      %get3A_472 = arith.constant 1 : i32
      %get3A_473 = arith.index_cast %get3A_472 : i32 to index
      %get3A_474 = arith.index_cast %scan3A_364 : i32 to index
      %get3A_475 = arith.constant 192 : index
      %get3A_476 = tpu.vector_load %arg4[%get3A_473, %get3A_474, %get3A_475] {strides = array<i32>} : memref<2x56x384xf32, #tpu.memory_space<vmem>>, vector<1x1x16xf32>,
      %get3A_477 = vector.shape_cast %get3A_476 : vector<1x1x16xf32> to vector<16xf32>
      %add3A_478 = arith.addf %scan3A_377, %get3A_477 : vector<16xf32>
      %get3A_479 = arith.constant 1 : i32
      %get3A_480 = arith.index_cast %get3A_479 : i32 to index
      %get3A_481 = arith.index_cast %scan3A_364 : i32 to index
      %get3A_482 = arith.constant 208 : index
      %get3A_483 = tpu.vector_load %arg4[%get3A_480, %get3A_481, %get3A_482] {strides = array<i32>} : memref<2x56x384xf32, #tpu.memory_space<vmem>>, vector<1x1x16xf32>,
      %get3A_484 = vector.shape_cast %get3A_483 : vector<1x1x16xf32> to vector<16xf32>
      %add3A_485 = arith.addf %scan3A_378, %get3A_484 : vector<16xf32>
      %get3A_486 = arith.constant 1 : i32
      %get3A_487 = arith.index_cast %get3A_486 : i32 to index
      %get3A_488 = arith.index_cast %scan3A_364 : i32 to index
      %get3A_489 = arith.constant 224 : index
      %get3A_490 = tpu.vector_load %arg4[%get3A_487, %get3A_488, %get3A_489] {strides = array<i32>} : memref<2x56x384xf32, #tpu.memory_space<vmem>>, vector<1x1x16xf32>,
      %get3A_491 = vector.shape_cast %get3A_490 : vector<1x1x16xf32> to vector<16xf32>
      %add3A_492 = arith.addf %scan3A_379, %get3A_491 : vector<16xf32>
      %get3A_493 = arith.constant 1 : i32
      %get3A_494 = arith.index_cast %get3A_493 : i32 to index
      %get3A_495 = arith.index_cast %scan3A_364 : i32 to index
      %get3A_496 = arith.constant 240 : index
      %get3A_497 = tpu.vector_load %arg4[%get3A_494, %get3A_495, %get3A_496] {strides = array<i32>} : memref<2x56x384xf32, #tpu.memory_space<vmem>>, vector<1x1x16xf32>,
      %get3A_498 = vector.shape_cast %get3A_497 : vector<1x1x16xf32> to vector<16xf32>
      %add3A_499 = arith.addf %scan3A_380, %get3A_498 : vector<16xf32>
      %get3A_500 = arith.constant 1 : i32
      %get3A_501 = arith.index_cast %get3A_500 : i32 to index
      %get3A_502 = arith.index_cast %scan3A_364 : i32 to index
      %get3A_503 = arith.constant 256 : index
      %get3A_504 = tpu.vector_load %arg4[%get3A_501, %get3A_502, %get3A_503] {strides = array<i32>} : memref<2x56x384xf32, #tpu.memory_space<vmem>>, vector<1x1x16xf32>,
      %get3A_505 = vector.shape_cast %get3A_504 : vector<1x1x16xf32> to vector<16xf32>
      %add3A_506 = arith.addf %scan3A_381, %get3A_505 : vector<16xf32>
      %get3A_507 = arith.constant 1 : i32
      %get3A_508 = arith.index_cast %get3A_507 : i32 to index
      %get3A_509 = arith.index_cast %scan3A_364 : i32 to index
      %get3A_510 = arith.constant 272 : index
      %get3A_511 = tpu.vector_load %arg4[%get3A_508, %get3A_509, %get3A_510] {strides = array<i32>} : memref<2x56x384xf32, #tpu.memory_space<vmem>>, vector<1x1x16xf32>,
      %get3A_512 = vector.shape_cast %get3A_511 : vector<1x1x16xf32> to vector<16xf32>
      %add3A_513 = arith.addf %scan3A_382, %get3A_512 : vector<16xf32>
      %get3A_514 = arith.constant 1 : i32
      %get3A_515 = arith.index_cast %get3A_514 : i32 to index
      %get3A_516 = arith.index_cast %scan3A_364 : i32 to index
      %get3A_517 = arith.constant 288 : index
      %get3A_518 = tpu.vector_load %arg4[%get3A_515, %get3A_516, %get3A_517] {strides = array<i32>} : memref<2x56x384xf32, #tpu.memory_space<vmem>>, vector<1x1x16xf32>,
      %get3A_519 = vector.shape_cast %get3A_518 : vector<1x1x16xf32> to vector<16xf32>
      %add3A_520 = arith.addf %scan3A_383, %get3A_519 : vector<16xf32>
      %get3A_521 = arith.constant 1 : i32
      %get3A_522 = arith.index_cast %get3A_521 : i32 to index
      %get3A_523 = arith.index_cast %scan3A_364 : i32 to index
      %get3A_524 = arith.constant 304 : index
      %get3A_525 = tpu.vector_load %arg4[%get3A_522, %get3A_523, %get3A_524] {strides = array<i32>} : memref<2x56x384xf32, #tpu.memory_space<vmem>>, vector<1x1x16xf32>,
      %get3A_526 = vector.shape_cast %get3A_525 : vector<1x1x16xf32> to vector<16xf32>
      %add3A_527 = arith.addf %scan3A_384, %get3A_526 : vector<16xf32>
      %get3A_528 = arith.constant 1 : i32
      %get3A_529 = arith.index_cast %get3A_528 : i32 to index
      %get3A_530 = arith.index_cast %scan3A_364 : i32 to index
      %get3A_531 = arith.constant 320 : index
      %get3A_532 = tpu.vector_load %arg4[%get3A_529, %get3A_530, %get3A_531] {strides = array<i32>} : memref<2x56x384xf32, #tpu.memory_space<vmem>>, vector<1x1x16xf32>,
      %get3A_533 = vector.shape_cast %get3A_532 : vector<1x1x16xf32> to vector<16xf32>
      %add3A_534 = arith.addf %scan3A_385, %get3A_533 : vector<16xf32>
      %get3A_535 = arith.constant 1 : i32
      %get3A_536 = arith.index_cast %get3A_535 : i32 to index
      %get3A_537 = arith.index_cast %scan3A_364 : i32 to index
      %get3A_538 = arith.constant 336 : index
      %get3A_539 = tpu.vector_load %arg4[%get3A_536, %get3A_537, %get3A_538] {strides = array<i32>} : memref<2x56x384xf32, #tpu.memory_space<vmem>>, vector<1x1x16xf32>,
      %get3A_540 = vector.shape_cast %get3A_539 : vector<1x1x16xf32> to vector<16xf32>
      %add3A_541 = arith.addf %scan3A_386, %get3A_540 : vector<16xf32>
      %get3A_542 = arith.constant 1 : i32
      %get3A_543 = arith.index_cast %get3A_542 : i32 to index
      %get3A_544 = arith.index_cast %scan3A_364 : i32 to index
      %get3A_545 = arith.constant 352 : index
      %get3A_546 = tpu.vector_load %arg4[%get3A_543, %get3A_544, %get3A_545] {strides = array<i32>} : memref<2x56x384xf32, #tpu.memory_space<vmem>>, vector<1x1x16xf32>,
      %get3A_547 = vector.shape_cast %get3A_546 : vector<1x1x16xf32> to vector<16xf32>
      %add3A_548 = arith.addf %scan3A_387, %get3A_547 : vector<16xf32>
      %get3A_549 = arith.constant 1 : i32
      %get3A_550 = arith.index_cast %get3A_549 : i32 to index
      %get3A_551 = arith.index_cast %scan3A_364 : i32 to index
      %get3A_552 = arith.constant 368 : index
      %get3A_553 = tpu.vector_load %arg4[%get3A_550, %get3A_551, %get3A_552] {strides = array<i32>} : memref<2x56x384xf32, #tpu.memory_space<vmem>>, vector<1x1x16xf32>,
      %get3A_554 = vector.shape_cast %get3A_553 : vector<1x1x16xf32> to vector<16xf32>
      %add3A_555 = arith.addf %scan3A_388, %get3A_554 : vector<16xf32>
      scf.yield %add3A_394, %add3A_401, %add3A_408, %add3A_415, %add3A_422, %add3A_429, %add3A_436, %add3A_443, %add3A_450, %add3A_457, %add3A_464, %add3A_471, %add3A_478, %add3A_485, %add3A_492, %add3A_499, %add3A_506, %add3A_513, %add3A_520, %add3A_527, %add3A_534, %add3A_541, %add3A_548, %add3A_555 : vector<16xf32>, vector<16xf32>, vector<16xf32>, vector<16xf32>, vector<16xf32>, vector<16xf32>, vector<16xf32>, vector<16xf32>, vector<16xf32>, vector<16xf32>, vector<16xf32>, vector<16xf32>, vector<16xf32>, vector<16xf32>, vector<16xf32>, vector<16xf32>, vector<16xf32>, vector<16xf32>, vector<16xf32>, vector<16xf32>, vector<16xf32>, vector<16xf32>, vector<16xf32>, vector<16xf32>
    }
    %scan3A_268 = arith.constant 56 : i32
    %swap3A = arith.constant 0 : index
    %swap3A_269 = tpu.vector_load %arg6[%swap3A] {strides = array<i32>} : memref<384xf32, #tpu.memory_space<vmem>>, vector<16xf32>,
    %swap3A_270 = vector.shape_cast %swap3A_269 : vector<16xf32> to vector<16xf32>
    %swap3A_271 = vector.shape_cast %scan3A_267#0 : vector<16xf32> to vector<16xf32>
    tpu.vector_store %arg6[%swap3A], %swap3A_271 {strides = array<i32>} : memref<384xf32, #tpu.memory_space<vmem>>, vector<16xf32>,
    %swap3A_272 = arith.constant 16 : index
    %swap3A_273 = tpu.vector_load %arg6[%swap3A_272] {strides = array<i32>} : memref<384xf32, #tpu.memory_space<vmem>>, vector<16xf32>,
    %swap3A_274 = vector.shape_cast %swap3A_273 : vector<16xf32> to vector<16xf32>
    %swap3A_275 = vector.shape_cast %scan3A_267#1 : vector<16xf32> to vector<16xf32>
    tpu.vector_store %arg6[%swap3A_272], %swap3A_275 {strides = array<i32>} : memref<384xf32, #tpu.memory_space<vmem>>, vector<16xf32>,
    %swap3A_276 = arith.constant 32 : index
    %swap3A_277 = tpu.vector_load %arg6[%swap3A_276] {strides = array<i32>} : memref<384xf32, #tpu.memory_space<vmem>>, vector<16xf32>,
    %swap3A_278 = vector.shape_cast %swap3A_277 : vector<16xf32> to vector<16xf32>
    %swap3A_279 = vector.shape_cast %scan3A_267#2 : vector<16xf32> to vector<16xf32>
    tpu.vector_store %arg6[%swap3A_276], %swap3A_279 {strides = array<i32>} : memref<384xf32, #tpu.memory_space<vmem>>, vector<16xf32>,
    %swap3A_280 = arith.constant 48 : index
    %swap3A_281 = tpu.vector_load %arg6[%swap3A_280] {strides = array<i32>} : memref<384xf32, #tpu.memory_space<vmem>>, vector<16xf32>,
    %swap3A_282 = vector.shape_cast %swap3A_281 : vector<16xf32> to vector<16xf32>
    %swap3A_283 = vector.shape_cast %scan3A_267#3 : vector<16xf32> to vector<16xf32>
    tpu.vector_store %arg6[%swap3A_280], %swap3A_283 {strides = array<i32>} : memref<384xf32, #tpu.memory_space<vmem>>, vector<16xf32>,
    %swap3A_284 = arith.constant 64 : index
    %swap3A_285 = tpu.vector_load %arg6[%swap3A_284] {strides = array<i32>} : memref<384xf32, #tpu.memory_space<vmem>>, vector<16xf32>,
    %swap3A_286 = vector.shape_cast %swap3A_285 : vector<16xf32> to vector<16xf32>
    %swap3A_287 = vector.shape_cast %scan3A_267#4 : vector<16xf32> to vector<16xf32>
    tpu.vector_store %arg6[%swap3A_284], %swap3A_287 {strides = array<i32>} : memref<384xf32, #tpu.memory_space<vmem>>, vector<16xf32>,
    %swap3A_288 = arith.constant 80 : index
    %swap3A_289 = tpu.vector_load %arg6[%swap3A_288] {strides = array<i32>} : memref<384xf32, #tpu.memory_space<vmem>>, vector<16xf32>,
    %swap3A_290 = vector.shape_cast %swap3A_289 : vector<16xf32> to vector<16xf32>
    %swap3A_291 = vector.shape_cast %scan3A_267#5 : vector<16xf32> to vector<16xf32>
    tpu.vector_store %arg6[%swap3A_288], %swap3A_291 {strides = array<i32>} : memref<384xf32, #tpu.memory_space<vmem>>, vector<16xf32>,
    %swap3A_292 = arith.constant 96 : index
    %swap3A_293 = tpu.vector_load %arg6[%swap3A_292] {strides = array<i32>} : memref<384xf32, #tpu.memory_space<vmem>>, vector<16xf32>,
    %swap3A_294 = vector.shape_cast %swap3A_293 : vector<16xf32> to vector<16xf32>
    %swap3A_295 = vector.shape_cast %scan3A_267#6 : vector<16xf32> to vector<16xf32>
    tpu.vector_store %arg6[%swap3A_292], %swap3A_295 {strides = array<i32>} : memref<384xf32, #tpu.memory_space<vmem>>, vector<16xf32>,
    %swap3A_296 = arith.constant 112 : index
    %swap3A_297 = tpu.vector_load %arg6[%swap3A_296] {strides = array<i32>} : memref<384xf32, #tpu.memory_space<vmem>>, vector<16xf32>,
    %swap3A_298 = vector.shape_cast %swap3A_297 : vector<16xf32> to vector<16xf32>
    %swap3A_299 = vector.shape_cast %scan3A_267#7 : vector<16xf32> to vector<16xf32>
    tpu.vector_store %arg6[%swap3A_296], %swap3A_299 {strides = array<i32>} : memref<384xf32, #tpu.memory_space<vmem>>, vector<16xf32>,
    %swap3A_300 = arith.constant 128 : index
    %swap3A_301 = tpu.vector_load %arg6[%swap3A_300] {strides = array<i32>} : memref<384xf32, #tpu.memory_space<vmem>>, vector<16xf32>,
    %swap3A_302 = vector.shape_cast %swap3A_301 : vector<16xf32> to vector<16xf32>
    %swap3A_303 = vector.shape_cast %scan3A_267#8 : vector<16xf32> to vector<16xf32>
    tpu.vector_store %arg6[%swap3A_300], %swap3A_303 {strides = array<i32>} : memref<384xf32, #tpu.memory_space<vmem>>, vector<16xf32>,
    %swap3A_304 = arith.constant 144 : index
    %swap3A_305 = tpu.vector_load %arg6[%swap3A_304] {strides = array<i32>} : memref<384xf32, #tpu.memory_space<vmem>>, vector<16xf32>,
    %swap3A_306 = vector.shape_cast %swap3A_305 : vector<16xf32> to vector<16xf32>
    %swap3A_307 = vector.shape_cast %scan3A_267#9 : vector<16xf32> to vector<16xf32>
    tpu.vector_store %arg6[%swap3A_304], %swap3A_307 {strides = array<i32>} : memref<384xf32, #tpu.memory_space<vmem>>, vector<16xf32>,
    %swap3A_308 = arith.constant 160 : index
    %swap3A_309 = tpu.vector_load %arg6[%swap3A_308] {strides = array<i32>} : memref<384xf32, #tpu.memory_space<vmem>>, vector<16xf32>,
    %swap3A_310 = vector.shape_cast %swap3A_309 : vector<16xf32> to vector<16xf32>
    %swap3A_311 = vector.shape_cast %scan3A_267#10 : vector<16xf32> to vector<16xf32>
    tpu.vector_store %arg6[%swap3A_308], %swap3A_311 {strides = array<i32>} : memref<384xf32, #tpu.memory_space<vmem>>, vector<16xf32>,
    %swap3A_312 = arith.constant 176 : index
    %swap3A_313 = tpu.vector_load %arg6[%swap3A_312] {strides = array<i32>} : memref<384xf32, #tpu.memory_space<vmem>>, vector<16xf32>,
    %swap3A_314 = vector.shape_cast %swap3A_313 : vector<16xf32> to vector<16xf32>
    %swap3A_315 = vector.shape_cast %scan3A_267#11 : vector<16xf32> to vector<16xf32>
    tpu.vector_store %arg6[%swap3A_312], %swap3A_315 {strides = array<i32>} : memref<384xf32, #tpu.memory_space<vmem>>, vector<16xf32>,
    %swap3A_316 = arith.constant 192 : index
    %swap3A_317 = tpu.vector_load %arg6[%swap3A_316] {strides = array<i32>} : memref<384xf32, #tpu.memory_space<vmem>>, vector<16xf32>,
    %swap3A_318 = vector.shape_cast %swap3A_317 : vector<16xf32> to vector<16xf32>
    %swap3A_319 = vector.shape_cast %scan3A_267#12 : vector<16xf32> to vector<16xf32>
    tpu.vector_store %arg6[%swap3A_316], %swap3A_319 {strides = array<i32>} : memref<384xf32, #tpu.memory_space<vmem>>, vector<16xf32>,
    %swap3A_320 = arith.constant 208 : index
    %swap3A_321 = tpu.vector_load %arg6[%swap3A_320] {strides = array<i32>} : memref<384xf32, #tpu.memory_space<vmem>>, vector<16xf32>,
    %swap3A_322 = vector.shape_cast %swap3A_321 : vector<16xf32> to vector<16xf32>
    %swap3A_323 = vector.shape_cast %scan3A_267#13 : vector<16xf32> to vector<16xf32>
    tpu.vector_store %arg6[%swap3A_320], %swap3A_323 {strides = array<i32>} : memref<384xf32, #tpu.memory_space<vmem>>, vector<16xf32>,
    %swap3A_324 = arith.constant 224 : index
    %swap3A_325 = tpu.vector_load %arg6[%swap3A_324] {strides = array<i32>} : memref<384xf32, #tpu.memory_space<vmem>>, vector<16xf32>,
    %swap3A_326 = vector.shape_cast %swap3A_325 : vector<16xf32> to vector<16xf32>
    %swap3A_327 = vector.shape_cast %scan3A_267#14 : vector<16xf32> to vector<16xf32>
    tpu.vector_store %arg6[%swap3A_324], %swap3A_327 {strides = array<i32>} : memref<384xf32, #tpu.memory_space<vmem>>, vector<16xf32>,
    %swap3A_328 = arith.constant 240 : index
    %swap3A_329 = tpu.vector_load %arg6[%swap3A_328] {strides = array<i32>} : memref<384xf32, #tpu.memory_space<vmem>>, vector<16xf32>,
    %swap3A_330 = vector.shape_cast %swap3A_329 : vector<16xf32> to vector<16xf32>
    %swap3A_331 = vector.shape_cast %scan3A_267#15 : vector<16xf32> to vector<16xf32>
    tpu.vector_store %arg6[%swap3A_328], %swap3A_331 {strides = array<i32>} : memref<384xf32, #tpu.memory_space<vmem>>, vector<16xf32>,
    %swap3A_332 = arith.constant 256 : index
    %swap3A_333 = tpu.vector_load %arg6[%swap3A_332] {strides = array<i32>} : memref<384xf32, #tpu.memory_space<vmem>>, vector<16xf32>,
    %swap3A_334 = vector.shape_cast %swap3A_333 : vector<16xf32> to vector<16xf32>
    %swap3A_335 = vector.shape_cast %scan3A_267#16 : vector<16xf32> to vector<16xf32>
    tpu.vector_store %arg6[%swap3A_332], %swap3A_335 {strides = array<i32>} : memref<384xf32, #tpu.memory_space<vmem>>, vector<16xf32>,
    %swap3A_336 = arith.constant 272 : index
    %swap3A_337 = tpu.vector_load %arg6[%swap3A_336] {strides = array<i32>} : memref<384xf32, #tpu.memory_space<vmem>>, vector<16xf32>,
    %swap3A_338 = vector.shape_cast %swap3A_337 : vector<16xf32> to vector<16xf32>
    %swap3A_339 = vector.shape_cast %scan3A_267#17 : vector<16xf32> to vector<16xf32>
    tpu.vector_store %arg6[%swap3A_336], %swap3A_339 {strides = array<i32>} : memref<384xf32, #tpu.memory_space<vmem>>, vector<16xf32>,
    %swap3A_340 = arith.constant 288 : index
    %swap3A_341 = tpu.vector_load %arg6[%swap3A_340] {strides = array<i32>} : memref<384xf32, #tpu.memory_space<vmem>>, vector<16xf32>,
    %swap3A_342 = vector.shape_cast %swap3A_341 : vector<16xf32> to vector<16xf32>
    %swap3A_343 = vector.shape_cast %scan3A_267#18 : vector<16xf32> to vector<16xf32>
    tpu.vector_store %arg6[%swap3A_340], %swap3A_343 {strides = array<i32>} : memref<384xf32, #tpu.memory_space<vmem>>, vector<16xf32>,
    %swap3A_344 = arith.constant 304 : index
    %swap3A_345 = tpu.vector_load %arg6[%swap3A_344] {strides = array<i32>} : memref<384xf32, #tpu.memory_space<vmem>>, vector<16xf32>,
    %swap3A_346 = vector.shape_cast %swap3A_345 : vector<16xf32> to vector<16xf32>
    %swap3A_347 = vector.shape_cast %scan3A_267#19 : vector<16xf32> to vector<16xf32>
    tpu.vector_store %arg6[%swap3A_344], %swap3A_347 {strides = array<i32>} : memref<384xf32, #tpu.memory_space<vmem>>, vector<16xf32>,
    %swap3A_348 = arith.constant 320 : index
    %swap3A_349 = tpu.vector_load %arg6[%swap3A_348] {strides = array<i32>} : memref<384xf32, #tpu.memory_space<vmem>>, vector<16xf32>,
    %swap3A_350 = vector.shape_cast %swap3A_349 : vector<16xf32> to vector<16xf32>
    %swap3A_351 = vector.shape_cast %scan3A_267#20 : vector<16xf32> to vector<16xf32>
    tpu.vector_store %arg6[%swap3A_348], %swap3A_351 {strides = array<i32>} : memref<384xf32, #tpu.memory_space<vmem>>, vector<16xf32>,
    %swap3A_352 = arith.constant 336 : index
    %swap3A_353 = tpu.vector_load %arg6[%swap3A_352] {strides = array<i32>} : memref<384xf32, #tpu.memory_space<vmem>>, vector<16xf32>,
    %swap3A_354 = vector.shape_cast %swap3A_353 : vector<16xf32> to vector<16xf32>
    %swap3A_355 = vector.shape_cast %scan3A_267#21 : vector<16xf32> to vector<16xf32>
    tpu.vector_store %arg6[%swap3A_352], %swap3A_355 {strides = array<i32>} : memref<384xf32, #tpu.memory_space<vmem>>, vector<16xf32>,
    %swap3A_356 = arith.constant 352 : index
    %swap3A_357 = tpu.vector_load %arg6[%swap3A_356] {strides = array<i32>} : memref<384xf32, #tpu.memory_space<vmem>>, vector<16xf32>,
    %swap3A_358 = vector.shape_cast %swap3A_357 : vector<16xf32> to vector<16xf32>
    %swap3A_359 = vector.shape_cast %scan3A_267#22 : vector<16xf32> to vector<16xf32>
    tpu.vector_store %arg6[%swap3A_356], %swap3A_359 {strides = array<i32>} : memref<384xf32, #tpu.memory_space<vmem>>, vector<16xf32>,
    %swap3A_360 = arith.constant 368 : index
    %swap3A_361 = tpu.vector_load %arg6[%swap3A_360] {strides = array<i32>} : memref<384xf32, #tpu.memory_space<vmem>>, vector<16xf32>,
    %swap3A_362 = vector.shape_cast %swap3A_361 : vector<16xf32> to vector<16xf32>
    %swap3A_363 = vector.shape_cast %scan3A_267#23 : vector<16xf32> to vector<16xf32>
    tpu.vector_store %arg6[%swap3A_360], %swap3A_363 {strides = array<i32>} : memref<384xf32, #tpu.memory_space<vmem>>, vector<16xf32>,
    "tpu.region"() ({
      %run_scoped3A = tpu.sem_alloc : memref<!tpu.dma_semaphore, #tpu.memory_space<semaphore_mem>>
      %dma_start3A_364 = arith.constant 0 : i32
      %dma_start3A_365 = tpu.memref_slice %arg3[%add3A, %dma_start3A_364] : memref<32x384xf32, #tpu.memory_space<hbm>> -> memref<1x384xf32, #tpu.memory_space<hbm>>
      %dma_start3A_366 = tpu.memref_squeeze %dma_start3A_365 : memref<1x384xf32, #tpu.memory_space<hbm>> -> memref<384xf32, #tpu.memory_space<hbm>>
      %dma_start3A_367 = arith.constant 0 : i32
      %dma_start3A_368 = tpu.memref_slice %arg3[%add3A, %dma_start3A_367] : memref<32x384xf32, #tpu.memory_space<hbm>> -> memref<1x384xf32, #tpu.memory_space<hbm>>
      %dma_start3A_369 = tpu.memref_squeeze %dma_start3A_368 : memref<1x384xf32, #tpu.memory_space<hbm>> -> memref<384xf32, #tpu.memory_space<hbm>>
      tpu.enqueue_dma source(%arg6 : memref<384xf32, #tpu.memory_space<vmem>>) target(%dma_start3A_369 : memref<384xf32, #tpu.memory_space<hbm>>) target_semaphore(%run_scoped3A : memref<!tpu.dma_semaphore, #tpu.memory_space<semaphore_mem>>)
      %dma_wait3A_370 = arith.constant 0 : i32
      %dma_wait3A_371 = tpu.memref_slice %arg3[%add3A, %dma_wait3A_370] : memref<32x384xf32, #tpu.memory_space<hbm>> -> memref<1x384xf32, #tpu.memory_space<hbm>>
      %dma_wait3A_372 = tpu.memref_squeeze %dma_wait3A_371 : memref<1x384xf32, #tpu.memory_space<hbm>> -> memref<384xf32, #tpu.memory_space<hbm>>
      %dma_wait3A_373 = arith.constant 0 : i32
      %dma_wait3A_374 = tpu.memref_slice %arg3[%add3A, %dma_wait3A_373] : memref<32x384xf32, #tpu.memory_space<hbm>> -> memref<1x384xf32, #tpu.memory_space<hbm>>
      %dma_wait3A_375 = tpu.memref_squeeze %dma_wait3A_374 : memref<1x384xf32, #tpu.memory_space<hbm>> -> memref<384xf32, #tpu.memory_space<hbm>>
      tpu.wait_dma2 semaphore(%run_scoped3A : memref<!tpu.dma_semaphore, #tpu.memory_space<semaphore_mem>>) src(%arg6 : memref<384xf32, #tpu.memory_space<vmem>>) dst(%dma_wait3A_375 : memref<384xf32, #tpu.memory_space<hbm>>)
      tpu.yield
    }) : () -> ()
    return
  }
}

module attributes {stable_mosaic.version = 14 : i64} {
  func.func @_router_kernel(%arg0: memref<32x384xf32, #tpu.memory_space<vmem>>, %arg1: memref<32x384xf32, #tpu.memory_space<vmem>>, %arg2: memref<64x384xf32, #tpu.memory_space<vmem>>, %arg3: memref<1x64xf32, #tpu.memory_space<vmem>>, %arg4: memref<1x64xf32, #tpu.memory_space<vmem>>, %arg5: memref<32x8xf32, #tpu.memory_space<vmem>>, %arg6: memref<32x8xi32, #tpu.memory_space<vmem>>) attributes {dimension_semantics = [], scalar_prefetch = 0 : i64, scratch_operands = 0 : i64, tpu.core_type = #tpu.core_type<tc>} {
    %get3A = arith.constant 0 : index
    %get3A_0 = arith.constant 0 : index
    %get3A_1 = vector.load %arg0[%get3A, %get3A_0] : memref<32x384xf32, #tpu.memory_space<vmem>>, vector<32x384xf32>
    %get3A_2 = arith.constant 0 : index
    %get3A_3 = arith.constant 0 : index
    %get3A_4 = vector.load %arg1[%get3A_2, %get3A_3] : memref<32x384xf32, #tpu.memory_space<vmem>>, vector<32x384xf32>
    %add3A = arith.addf %get3A_1, %get3A_4 : vector<32x384xf32>
    %mul3A = arith.constant 3.18877544E-4 : f32
    %mul3A_5 = vector.broadcast %mul3A : f32 to vector<32x384xf32>
    %mul3A_6 = arith.mulf %add3A, %mul3A_5 : vector<32x384xf32>
    %get3A_7 = arith.constant 0 : index
    %get3A_8 = arith.constant 0 : index
    %get3A_9 = vector.load %arg2[%get3A_7, %get3A_8] : memref<64x384xf32, #tpu.memory_space<vmem>>, vector<64x384xf32>
    %dot_general3A = arith.constant dense<0.000000e+00> : vector<32x64xf32>
    %dot_general3A_10 = tpu.matmul %mul3A_6, %get3A_9, %dot_general3A {dimension_numbers = #tpu.dot_dimension_numbers<[1], [1], [0], [0], [0, 0, 1, 0], [], []>, transpose_lhs_hint = false} : vector<32x384xf32>, vector<64x384xf32>, vector<32x64xf32> -> vector<32x64xf32>
    %get3A_11 = arith.constant 0 : index
    %get3A_12 = arith.constant 0 : index
    %get3A_13 = vector.load %arg3[%get3A_11, %get3A_12] : memref<1x64xf32, #tpu.memory_space<vmem>>, vector<1x64xf32>
    %add3A_14 = vector.broadcast %get3A_13 : vector<1x64xf32> to vector<32x64xf32>
    %add3A_15 = arith.addf %dot_general3A_10, %add3A_14 : vector<32x64xf32>
    %logistic3A = arith.negf %add3A_15 : vector<32x64xf32>
    %logistic3A_16 = math.exp %logistic3A : vector<32x64xf32>
    %logistic3A_17 = arith.constant 1.000000e+00 : f32
    %logistic3A_18 = vector.broadcast %logistic3A_17 : f32 to vector<32x64xf32>
    %logistic3A_19 = arith.addf %logistic3A_18, %logistic3A_16 : vector<32x64xf32>
    %logistic3A_20 = arith.divf %logistic3A_18, %logistic3A_19 : vector<32x64xf32>
    %get3A_21 = arith.constant 0 : index
    %get3A_22 = arith.constant 0 : index
    %get3A_23 = vector.load %arg4[%get3A_21, %get3A_22] : memref<1x64xf32, #tpu.memory_space<vmem>>, vector<1x64xf32>
    %add3A_24 = vector.broadcast %get3A_23 : vector<1x64xf32> to vector<32x64xf32>
    %add3A_25 = arith.addf %logistic3A_20, %add3A_24 : vector<32x64xf32>
    %iota3A = tpu.iota {dimensions = array<i32: 1>} : vector<32x64xi32>
    %reduce_max3A = arith.constant dense<0xFF800000> : vector<32xf32>
    %reduce_max3A_26 = vector.multi_reduction <maximumf>, %add3A_25, %reduce_max3A [1] : vector<32x64xf32> to vector<32xf32>
    %broadcast_in_dim3A = vector.shape_cast %reduce_max3A_26 : vector<32xf32> to vector<32x1xf32>
    %eq3A = vector.broadcast %broadcast_in_dim3A : vector<32x1xf32> to vector<32x64xf32>
    %eq3A_27 = arith.cmpf oeq, %add3A_25, %eq3A : vector<32x64xf32>
    %jit3A = arith.constant 64 : i32
    %broadcast_in_dim3A_28 = vector.broadcast %jit3A : i32 to vector<32x64xi32>
    %select_n3A = arith.select %eq3A_27, %iota3A, %broadcast_in_dim3A_28 : vector<32x64xi1>, vector<32x64xi32>
    %reduce_min3A = arith.constant dense<2147483647> : vector<32xi32>
    %reduce_min3A_29 = vector.multi_reduction <minsi>, %select_n3A, %reduce_min3A [1] : vector<32x64xi32> to vector<32xi32>
    %broadcast_in_dim3A_30 = vector.shape_cast %reduce_min3A_29 : vector<32xi32> to vector<32x1xi32>
    %eq3A_31 = vector.broadcast %broadcast_in_dim3A_30 : vector<32x1xi32> to vector<32x64xi32>
    %eq3A_32 = arith.cmpi eq, %iota3A, %eq3A_31 : vector<32x64xi32>
    %jit3A_33 = arith.constant 0.000000e+00 : f32
    %broadcast_in_dim3A_34 = vector.broadcast %jit3A_33 : f32 to vector<32x64xf32>
    %select_n3A_35 = arith.select %eq3A_32, %logistic3A_20, %broadcast_in_dim3A_34 : vector<32x64xi1>, vector<32x64xf32>
    %reduce_sum3A = arith.constant dense<0.000000e+00> : vector<32xf32>
    %reduce_sum3A_36 = vector.multi_reduction <add>, %select_n3A_35, %reduce_sum3A [1] : vector<32x64xf32> to vector<32xf32>
    %broadcast_in_dim3A_37 = vector.shape_cast %reduce_sum3A_36 : vector<32xf32> to vector<32x1xf32>
    %jit3A_38 = arith.constant 0xFF800000 : f32
    %broadcast_in_dim3A_39 = vector.broadcast %jit3A_38 : f32 to vector<32x64xf32>
    %select_n3A_40 = arith.select %eq3A_32, %broadcast_in_dim3A_39, %add3A_25 : vector<32x64xi1>, vector<32x64xf32>
    %reduce_max3A_41 = arith.constant dense<0xFF800000> : vector<32xf32>
    %reduce_max3A_42 = vector.multi_reduction <maximumf>, %select_n3A_40, %reduce_max3A_41 [1] : vector<32x64xf32> to vector<32xf32>
    %broadcast_in_dim3A_43 = vector.shape_cast %reduce_max3A_42 : vector<32xf32> to vector<32x1xf32>
    %eq3A_44 = vector.broadcast %broadcast_in_dim3A_43 : vector<32x1xf32> to vector<32x64xf32>
    %eq3A_45 = arith.cmpf oeq, %select_n3A_40, %eq3A_44 : vector<32x64xf32>
    %jit3A_46 = arith.constant 64 : i32
    %broadcast_in_dim3A_47 = vector.broadcast %jit3A_46 : i32 to vector<32x64xi32>
    %select_n3A_48 = arith.select %eq3A_45, %iota3A, %broadcast_in_dim3A_47 : vector<32x64xi1>, vector<32x64xi32>
    %reduce_min3A_49 = arith.constant dense<2147483647> : vector<32xi32>
    %reduce_min3A_50 = vector.multi_reduction <minsi>, %select_n3A_48, %reduce_min3A_49 [1] : vector<32x64xi32> to vector<32xi32>
    %broadcast_in_dim3A_51 = vector.shape_cast %reduce_min3A_50 : vector<32xi32> to vector<32x1xi32>
    %eq3A_52 = vector.broadcast %broadcast_in_dim3A_51 : vector<32x1xi32> to vector<32x64xi32>
    %eq3A_53 = arith.cmpi eq, %iota3A, %eq3A_52 : vector<32x64xi32>
    %jit3A_54 = arith.constant 0.000000e+00 : f32
    %broadcast_in_dim3A_55 = vector.broadcast %jit3A_54 : f32 to vector<32x64xf32>
    %select_n3A_56 = arith.select %eq3A_53, %logistic3A_20, %broadcast_in_dim3A_55 : vector<32x64xi1>, vector<32x64xf32>
    %reduce_sum3A_57 = arith.constant dense<0.000000e+00> : vector<32xf32>
    %reduce_sum3A_58 = vector.multi_reduction <add>, %select_n3A_56, %reduce_sum3A_57 [1] : vector<32x64xf32> to vector<32xf32>
    %broadcast_in_dim3A_59 = vector.shape_cast %reduce_sum3A_58 : vector<32xf32> to vector<32x1xf32>
    %jit3A_60 = arith.constant 0xFF800000 : f32
    %broadcast_in_dim3A_61 = vector.broadcast %jit3A_60 : f32 to vector<32x64xf32>
    %select_n3A_62 = arith.select %eq3A_53, %broadcast_in_dim3A_61, %select_n3A_40 : vector<32x64xi1>, vector<32x64xf32>
    %reduce_max3A_63 = arith.constant dense<0xFF800000> : vector<32xf32>
    %reduce_max3A_64 = vector.multi_reduction <maximumf>, %select_n3A_62, %reduce_max3A_63 [1] : vector<32x64xf32> to vector<32xf32>
    %broadcast_in_dim3A_65 = vector.shape_cast %reduce_max3A_64 : vector<32xf32> to vector<32x1xf32>
    %eq3A_66 = vector.broadcast %broadcast_in_dim3A_65 : vector<32x1xf32> to vector<32x64xf32>
    %eq3A_67 = arith.cmpf oeq, %select_n3A_62, %eq3A_66 : vector<32x64xf32>
    %jit3A_68 = arith.constant 64 : i32
    %broadcast_in_dim3A_69 = vector.broadcast %jit3A_68 : i32 to vector<32x64xi32>
    %select_n3A_70 = arith.select %eq3A_67, %iota3A, %broadcast_in_dim3A_69 : vector<32x64xi1>, vector<32x64xi32>
    %reduce_min3A_71 = arith.constant dense<2147483647> : vector<32xi32>
    %reduce_min3A_72 = vector.multi_reduction <minsi>, %select_n3A_70, %reduce_min3A_71 [1] : vector<32x64xi32> to vector<32xi32>
    %broadcast_in_dim3A_73 = vector.shape_cast %reduce_min3A_72 : vector<32xi32> to vector<32x1xi32>
    %eq3A_74 = vector.broadcast %broadcast_in_dim3A_73 : vector<32x1xi32> to vector<32x64xi32>
    %eq3A_75 = arith.cmpi eq, %iota3A, %eq3A_74 : vector<32x64xi32>
    %jit3A_76 = arith.constant 0.000000e+00 : f32
    %broadcast_in_dim3A_77 = vector.broadcast %jit3A_76 : f32 to vector<32x64xf32>
    %select_n3A_78 = arith.select %eq3A_75, %logistic3A_20, %broadcast_in_dim3A_77 : vector<32x64xi1>, vector<32x64xf32>
    %reduce_sum3A_79 = arith.constant dense<0.000000e+00> : vector<32xf32>
    %reduce_sum3A_80 = vector.multi_reduction <add>, %select_n3A_78, %reduce_sum3A_79 [1] : vector<32x64xf32> to vector<32xf32>
    %broadcast_in_dim3A_81 = vector.shape_cast %reduce_sum3A_80 : vector<32xf32> to vector<32x1xf32>
    %jit3A_82 = arith.constant 0xFF800000 : f32
    %broadcast_in_dim3A_83 = vector.broadcast %jit3A_82 : f32 to vector<32x64xf32>
    %select_n3A_84 = arith.select %eq3A_75, %broadcast_in_dim3A_83, %select_n3A_62 : vector<32x64xi1>, vector<32x64xf32>
    %reduce_max3A_85 = arith.constant dense<0xFF800000> : vector<32xf32>
    %reduce_max3A_86 = vector.multi_reduction <maximumf>, %select_n3A_84, %reduce_max3A_85 [1] : vector<32x64xf32> to vector<32xf32>
    %broadcast_in_dim3A_87 = vector.shape_cast %reduce_max3A_86 : vector<32xf32> to vector<32x1xf32>
    %eq3A_88 = vector.broadcast %broadcast_in_dim3A_87 : vector<32x1xf32> to vector<32x64xf32>
    %eq3A_89 = arith.cmpf oeq, %select_n3A_84, %eq3A_88 : vector<32x64xf32>
    %jit3A_90 = arith.constant 64 : i32
    %broadcast_in_dim3A_91 = vector.broadcast %jit3A_90 : i32 to vector<32x64xi32>
    %select_n3A_92 = arith.select %eq3A_89, %iota3A, %broadcast_in_dim3A_91 : vector<32x64xi1>, vector<32x64xi32>
    %reduce_min3A_93 = arith.constant dense<2147483647> : vector<32xi32>
    %reduce_min3A_94 = vector.multi_reduction <minsi>, %select_n3A_92, %reduce_min3A_93 [1] : vector<32x64xi32> to vector<32xi32>
    %broadcast_in_dim3A_95 = vector.shape_cast %reduce_min3A_94 : vector<32xi32> to vector<32x1xi32>
    %eq3A_96 = vector.broadcast %broadcast_in_dim3A_95 : vector<32x1xi32> to vector<32x64xi32>
    %eq3A_97 = arith.cmpi eq, %iota3A, %eq3A_96 : vector<32x64xi32>
    %jit3A_98 = arith.constant 0.000000e+00 : f32
    %broadcast_in_dim3A_99 = vector.broadcast %jit3A_98 : f32 to vector<32x64xf32>
    %select_n3A_100 = arith.select %eq3A_97, %logistic3A_20, %broadcast_in_dim3A_99 : vector<32x64xi1>, vector<32x64xf32>
    %reduce_sum3A_101 = arith.constant dense<0.000000e+00> : vector<32xf32>
    %reduce_sum3A_102 = vector.multi_reduction <add>, %select_n3A_100, %reduce_sum3A_101 [1] : vector<32x64xf32> to vector<32xf32>
    %broadcast_in_dim3A_103 = vector.shape_cast %reduce_sum3A_102 : vector<32xf32> to vector<32x1xf32>
    %jit3A_104 = arith.constant 0xFF800000 : f32
    %broadcast_in_dim3A_105 = vector.broadcast %jit3A_104 : f32 to vector<32x64xf32>
    %select_n3A_106 = arith.select %eq3A_97, %broadcast_in_dim3A_105, %select_n3A_84 : vector<32x64xi1>, vector<32x64xf32>
    %reduce_max3A_107 = arith.constant dense<0xFF800000> : vector<32xf32>
    %reduce_max3A_108 = vector.multi_reduction <maximumf>, %select_n3A_106, %reduce_max3A_107 [1] : vector<32x64xf32> to vector<32xf32>
    %broadcast_in_dim3A_109 = vector.shape_cast %reduce_max3A_108 : vector<32xf32> to vector<32x1xf32>
    %eq3A_110 = vector.broadcast %broadcast_in_dim3A_109 : vector<32x1xf32> to vector<32x64xf32>
    %eq3A_111 = arith.cmpf oeq, %select_n3A_106, %eq3A_110 : vector<32x64xf32>
    %jit3A_112 = arith.constant 64 : i32
    %broadcast_in_dim3A_113 = vector.broadcast %jit3A_112 : i32 to vector<32x64xi32>
    %select_n3A_114 = arith.select %eq3A_111, %iota3A, %broadcast_in_dim3A_113 : vector<32x64xi1>, vector<32x64xi32>
    %reduce_min3A_115 = arith.constant dense<2147483647> : vector<32xi32>
    %reduce_min3A_116 = vector.multi_reduction <minsi>, %select_n3A_114, %reduce_min3A_115 [1] : vector<32x64xi32> to vector<32xi32>
    %broadcast_in_dim3A_117 = vector.shape_cast %reduce_min3A_116 : vector<32xi32> to vector<32x1xi32>
    %eq3A_118 = vector.broadcast %broadcast_in_dim3A_117 : vector<32x1xi32> to vector<32x64xi32>
    %eq3A_119 = arith.cmpi eq, %iota3A, %eq3A_118 : vector<32x64xi32>
    %jit3A_120 = arith.constant 0.000000e+00 : f32
    %broadcast_in_dim3A_121 = vector.broadcast %jit3A_120 : f32 to vector<32x64xf32>
    %select_n3A_122 = arith.select %eq3A_119, %logistic3A_20, %broadcast_in_dim3A_121 : vector<32x64xi1>, vector<32x64xf32>
    %reduce_sum3A_123 = arith.constant dense<0.000000e+00> : vector<32xf32>
    %reduce_sum3A_124 = vector.multi_reduction <add>, %select_n3A_122, %reduce_sum3A_123 [1] : vector<32x64xf32> to vector<32xf32>
    %broadcast_in_dim3A_125 = vector.shape_cast %reduce_sum3A_124 : vector<32xf32> to vector<32x1xf32>
    %jit3A_126 = arith.constant 0xFF800000 : f32
    %broadcast_in_dim3A_127 = vector.broadcast %jit3A_126 : f32 to vector<32x64xf32>
    %select_n3A_128 = arith.select %eq3A_119, %broadcast_in_dim3A_127, %select_n3A_106 : vector<32x64xi1>, vector<32x64xf32>
    %reduce_max3A_129 = arith.constant dense<0xFF800000> : vector<32xf32>
    %reduce_max3A_130 = vector.multi_reduction <maximumf>, %select_n3A_128, %reduce_max3A_129 [1] : vector<32x64xf32> to vector<32xf32>
    %broadcast_in_dim3A_131 = vector.shape_cast %reduce_max3A_130 : vector<32xf32> to vector<32x1xf32>
    %eq3A_132 = vector.broadcast %broadcast_in_dim3A_131 : vector<32x1xf32> to vector<32x64xf32>
    %eq3A_133 = arith.cmpf oeq, %select_n3A_128, %eq3A_132 : vector<32x64xf32>
    %jit3A_134 = arith.constant 64 : i32
    %broadcast_in_dim3A_135 = vector.broadcast %jit3A_134 : i32 to vector<32x64xi32>
    %select_n3A_136 = arith.select %eq3A_133, %iota3A, %broadcast_in_dim3A_135 : vector<32x64xi1>, vector<32x64xi32>
    %reduce_min3A_137 = arith.constant dense<2147483647> : vector<32xi32>
    %reduce_min3A_138 = vector.multi_reduction <minsi>, %select_n3A_136, %reduce_min3A_137 [1] : vector<32x64xi32> to vector<32xi32>
    %broadcast_in_dim3A_139 = vector.shape_cast %reduce_min3A_138 : vector<32xi32> to vector<32x1xi32>
    %eq3A_140 = vector.broadcast %broadcast_in_dim3A_139 : vector<32x1xi32> to vector<32x64xi32>
    %eq3A_141 = arith.cmpi eq, %iota3A, %eq3A_140 : vector<32x64xi32>
    %jit3A_142 = arith.constant 0.000000e+00 : f32
    %broadcast_in_dim3A_143 = vector.broadcast %jit3A_142 : f32 to vector<32x64xf32>
    %select_n3A_144 = arith.select %eq3A_141, %logistic3A_20, %broadcast_in_dim3A_143 : vector<32x64xi1>, vector<32x64xf32>
    %reduce_sum3A_145 = arith.constant dense<0.000000e+00> : vector<32xf32>
    %reduce_sum3A_146 = vector.multi_reduction <add>, %select_n3A_144, %reduce_sum3A_145 [1] : vector<32x64xf32> to vector<32xf32>
    %broadcast_in_dim3A_147 = vector.shape_cast %reduce_sum3A_146 : vector<32xf32> to vector<32x1xf32>
    %jit3A_148 = arith.constant 0xFF800000 : f32
    %broadcast_in_dim3A_149 = vector.broadcast %jit3A_148 : f32 to vector<32x64xf32>
    %select_n3A_150 = arith.select %eq3A_141, %broadcast_in_dim3A_149, %select_n3A_128 : vector<32x64xi1>, vector<32x64xf32>
    %reduce_max3A_151 = arith.constant dense<0xFF800000> : vector<32xf32>
    %reduce_max3A_152 = vector.multi_reduction <maximumf>, %select_n3A_150, %reduce_max3A_151 [1] : vector<32x64xf32> to vector<32xf32>
    %broadcast_in_dim3A_153 = vector.shape_cast %reduce_max3A_152 : vector<32xf32> to vector<32x1xf32>
    %eq3A_154 = vector.broadcast %broadcast_in_dim3A_153 : vector<32x1xf32> to vector<32x64xf32>
    %eq3A_155 = arith.cmpf oeq, %select_n3A_150, %eq3A_154 : vector<32x64xf32>
    %jit3A_156 = arith.constant 64 : i32
    %broadcast_in_dim3A_157 = vector.broadcast %jit3A_156 : i32 to vector<32x64xi32>
    %select_n3A_158 = arith.select %eq3A_155, %iota3A, %broadcast_in_dim3A_157 : vector<32x64xi1>, vector<32x64xi32>
    %reduce_min3A_159 = arith.constant dense<2147483647> : vector<32xi32>
    %reduce_min3A_160 = vector.multi_reduction <minsi>, %select_n3A_158, %reduce_min3A_159 [1] : vector<32x64xi32> to vector<32xi32>
    %broadcast_in_dim3A_161 = vector.shape_cast %reduce_min3A_160 : vector<32xi32> to vector<32x1xi32>
    %eq3A_162 = vector.broadcast %broadcast_in_dim3A_161 : vector<32x1xi32> to vector<32x64xi32>
    %eq3A_163 = arith.cmpi eq, %iota3A, %eq3A_162 : vector<32x64xi32>
    %jit3A_164 = arith.constant 0.000000e+00 : f32
    %broadcast_in_dim3A_165 = vector.broadcast %jit3A_164 : f32 to vector<32x64xf32>
    %select_n3A_166 = arith.select %eq3A_163, %logistic3A_20, %broadcast_in_dim3A_165 : vector<32x64xi1>, vector<32x64xf32>
    %reduce_sum3A_167 = arith.constant dense<0.000000e+00> : vector<32xf32>
    %reduce_sum3A_168 = vector.multi_reduction <add>, %select_n3A_166, %reduce_sum3A_167 [1] : vector<32x64xf32> to vector<32xf32>
    %broadcast_in_dim3A_169 = vector.shape_cast %reduce_sum3A_168 : vector<32xf32> to vector<32x1xf32>
    %jit3A_170 = arith.constant 0xFF800000 : f32
    %broadcast_in_dim3A_171 = vector.broadcast %jit3A_170 : f32 to vector<32x64xf32>
    %select_n3A_172 = arith.select %eq3A_163, %broadcast_in_dim3A_171, %select_n3A_150 : vector<32x64xi1>, vector<32x64xf32>
    %reduce_max3A_173 = arith.constant dense<0xFF800000> : vector<32xf32>
    %reduce_max3A_174 = vector.multi_reduction <maximumf>, %select_n3A_172, %reduce_max3A_173 [1] : vector<32x64xf32> to vector<32xf32>
    %broadcast_in_dim3A_175 = vector.shape_cast %reduce_max3A_174 : vector<32xf32> to vector<32x1xf32>
    %eq3A_176 = vector.broadcast %broadcast_in_dim3A_175 : vector<32x1xf32> to vector<32x64xf32>
    %eq3A_177 = arith.cmpf oeq, %select_n3A_172, %eq3A_176 : vector<32x64xf32>
    %jit3A_178 = arith.constant 64 : i32
    %broadcast_in_dim3A_179 = vector.broadcast %jit3A_178 : i32 to vector<32x64xi32>
    %select_n3A_180 = arith.select %eq3A_177, %iota3A, %broadcast_in_dim3A_179 : vector<32x64xi1>, vector<32x64xi32>
    %reduce_min3A_181 = arith.constant dense<2147483647> : vector<32xi32>
    %reduce_min3A_182 = vector.multi_reduction <minsi>, %select_n3A_180, %reduce_min3A_181 [1] : vector<32x64xi32> to vector<32xi32>
    %broadcast_in_dim3A_183 = vector.shape_cast %reduce_min3A_182 : vector<32xi32> to vector<32x1xi32>
    %eq3A_184 = vector.broadcast %broadcast_in_dim3A_183 : vector<32x1xi32> to vector<32x64xi32>
    %eq3A_185 = arith.cmpi eq, %iota3A, %eq3A_184 : vector<32x64xi32>
    %jit3A_186 = arith.constant 0.000000e+00 : f32
    %broadcast_in_dim3A_187 = vector.broadcast %jit3A_186 : f32 to vector<32x64xf32>
    %select_n3A_188 = arith.select %eq3A_185, %logistic3A_20, %broadcast_in_dim3A_187 : vector<32x64xi1>, vector<32x64xf32>
    %reduce_sum3A_189 = arith.constant dense<0.000000e+00> : vector<32xf32>
    %reduce_sum3A_190 = vector.multi_reduction <add>, %select_n3A_188, %reduce_sum3A_189 [1] : vector<32x64xf32> to vector<32xf32>
    %broadcast_in_dim3A_191 = vector.shape_cast %reduce_sum3A_190 : vector<32xf32> to vector<32x1xf32>
    %concatenate3A = tpu.concatenate %broadcast_in_dim3A_30, %broadcast_in_dim3A_51, %broadcast_in_dim3A_73, %broadcast_in_dim3A_95, %broadcast_in_dim3A_117, %broadcast_in_dim3A_139, %broadcast_in_dim3A_161, %broadcast_in_dim3A_183 in 1 : vector<32x1xi32>, vector<32x1xi32>, vector<32x1xi32>, vector<32x1xi32>, vector<32x1xi32>, vector<32x1xi32>, vector<32x1xi32>, vector<32x1xi32> -> vector<32x8xi32>
    %concatenate3A_192 = tpu.concatenate %broadcast_in_dim3A_37, %broadcast_in_dim3A_59, %broadcast_in_dim3A_81, %broadcast_in_dim3A_103, %broadcast_in_dim3A_125, %broadcast_in_dim3A_147, %broadcast_in_dim3A_169, %broadcast_in_dim3A_191 in 1 : vector<32x1xf32>, vector<32x1xf32>, vector<32x1xf32>, vector<32x1xf32>, vector<32x1xf32>, vector<32x1xf32>, vector<32x1xf32>, vector<32x1xf32> -> vector<32x8xf32>
    %reduce_sum3A_193 = arith.constant dense<0.000000e+00> : vector<32xf32>
    %reduce_sum3A_194 = vector.multi_reduction <add>, %concatenate3A_192, %reduce_sum3A_193 [1] : vector<32x8xf32> to vector<32xf32>
    %broadcast_in_dim3A_195 = vector.shape_cast %reduce_sum3A_194 : vector<32xf32> to vector<32x1xf32>
    %div3A = vector.broadcast %broadcast_in_dim3A_195 : vector<32x1xf32> to vector<32x8xf32>
    %div3A_196 = arith.divf %concatenate3A_192, %div3A : vector<32x8xf32>
    %mul3A_197 = arith.constant 1.000000e+00 : f32
    %mul3A_198 = vector.broadcast %mul3A_197 : f32 to vector<32x8xf32>
    %mul3A_199 = arith.mulf %div3A_196, %mul3A_198 : vector<32x8xf32>
    %swap3A = arith.constant 0 : index
    %swap3A_200 = arith.constant 0 : index
    %swap3A_201 = vector.load %arg5[%swap3A, %swap3A_200] : memref<32x8xf32, #tpu.memory_space<vmem>>, vector<32x8xf32>
    tpu.vector_store %arg5[%swap3A, %swap3A_200], %mul3A_199 {strides = array<i32>} : memref<32x8xf32, #tpu.memory_space<vmem>>, vector<32x8xf32>,
    %swap3A_202 = arith.constant 0 : index
    %swap3A_203 = arith.constant 0 : index
    %swap3A_204 = vector.load %arg6[%swap3A_202, %swap3A_203] : memref<32x8xi32, #tpu.memory_space<vmem>>, vector<32x8xi32>
    tpu.vector_store %arg6[%swap3A_202, %swap3A_203], %concatenate3A {strides = array<i32>} : memref<32x8xi32, #tpu.memory_space<vmem>>, vector<32x8xi32>,
    return
  }
}

module attributes {stable_mosaic.version = 14 : i64} {
  func.func @_tc_pool_kernel(%arg0: i32, %arg1: i32, %arg2: memref<8x14x56x384xf32, #tpu.memory_space<vmem>>, %arg3: memref<8x384xf32, #tpu.memory_space<vmem>>) attributes {dimension_semantics = [#tpu.dimension_semantics<arbitrary>, #tpu.dimension_semantics<arbitrary>], iteration_bounds = array<i64: 4, 3>, scalar_prefetch = 0 : i64, scratch_operands = 0 : i64, tpu.core_type = #tpu.core_type<tc>, window_params = [{transform_indices = @transform_0, window_bounds = array<i64: 8, 14, 56, 384>}, {transform_indices = @transform_1, window_bounds = array<i64: 8, 384>}]} {
    %get3A = arith.constant 0 : index
    %get3A_0 = arith.constant 0 : index
    %get3A_1 = arith.constant 0 : index
    %get3A_2 = arith.constant 0 : index
    %get3A_3 = vector.load %arg2[%get3A, %get3A_0, %get3A_1, %get3A_2] : memref<8x14x56x384xf32, #tpu.memory_space<vmem>>, vector<8x14x56x384xf32>
    %reduce_sum3A = arith.constant dense<0.000000e+00> : vector<8x384xf32>
    %reduce_sum3A_4 = vector.multi_reduction <add>, %get3A_3, %reduce_sum3A [1, 2] : vector<8x14x56x384xf32> to vector<8x384xf32>
    %eq3A = arith.constant 0 : i32
    %eq3A_5 = arith.cmpi eq, %arg1, %eq3A : i32
    %convert_element_type3A = arith.extui %eq3A_5 : i1 to i32
    %cond3A = arith.constant 0 : i32
    %cond3A_6 = arith.cmpi ne, %convert_element_type3A, %cond3A : i32
    scf.if %cond3A_6 {
      %swap3A = arith.constant 0 : index
      %swap3A_11 = arith.constant 0 : index
      %swap3A_12 = vector.load %arg3[%swap3A, %swap3A_11] : memref<8x384xf32, #tpu.memory_space<vmem>>, vector<8x384xf32>
      tpu.vector_store %arg3[%swap3A, %swap3A_11], %reduce_sum3A_4 {strides = array<i32>} : memref<8x384xf32, #tpu.memory_space<vmem>>, vector<8x384xf32>,
    } else {
    }
    %ne3A = arith.constant 0 : i32
    %ne3A_7 = arith.cmpi ne, %arg1, %ne3A : i32
    %convert_element_type3A_8 = arith.extui %ne3A_7 : i1 to i32
    %cond3A_9 = arith.constant 0 : i32
    %cond3A_10 = arith.cmpi ne, %convert_element_type3A_8, %cond3A_9 : i32
    scf.if %cond3A_10 {
      %get3A_11 = arith.constant 0 : index
      %get3A_12 = arith.constant 0 : index
      %get3A_13 = vector.load %arg3[%get3A_11, %get3A_12] : memref<8x384xf32, #tpu.memory_space<vmem>>, vector<8x384xf32>
      %add3A = arith.addf %get3A_13, %reduce_sum3A_4 : vector<8x384xf32>
      %swap3A = arith.constant 0 : index
      %swap3A_14 = arith.constant 0 : index
      %swap3A_15 = vector.load %arg3[%swap3A, %swap3A_14] : memref<8x384xf32, #tpu.memory_space<vmem>>, vector<8x384xf32>
      tpu.vector_store %arg3[%swap3A, %swap3A_14], %add3A {strides = array<i32>} : memref<8x384xf32, #tpu.memory_space<vmem>>, vector<8x384xf32>,
    } else {
    }
    return
  }
  func.func @transform_0(%arg0: i32, %arg1: i32) -> (i32, i32, i32, i32) {
    %c0_i32 = arith.constant 0 : i32
    %c0_i32_0 = arith.constant 0 : i32
    %c0_i32_1 = arith.constant 0 : i32
    return %arg0, %arg1, %c0_i32, %c0_i32_0 : i32, i32, i32, i32
  }
  func.func @transform_1(%arg0: i32, %arg1: i32) -> (i32, i32) {
    %c0_i32 = arith.constant 0 : i32
    %c0_i32_0 = arith.constant 0 : i32
    return %arg0, %c0_i32 : i32, i32
  }
}

</mosaic_0001>

<sc_bundles>
// kernel: kernel.5.cloned.1.call-start
scs
__scs_entry_jumppad:
0x0: {  	(pc) =	sbr.rel $0x88, $3  }
0x1: {  	(tag) =	ssettag $0x0;
	lr =	simm.s32 $0x1  }
0x2: {  	[smem:$0x3F9D] =	sst lr;
	_ =	strace $0xD0000000  }
0x3: {  	_ = 	snop  }
0x4: {  	_ = 	snop  }
0x5: {  	_ = 	snop  }
0x6: {  	_ = 	snop  }
0x7: {  	_ = 	snop  }
__scs_overlays_trampoline_lowered:
0x8: {  	[smem:$0x3FAC] =	sst s0  }
0x9: {  	[smem:$0x3FAD] =	sst s1  }
0xa: {  	[smem:$0x3FAE] =	sst s2  }
0xb: {  	[smem:$0x3FAF] =	sst s3  }
0xc: {  	[smem:$0x3FB0] =	sst s4  }
0xd: {  	[smem:$0x3FB1] =	sst s5  }
0xe: {  	[smem:$0x3FB2] =	sst s6  }
0xf: {  	[smem:$0x3FB3] =	sst s7  }
0x10: {  	[smem:$0x3FB4] =	sst s8  }
0x11: {  	[smem:$0x3FB5] =	sst s9;
	s0 =	simm.s32 @!p0 $0x0  }
0x12: {  	s1 =	sld [smem:$0x3F9B];
	s0 =	simm.s32 @p0 $0x1  }
0x13: {  	[smem:$0x3FB6] =	sst s0;
	s0 =	simm.s32 @!p1 $0x0  }
0x14: {  	s2 =	sld [smem:$0x3F9A];
	s0 =	simm.s32 @p1 $0x1  }
0x15: {  	[smem:$0x3FB7] =	sst s0;
	s0 =	simm.s32 @!p2 $0x0  }
0x16: {  	s3 =	sld [smem:$0x3FDB];
	s0 =	simm.s32 @p2 $0x1  }
0x17: {  	s4 =	simm.s32 $0x1BF5;
	[smem:$0x3FB9] =	sst s0  }
0x18: {  	s0 =	sld [smem:$0x3F9C];
	_ =	swait.ge [sflag:s4], $0x0  }
0x19: {  	s7 =	sld [smem:$0x3F9D]  }
0x1a: {  	s8 =	sadd.s32 $0xFFFFE003, lr  }
0x1b: {  	s9 =	sadd.s32 $0xFFFFFEF7, lr;
	s5 =	simm.s32 $0xFFFFFFFF;
	p2 =	slt.u32 s8, $0xFFFFF086  }
0x1c: {  	p1 =	slt.u32 s9, $0xF7A;
	s5 =	simm.s32 @!p2 $0x0  }
0x1d: {  	s5 =	simm.s32 @p1 $0x1;
	p0 =	seq.s32 s7, s2  }
0x1e: {  	s7 =	smul.u32 @!p0 $0xF7A, s2;
	p2 =	seq.s32 @!p0 s5, $0x0  }
0x1f: {  	s9 =	smul.u32 $0xF7A, s1;
	s8 =	simm.s32 @!p0 $0x1BF5;
	p2 =	por !p2, p0  }
0x20: {  	[sflag:s8] =	ssyncset.s32 @!p0 $0xFFFFF086;
	s6 =	sadd.s32 @!p0 s3, s7;
	s7 =	simm.s32 @!p0 $0x108  }
0x21: {  	s3 =	sadd.s32 s3, s9;
	s6 =	sadd.s32 @!p0 $0x88, s6;
	s7 =	simm.s32 @p2 $0x1082  }
0x22: {  	[simem:s7], [sflag:s8] =	dma.local @!p0 [hbm:s6], $0xF7A  }
0x23: {  	s9 =	sor.u32 $0xD0000000, s2;
	s6 =	simm.s32 $0x108;
	_ =	swait.ge @!p0 [sflag:s8], $0x0  }
0x24: {  	s3 =	sadd.s32 $0x88, s3;
	s6 =	simm.s32 @!p1 $0x1082;
	[sflag:s4] =	ssyncset.s32 $0xFFFFF086  }
0x25: {  	[simem:s6], [sflag:s4] =	dma.local [hbm:s3], $0xF7A  }
0x26: {  	[smem:$0x3F9D] =	sst s1;
	(tag) =	ssettag s2;
	_ =	strace s9  }
0x27: {  	s1 =	sld [smem:$0x3FAD]  }
0x28: {  	s2 =	sld [smem:$0x3FAE]  }
0x29: {  	s4 =	sld [smem:$0x3FB0]  }
0x2a: {  	p0 =	seq.s32 s5, $0x0;
	s5 =	sld [smem:$0x3FB1]  }
0x2b: {  	s6 =	sld [smem:$0x3FB2]  }
0x2c: {  	s7 =	sld [smem:$0x3FB3]  }
0x2d: {  	s3 =	simm.s32 $0x108;
	s8 =	sld [smem:$0x3FB4]  }
0x2e: {  	s3 =	simm.s32 @!p0 $0x1082;
	s9 =	sld [smem:$0x3FB5]  }
0x2f: {  	lr =	sadd.s32 s0, s3;
	s0 =	sld [smem:$0x3FAC]  }
0x30: {  	s3 =	sld [smem:$0x3FAF]  }
0x31: {  	[smem:$0x3FB8] =	sst s10  }
0x32: {  	s10 =	sld [smem:$0x3FB6];
	_ =	sdelay $0x3  }
0x33: {  	p0 =	seq.s32 s10, $0x1;
	s10 =	sld [smem:$0x3FB8];
	_ =	sdelay $0x3  }
0x34: {  	[smem:$0x3FB8] =	sst s10  }
0x35: {  	s10 =	sld [smem:$0x3FB7];
	_ =	sdelay $0x3  }
0x36: {  	p1 =	seq.s32 s10, $0x1;
	s10 =	sld [smem:$0x3FB8];
	_ =	sdelay $0x3  }
0x37: {  	[smem:$0x3FB8] =	sst s10  }
0x38: {  	s10 =	sld [smem:$0x3FB9]  }
0x39: {  	_ = 	snop;
	(pc) =	sbr.ind lr, $3  }
0x3a: {  	_ = 	snop  }
0x3b: {  	_ = 	snop  }
0x3c: {  	p2 =	seq.s32 s10, $0x1;
	s10 =	sld [smem:$0x3FB8]  }
0x3d: {  	_ =	shalt  }
0x3e: {  	_ =	shalt  }
0x3f: {  	_ =	shalt  }
0x40: {  	_ =	shalt  }
0x41: {  	_ =	shalt  }
0x42: {  	_ =	shalt  }
0x43: {  	_ =	shalt  }
0x44: {  	_ =	shalt  }
0x45: {  	_ =	shalt  }
0x46: {  	_ =	shalt  }
0x47: {  	_ =	shalt  }
0x48: {  	_ =	shalt  }
0x49: {  	_ =	shalt  }
0x4a: {  	_ =	shalt  }
0x4b: {  	_ =	shalt  }
0x4c: {  	_ =	shalt  }
0x4d: {  	_ =	shalt  }
0x4e: {  	_ =	shalt  }
0x4f: {  	_ =	shalt  }
0x50: {  	_ =	shalt  }
0x51: {  	_ =	shalt  }
0x52: {  	_ =	shalt  }
0x53: {  	_ =	shalt  }
0x54: {  	_ =	shalt  }
0x55: {  	_ =	shalt  }
0x56: {  	_ =	shalt  }
0x57: {  	_ =	shalt  }
0x58: {  	_ =	shalt  }
0x59: {  	_ =	shalt  }
0x5a: {  	_ =	shalt  }
0x5b: {  	_ =	shalt  }
0x5c: {  	_ =	shalt  }
0x5d: {  	_ =	shalt  }
0x5e: {  	_ =	shalt  }
0x5f: {  	_ =	shalt  }
0x60: {  	_ =	shalt  }
0x61: {  	_ =	shalt  }
0x62: {  	_ =	shalt  }
0x63: {  	_ =	shalt  }
0x64: {  	_ =	shalt  }
0x65: {  	_ =	shalt  }
0x66: {  	_ =	shalt  }
0x67: {  	_ =	shalt  }
0x68: {  	_ =	shalt  }
0x69: {  	_ =	shalt  }
0x6a: {  	_ =	shalt  }
0x6b: {  	_ =	shalt  }
0x6c: {  	_ =	shalt  }
0x6d: {  	_ =	shalt  }
0x6e: {  	_ =	shalt  }
0x6f: {  	_ =	shalt  }
0x70: {  	_ =	shalt  }
0x71: {  	_ =	shalt  }
0x72: {  	_ =	shalt  }
0x73: {  	_ =	shalt  }
0x74: {  	_ =	shalt  }
0x75: {  	_ =	shalt  }
0x76: {  	_ =	shalt  }
0x77: {  	_ =	shalt  }
0x78: {  	_ =	shalt  }
0x79: {  	_ =	shalt  }
0x7a: {  	_ =	shalt  }
0x7b: {  	_ =	shalt  }
0x7c: {  	_ =	shalt  }
0x7d: {  	_ =	shalt  }
0x7e: {  	_ =	shalt  }
0x7f: {  	_ =	shalt  }
0x80: {  	_ =	shalt  }
0x81: {  	_ =	shalt  }
0x82: {  	_ =	shalt  }
0x83: {  	_ =	shalt  }
0x84: {  	_ =	shalt  }
0x85: {  	_ =	shalt  }
0x86: {  	_ =	shalt  }
0x87: {  	_ =	shalt  }
.Lfunc_end0:
.L_simem_size_0:
called_computation_lowered:
.L_overlay_start_0:
0x88: {  	s2 =	sld [smem:$0x3FD9]  }
0x89: {  	s3 =	sld [smem:$0x3FFE];
	_ =	sdelay $0x1  }
0x8a: {  	s1 =	srdreg.scid  }
0x8b: {  	s0 =	sand.u32 $0x1, s1  }
0x8c: {  	s17 =	sshll.u32 s0, $0xA;
	s2 =	sadd.s32 s3, s2  }
0x8d: {  	s2 =	sadd.s32 s2, s17  }
0x8e: {  	[smem:$0x3FC4] =	sst s2  }
0x8f: {  	_ = 	snop  }
0x90: {  	s2 =	sld [smem:$0x3FC9];
	(tm) =	ssettm $0x1  }
0x91: {  	s18 =	sld [smem:$0x3FFB];
	_ =	sdelay $0x3  }
0x92: {  	_ =	strace s18  }
0x93: {  	s3 =	sld [smem:$0x3FFC];
	_ =	sdelay $0x3  }
0x94: {  	_ =	strace s3  }
0x95: {  	s3 =	sld [smem:$0x3FFD];
	_ =	sdelay $0x3  }
0x96: {  	_ =	strace s3  }
0x97: {  	_ =	strace $0x8FFFFFFF  }
0x98: {  	s19 =	sld [smem:$0x3FDB];
	_ =	sdelay $0x1  }
0x99: {  	s4 =	simm.s32 $_scs_section_size  }
0x9a: {  	s5 =	simm.s32 $_size__tile_overlayer_lowered;
	s6 =	simm.s32 $_tile_overlayer_lowered  }
0x9b: {  	s22 =	simm.s32 $0x1BFF;
	s21 =	sshll.u32 s6, $0x1;
	s3 =	sadd.s32 s4, s19  }
0x9c: {  	s7 =	simm.s32 $0x0;
	s20 =	sshll.u32 s5, $0x1;
	s5 =	sadd.s32 s21, s3  }
0x9d: {  	[timem:s7], [sflag:s22] =	dma.local [hbm:s5], s20  }
0x9e: {  	_ =	swait.ge [sflag:s22], s20  }
0x9f: {  	s4 =	ssub.s32 $0x0, s20;
	[sflag:s22] =	ssyncset.done $0x0  }
0xa0: {  	[sflag:s22] =	ssyncadd.s32 s4;
	_ =	sdelay $0x1  }
0xa1: {  	s23 =	simm.s32 $0x1B8B  }
0xa2: {  	_ =	swait.ge [sflag:s23], $0x1  }
0xa3: {  	[sflag:s23] =	ssyncset.done $0x0  }
0xa4: {  	s25 =	simm.s32 $0x1B8E;
	s24 =	sld [smem:$0x3FFE];
	[sflag:s23] =	ssyncadd.s32 $0xFFFFFFFF  }
0xa5: {  	s26 =	simm.s32 $execute0_lowered;
	[smem:$0x3FD2] =	sst s25  }
0xa6: {  	s5 =	sshll.u32 s26, $0x1;
	_ =	strace $0x80000046;
	[dreg:$0x1] =	wrdreg $0xFFFFFFFF  }
0xa7: {  	s28 =	simm.s32 $_size_execute0_lowered;
	s3 =	sadd.s32 s3, s5;
	[dreg:$0x0] =	wrdreg $0x0  }
0xa8: {  	s5 =	sshll.u32 s28, $0x1;
	[dreg:$0x2] =	wrdreg s3  }
0xa9: {  	[dreg:$0x3] =	wrdreg s5  }
0xaa: {  	[dreg:$0x4] =	wrdreg $0xC0  }
0xab: {  	_ =	task [dreg:s7], $0x5FFFF  }
0xac: {  	[dreg:$0x1] =	wrdreg $0xFFFFFFFF  }
0xad: {  	[dreg:$0x0] =	wrdreg $0x60  }
0xae: {  	[dreg:$0x2] =	wrdreg s2  }
0xaf: {  	[dreg:$0x3] =	wrdreg s24  }
0xb0: {  	[dreg:$0x4] =	wrdreg $0x9  }
0xb1: {  	_ =	task.clear_ibuf [dreg:s7], $0x5FFFF;
	_ =	strace $0x90000046  }
0xb2: {  	s29 =	simm.s32 $0x9;
	_ =	strace $0x80000048  }
0xb3: {  	_ =	swait.ge [sflag:s29], $0x1  }
0xb4: {  	[sflag:s29] =	ssyncadd.s32 $0xFFFFFFFF  }
0xb5: {  	_ =	strace $0x90000048  }
0xb6: {  	_ =	sfence  }
0xb7: {  	s30 =	sld [smem:$0x0];
	_ =	sdelay $0x2  }
0xb8: {  	s31 =	sshll.u32 s1, $0xD;
	s1 =	sshrl.u32 s1, $0x2  }
0xb9: {  	s3 =	sand.u32 $0x4000, s31;
	s1 =	sadd.s32 s1, s30  }
0xba: {  	s0 =	sor.u32 s3, s0;
	s1 =	sshll.u32 s1, $0x11  }
0xbb: {  	s0 =	sor.u32 s1, s0  }
0xbc: {  	s0 =	sadd.s32 $0x8F2B, s0  }
0xbd: {  	[sflag:s0] =	ssyncadd.remote.s32 $0x1  }
0xbe: {  	_ =	sfence.sel $0xFFFF  }
0xbf: {  	[dreg:$0x0] =	wrdreg $0xFFFFFFFF;
	(pc) =	sbr.abs _section_cstart, $3  }
0xc0: {  	[dreg:$0x1] =	wrdreg $0xFFFFFFFF  }
0xc1: {  	_ =	task.clear_ibuf [dreg:s7], $0x2FFFF;
	_ =	strace $0x9FFFFFFF  }
0xc2: {  	(tm) =	ssettm $0x7FFFFFFF  }
0xc3: {  	_ =	shalt  }
tec
execute0_lowered:
.L_overlay_start_1:
0x0: {  	(tag) =	ssettag $0x1  }
0x1: {  	s3 =	rddreg [dreg:$0x0];
	s1 =	srdreg.scid  }
0x2: {  	s0 =	stileid.u32;
	s4 =	rddreg [dreg:$0x1];
	s12 =	simm.s32 $0xA800  }
0x3: {  	s13 =	simm.s32 $0x1;
	s14 =	simm.s32 $0x2;
	s15 =	simm.s32 $0x80  }
0x4: {  	s16 =	simm.s32 $0x400;
	s17 =	simm.s32 $0x15000;
	s18 =	simm.s32 $0x3  }
0x5: {  	s19 =	simm.s32 $0x0;
	s5 =	sand.u32 $0x1, s1;
	s2 =	sshll.u32 s0, $0x1  }
0x6: {  	s1 =	rddreg [dreg:$0x2];
	s7 =	sshrl.u32 s0, $0x2;
	s6 =	sor.u32 s5, s2  }
0x7: {  	s2 =	simm.s32 $0x0;
	s7 =	smul.u32 $0xC00, s7;
	s5 =	ssub.s32 $0x2, s5  }
0x8: {  	s8 =	sshll.u32 s6, $0x7;
	[smem:$0x7FF] =	sst s2;
	s6 =	smul.u32 $0x126000, s6  }
0x9: {  	s31 =	sshrl.u32 s5, $0x1;
	s8 =	sand.u32 $0x380, s8;
	_ =	strace $0x80000047  }
0xa: {  	s11 =	ssub.s32 s5, s31;
	s7 =	sor.u32 s7, s8;
	s6 =	sshrl.u32 s6, $0x3  }
0xb: {  	s11 =	smax.u32 s11, $0x1;
	s7 =	sshrl.u32 s7, $0x3;
	s9 =	sadd.s32 s3, s6  }
0xc: {  	s10 =	sadd.s32 s7, s4;
	s3 =	sadd.s32 $0x1B900, s9;
	s4 =	sadd.s32 $0x1CE00, s9  }
0xd: {  	s5 =	sadd.s32 $0x1E300, s9;
	s6 =	sadd.s32 $0x1F800, s9;
	s7 =	sadd.s32 $0x20D00, s9  }
0xe: {  	s8 =	sadd.s32 $0x22200, s9;
	s9 =	sadd.s32 $0x23700, s9;
	s10 =	sadd.s32 $0xE00, s10  }
.LBB2_1:
0xf: {  	[tilespmem:s2], [sflag:$0x1] =	stream.linear.gather [hbm4b:s3+s2], $0xA800, $0x38;
	[tilespmem:$0x15180] =	vst v63  }
0x10: {  	s20 =	simm.s32 $0x0  }
0x11: {  	s20 =	smul.u32 $0x3000, s20  }
0x12: {  	[tilespmem:s12], [sflag:$0x2] =	stream.linear.gather [hbm4b:s4+s2], $0xA800, $0x38;
	[tilespmem:$0x15180] =	vst v63  }
0x13: {  	_ =	swait.ge [sflag:s13], $0xA800  }
0x14: {  	s21 =	sand.u32 $0x380, s2;
	s20 =	sshra.s32 s20, $0x2;
	[sflag:s13] =	ssyncset.done $0x0  }
0x15: {  	s20 =	sor.u32 s21, s20;
	[sflag:s13] =	ssyncadd.s32 $0xFFFF5800  }
0x16: {  	v0 =	vld [tilespmem:s20+$0x870]  }
0x17: {  	v1 =	vld [tilespmem:s20+$0x0]  }
0x18: {  	v2 =	vld [tilespmem:s20+$0x10]  }
0x19: {  	v3 =	vld [tilespmem:s20+$0x20]  }
0x1a: {  	v6 =	vld [tilespmem:s20+$0x30]  }
0x1b: {  	v7 =	vld [tilespmem:s20+$0x40]  }
0x1c: {  	v8 =	vld [tilespmem:s20+$0x50]  }
0x1d: {  	v9 =	vld [tilespmem:s20+$0x60]  }
0x1e: {  	v10 =	vld [tilespmem:s20+$0x70]  }
0x1f: {  	v16 =	vld [tilespmem:s20+$0x400]  }
0x20: {  	v17 =	vld [tilespmem:s20+$0x410]  }
0x21: {  	v15 =	vimm.f32 $0.0e+00;
	v18 =	vld [tilespmem:s20+$0x420]  }
0x22: {  	v19 =	vld [tilespmem:s20+$0x430];
	v11 =	vadd.f32 v0, v15;
	v4 =	vadd.f32 v1, v15  }
0x23: {  	v20 =	vld [tilespmem:s20+$0x450];
	v12 =	vadd.f32 v2, v15;
	v5 =	vadd.f32 v3, v15  }
0x24: {  	v13 =	vadd.f32 v6, v15;
	v6 =	vadd.f32 v7, v15  }
0x25: {  	v3 =	vld [tilespmem:s20+$0x440];
	v14 =	vadd.f32 v8, v15;
	v7 =	vadd.f32 v9, v15  }
0x26: {  	v23 =	vimm.f32 $0.0e+00;
	v25 =	vld [tilespmem:s20+$0x460];
	v8 =	vadd.f32 v10, v15;
	v0 =	vadd.f32 v16, v15  }
0x27: {  	v22 =	vimm.f32 $0.0e+00;
	v26 =	vld [tilespmem:s20+$0x470];
	v1 =	vadd.f32 v17, v15;
	v2 =	vadd.f32 v18, v15  }
0x28: {  	v21 =	vimm.f32 $0.0e+00;
	v24 =	vld [tilespmem:s20+$0x800];
	v9 =	vadd.f32 v19, v15;
	v10 =	vadd.f32 v20, v15  }
0x29: {  	v27 =	vld [tilespmem:s20+$0x810];
	v19 =	vimm.f32 $0.0e+00;
	v17 =	vimm.f32 $0.0e+00;
	v18 =	vimm.f32 $0.0e+00  }
0x2a: {  	s23 =	simm.s32 $0x0;
	s22 =	simm.s32 $0x2;
	s21 =	simm.s32 $0x0;
	v28 =	vld [tilespmem:s20+$0x820];
	v20 =	vimm.f32 $0.0e+00;
	v16 =	vimm.f32 $0.0e+00;
	v3 =	vadd.f32 v3, v15  }
.LBB2_2:
0x2b: {  	p0 =	sne.s32 s22, $0x37;
	s23 =	smul.u32 $0x3000, s23;
	v15 =	vadd.f32 v25, v15;
	v25 =	vld [tilespmem:s20+$0x830]  }
0x2c: {  	s21 =	sadd.s32 $0x80, s21;
	v23 =	vadd.f32 v26, v23;
	v26 =	vld [tilespmem:s20+$0x840]  }
0x2d: {  	s24 =	sand.u32 $0x380, s21;
	s23 =	sshra.s32 s23, $0x2;
	v19 =	vadd.f32 v24, v19;
	v24 =	vld [tilespmem:s20+$0x850]  }
0x2e: {  	v22 =	vadd.f32 v27, v22;
	v27 =	vld [tilespmem:s20+$0x860];
	s20 =	sor.u32 s24, s23  }
0x2f: {  	v29 =	vld [tilespmem:s20+$0x870];
	v17 =	vadd.f32 v28, v17  }
0x30: {  	v28 =	vld [tilespmem:s20+$0x0];
	v18 =	vadd.f32 v25, v18  }
0x31: {  	v25 =	vld [tilespmem:s20+$0x10];
	v20 =	vadd.f32 v26, v20  }
0x32: {  	v26 =	vld [tilespmem:s20+$0x20];
	v21 =	vadd.f32 v24, v21  }
0x33: {  	v24 =	vld [tilespmem:s20+$0x30];
	v16 =	vadd.f32 v27, v16  }
0x34: {  	v27 =	vld [tilespmem:s20+$0x40];
	v11 =	vadd.f32 v29, v11  }
0x35: {  	v4 =	vadd.f32 v28, v4;
	v28 =	vld [tilespmem:s20+$0x50]  }
0x36: {  	v12 =	vadd.f32 v25, v12;
	v25 =	vld [tilespmem:s20+$0x60]  }
0x37: {  	v5 =	vadd.f32 v26, v5;
	v26 =	vld [tilespmem:s20+$0x70]  }
0x38: {  	v13 =	vadd.f32 v24, v13;
	v24 =	vld [tilespmem:s20+$0x400]  }
0x39: {  	v6 =	vadd.f32 v27, v6;
	v27 =	vld [tilespmem:s20+$0x410]  }
0x3a: {  	v14 =	vadd.f32 v28, v14;
	v28 =	vld [tilespmem:s20+$0x420]  }
0x3b: {  	v7 =	vadd.f32 v25, v7;
	v29 =	vld [tilespmem:s20+$0x430]  }
0x3c: {  	v8 =	vadd.f32 v26, v8;
	v30 =	vld [tilespmem:s20+$0x440]  }
0x3d: {  	v0 =	vadd.f32 v24, v0;
	v31 =	vld [tilespmem:s20+$0x450]  }
.Ltmp0:
0x3e: {  	v1 =	vadd.f32 v27, v1;
	v25 =	vld [tilespmem:s20+$0x460];
	(pc) =	sbr.rel @p0 .LBB2_2-.Ltmp0, $4  }
0x3f: {  	v2 =	vadd.f32 v28, v2;
	v26 =	vld [tilespmem:s20+$0x470]  }
0x40: {  	v9 =	vadd.f32 v29, v9;
	v24 =	vld [tilespmem:s20+$0x800]  }
0x41: {  	v3 =	vadd.f32 v30, v3;
	v27 =	vld [tilespmem:s20+$0x810]  }
0x42: {  	s23 =	sshrl.u32 s22, $0x3;
	s22 =	sadd.s32 $0x1, s22;
	v10 =	vadd.f32 v31, v10;
	v28 =	vld [tilespmem:s20+$0x820]  }
0x43: {  	s22 =	smul.u32 $0x3000, s23;
	v29 =	vld [tilespmem:s20+$0x830]  }
0x44: {  	v30 =	vld [tilespmem:s20+$0x840];
	s21 =	sadd.s32 $0x80, s21  }
0x45: {  	v31 =	vld [tilespmem:s20+$0x850];
	s21 =	sand.u32 $0x380, s21;
	s22 =	sshra.s32 s22, $0x2  }
0x46: {  	v32 =	vld [tilespmem:s20+$0x860];
	s21 =	sor.u32 s21, s22  }
0x47: {  	v33 =	vld [tilespmem:s21+$0x870]  }
0x48: {  	v34 =	vld [tilespmem:s21+$0x0]  }
0x49: {  	v35 =	vld [tilespmem:s21+$0x10]  }
0x4a: {  	v36 =	vld [tilespmem:s21+$0x20]  }
0x4b: {  	v37 =	vld [tilespmem:s21+$0x30]  }
0x4c: {  	v38 =	vld [tilespmem:s21+$0x40]  }
0x4d: {  	v39 =	vld [tilespmem:s21+$0x50]  }
0x4e: {  	v40 =	vld [tilespmem:s21+$0x60]  }
0x4f: {  	v41 =	vld [tilespmem:s21+$0x70]  }
0x50: {  	v42 =	vld [tilespmem:s21+$0x400]  }
0x51: {  	v43 =	vld [tilespmem:s21+$0x410]  }
0x52: {  	v44 =	vld [tilespmem:s21+$0x420]  }
0x53: {  	v45 =	vld [tilespmem:s21+$0x430]  }
0x54: {  	v46 =	vld [tilespmem:s21+$0x440]  }
0x55: {  	v47 =	vld [tilespmem:s21+$0x450]  }
0x56: {  	v48 =	vld [tilespmem:s21+$0x460]  }
0x57: {  	v49 =	vld [tilespmem:s21+$0x470]  }
0x58: {  	v50 =	vld [tilespmem:s21+$0x800]  }
0x59: {  	v51 =	vld [tilespmem:s21+$0x810]  }
0x5a: {  	s29 =	simm.s32 $0x0;
	v52 =	vld [tilespmem:s21+$0x820]  }
0x5b: {  	v15 =	vadd.f32 v25, v15;
	v23 =	vadd.f32 v26, v23;
	s30 =	smul.u32 $0x3000, s29;
	v25 =	vld [tilespmem:s21+$0x830]  }
0x5c: {  	s20 =	simm.s32 $0x0;
	v24 =	vadd.f32 v24, v19;
	v22 =	vadd.f32 v27, v22;
	v26 =	vld [tilespmem:s21+$0x840]  }
0x5d: {  	s31 =	sand.u32 $0x380, s20;
	s22 =	sshra.s32 s30, $0x2;
	v17 =	vadd.f32 v28, v17;
	v28 =	vld [tilespmem:s21+$0x850];
	v27 =	vadd.f32 v29, v18  }
0x5e: {  	v29 =	vadd.f32 v30, v20;
	v30 =	vadd.f32 v31, v21;
	v31 =	vld [tilespmem:s21+$0x860];
	s21 =	sor.u32 s31, s22  }
0x5f: {  	v32 =	vadd.f32 v32, v16;
	v53 =	vld [tilespmem:s21+$0x5420];
	v11 =	vadd.f32 v33, v11  }
0x60: {  	v62 =	vld [tilespmem:s21+$0x5470];
	v4 =	vadd.f32 v34, v4;
	v12 =	vadd.f32 v35, v12  }
0x61: {  	v63 =	vld [tilespmem:s21+$0x5800];
	v5 =	vadd.f32 v36, v5;
	v13 =	vadd.f32 v37, v13  }
0x62: {  	v33 =	vld [tilespmem:s21+$0x5C70];
	v6 =	vadd.f32 v38, v6;
	v14 =	vadd.f32 v39, v14  }
0x63: {  	v34 =	vld [tilespmem:s21+$0x5400];
	v54 =	vadd.f32 v40, v7;
	v55 =	vadd.f32 v41, v8  }
0x64: {  	v35 =	vld [tilespmem:s21+$0x5410];
	v56 =	vadd.f32 v42, v0;
	v57 =	vadd.f32 v43, v1  }
0x65: {  	v7 =	vld [tilespmem:s21+$0x5430];
	v58 =	vadd.f32 v44, v2;
	v59 =	vadd.f32 v45, v9  }
0x66: {  	v8 =	vld [tilespmem:s21+$0x5440];
	v60 =	vadd.f32 v46, v3;
	v61 =	vadd.f32 v47, v10  }
0x67: {  	v9 =	vld [tilespmem:s21+$0x5450];
	v18 =	vadd.f32 v48, v15;
	v19 =	vadd.f32 v49, v23  }
0x68: {  	v10 =	vld [tilespmem:s21+$0x5460];
	v20 =	vadd.f32 v50, v24;
	v21 =	vadd.f32 v51, v22  }
0x69: {  	v22 =	vadd.f32 v52, v17;
	v23 =	vadd.f32 v25, v27;
	v17 =	vld [tilespmem:s21+$0x5810]  }
0x6a: {  	v15 =	vadd.f32 v26, v29;
	v16 =	vadd.f32 v28, v30;
	v27 =	vld [tilespmem:s21+$0x5820]  }
0x6b: {  	v28 =	vld [tilespmem:s21+$0x5830];
	v0 =	vadd.f32 v31, v32;
	v1 =	vadd.f32 v33, v11  }
0x6c: {  	v29 =	vld [tilespmem:s21+$0x5840];
	v2 =	vadd.f32 v34, v4;
	v3 =	vadd.f32 v35, v12  }
0x6d: {  	v30 =	vld [tilespmem:s21+$0x5850];
	v4 =	vadd.f32 v53, v5;
	v5 =	vadd.f32 v7, v13  }
0x6e: {  	v24 =	vld [tilespmem:s21+$0x5860];
	v6 =	vadd.f32 v8, v6;
	v7 =	vadd.f32 v9, v14  }
0x6f: {  	v26 =	vld [tilespmem:s21+$0x5870];
	v8 =	vadd.f32 v10, v54;
	v9 =	vadd.f32 v62, v55  }
0x70: {  	v25 =	vld [tilespmem:s21+$0x5C00];
	v10 =	vadd.f32 v63, v56;
	v11 =	vadd.f32 v17, v57  }
0x71: {  	v12 =	vadd.f32 v27, v58;
	v13 =	vadd.f32 v28, v59;
	v27 =	vld [tilespmem:s21+$0x5C10]  }
0x72: {  	s23 =	simm.s32 $0x0;
	s22 =	simm.s32 $0x2;
	v14 =	vadd.f32 v29, v60;
	v17 =	vadd.f32 v30, v61;
	v28 =	vld [tilespmem:s21+$0x5C20]  }
.LBB2_4:
0x73: {  	p0 =	sne.s32 s22, $0x37;
	s23 =	smul.u32 $0x3000, s23;
	v18 =	vadd.f32 v24, v18;
	v24 =	vld [tilespmem:s21+$0x5C30]  }
0x74: {  	s20 =	sadd.s32 $0x80, s20;
	v19 =	vadd.f32 v26, v19;
	v26 =	vld [tilespmem:s21+$0x5C40]  }
0x75: {  	s24 =	sand.u32 $0x380, s20;
	s23 =	sshra.s32 s23, $0x2;
	v20 =	vadd.f32 v25, v20;
	v25 =	vld [tilespmem:s21+$0x5C50]  }
0x76: {  	v21 =	vadd.f32 v27, v21;
	v27 =	vld [tilespmem:s21+$0x5C60];
	s21 =	sor.u32 s24, s23  }
0x77: {  	v29 =	vld [tilespmem:s21+$0x5C70];
	v22 =	vadd.f32 v28, v22  }
0x78: {  	v28 =	vld [tilespmem:s21+$0x5400];
	v23 =	vadd.f32 v24, v23  }
0x79: {  	v24 =	vld [tilespmem:s21+$0x5410];
	v15 =	vadd.f32 v26, v15  }
0x7a: {  	v26 =	vld [tilespmem:s21+$0x5420];
	v16 =	vadd.f32 v25, v16  }
0x7b: {  	v25 =	vld [tilespmem:s21+$0x5430];
	v0 =	vadd.f32 v27, v0  }
0x7c: {  	v27 =	vld [tilespmem:s21+$0x5440];
	v1 =	vadd.f32 v29, v1  }
0x7d: {  	v2 =	vadd.f32 v28, v2;
	v28 =	vld [tilespmem:s21+$0x5450]  }
0x7e: {  	v3 =	vadd.f32 v24, v3;
	v24 =	vld [tilespmem:s21+$0x5460]  }
0x7f: {  	v4 =	vadd.f32 v26, v4;
	v26 =	vld [tilespmem:s21+$0x5470]  }
0x80: {  	v5 =	vadd.f32 v25, v5;
	v25 =	vld [tilespmem:s21+$0x5800]  }
0x81: {  	v6 =	vadd.f32 v27, v6;
	v27 =	vld [tilespmem:s21+$0x5810]  }
0x82: {  	v7 =	vadd.f32 v28, v7;
	v28 =	vld [tilespmem:s21+$0x5820]  }
0x83: {  	v8 =	vadd.f32 v24, v8;
	v29 =	vld [tilespmem:s21+$0x5830]  }
0x84: {  	v9 =	vadd.f32 v26, v9;
	v30 =	vld [tilespmem:s21+$0x5840]  }
0x85: {  	v10 =	vadd.f32 v25, v10;
	v31 =	vld [tilespmem:s21+$0x5850]  }
.Ltmp1:
0x86: {  	v11 =	vadd.f32 v27, v11;
	v24 =	vld [tilespmem:s21+$0x5860];
	(pc) =	sbr.rel @p0 .LBB2_4-.Ltmp1, $4  }
0x87: {  	v12 =	vadd.f32 v28, v12;
	v26 =	vld [tilespmem:s21+$0x5870]  }
0x88: {  	v13 =	vadd.f32 v29, v13;
	v25 =	vld [tilespmem:s21+$0x5C00]  }
0x89: {  	v14 =	vadd.f32 v30, v14;
	v27 =	vld [tilespmem:s21+$0x5C10]  }
0x8a: {  	s23 =	sshrl.u32 s22, $0x3;
	s22 =	sadd.s32 $0x1, s22;
	v17 =	vadd.f32 v31, v17;
	v28 =	vld [tilespmem:s21+$0x5C20]  }
0x8b: {  	s22 =	smul.u32 $0x3000, s23;
	v29 =	vld [tilespmem:s21+$0x5C30]  }
0x8c: {  	v30 =	vld [tilespmem:s21+$0x5C40];
	s20 =	sadd.s32 $0x80, s20  }
0x8d: {  	v31 =	vld [tilespmem:s21+$0x5C50];
	s20 =	sand.u32 $0x380, s20;
	s22 =	sshra.s32 s22, $0x2  }
0x8e: {  	v32 =	vld [tilespmem:s21+$0x5C60];
	s20 =	sor.u32 s20, s22  }
0x8f: {  	v33 =	vld [tilespmem:s20+$0x5C70]  }
0x90: {  	v34 =	vld [tilespmem:s20+$0x5400]  }
0x91: {  	v35 =	vld [tilespmem:s20+$0x5410]  }
0x92: {  	v36 =	vld [tilespmem:s20+$0x5420]  }
0x93: {  	v37 =	vld [tilespmem:s20+$0x5430]  }
0x94: {  	v38 =	vld [tilespmem:s20+$0x5440]  }
0x95: {  	v39 =	vld [tilespmem:s20+$0x5450]  }
0x96: {  	v40 =	vld [tilespmem:s20+$0x5460]  }
0x97: {  	v41 =	vld [tilespmem:s20+$0x5470]  }
0x98: {  	v42 =	vld [tilespmem:s20+$0x5800]  }
0x99: {  	v43 =	vld [tilespmem:s20+$0x5810]  }
0x9a: {  	v44 =	vld [tilespmem:s20+$0x5820]  }
0x9b: {  	v45 =	vld [tilespmem:s20+$0x5830]  }
0x9c: {  	v46 =	vld [tilespmem:s20+$0x5840]  }
0x9d: {  	v47 =	vld [tilespmem:s20+$0x5850]  }
0x9e: {  	v48 =	vld [tilespmem:s20+$0x5860]  }
0x9f: {  	v49 =	vld [tilespmem:s20+$0x5870]  }
0xa0: {  	v50 =	vld [tilespmem:s20+$0x5C00]  }
0xa1: {  	v51 =	vld [tilespmem:s20+$0x5C10]  }
0xa2: {  	v52 =	vld [tilespmem:s20+$0x5C20]  }
0xa3: {  	v53 =	vld [tilespmem:s20+$0x5C30]  }
0xa4: {  	v54 =	vld [tilespmem:s20+$0x5C40]  }
0xa5: {  	s30 =	simm.s32 $0x0;
	v55 =	vld [tilespmem:s20+$0x5C50]  }
0xa6: {  	s31 =	smul.u32 $0x3000, s30;
	v56 =	vld [tilespmem:s20+$0x5C60];
	s20 =	simm.s32 $0x0  }
0xa7: {  	v18 =	vadd.f32 v24, v18;
	v19 =	vadd.f32 v26, v19;
	[tilespmem:s20], [sflag:$0x1] =	stream.linear.gather [hbm4b:s5+s20], $0xA800, $0x38;
	[tilespmem:$0x15180] =	vst v63  }
0xa8: {  	v20 =	vadd.f32 v25, v20;
	v21 =	vadd.f32 v27, v21;
	_ =	swait.ge [sflag:s14], $0xA800  }
0xa9: {  	s22 =	sshra.s32 s31, $0x2;
	v22 =	vadd.f32 v28, v22;
	v23 =	vadd.f32 v29, v23;
	s21 =	sand.u32 $0x380, s20;
	[sflag:s14] =	ssyncset.done $0x0  }
0xaa: {  	v15 =	vadd.f32 v30, v15;
	v24 =	vadd.f32 v31, v16;
	s23 =	sor.u32 s21, s22;
	[sflag:s14] =	ssyncadd.s32 $0xFFFF5800  }
0xab: {  	v0 =	vadd.f32 v32, v0;
	v1 =	vadd.f32 v33, v1;
	v25 =	vld [tilespmem:s23+$0xB070]  }
0xac: {  	v2 =	vadd.f32 v34, v2;
	v3 =	vadd.f32 v35, v3;
	v26 =	vld [tilespmem:s23+$0xA800]  }
0xad: {  	v4 =	vadd.f32 v36, v4;
	v27 =	vadd.f32 v37, v5;
	v28 =	vld [tilespmem:s23+$0xA810]  }
0xae: {  	v29 =	vadd.f32 v38, v6;
	v7 =	vadd.f32 v39, v7;
	v30 =	vld [tilespmem:s23+$0xA820]  }
0xaf: {  	v8 =	vadd.f32 v40, v8;
	v9 =	vadd.f32 v41, v9;
	v31 =	vld [tilespmem:s23+$0xA830]  }
0xb0: {  	v10 =	vadd.f32 v42, v10;
	v11 =	vadd.f32 v43, v11;
	v43 =	vld [tilespmem:s23+$0xA840]  }
0xb1: {  	v12 =	vadd.f32 v44, v12;
	v13 =	vadd.f32 v45, v13;
	v57 =	vld [tilespmem:s23+$0xA850]  }
0xb2: {  	v14 =	vadd.f32 v46, v14;
	v58 =	vadd.f32 v47, v17;
	v59 =	vld [tilespmem:s23+$0xA860]  }
0xb3: {  	v16 =	vadd.f32 v48, v18;
	v17 =	vadd.f32 v49, v19;
	v60 =	vld [tilespmem:s23+$0xA870]  }
0xb4: {  	v18 =	vadd.f32 v50, v20;
	v19 =	vadd.f32 v51, v21;
	v61 =	vld [tilespmem:s23+$0xAC00]  }
0xb5: {  	v20 =	vadd.f32 v52, v22;
	v21 =	vadd.f32 v53, v23;
	v62 =	vld [tilespmem:s23+$0xAC10]  }
0xb6: {  	v22 =	vadd.f32 v54, v15;
	v23 =	vadd.f32 v55, v24;
	v15 =	vld [tilespmem:s23+$0xAC20]  }
0xb7: {  	v5 =	vadd.f32 v56, v0;
	v63 =	vld [tilespmem:s23+$0xAC30];
	v6 =	vadd.f32 v25, v1  }
0xb8: {  	v1 =	vadd.f32 v26, v2;
	v3 =	vadd.f32 v28, v3;
	v28 =	vld [tilespmem:s23+$0xAC40]  }
0xb9: {  	v0 =	vadd.f32 v30, v4;
	v2 =	vadd.f32 v31, v27;
	v30 =	vld [tilespmem:s23+$0xAC50]  }
0xba: {  	v24 =	vld [tilespmem:s23+$0xAC60];
	v4 =	vadd.f32 v43, v29;
	v7 =	vadd.f32 v57, v7  }
0xbb: {  	v8 =	vadd.f32 v59, v8;
	v9 =	vadd.f32 v60, v9;
	v26 =	vld [tilespmem:s23+$0xAC70]  }
0xbc: {  	v10 =	vadd.f32 v61, v10;
	v11 =	vadd.f32 v62, v11;
	v25 =	vld [tilespmem:s23+$0xB000]  }
0xbd: {  	v12 =	vadd.f32 v15, v12;
	v13 =	vadd.f32 v63, v13;
	v27 =	vld [tilespmem:s23+$0xB010]  }
0xbe: {  	s26 =	simm.s32 $0x0;
	s25 =	simm.s32 $0x2;
	s24 =	simm.s32 $0x0;
	v14 =	vadd.f32 v28, v14;
	v15 =	vadd.f32 v30, v58;
	v28 =	vld [tilespmem:s23+$0xB020]  }
.LBB2_6:
0xbf: {  	p0 =	sne.s32 s25, $0x37;
	s26 =	smul.u32 $0x3000, s26;
	v16 =	vadd.f32 v24, v16;
	v24 =	vld [tilespmem:s23+$0xB030]  }
0xc0: {  	s24 =	sadd.s32 $0x80, s24;
	v17 =	vadd.f32 v26, v17;
	v26 =	vld [tilespmem:s23+$0xB040]  }
0xc1: {  	s28 =	sand.u32 $0x380, s24;
	s26 =	sshra.s32 s26, $0x2;
	v18 =	vadd.f32 v25, v18;
	v25 =	vld [tilespmem:s23+$0xB050]  }
0xc2: {  	v19 =	vadd.f32 v27, v19;
	v27 =	vld [tilespmem:s23+$0xB060];
	s23 =	sor.u32 s28, s26  }
0xc3: {  	v29 =	vld [tilespmem:s23+$0xB070];
	v20 =	vadd.f32 v28, v20  }
0xc4: {  	v28 =	vld [tilespmem:s23+$0xA800];
	v21 =	vadd.f32 v24, v21  }
0xc5: {  	v24 =	vld [tilespmem:s23+$0xA810];
	v22 =	vadd.f32 v26, v22  }
0xc6: {  	v26 =	vld [tilespmem:s23+$0xA820];
	v23 =	vadd.f32 v25, v23  }
0xc7: {  	v25 =	vld [tilespmem:s23+$0xA830];
	v5 =	vadd.f32 v27, v5  }
0xc8: {  	v27 =	vld [tilespmem:s23+$0xA840];
	v6 =	vadd.f32 v29, v6  }
0xc9: {  	v1 =	vadd.f32 v28, v1;
	v28 =	vld [tilespmem:s23+$0xA850]  }
0xca: {  	v3 =	vadd.f32 v24, v3;
	v24 =	vld [tilespmem:s23+$0xA860]  }
0xcb: {  	v0 =	vadd.f32 v26, v0;
	v26 =	vld [tilespmem:s23+$0xA870]  }
0xcc: {  	v2 =	vadd.f32 v25, v2;
	v25 =	vld [tilespmem:s23+$0xAC00]  }
0xcd: {  	v4 =	vadd.f32 v27, v4;
	v27 =	vld [tilespmem:s23+$0xAC10]  }
0xce: {  	v7 =	vadd.f32 v28, v7;
	v28 =	vld [tilespmem:s23+$0xAC20]  }
0xcf: {  	v8 =	vadd.f32 v24, v8;
	v29 =	vld [tilespmem:s23+$0xAC30]  }
0xd0: {  	v9 =	vadd.f32 v26, v9;
	v30 =	vld [tilespmem:s23+$0xAC40]  }
0xd1: {  	v10 =	vadd.f32 v25, v10;
	v31 =	vld [tilespmem:s23+$0xAC50]  }
.Ltmp2:
0xd2: {  	v11 =	vadd.f32 v27, v11;
	v24 =	vld [tilespmem:s23+$0xAC60];
	(pc) =	sbr.rel @p0 .LBB2_6-.Ltmp2, $4  }
0xd3: {  	v12 =	vadd.f32 v28, v12;
	v26 =	vld [tilespmem:s23+$0xAC70]  }
0xd4: {  	v13 =	vadd.f32 v29, v13;
	v25 =	vld [tilespmem:s23+$0xB000]  }
0xd5: {  	v14 =	vadd.f32 v30, v14;
	v27 =	vld [tilespmem:s23+$0xB010]  }
0xd6: {  	s26 =	sshrl.u32 s25, $0x3;
	s25 =	sadd.s32 $0x1, s25;
	v15 =	vadd.f32 v31, v15;
	v28 =	vld [tilespmem:s23+$0xB020]  }
0xd7: {  	v29 =	vld [tilespmem:s23+$0xB030]  }
0xd8: {  	v30 =	vld [tilespmem:s23+$0xB040]  }
0xd9: {  	v31 =	vld [tilespmem:s23+$0xB050];
	s21 =	sor.u32 s21, s22  }
0xda: {  	v32 =	vld [tilespmem:s23+$0xB060];
	s22 =	sadd.s32 $0x10400, s21  }
0xdb: {  	s31 =	sadd.s32 $0x10000, s21;
	v53 =	vld [tilespmem:s22+$0x70]  }
0xdc: {  	v54 =	vld [tilespmem:s31+$0x10]  }
0xdd: {  	v55 =	vld [tilespmem:s31+$0x20]  }
0xde: {  	s25 =	smul.u32 $0x3000, s26;
	v56 =	vld [tilespmem:s31+$0x30]  }
0xdf: {  	s24 =	sadd.s32 $0x80, s24;
	v57 =	vld [tilespmem:s31+$0x40]  }
0xe0: {  	s24 =	sand.u32 $0x380, s24;
	s25 =	sshra.s32 s25, $0x2;
	v58 =	vld [tilespmem:s31+$0x50]  }
0xe1: {  	v59 =	vld [tilespmem:s31+$0x60];
	s24 =	sor.u32 s24, s25  }
0xe2: {  	v33 =	vld [tilespmem:s24+$0xB070]  }
0xe3: {  	v34 =	vld [tilespmem:s24+$0xA800]  }
0xe4: {  	v35 =	vld [tilespmem:s24+$0xA810]  }
0xe5: {  	v36 =	vld [tilespmem:s24+$0xA820]  }
0xe6: {  	v37 =	vld [tilespmem:s24+$0xA830]  }
0xe7: {  	v38 =	vld [tilespmem:s24+$0xA840]  }
0xe8: {  	v39 =	vld [tilespmem:s24+$0xA850]  }
0xe9: {  	v40 =	vld [tilespmem:s24+$0xA860]  }
0xea: {  	v41 =	vld [tilespmem:s24+$0xA870]  }
0xeb: {  	v42 =	vld [tilespmem:s24+$0xAC00]  }
0xec: {  	v43 =	vld [tilespmem:s24+$0xAC10]  }
0xed: {  	v44 =	vld [tilespmem:s24+$0xAC20]  }
0xee: {  	v45 =	vld [tilespmem:s24+$0xAC30]  }
0xef: {  	v16 =	vadd.f32 v24, v16;
	v17 =	vadd.f32 v26, v17;
	v46 =	vld [tilespmem:s24+$0xAC40]  }
0xf0: {  	v18 =	vadd.f32 v25, v18;
	v19 =	vadd.f32 v27, v19;
	v47 =	vld [tilespmem:s24+$0xAC50]  }
0xf1: {  	v48 =	vld [tilespmem:s24+$0xAC60];
	v20 =	vadd.f32 v28, v20;
	v21 =	vadd.f32 v29, v21  }
0xf2: {  	v49 =	vld [tilespmem:s24+$0xAC70];
	v22 =	vadd.f32 v30, v22;
	v23 =	vadd.f32 v31, v23  }
0xf3: {  	v50 =	vld [tilespmem:s24+$0xB000];
	v28 =	vadd.f32 v32, v5;
	v29 =	vadd.f32 v33, v6  }
0xf4: {  	v51 =	vld [tilespmem:s24+$0xB010];
	v31 =	vadd.f32 v34, v1;
	v1 =	vadd.f32 v35, v3  }
0xf5: {  	v52 =	vld [tilespmem:s24+$0xB020];
	v5 =	vadd.f32 v36, v0;
	v3 =	vadd.f32 v37, v2  }
0xf6: {  	v24 =	vld [tilespmem:s24+$0xB030];
	v6 =	vadd.f32 v38, v4;
	v4 =	vadd.f32 v39, v7  }
0xf7: {  	v25 =	vld [tilespmem:s24+$0xB040];
	v7 =	vadd.f32 v40, v8;
	v0 =	vadd.f32 v41, v9  }
0xf8: {  	v26 =	vld [tilespmem:s24+$0xB050];
	v2 =	vadd.f32 v42, v10;
	v11 =	vadd.f32 v43, v11  }
0xf9: {  	v27 =	vld [tilespmem:s24+$0xB060];
	v12 =	vadd.f32 v44, v12;
	v13 =	vadd.f32 v45, v13  }
0xfa: {  	v30 =	vld [tilespmem:s21+$0xFC00];
	v14 =	vadd.f32 v46, v14;
	v15 =	vadd.f32 v47, v15  }
0xfb: {  	v60 =	vld [tilespmem:s31+$0x70];
	v16 =	vadd.f32 v48, v16;
	v17 =	vadd.f32 v49, v17  }
0xfc: {  	v61 =	vld [tilespmem:s22+$0x20];
	v8 =	vadd.f32 v50, v18;
	v18 =	vadd.f32 v51, v19  }
0xfd: {  	v62 =	vld [tilespmem:s22+$0x30];
	v20 =	vadd.f32 v52, v20;
	v21 =	vadd.f32 v24, v21  }
0xfe: {  	v19 =	vld [tilespmem:s22+$0x10];
	v22 =	vadd.f32 v25, v22;
	v23 =	vadd.f32 v26, v23  }
0xff: {  	v63 =	vadd.f32 v27, v28;
	v27 =	vld [tilespmem:s22+$0x40];
	v9 =	vadd.f32 v30, v31  }
0x100: {  	v28 =	vld [tilespmem:s22+$0x50];
	v10 =	vadd.f32 v53, v29;
	v11 =	vadd.f32 v54, v11  }
0x101: {  	v12 =	vadd.f32 v55, v12;
	v13 =	vadd.f32 v56, v13;
	v29 =	vld [tilespmem:s22+$0x60]  }
0x102: {  	v24 =	vld [tilespmem:s21+$0xFC10];
	v14 =	vadd.f32 v57, v14;
	v15 =	vadd.f32 v58, v15  }
0x103: {  	v26 =	vld [tilespmem:s21+$0xFC20];
	v16 =	vadd.f32 v59, v16;
	v17 =	vadd.f32 v60, v17  }
0x104: {  	v25 =	vld [tilespmem:s21+$0xFC30];
	v18 =	vadd.f32 v19, v18;
	v19 =	vadd.f32 v61, v20  }
0x105: {  	v20 =	vadd.f32 v62, v21;
	v21 =	vadd.f32 v27, v22;
	v27 =	vld [tilespmem:s21+$0xFC40]  }
0x106: {  	s23 =	simm.s32 $0x0;
	s22 =	simm.s32 $0x2;
	v22 =	vadd.f32 v28, v23;
	v28 =	vld [tilespmem:s21+$0xFC50];
	v23 =	vadd.f32 v29, v63  }
.LBB2_8:
0x107: {  	p0 =	sne.s32 s22, $0x37;
	s23 =	smul.u32 $0x3000, s23;
	v1 =	vadd.f32 v24, v1;
	v24 =	vld [tilespmem:s21+$0xFC60]  }
0x108: {  	s20 =	sadd.s32 $0x80, s20;
	v5 =	vadd.f32 v26, v5;
	v26 =	vld [tilespmem:s21+$0xFC70]  }
0x109: {  	s24 =	sand.u32 $0x380, s20;
	s23 =	sshra.s32 s23, $0x2;
	v3 =	vadd.f32 v25, v3;
	v25 =	vld [tilespmem:s21+$0x10000]  }
0x10a: {  	v6 =	vadd.f32 v27, v6;
	v27 =	vld [tilespmem:s21+$0x10400];
	s21 =	sor.u32 s24, s23  }
0x10b: {  	v29 =	vld [tilespmem:s21+$0xFC00];
	s23 =	sadd.s32 $0x10000, s21;
	s24 =	sadd.s32 $0x10400, s21;
	v4 =	vadd.f32 v28, v4  }
0x10c: {  	v28 =	vld [tilespmem:s24+$0x70];
	v7 =	vadd.f32 v24, v7  }
0x10d: {  	v24 =	vld [tilespmem:s23+$0x10];
	v0 =	vadd.f32 v26, v0  }
0x10e: {  	v26 =	vld [tilespmem:s23+$0x20];
	v2 =	vadd.f32 v25, v2  }
0x10f: {  	v25 =	vld [tilespmem:s23+$0x30];
	v8 =	vadd.f32 v27, v8  }
0x110: {  	v9 =	vadd.f32 v29, v9;
	v27 =	vld [tilespmem:s23+$0x40]  }
0x111: {  	v29 =	vld [tilespmem:s23+$0x50];
	v10 =	vadd.f32 v28, v10  }
0x112: {  	v11 =	vadd.f32 v24, v11;
	v24 =	vld [tilespmem:s23+$0x60]  }
0x113: {  	v12 =	vadd.f32 v26, v12;
	v26 =	vld [tilespmem:s23+$0x70]  }
0x114: {  	v13 =	vadd.f32 v25, v13;
	v25 =	vld [tilespmem:s24+$0x10]  }
0x115: {  	v14 =	vadd.f32 v27, v14;
	v27 =	vld [tilespmem:s24+$0x20]  }
0x116: {  	v15 =	vadd.f32 v29, v15;
	v28 =	vld [tilespmem:s24+$0x30]  }
0x117: {  	v16 =	vadd.f32 v24, v16;
	v29 =	vld [tilespmem:s24+$0x40]  }
0x118: {  	v17 =	vadd.f32 v26, v17;
	v30 =	vld [tilespmem:s24+$0x50]  }
0x119: {  	v18 =	vadd.f32 v25, v18;
	v31 =	vld [tilespmem:s24+$0x60]  }
.Ltmp3:
0x11a: {  	v24 =	vld [tilespmem:s21+$0xFC10];
	v19 =	vadd.f32 v27, v19;
	(pc) =	sbr.rel @p0 .LBB2_8-.Ltmp3, $4  }
0x11b: {  	v26 =	vld [tilespmem:s21+$0xFC20];
	v20 =	vadd.f32 v28, v20  }
0x11c: {  	v25 =	vld [tilespmem:s21+$0xFC30];
	v21 =	vadd.f32 v29, v21  }
0x11d: {  	v27 =	vld [tilespmem:s21+$0xFC40];
	v22 =	vadd.f32 v30, v22  }
0x11e: {  	s23 =	sshrl.u32 s22, $0x3;
	s22 =	sadd.s32 $0x1, s22;
	v28 =	vld [tilespmem:s21+$0xFC50];
	v23 =	vadd.f32 v31, v23  }
0x11f: {  	s22 =	smul.u32 $0x3000, s23;
	v29 =	vld [tilespmem:s21+$0xFC60]  }
0x120: {  	v30 =	vld [tilespmem:s21+$0xFC70];
	s20 =	sadd.s32 $0x80, s20  }
0x121: {  	v31 =	vld [tilespmem:s21+$0x10000];
	s20 =	sand.u32 $0x380, s20;
	s22 =	sshra.s32 s22, $0x2  }
0x122: {  	v32 =	vld [tilespmem:s21+$0x10400];
	s20 =	sor.u32 s20, s22  }
0x123: {  	v33 =	vld [tilespmem:s20+$0xFC00]  }
0x124: {  	v48 =	vld [tilespmem:s20+$0xFC10]  }
0x125: {  	v49 =	vld [tilespmem:s20+$0xFC20]  }
0x126: {  	v50 =	vld [tilespmem:s20+$0xFC30]  }
0x127: {  	v51 =	vld [tilespmem:s20+$0xFC40]  }
0x128: {  	v52 =	vld [tilespmem:s20+$0xFC50]  }
0x129: {  	v53 =	vld [tilespmem:s20+$0xFC60]  }
0x12a: {  	v54 =	vld [tilespmem:s20+$0xFC70]  }
0x12b: {  	v55 =	vld [tilespmem:s20+$0x10000]  }
0x12c: {  	s29 =	sadd.s32 $0x10400, s20;
	v56 =	vld [tilespmem:s20+$0x10400]  }
0x12d: {  	s22 =	sadd.s32 $0x10000, s20;
	v34 =	vld [tilespmem:s29+$0x70]  }
0x12e: {  	v35 =	vld [tilespmem:s22+$0x10]  }
0x12f: {  	v36 =	vld [tilespmem:s22+$0x20]  }
0x130: {  	v37 =	vld [tilespmem:s22+$0x30]  }
0x131: {  	v38 =	vld [tilespmem:s22+$0x40]  }
0x132: {  	v39 =	vld [tilespmem:s22+$0x50]  }
0x133: {  	v40 =	vld [tilespmem:s22+$0x60]  }
0x134: {  	v41 =	vld [tilespmem:s22+$0x70]  }
0x135: {  	v42 =	vld [tilespmem:s29+$0x10]  }
0x136: {  	v43 =	vld [tilespmem:s29+$0x20]  }
0x137: {  	v44 =	vld [tilespmem:s29+$0x30]  }
0x138: {  	s30 =	simm.s32 $0x0;
	v45 =	vld [tilespmem:s29+$0x40]  }
0x139: {  	s31 =	smul.u32 $0x3000, s30;
	s20 =	simm.s32 $0x0;
	v46 =	vld [tilespmem:s29+$0x50]  }
0x13a: {  	v24 =	vadd.f32 v24, v1;
	v26 =	vadd.f32 v26, v5;
	v47 =	vld [tilespmem:s29+$0x60];
	[tilespmem:s12], [sflag:$0x2] =	stream.linear.gather [hbm4b:s6+s20], $0xA800, $0x38  }
0x13b: {  	v25 =	vadd.f32 v25, v3;
	v27 =	vadd.f32 v27, v6;
	_ =	swait.ge [sflag:s13], $0xA800  }
0x13c: {  	v28 =	vadd.f32 v28, v4;
	v29 =	vadd.f32 v29, v7;
	s21 =	sand.u32 $0x380, s20;
	s22 =	sshra.s32 s31, $0x2;
	[sflag:s13] =	ssyncset.done $0x0  }
0x13d: {  	v30 =	vadd.f32 v30, v0;
	v31 =	vadd.f32 v31, v2;
	s23 =	sor.u32 s21, s22;
	[sflag:s13] =	ssyncadd.s32 $0xFFFF5800  }
0x13e: {  	v8 =	vadd.f32 v32, v8;
	v9 =	vadd.f32 v33, v9;
	v63 =	vld [tilespmem:s23+$0x870]  }
0x13f: {  	v62 =	vld [tilespmem:s23+$0x440];
	v10 =	vadd.f32 v34, v10;
	v57 =	vadd.f32 v35, v11  }
0x140: {  	v11 =	vld [tilespmem:s23+$0x0];
	v58 =	vadd.f32 v36, v12;
	v59 =	vadd.f32 v37, v13  }
0x141: {  	v12 =	vld [tilespmem:s23+$0x10];
	v60 =	vadd.f32 v38, v14;
	v61 =	vadd.f32 v39, v15  }
0x142: {  	v13 =	vld [tilespmem:s23+$0x20];
	v6 =	vadd.f32 v40, v16;
	v7 =	vadd.f32 v41, v17  }
0x143: {  	v14 =	vld [tilespmem:s23+$0x30];
	v3 =	vadd.f32 v42, v18;
	v1 =	vadd.f32 v43, v19  }
0x144: {  	v15 =	vld [tilespmem:s23+$0x40];
	v4 =	vadd.f32 v44, v20;
	v2 =	vadd.f32 v45, v21  }
0x145: {  	v16 =	vld [tilespmem:s23+$0x50];
	v5 =	vadd.f32 v46, v22;
	v0 =	vadd.f32 v47, v23  }
0x146: {  	v17 =	vld [tilespmem:s23+$0x60];
	v18 =	vadd.f32 v48, v24;
	v19 =	vadd.f32 v49, v26  }
0x147: {  	v20 =	vld [tilespmem:s23+$0x70];
	v21 =	vadd.f32 v50, v25;
	v22 =	vadd.f32 v51, v27  }
0x148: {  	v25 =	vld [tilespmem:s23+$0x400];
	v24 =	vadd.f32 v52, v28;
	v26 =	vadd.f32 v53, v29  }
0x149: {  	v27 =	vld [tilespmem:s23+$0x410];
	v28 =	vadd.f32 v54, v30;
	v29 =	vadd.f32 v55, v31  }
0x14a: {  	v30 =	vld [tilespmem:s23+$0x420];
	v23 =	vadd.f32 v56, v8;
	v8 =	vadd.f32 v63, v10  }
0x14b: {  	v31 =	vld [tilespmem:s23+$0x430];
	v9 =	vadd.f32 v11, v9;
	v10 =	vadd.f32 v12, v18  }
0x14c: {  	v63 =	vld [tilespmem:s23+$0x450];
	v11 =	vadd.f32 v13, v19;
	v12 =	vadd.f32 v14, v21  }
0x14d: {  	v13 =	vadd.f32 v15, v22;
	v14 =	vadd.f32 v16, v24;
	v24 =	vld [tilespmem:s23+$0x460]  }
0x14e: {  	v15 =	vadd.f32 v17, v26;
	v16 =	vadd.f32 v20, v28;
	v26 =	vld [tilespmem:s23+$0x470]  }
0x14f: {  	v17 =	vadd.f32 v25, v29;
	v18 =	vadd.f32 v27, v57;
	v25 =	vld [tilespmem:s23+$0x800]  }
0x150: {  	v19 =	vadd.f32 v30, v58;
	v20 =	vadd.f32 v31, v59;
	v27 =	vld [tilespmem:s23+$0x810]  }
0x151: {  	s26 =	simm.s32 $0x0;
	s25 =	simm.s32 $0x2;
	s24 =	simm.s32 $0x0;
	v21 =	vadd.f32 v62, v60;
	v28 =	vld [tilespmem:s23+$0x820];
	v22 =	vadd.f32 v63, v61  }
.LBB2_10:
0x152: {  	p0 =	sne.s32 s25, $0x37;
	s26 =	smul.u32 $0x3000, s26;
	v6 =	vadd.f32 v24, v6;
	v24 =	vld [tilespmem:s23+$0x830]  }
0x153: {  	s24 =	sadd.s32 $0x80, s24;
	v7 =	vadd.f32 v26, v7;
	v26 =	vld [tilespmem:s23+$0x840]  }
0x154: {  	s28 =	sand.u32 $0x380, s24;
	s26 =	sshra.s32 s26, $0x2;
	v23 =	vadd.f32 v25, v23;
	v25 =	vld [tilespmem:s23+$0x850]  }
0x155: {  	v3 =	vadd.f32 v27, v3;
	v27 =	vld [tilespmem:s23+$0x860];
	s23 =	sor.u32 s28, s26  }
0x156: {  	v29 =	vld [tilespmem:s23+$0x870];
	v1 =	vadd.f32 v28, v1  }
0x157: {  	v28 =	vld [tilespmem:s23+$0x0];
	v4 =	vadd.f32 v24, v4  }
0x158: {  	v24 =	vld [tilespmem:s23+$0x10];
	v2 =	vadd.f32 v26, v2  }
0x159: {  	v26 =	vld [tilespmem:s23+$0x20];
	v5 =	vadd.f32 v25, v5  }
0x15a: {  	v25 =	vld [tilespmem:s23+$0x30];
	v0 =	vadd.f32 v27, v0  }
0x15b: {  	v27 =	vld [tilespmem:s23+$0x40];
	v8 =	vadd.f32 v29, v8  }
0x15c: {  	v9 =	vadd.f32 v28, v9;
	v28 =	vld [tilespmem:s23+$0x50]  }
0x15d: {  	v10 =	vadd.f32 v24, v10;
	v24 =	vld [tilespmem:s23+$0x60]  }
0x15e: {  	v11 =	vadd.f32 v26, v11;
	v26 =	vld [tilespmem:s23+$0x70]  }
0x15f: {  	v12 =	vadd.f32 v25, v12;
	v25 =	vld [tilespmem:s23+$0x400]  }
0x160: {  	v13 =	vadd.f32 v27, v13;
	v27 =	vld [tilespmem:s23+$0x410]  }
0x161: {  	v14 =	vadd.f32 v28, v14;
	v28 =	vld [tilespmem:s23+$0x420]  }
0x162: {  	v15 =	vadd.f32 v24, v15;
	v29 =	vld [tilespmem:s23+$0x430]  }
0x163: {  	v16 =	vadd.f32 v26, v16;
	v30 =	vld [tilespmem:s23+$0x440]  }
0x164: {  	v17 =	vadd.f32 v25, v17;
	v31 =	vld [tilespmem:s23+$0x450]  }
.Ltmp4:
0x165: {  	v18 =	vadd.f32 v27, v18;
	v24 =	vld [tilespmem:s23+$0x460];
	(pc) =	sbr.rel @p0 .LBB2_10-.Ltmp4, $4  }
0x166: {  	v19 =	vadd.f32 v28, v19;
	v26 =	vld [tilespmem:s23+$0x470]  }
0x167: {  	v20 =	vadd.f32 v29, v20;
	v25 =	vld [tilespmem:s23+$0x800]  }
0x168: {  	v21 =	vadd.f32 v30, v21;
	v27 =	vld [tilespmem:s23+$0x810]  }
0x169: {  	s26 =	sshrl.u32 s25, $0x3;
	s25 =	sadd.s32 $0x1, s25;
	v22 =	vadd.f32 v31, v22;
	v28 =	vld [tilespmem:s23+$0x820]  }
0x16a: {  	v29 =	vld [tilespmem:s23+$0x830]  }
0x16b: {  	v30 =	vld [tilespmem:s23+$0x840]  }
0x16c: {  	v31 =	vld [tilespmem:s23+$0x850]  }
0x16d: {  	v32 =	vld [tilespmem:s23+$0x860];
	s21 =	sor.u32 s21, s22  }
0x16e: {  	v53 =	vld [tilespmem:s21+$0x5440]  }
0x16f: {  	v56 =	vld [tilespmem:s21+$0x5450]  }
0x170: {  	s25 =	smul.u32 $0x3000, s26;
	v59 =	vld [tilespmem:s21+$0x5460]  }
0x171: {  	s24 =	sadd.s32 $0x80, s24;
	v60 =	vld [tilespmem:s21+$0x5470]  }
0x172: {  	s24 =	sand.u32 $0x380, s24;
	v61 =	vld [tilespmem:s21+$0x5800];
	s25 =	sshra.s32 s25, $0x2  }
0x173: {  	v62 =	vld [tilespmem:s21+$0x5810];
	s24 =	sor.u32 s24, s25  }
0x174: {  	v33 =	vld [tilespmem:s24+$0x870]  }
0x175: {  	v34 =	vld [tilespmem:s24+$0x0]  }
0x176: {  	v35 =	vld [tilespmem:s24+$0x10]  }
0x177: {  	v36 =	vld [tilespmem:s24+$0x20]  }
0x178: {  	v37 =	vld [tilespmem:s24+$0x30]  }
0x179: {  	v38 =	vld [tilespmem:s24+$0x40]  }
0x17a: {  	v39 =	vld [tilespmem:s24+$0x50]  }
0x17b: {  	v40 =	vld [tilespmem:s24+$0x60]  }
0x17c: {  	v41 =	vld [tilespmem:s24+$0x70]  }
0x17d: {  	v42 =	vld [tilespmem:s24+$0x400]  }
0x17e: {  	v43 =	vld [tilespmem:s24+$0x410]  }
0x17f: {  	v44 =	vld [tilespmem:s24+$0x420]  }
0x180: {  	v45 =	vld [tilespmem:s24+$0x430]  }
0x181: {  	v46 =	vld [tilespmem:s24+$0x440]  }
0x182: {  	v6 =	vadd.f32 v24, v6;
	v7 =	vadd.f32 v26, v7;
	v47 =	vld [tilespmem:s24+$0x450]  }
0x183: {  	v23 =	vadd.f32 v25, v23;
	v3 =	vadd.f32 v27, v3;
	v48 =	vld [tilespmem:s24+$0x460]  }
0x184: {  	v49 =	vld [tilespmem:s24+$0x470];
	v1 =	vadd.f32 v28, v1;
	v4 =	vadd.f32 v29, v4  }
0x185: {  	v50 =	vld [tilespmem:s24+$0x800];
	v2 =	vadd.f32 v30, v2;
	v5 =	vadd.f32 v31, v5  }
0x186: {  	v51 =	vld [tilespmem:s24+$0x810];
	v0 =	vadd.f32 v32, v0;
	v8 =	vadd.f32 v33, v8  }
0x187: {  	v52 =	vld [tilespmem:s24+$0x820];
	v9 =	vadd.f32 v34, v9;
	v10 =	vadd.f32 v35, v10  }
0x188: {  	v24 =	vld [tilespmem:s24+$0x830];
	v11 =	vadd.f32 v36, v11;
	v12 =	vadd.f32 v37, v12  }
0x189: {  	v25 =	vld [tilespmem:s24+$0x840];
	v13 =	vadd.f32 v38, v13;
	v14 =	vadd.f32 v39, v14  }
0x18a: {  	v26 =	vld [tilespmem:s24+$0x850];
	v32 =	vadd.f32 v40, v15;
	v33 =	vadd.f32 v41, v16  }
0x18b: {  	v27 =	vld [tilespmem:s24+$0x860];
	v17 =	vadd.f32 v42, v17;
	v35 =	vadd.f32 v43, v18  }
0x18c: {  	v28 =	vld [tilespmem:s21+$0x5C70];
	v54 =	vadd.f32 v44, v19;
	v55 =	vadd.f32 v45, v20  }
0x18d: {  	v29 =	vld [tilespmem:s21+$0x5400];
	v57 =	vadd.f32 v46, v21;
	v58 =	vadd.f32 v47, v22  }
0x18e: {  	v30 =	vld [tilespmem:s21+$0x5410];
	v18 =	vadd.f32 v48, v6;
	v19 =	vadd.f32 v49, v7  }
0x18f: {  	v31 =	vld [tilespmem:s21+$0x5420];
	v20 =	vadd.f32 v50, v23;
	v21 =	vadd.f32 v51, v3  }
0x190: {  	v63 =	vld [tilespmem:s21+$0x5820];
	v22 =	vadd.f32 v52, v1;
	v23 =	vadd.f32 v24, v4  }
0x191: {  	v34 =	vld [tilespmem:s21+$0x5430];
	v15 =	vadd.f32 v25, v2;
	v16 =	vadd.f32 v26, v5  }
0x192: {  	v0 =	vadd.f32 v27, v0;
	v27 =	vld [tilespmem:s21+$0x5830];
	v1 =	vadd.f32 v28, v8  }
0x193: {  	v2 =	vadd.f32 v29, v9;
	v3 =	vadd.f32 v30, v10;
	v28 =	vld [tilespmem:s21+$0x5840]  }
0x194: {  	v4 =	vadd.f32 v31, v11;
	v29 =	vld [tilespmem:s21+$0x5850];
	v6 =	vadd.f32 v53, v13  }
0x195: {  	v24 =	vld [tilespmem:s21+$0x5860];
	v7 =	vadd.f32 v56, v14;
	v8 =	vadd.f32 v59, v32  }
0x196: {  	v26 =	vld [tilespmem:s21+$0x5870];
	v9 =	vadd.f32 v60, v33;
	v10 =	vadd.f32 v61, v17  }
0x197: {  	v25 =	vld [tilespmem:s21+$0x5C00];
	v11 =	vadd.f32 v62, v35;
	v5 =	vadd.f32 v34, v12  }
0x198: {  	v12 =	vadd.f32 v63, v54;
	v13 =	vadd.f32 v27, v55;
	v27 =	vld [tilespmem:s21+$0x5C10]  }
0x199: {  	s23 =	simm.s32 $0x0;
	s22 =	simm.s32 $0x2;
	v14 =	vadd.f32 v28, v57;
	v17 =	vadd.f32 v29, v58;
	v28 =	vld [tilespmem:s21+$0x5C20]  }
.LBB2_12:
0x19a: {  	p0 =	sne.s32 s22, $0x37;
	s23 =	smul.u32 $0x3000, s23;
	v18 =	vadd.f32 v24, v18;
	v24 =	vld [tilespmem:s21+$0x5C30]  }
0x19b: {  	s20 =	sadd.s32 $0x80, s20;
	v19 =	vadd.f32 v26, v19;
	v26 =	vld [tilespmem:s21+$0x5C40]  }
0x19c: {  	s24 =	sand.u32 $0x380, s20;
	s23 =	sshra.s32 s23, $0x2;
	v20 =	vadd.f32 v25, v20;
	v25 =	vld [tilespmem:s21+$0x5C50]  }
0x19d: {  	v21 =	vadd.f32 v27, v21;
	v27 =	vld [tilespmem:s21+$0x5C60];
	s21 =	sor.u32 s24, s23  }
0x19e: {  	v29 =	vld [tilespmem:s21+$0x5C70];
	v22 =	vadd.f32 v28, v22  }
0x19f: {  	v28 =	vld [tilespmem:s21+$0x5400];
	v23 =	vadd.f32 v24, v23  }
0x1a0: {  	v24 =	vld [tilespmem:s21+$0x5410];
	v15 =	vadd.f32 v26, v15  }
0x1a1: {  	v26 =	vld [tilespmem:s21+$0x5420];
	v16 =	vadd.f32 v25, v16  }
0x1a2: {  	v25 =	vld [tilespmem:s21+$0x5430];
	v0 =	vadd.f32 v27, v0  }
0x1a3: {  	v27 =	vld [tilespmem:s21+$0x5440];
	v1 =	vadd.f32 v29, v1  }
0x1a4: {  	v2 =	vadd.f32 v28, v2;
	v28 =	vld [tilespmem:s21+$0x5450]  }
0x1a5: {  	v3 =	vadd.f32 v24, v3;
	v24 =	vld [tilespmem:s21+$0x5460]  }
0x1a6: {  	v4 =	vadd.f32 v26, v4;
	v26 =	vld [tilespmem:s21+$0x5470]  }
0x1a7: {  	v5 =	vadd.f32 v25, v5;
	v25 =	vld [tilespmem:s21+$0x5800]  }
0x1a8: {  	v6 =	vadd.f32 v27, v6;
	v27 =	vld [tilespmem:s21+$0x5810]  }
0x1a9: {  	v7 =	vadd.f32 v28, v7;
	v28 =	vld [tilespmem:s21+$0x5820]  }
0x1aa: {  	v8 =	vadd.f32 v24, v8;
	v29 =	vld [tilespmem:s21+$0x5830]  }
0x1ab: {  	v9 =	vadd.f32 v26, v9;
	v30 =	vld [tilespmem:s21+$0x5840]  }
0x1ac: {  	v10 =	vadd.f32 v25, v10;
	v31 =	vld [tilespmem:s21+$0x5850]  }
.Ltmp5:
0x1ad: {  	v11 =	vadd.f32 v27, v11;
	v24 =	vld [tilespmem:s21+$0x5860];
	(pc) =	sbr.rel @p0 .LBB2_12-.Ltmp5, $4  }
0x1ae: {  	v12 =	vadd.f32 v28, v12;
	v26 =	vld [tilespmem:s21+$0x5870]  }
0x1af: {  	v13 =	vadd.f32 v29, v13;
	v25 =	vld [tilespmem:s21+$0x5C00]  }
0x1b0: {  	v14 =	vadd.f32 v30, v14;
	v27 =	vld [tilespmem:s21+$0x5C10]  }
0x1b1: {  	s23 =	sshrl.u32 s22, $0x3;
	s22 =	sadd.s32 $0x1, s22;
	v17 =	vadd.f32 v31, v17;
	v28 =	vld [tilespmem:s21+$0x5C20]  }
0x1b2: {  	s22 =	smul.u32 $0x3000, s23;
	v29 =	vld [tilespmem:s21+$0x5C30]  }
0x1b3: {  	v30 =	vld [tilespmem:s21+$0x5C40];
	s20 =	sadd.s32 $0x80, s20  }
0x1b4: {  	v31 =	vld [tilespmem:s21+$0x5C50];
	s20 =	sand.u32 $0x380, s20;
	s22 =	sshra.s32 s22, $0x2  }
0x1b5: {  	v32 =	vld [tilespmem:s21+$0x5C60];
	s20 =	sor.u32 s20, s22  }
0x1b6: {  	v33 =	vld [tilespmem:s20+$0x5C70]  }
0x1b7: {  	v34 =	vld [tilespmem:s20+$0x5400]  }
0x1b8: {  	v35 =	vld [tilespmem:s20+$0x5410]  }
0x1b9: {  	v36 =	vld [tilespmem:s20+$0x5420]  }
0x1ba: {  	v37 =	vld [tilespmem:s20+$0x5430]  }
0x1bb: {  	v38 =	vld [tilespmem:s20+$0x5440]  }
0x1bc: {  	v39 =	vld [tilespmem:s20+$0x5450]  }
0x1bd: {  	v40 =	vld [tilespmem:s20+$0x5460]  }
0x1be: {  	v41 =	vld [tilespmem:s20+$0x5470]  }
0x1bf: {  	v42 =	vld [tilespmem:s20+$0x5800]  }
0x1c0: {  	v43 =	vld [tilespmem:s20+$0x5810]  }
0x1c1: {  	v44 =	vld [tilespmem:s20+$0x5820]  }
0x1c2: {  	v45 =	vld [tilespmem:s20+$0x5830]  }
0x1c3: {  	v46 =	vld [tilespmem:s20+$0x5840]  }
0x1c4: {  	v47 =	vld [tilespmem:s20+$0x5850]  }
0x1c5: {  	v48 =	vld [tilespmem:s20+$0x5860]  }
0x1c6: {  	v49 =	vld [tilespmem:s20+$0x5870]  }
0x1c7: {  	v50 =	vld [tilespmem:s20+$0x5C00]  }
0x1c8: {  	v51 =	vld [tilespmem:s20+$0x5C10]  }
0x1c9: {  	v52 =	vld [tilespmem:s20+$0x5C20]  }
0x1ca: {  	v53 =	vld [tilespmem:s20+$0x5C30]  }
0x1cb: {  	v54 =	vld [tilespmem:s20+$0x5C40]  }
0x1cc: {  	s30 =	simm.s32 $0x0;
	v55 =	vld [tilespmem:s20+$0x5C50]  }
0x1cd: {  	s31 =	smul.u32 $0x3000, s30;
	v56 =	vld [tilespmem:s20+$0x5C60];
	s20 =	simm.s32 $0x0  }
0x1ce: {  	v18 =	vadd.f32 v24, v18;
	v19 =	vadd.f32 v26, v19;
	[tilespmem:s20], [sflag:$0x1] =	stream.linear.gather [hbm4b:s7+s20], $0xA800, $0x38;
	[tilespmem:$0x15180] =	vst v63  }
0x1cf: {  	v20 =	vadd.f32 v25, v20;
	v21 =	vadd.f32 v27, v21;
	_ =	swait.ge [sflag:s14], $0xA800  }
0x1d0: {  	s22 =	sshra.s32 s31, $0x2;
	v22 =	vadd.f32 v28, v22;
	v23 =	vadd.f32 v29, v23;
	s21 =	sand.u32 $0x380, s20;
	[sflag:s14] =	ssyncset.done $0x0  }
0x1d1: {  	v15 =	vadd.f32 v30, v15;
	v24 =	vadd.f32 v31, v16;
	s23 =	sor.u32 s21, s22;
	[sflag:s14] =	ssyncadd.s32 $0xFFFF5800  }
0x1d2: {  	v0 =	vadd.f32 v32, v0;
	v1 =	vadd.f32 v33, v1;
	v25 =	vld [tilespmem:s23+$0xB070]  }
0x1d3: {  	v2 =	vadd.f32 v34, v2;
	v3 =	vadd.f32 v35, v3;
	v26 =	vld [tilespmem:s23+$0xA800]  }
0x1d4: {  	v4 =	vadd.f32 v36, v4;
	v27 =	vadd.f32 v37, v5;
	v28 =	vld [tilespmem:s23+$0xA810]  }
0x1d5: {  	v29 =	vadd.f32 v38, v6;
	v7 =	vadd.f32 v39, v7;
	v30 =	vld [tilespmem:s23+$0xA820]  }
0x1d6: {  	v8 =	vadd.f32 v40, v8;
	v9 =	vadd.f32 v41, v9;
	v31 =	vld [tilespmem:s23+$0xA830]  }
0x1d7: {  	v10 =	vadd.f32 v42, v10;
	v11 =	vadd.f32 v43, v11;
	v43 =	vld [tilespmem:s23+$0xA840]  }
0x1d8: {  	v12 =	vadd.f32 v44, v12;
	v13 =	vadd.f32 v45, v13;
	v57 =	vld [tilespmem:s23+$0xA850]  }
0x1d9: {  	v14 =	vadd.f32 v46, v14;
	v58 =	vadd.f32 v47, v17;
	v59 =	vld [tilespmem:s23+$0xA860]  }
0x1da: {  	v16 =	vadd.f32 v48, v18;
	v17 =	vadd.f32 v49, v19;
	v60 =	vld [tilespmem:s23+$0xA870]  }
0x1db: {  	v18 =	vadd.f32 v50, v20;
	v19 =	vadd.f32 v51, v21;
	v61 =	vld [tilespmem:s23+$0xAC00]  }
0x1dc: {  	v20 =	vadd.f32 v52, v22;
	v21 =	vadd.f32 v53, v23;
	v62 =	vld [tilespmem:s23+$0xAC10]  }
0x1dd: {  	v22 =	vadd.f32 v54, v15;
	v23 =	vadd.f32 v55, v24;
	v15 =	vld [tilespmem:s23+$0xAC20]  }
0x1de: {  	v5 =	vadd.f32 v56, v0;
	v63 =	vld [tilespmem:s23+$0xAC30];
	v6 =	vadd.f32 v25, v1  }
0x1df: {  	v1 =	vadd.f32 v26, v2;
	v3 =	vadd.f32 v28, v3;
	v28 =	vld [tilespmem:s23+$0xAC40]  }
0x1e0: {  	v0 =	vadd.f32 v30, v4;
	v2 =	vadd.f32 v31, v27;
	v30 =	vld [tilespmem:s23+$0xAC50]  }
0x1e1: {  	v24 =	vld [tilespmem:s23+$0xAC60];
	v4 =	vadd.f32 v43, v29;
	v7 =	vadd.f32 v57, v7  }
0x1e2: {  	v8 =	vadd.f32 v59, v8;
	v9 =	vadd.f32 v60, v9;
	v26 =	vld [tilespmem:s23+$0xAC70]  }
0x1e3: {  	v10 =	vadd.f32 v61, v10;
	v11 =	vadd.f32 v62, v11;
	v25 =	vld [tilespmem:s23+$0xB000]  }
0x1e4: {  	v12 =	vadd.f32 v15, v12;
	v13 =	vadd.f32 v63, v13;
	v27 =	vld [tilespmem:s23+$0xB010]  }
0x1e5: {  	s26 =	simm.s32 $0x0;
	s25 =	simm.s32 $0x2;
	s24 =	simm.s32 $0x0;
	v14 =	vadd.f32 v28, v14;
	v15 =	vadd.f32 v30, v58;
	v28 =	vld [tilespmem:s23+$0xB020]  }
.LBB2_14:
0x1e6: {  	p0 =	sne.s32 s25, $0x37;
	s26 =	smul.u32 $0x3000, s26;
	v16 =	vadd.f32 v24, v16;
	v24 =	vld [tilespmem:s23+$0xB030]  }
0x1e7: {  	s24 =	sadd.s32 $0x80, s24;
	v17 =	vadd.f32 v26, v17;
	v26 =	vld [tilespmem:s23+$0xB040]  }
0x1e8: {  	s28 =	sand.u32 $0x380, s24;
	s26 =	sshra.s32 s26, $0x2;
	v18 =	vadd.f32 v25, v18;
	v25 =	vld [tilespmem:s23+$0xB050]  }
0x1e9: {  	v19 =	vadd.f32 v27, v19;
	v27 =	vld [tilespmem:s23+$0xB060];
	s23 =	sor.u32 s28, s26  }
0x1ea: {  	v29 =	vld [tilespmem:s23+$0xB070];
	v20 =	vadd.f32 v28, v20  }
0x1eb: {  	v28 =	vld [tilespmem:s23+$0xA800];
	v21 =	vadd.f32 v24, v21  }
0x1ec: {  	v24 =	vld [tilespmem:s23+$0xA810];
	v22 =	vadd.f32 v26, v22  }
0x1ed: {  	v26 =	vld [tilespmem:s23+$0xA820];
	v23 =	vadd.f32 v25, v23  }
0x1ee: {  	v25 =	vld [tilespmem:s23+$0xA830];
	v5 =	vadd.f32 v27, v5  }
0x1ef: {  	v27 =	vld [tilespmem:s23+$0xA840];
	v6 =	vadd.f32 v29, v6  }
0x1f0: {  	v1 =	vadd.f32 v28, v1;
	v28 =	vld [tilespmem:s23+$0xA850]  }
0x1f1: {  	v3 =	vadd.f32 v24, v3;
	v24 =	vld [tilespmem:s23+$0xA860]  }
0x1f2: {  	v0 =	vadd.f32 v26, v0;
	v26 =	vld [tilespmem:s23+$0xA870]  }
0x1f3: {  	v2 =	vadd.f32 v25, v2;
	v25 =	vld [tilespmem:s23+$0xAC00]  }
0x1f4: {  	v4 =	vadd.f32 v27, v4;
	v27 =	vld [tilespmem:s23+$0xAC10]  }
0x1f5: {  	v7 =	vadd.f32 v28, v7;
	v28 =	vld [tilespmem:s23+$0xAC20]  }
0x1f6: {  	v8 =	vadd.f32 v24, v8;
	v29 =	vld [tilespmem:s23+$0xAC30]  }
0x1f7: {  	v9 =	vadd.f32 v26, v9;
	v30 =	vld [tilespmem:s23+$0xAC40]  }
0x1f8: {  	v10 =	vadd.f32 v25, v10;
	v31 =	vld [tilespmem:s23+$0xAC50]  }
.Ltmp6:
0x1f9: {  	v11 =	vadd.f32 v27, v11;
	v24 =	vld [tilespmem:s23+$0xAC60];
	(pc) =	sbr.rel @p0 .LBB2_14-.Ltmp6, $4  }
0x1fa: {  	v12 =	vadd.f32 v28, v12;
	v26 =	vld [tilespmem:s23+$0xAC70]  }
0x1fb: {  	v13 =	vadd.f32 v29, v13;
	v25 =	vld [tilespmem:s23+$0xB000]  }
0x1fc: {  	v14 =	vadd.f32 v30, v14;
	v27 =	vld [tilespmem:s23+$0xB010]  }
0x1fd: {  	s26 =	sshrl.u32 s25, $0x3;
	s25 =	sadd.s32 $0x1, s25;
	v15 =	vadd.f32 v31, v15;
	v28 =	vld [tilespmem:s23+$0xB020]  }
0x1fe: {  	v29 =	vld [tilespmem:s23+$0xB030]  }
0x1ff: {  	v30 =	vld [tilespmem:s23+$0xB040]  }
0x200: {  	v31 =	vld [tilespmem:s23+$0xB050];
	s21 =	sor.u32 s21, s22  }
0x201: {  	v32 =	vld [tilespmem:s23+$0xB060];
	s22 =	sadd.s32 $0x10400, s21  }
0x202: {  	s31 =	sadd.s32 $0x10000, s21;
	v53 =	vld [tilespmem:s22+$0x70]  }
0x203: {  	v54 =	vld [tilespmem:s31+$0x10]  }
0x204: {  	v55 =	vld [tilespmem:s31+$0x20]  }
0x205: {  	s25 =	smul.u32 $0x3000, s26;
	v56 =	vld [tilespmem:s31+$0x30]  }
0x206: {  	s24 =	sadd.s32 $0x80, s24;
	v57 =	vld [tilespmem:s31+$0x40]  }
0x207: {  	s24 =	sand.u32 $0x380, s24;
	s25 =	sshra.s32 s25, $0x2;
	v58 =	vld [tilespmem:s31+$0x50]  }
0x208: {  	v59 =	vld [tilespmem:s31+$0x60];
	s24 =	sor.u32 s24, s25  }
0x209: {  	v33 =	vld [tilespmem:s24+$0xB070]  }
0x20a: {  	v34 =	vld [tilespmem:s24+$0xA800]  }
0x20b: {  	v35 =	vld [tilespmem:s24+$0xA810]  }
0x20c: {  	v36 =	vld [tilespmem:s24+$0xA820]  }
0x20d: {  	v37 =	vld [tilespmem:s24+$0xA830]  }
0x20e: {  	v38 =	vld [tilespmem:s24+$0xA840]  }
0x20f: {  	v39 =	vld [tilespmem:s24+$0xA850]  }
0x210: {  	v40 =	vld [tilespmem:s24+$0xA860]  }
0x211: {  	v41 =	vld [tilespmem:s24+$0xA870]  }
0x212: {  	v42 =	vld [tilespmem:s24+$0xAC00]  }
0x213: {  	v43 =	vld [tilespmem:s24+$0xAC10]  }
0x214: {  	v44 =	vld [tilespmem:s24+$0xAC20]  }
0x215: {  	v45 =	vld [tilespmem:s24+$0xAC30]  }
0x216: {  	v16 =	vadd.f32 v24, v16;
	v17 =	vadd.f32 v26, v17;
	v46 =	vld [tilespmem:s24+$0xAC40]  }
0x217: {  	v18 =	vadd.f32 v25, v18;
	v19 =	vadd.f32 v27, v19;
	v47 =	vld [tilespmem:s24+$0xAC50]  }
0x218: {  	v48 =	vld [tilespmem:s24+$0xAC60];
	v20 =	vadd.f32 v28, v20;
	v21 =	vadd.f32 v29, v21  }
0x219: {  	v49 =	vld [tilespmem:s24+$0xAC70];
	v22 =	vadd.f32 v30, v22;
	v23 =	vadd.f32 v31, v23  }
0x21a: {  	v50 =	vld [tilespmem:s24+$0xB000];
	v28 =	vadd.f32 v32, v5;
	v29 =	vadd.f32 v33, v6  }
0x21b: {  	v51 =	vld [tilespmem:s24+$0xB010];
	v31 =	vadd.f32 v34, v1;
	v1 =	vadd.f32 v35, v3  }
0x21c: {  	v52 =	vld [tilespmem:s24+$0xB020];
	v5 =	vadd.f32 v36, v0;
	v3 =	vadd.f32 v37, v2  }
0x21d: {  	v24 =	vld [tilespmem:s24+$0xB030];
	v6 =	vadd.f32 v38, v4;
	v4 =	vadd.f32 v39, v7  }
0x21e: {  	v25 =	vld [tilespmem:s24+$0xB040];
	v7 =	vadd.f32 v40, v8;
	v0 =	vadd.f32 v41, v9  }
0x21f: {  	v26 =	vld [tilespmem:s24+$0xB050];
	v2 =	vadd.f32 v42, v10;
	v11 =	vadd.f32 v43, v11  }
0x220: {  	v27 =	vld [tilespmem:s24+$0xB060];
	v12 =	vadd.f32 v44, v12;
	v13 =	vadd.f32 v45, v13  }
0x221: {  	v30 =	vld [tilespmem:s21+$0xFC00];
	v14 =	vadd.f32 v46, v14;
	v15 =	vadd.f32 v47, v15  }
0x222: {  	v60 =	vld [tilespmem:s31+$0x70];
	v16 =	vadd.f32 v48, v16;
	v17 =	vadd.f32 v49, v17  }
0x223: {  	v61 =	vld [tilespmem:s22+$0x20];
	v8 =	vadd.f32 v50, v18;
	v18 =	vadd.f32 v51, v19  }
0x224: {  	v62 =	vld [tilespmem:s22+$0x30];
	v20 =	vadd.f32 v52, v20;
	v21 =	vadd.f32 v24, v21  }
0x225: {  	v19 =	vld [tilespmem:s22+$0x10];
	v22 =	vadd.f32 v25, v22;
	v23 =	vadd.f32 v26, v23  }
0x226: {  	v63 =	vadd.f32 v27, v28;
	v27 =	vld [tilespmem:s22+$0x40];
	v9 =	vadd.f32 v30, v31  }
0x227: {  	v28 =	vld [tilespmem:s22+$0x50];
	v10 =	vadd.f32 v53, v29;
	v11 =	vadd.f32 v54, v11  }
0x228: {  	v12 =	vadd.f32 v55, v12;
	v13 =	vadd.f32 v56, v13;
	v29 =	vld [tilespmem:s22+$0x60]  }
0x229: {  	v24 =	vld [tilespmem:s21+$0xFC10];
	v14 =	vadd.f32 v57, v14;
	v15 =	vadd.f32 v58, v15  }
0x22a: {  	v26 =	vld [tilespmem:s21+$0xFC20];
	v16 =	vadd.f32 v59, v16;
	v17 =	vadd.f32 v60, v17  }
0x22b: {  	v25 =	vld [tilespmem:s21+$0xFC30];
	v18 =	vadd.f32 v19, v18;
	v19 =	vadd.f32 v61, v20  }
0x22c: {  	v20 =	vadd.f32 v62, v21;
	v21 =	vadd.f32 v27, v22;
	v27 =	vld [tilespmem:s21+$0xFC40]  }
0x22d: {  	s23 =	simm.s32 $0x0;
	s22 =	simm.s32 $0x2;
	v22 =	vadd.f32 v28, v23;
	v28 =	vld [tilespmem:s21+$0xFC50];
	v23 =	vadd.f32 v29, v63  }
.LBB2_16:
0x22e: {  	p0 =	sne.s32 s22, $0x37;
	s23 =	smul.u32 $0x3000, s23;
	v1 =	vadd.f32 v24, v1;
	v24 =	vld [tilespmem:s21+$0xFC60]  }
0x22f: {  	s20 =	sadd.s32 $0x80, s20;
	v5 =	vadd.f32 v26, v5;
	v26 =	vld [tilespmem:s21+$0xFC70]  }
0x230: {  	s24 =	sand.u32 $0x380, s20;
	s23 =	sshra.s32 s23, $0x2;
	v3 =	vadd.f32 v25, v3;
	v25 =	vld [tilespmem:s21+$0x10000]  }
0x231: {  	v6 =	vadd.f32 v27, v6;
	v27 =	vld [tilespmem:s21+$0x10400];
	s21 =	sor.u32 s24, s23  }
0x232: {  	v29 =	vld [tilespmem:s21+$0xFC00];
	s23 =	sadd.s32 $0x10000, s21;
	s24 =	sadd.s32 $0x10400, s21;
	v4 =	vadd.f32 v28, v4  }
0x233: {  	v28 =	vld [tilespmem:s24+$0x70];
	v7 =	vadd.f32 v24, v7  }
0x234: {  	v24 =	vld [tilespmem:s23+$0x10];
	v0 =	vadd.f32 v26, v0  }
0x235: {  	v26 =	vld [tilespmem:s23+$0x20];
	v2 =	vadd.f32 v25, v2  }
0x236: {  	v25 =	vld [tilespmem:s23+$0x30];
	v8 =	vadd.f32 v27, v8  }
0x237: {  	v9 =	vadd.f32 v29, v9;
	v27 =	vld [tilespmem:s23+$0x40]  }
0x238: {  	v29 =	vld [tilespmem:s23+$0x50];
	v10 =	vadd.f32 v28, v10  }
0x239: {  	v11 =	vadd.f32 v24, v11;
	v24 =	vld [tilespmem:s23+$0x60]  }
0x23a: {  	v12 =	vadd.f32 v26, v12;
	v26 =	vld [tilespmem:s23+$0x70]  }
0x23b: {  	v13 =	vadd.f32 v25, v13;
	v25 =	vld [tilespmem:s24+$0x10]  }
0x23c: {  	v14 =	vadd.f32 v27, v14;
	v27 =	vld [tilespmem:s24+$0x20]  }
0x23d: {  	v15 =	vadd.f32 v29, v15;
	v28 =	vld [tilespmem:s24+$0x30]  }
0x23e: {  	v16 =	vadd.f32 v24, v16;
	v29 =	vld [tilespmem:s24+$0x40]  }
0x23f: {  	v17 =	vadd.f32 v26, v17;
	v30 =	vld [tilespmem:s24+$0x50]  }
0x240: {  	v18 =	vadd.f32 v25, v18;
	v31 =	vld [tilespmem:s24+$0x60]  }
.Ltmp7:
0x241: {  	v24 =	vld [tilespmem:s21+$0xFC10];
	v19 =	vadd.f32 v27, v19;
	(pc) =	sbr.rel @p0 .LBB2_16-.Ltmp7, $4  }
0x242: {  	v26 =	vld [tilespmem:s21+$0xFC20];
	v20 =	vadd.f32 v28, v20  }
0x243: {  	v25 =	vld [tilespmem:s21+$0xFC30];
	v21 =	vadd.f32 v29, v21  }
0x244: {  	v27 =	vld [tilespmem:s21+$0xFC40];
	v22 =	vadd.f32 v30, v22  }
0x245: {  	s23 =	sshrl.u32 s22, $0x3;
	s22 =	sadd.s32 $0x1, s22;
	v28 =	vld [tilespmem:s21+$0xFC50];
	v23 =	vadd.f32 v31, v23  }
0x246: {  	s22 =	smul.u32 $0x3000, s23;
	v29 =	vld [tilespmem:s21+$0xFC60]  }
0x247: {  	v30 =	vld [tilespmem:s21+$0xFC70];
	s20 =	sadd.s32 $0x80, s20  }
0x248: {  	v31 =	vld [tilespmem:s21+$0x10000];
	s20 =	sand.u32 $0x380, s20;
	s22 =	sshra.s32 s22, $0x2  }
0x249: {  	v32 =	vld [tilespmem:s21+$0x10400];
	s20 =	sor.u32 s20, s22  }
0x24a: {  	v33 =	vld [tilespmem:s20+$0xFC00]  }
0x24b: {  	v48 =	vld [tilespmem:s20+$0xFC10]  }
0x24c: {  	v49 =	vld [tilespmem:s20+$0xFC20]  }
0x24d: {  	v50 =	vld [tilespmem:s20+$0xFC30]  }
0x24e: {  	v51 =	vld [tilespmem:s20+$0xFC40]  }
0x24f: {  	v52 =	vld [tilespmem:s20+$0xFC50]  }
0x250: {  	v53 =	vld [tilespmem:s20+$0xFC60]  }
0x251: {  	v54 =	vld [tilespmem:s20+$0xFC70]  }
0x252: {  	v55 =	vld [tilespmem:s20+$0x10000]  }
0x253: {  	s29 =	sadd.s32 $0x10400, s20;
	v56 =	vld [tilespmem:s20+$0x10400]  }
0x254: {  	s22 =	sadd.s32 $0x10000, s20;
	v34 =	vld [tilespmem:s29+$0x70]  }
0x255: {  	v35 =	vld [tilespmem:s22+$0x10]  }
0x256: {  	v36 =	vld [tilespmem:s22+$0x20]  }
0x257: {  	v37 =	vld [tilespmem:s22+$0x30]  }
0x258: {  	v38 =	vld [tilespmem:s22+$0x40]  }
0x259: {  	v39 =	vld [tilespmem:s22+$0x50]  }
0x25a: {  	v40 =	vld [tilespmem:s22+$0x60]  }
0x25b: {  	v41 =	vld [tilespmem:s22+$0x70]  }
0x25c: {  	v42 =	vld [tilespmem:s29+$0x10]  }
0x25d: {  	v43 =	vld [tilespmem:s29+$0x20]  }
0x25e: {  	v44 =	vld [tilespmem:s29+$0x30]  }
0x25f: {  	s30 =	simm.s32 $0x0;
	v45 =	vld [tilespmem:s29+$0x40]  }
0x260: {  	s31 =	smul.u32 $0x3000, s30;
	s20 =	simm.s32 $0x0;
	v46 =	vld [tilespmem:s29+$0x50]  }
0x261: {  	v24 =	vadd.f32 v24, v1;
	v26 =	vadd.f32 v26, v5;
	v47 =	vld [tilespmem:s29+$0x60];
	[tilespmem:s12], [sflag:$0x2] =	stream.linear.gather [hbm4b:s8+s20], $0xA800, $0x38  }
0x262: {  	v25 =	vadd.f32 v25, v3;
	v27 =	vadd.f32 v27, v6;
	_ =	swait.ge [sflag:s13], $0xA800  }
0x263: {  	v28 =	vadd.f32 v28, v4;
	v29 =	vadd.f32 v29, v7;
	s21 =	sand.u32 $0x380, s20;
	s22 =	sshra.s32 s31, $0x2;
	[sflag:s13] =	ssyncset.done $0x0  }
0x264: {  	v30 =	vadd.f32 v30, v0;
	v31 =	vadd.f32 v31, v2;
	s23 =	sor.u32 s21, s22;
	[sflag:s13] =	ssyncadd.s32 $0xFFFF5800  }
0x265: {  	v8 =	vadd.f32 v32, v8;
	v9 =	vadd.f32 v33, v9;
	v63 =	vld [tilespmem:s23+$0x870]  }
0x266: {  	v62 =	vld [tilespmem:s23+$0x440];
	v10 =	vadd.f32 v34, v10;
	v57 =	vadd.f32 v35, v11  }
0x267: {  	v11 =	vld [tilespmem:s23+$0x0];
	v58 =	vadd.f32 v36, v12;
	v59 =	vadd.f32 v37, v13  }
0x268: {  	v12 =	vld [tilespmem:s23+$0x10];
	v60 =	vadd.f32 v38, v14;
	v61 =	vadd.f32 v39, v15  }
0x269: {  	v13 =	vld [tilespmem:s23+$0x20];
	v6 =	vadd.f32 v40, v16;
	v7 =	vadd.f32 v41, v17  }
0x26a: {  	v14 =	vld [tilespmem:s23+$0x30];
	v3 =	vadd.f32 v42, v18;
	v1 =	vadd.f32 v43, v19  }
0x26b: {  	v15 =	vld [tilespmem:s23+$0x40];
	v4 =	vadd.f32 v44, v20;
	v2 =	vadd.f32 v45, v21  }
0x26c: {  	v16 =	vld [tilespmem:s23+$0x50];
	v5 =	vadd.f32 v46, v22;
	v0 =	vadd.f32 v47, v23  }
0x26d: {  	v17 =	vld [tilespmem:s23+$0x60];
	v18 =	vadd.f32 v48, v24;
	v19 =	vadd.f32 v49, v26  }
0x26e: {  	v20 =	vld [tilespmem:s23+$0x70];
	v21 =	vadd.f32 v50, v25;
	v22 =	vadd.f32 v51, v27  }
0x26f: {  	v25 =	vld [tilespmem:s23+$0x400];
	v24 =	vadd.f32 v52, v28;
	v26 =	vadd.f32 v53, v29  }
0x270: {  	v27 =	vld [tilespmem:s23+$0x410];
	v28 =	vadd.f32 v54, v30;
	v29 =	vadd.f32 v55, v31  }
0x271: {  	v30 =	vld [tilespmem:s23+$0x420];
	v23 =	vadd.f32 v56, v8;
	v8 =	vadd.f32 v63, v10  }
0x272: {  	v31 =	vld [tilespmem:s23+$0x430];
	v9 =	vadd.f32 v11, v9;
	v10 =	vadd.f32 v12, v18  }
0x273: {  	v63 =	vld [tilespmem:s23+$0x450];
	v11 =	vadd.f32 v13, v19;
	v12 =	vadd.f32 v14, v21  }
0x274: {  	v13 =	vadd.f32 v15, v22;
	v14 =	vadd.f32 v16, v24;
	v24 =	vld [tilespmem:s23+$0x460]  }
0x275: {  	v15 =	vadd.f32 v17, v26;
	v16 =	vadd.f32 v20, v28;
	v26 =	vld [tilespmem:s23+$0x470]  }
0x276: {  	v17 =	vadd.f32 v25, v29;
	v18 =	vadd.f32 v27, v57;
	v25 =	vld [tilespmem:s23+$0x800]  }
0x277: {  	v19 =	vadd.f32 v30, v58;
	v20 =	vadd.f32 v31, v59;
	v27 =	vld [tilespmem:s23+$0x810]  }
0x278: {  	s26 =	simm.s32 $0x0;
	s25 =	simm.s32 $0x2;
	s24 =	simm.s32 $0x0;
	v21 =	vadd.f32 v62, v60;
	v28 =	vld [tilespmem:s23+$0x820];
	v22 =	vadd.f32 v63, v61  }
.LBB2_18:
0x279: {  	p0 =	sne.s32 s25, $0x37;
	s26 =	smul.u32 $0x3000, s26;
	v6 =	vadd.f32 v24, v6;
	v24 =	vld [tilespmem:s23+$0x830]  }
0x27a: {  	s24 =	sadd.s32 $0x80, s24;
	v7 =	vadd.f32 v26, v7;
	v26 =	vld [tilespmem:s23+$0x840]  }
0x27b: {  	s28 =	sand.u32 $0x380, s24;
	s26 =	sshra.s32 s26, $0x2;
	v23 =	vadd.f32 v25, v23;
	v25 =	vld [tilespmem:s23+$0x850]  }
0x27c: {  	v3 =	vadd.f32 v27, v3;
	v27 =	vld [tilespmem:s23+$0x860];
	s23 =	sor.u32 s28, s26  }
0x27d: {  	v29 =	vld [tilespmem:s23+$0x870];
	v1 =	vadd.f32 v28, v1  }
0x27e: {  	v28 =	vld [tilespmem:s23+$0x0];
	v4 =	vadd.f32 v24, v4  }
0x27f: {  	v24 =	vld [tilespmem:s23+$0x10];
	v2 =	vadd.f32 v26, v2  }
0x280: {  	v26 =	vld [tilespmem:s23+$0x20];
	v5 =	vadd.f32 v25, v5  }
0x281: {  	v25 =	vld [tilespmem:s23+$0x30];
	v0 =	vadd.f32 v27, v0  }
0x282: {  	v27 =	vld [tilespmem:s23+$0x40];
	v8 =	vadd.f32 v29, v8  }
0x283: {  	v9 =	vadd.f32 v28, v9;
	v28 =	vld [tilespmem:s23+$0x50]  }
0x284: {  	v10 =	vadd.f32 v24, v10;
	v24 =	vld [tilespmem:s23+$0x60]  }
0x285: {  	v11 =	vadd.f32 v26, v11;
	v26 =	vld [tilespmem:s23+$0x70]  }
0x286: {  	v12 =	vadd.f32 v25, v12;
	v25 =	vld [tilespmem:s23+$0x400]  }
0x287: {  	v13 =	vadd.f32 v27, v13;
	v27 =	vld [tilespmem:s23+$0x410]  }
0x288: {  	v14 =	vadd.f32 v28, v14;
	v28 =	vld [tilespmem:s23+$0x420]  }
0x289: {  	v15 =	vadd.f32 v24, v15;
	v29 =	vld [tilespmem:s23+$0x430]  }
0x28a: {  	v16 =	vadd.f32 v26, v16;
	v30 =	vld [tilespmem:s23+$0x440]  }
0x28b: {  	v17 =	vadd.f32 v25, v17;
	v31 =	vld [tilespmem:s23+$0x450]  }
.Ltmp8:
0x28c: {  	v18 =	vadd.f32 v27, v18;
	v24 =	vld [tilespmem:s23+$0x460];
	(pc) =	sbr.rel @p0 .LBB2_18-.Ltmp8, $4  }
0x28d: {  	v19 =	vadd.f32 v28, v19;
	v26 =	vld [tilespmem:s23+$0x470]  }
0x28e: {  	v20 =	vadd.f32 v29, v20;
	v25 =	vld [tilespmem:s23+$0x800]  }
0x28f: {  	v21 =	vadd.f32 v30, v21;
	v27 =	vld [tilespmem:s23+$0x810]  }
0x290: {  	s26 =	sshrl.u32 s25, $0x3;
	s25 =	sadd.s32 $0x1, s25;
	v22 =	vadd.f32 v31, v22;
	v28 =	vld [tilespmem:s23+$0x820]  }
0x291: {  	v29 =	vld [tilespmem:s23+$0x830]  }
0x292: {  	v30 =	vld [tilespmem:s23+$0x840]  }
0x293: {  	v31 =	vld [tilespmem:s23+$0x850]  }
0x294: {  	v32 =	vld [tilespmem:s23+$0x860];
	s21 =	sor.u32 s21, s22  }
0x295: {  	v53 =	vld [tilespmem:s21+$0x5440]  }
0x296: {  	v56 =	vld [tilespmem:s21+$0x5450]  }
0x297: {  	s25 =	smul.u32 $0x3000, s26;
	v59 =	vld [tilespmem:s21+$0x5460]  }
0x298: {  	s24 =	sadd.s32 $0x80, s24;
	v60 =	vld [tilespmem:s21+$0x5470]  }
0x299: {  	s24 =	sand.u32 $0x380, s24;
	v61 =	vld [tilespmem:s21+$0x5800];
	s25 =	sshra.s32 s25, $0x2  }
0x29a: {  	v62 =	vld [tilespmem:s21+$0x5810];
	s24 =	sor.u32 s24, s25  }
0x29b: {  	v33 =	vld [tilespmem:s24+$0x870]  }
0x29c: {  	v34 =	vld [tilespmem:s24+$0x0]  }
0x29d: {  	v35 =	vld [tilespmem:s24+$0x10]  }
0x29e: {  	v36 =	vld [tilespmem:s24+$0x20]  }
0x29f: {  	v37 =	vld [tilespmem:s24+$0x30]  }
0x2a0: {  	v38 =	vld [tilespmem:s24+$0x40]  }
0x2a1: {  	v39 =	vld [tilespmem:s24+$0x50]  }
0x2a2: {  	v40 =	vld [tilespmem:s24+$0x60]  }
0x2a3: {  	v41 =	vld [tilespmem:s24+$0x70]  }
0x2a4: {  	v42 =	vld [tilespmem:s24+$0x400]  }
0x2a5: {  	v43 =	vld [tilespmem:s24+$0x410]  }
0x2a6: {  	v44 =	vld [tilespmem:s24+$0x420]  }
0x2a7: {  	v45 =	vld [tilespmem:s24+$0x430]  }
0x2a8: {  	v46 =	vld [tilespmem:s24+$0x440]  }
0x2a9: {  	v6 =	vadd.f32 v24, v6;
	v7 =	vadd.f32 v26, v7;
	v47 =	vld [tilespmem:s24+$0x450]  }
0x2aa: {  	v23 =	vadd.f32 v25, v23;
	v3 =	vadd.f32 v27, v3;
	v48 =	vld [tilespmem:s24+$0x460]  }
0x2ab: {  	v49 =	vld [tilespmem:s24+$0x470];
	v1 =	vadd.f32 v28, v1;
	v4 =	vadd.f32 v29, v4  }
0x2ac: {  	v50 =	vld [tilespmem:s24+$0x800];
	v2 =	vadd.f32 v30, v2;
	v5 =	vadd.f32 v31, v5  }
0x2ad: {  	v51 =	vld [tilespmem:s24+$0x810];
	v0 =	vadd.f32 v32, v0;
	v8 =	vadd.f32 v33, v8  }
0x2ae: {  	v52 =	vld [tilespmem:s24+$0x820];
	v9 =	vadd.f32 v34, v9;
	v10 =	vadd.f32 v35, v10  }
0x2af: {  	v24 =	vld [tilespmem:s24+$0x830];
	v11 =	vadd.f32 v36, v11;
	v12 =	vadd.f32 v37, v12  }
0x2b0: {  	v25 =	vld [tilespmem:s24+$0x840];
	v13 =	vadd.f32 v38, v13;
	v14 =	vadd.f32 v39, v14  }
0x2b1: {  	v26 =	vld [tilespmem:s24+$0x850];
	v32 =	vadd.f32 v40, v15;
	v33 =	vadd.f32 v41, v16  }
0x2b2: {  	v27 =	vld [tilespmem:s24+$0x860];
	v17 =	vadd.f32 v42, v17;
	v35 =	vadd.f32 v43, v18  }
0x2b3: {  	v28 =	vld [tilespmem:s21+$0x5C70];
	v54 =	vadd.f32 v44, v19;
	v55 =	vadd.f32 v45, v20  }
0x2b4: {  	v29 =	vld [tilespmem:s21+$0x5400];
	v57 =	vadd.f32 v46, v21;
	v58 =	vadd.f32 v47, v22  }
0x2b5: {  	v30 =	vld [tilespmem:s21+$0x5410];
	v18 =	vadd.f32 v48, v6;
	v19 =	vadd.f32 v49, v7  }
0x2b6: {  	v31 =	vld [tilespmem:s21+$0x5420];
	v20 =	vadd.f32 v50, v23;
	v21 =	vadd.f32 v51, v3  }
0x2b7: {  	v63 =	vld [tilespmem:s21+$0x5820];
	v22 =	vadd.f32 v52, v1;
	v23 =	vadd.f32 v24, v4  }
0x2b8: {  	v34 =	vld [tilespmem:s21+$0x5430];
	v15 =	vadd.f32 v25, v2;
	v16 =	vadd.f32 v26, v5  }
0x2b9: {  	v0 =	vadd.f32 v27, v0;
	v27 =	vld [tilespmem:s21+$0x5830];
	v1 =	vadd.f32 v28, v8  }
0x2ba: {  	v2 =	vadd.f32 v29, v9;
	v3 =	vadd.f32 v30, v10;
	v28 =	vld [tilespmem:s21+$0x5840]  }
0x2bb: {  	v4 =	vadd.f32 v31, v11;
	v29 =	vld [tilespmem:s21+$0x5850];
	v6 =	vadd.f32 v53, v13  }
0x2bc: {  	v24 =	vld [tilespmem:s21+$0x5860];
	v7 =	vadd.f32 v56, v14;
	v8 =	vadd.f32 v59, v32  }
0x2bd: {  	v26 =	vld [tilespmem:s21+$0x5870];
	v9 =	vadd.f32 v60, v33;
	v10 =	vadd.f32 v61, v17  }
0x2be: {  	v25 =	vld [tilespmem:s21+$0x5C00];
	v11 =	vadd.f32 v62, v35;
	v5 =	vadd.f32 v34, v12  }
0x2bf: {  	v12 =	vadd.f32 v63, v54;
	v13 =	vadd.f32 v27, v55;
	v27 =	vld [tilespmem:s21+$0x5C10]  }
0x2c0: {  	s23 =	simm.s32 $0x0;
	s22 =	simm.s32 $0x2;
	v14 =	vadd.f32 v28, v57;
	v17 =	vadd.f32 v29, v58;
	v28 =	vld [tilespmem:s21+$0x5C20]  }
.LBB2_20:
0x2c1: {  	p0 =	sne.s32 s22, $0x37;
	s23 =	smul.u32 $0x3000, s23;
	v18 =	vadd.f32 v24, v18;
	v24 =	vld [tilespmem:s21+$0x5C30]  }
0x2c2: {  	s20 =	sadd.s32 $0x80, s20;
	v19 =	vadd.f32 v26, v19;
	v26 =	vld [tilespmem:s21+$0x5C40]  }
0x2c3: {  	s24 =	sand.u32 $0x380, s20;
	s23 =	sshra.s32 s23, $0x2;
	v20 =	vadd.f32 v25, v20;
	v25 =	vld [tilespmem:s21+$0x5C50]  }
0x2c4: {  	v21 =	vadd.f32 v27, v21;
	v27 =	vld [tilespmem:s21+$0x5C60];
	s21 =	sor.u32 s24, s23  }
0x2c5: {  	v29 =	vld [tilespmem:s21+$0x5C70];
	v22 =	vadd.f32 v28, v22  }
0x2c6: {  	v28 =	vld [tilespmem:s21+$0x5400];
	v23 =	vadd.f32 v24, v23  }
0x2c7: {  	v24 =	vld [tilespmem:s21+$0x5410];
	v15 =	vadd.f32 v26, v15  }
0x2c8: {  	v26 =	vld [tilespmem:s21+$0x5420];
	v16 =	vadd.f32 v25, v16  }
0x2c9: {  	v25 =	vld [tilespmem:s21+$0x5430];
	v0 =	vadd.f32 v27, v0  }
0x2ca: {  	v27 =	vld [tilespmem:s21+$0x5440];
	v1 =	vadd.f32 v29, v1  }
0x2cb: {  	v2 =	vadd.f32 v28, v2;
	v28 =	vld [tilespmem:s21+$0x5450]  }
0x2cc: {  	v3 =	vadd.f32 v24, v3;
	v24 =	vld [tilespmem:s21+$0x5460]  }
0x2cd: {  	v4 =	vadd.f32 v26, v4;
	v26 =	vld [tilespmem:s21+$0x5470]  }
0x2ce: {  	v5 =	vadd.f32 v25, v5;
	v25 =	vld [tilespmem:s21+$0x5800]  }
0x2cf: {  	v6 =	vadd.f32 v27, v6;
	v27 =	vld [tilespmem:s21+$0x5810]  }
0x2d0: {  	v7 =	vadd.f32 v28, v7;
	v28 =	vld [tilespmem:s21+$0x5820]  }
0x2d1: {  	v8 =	vadd.f32 v24, v8;
	v29 =	vld [tilespmem:s21+$0x5830]  }
0x2d2: {  	v9 =	vadd.f32 v26, v9;
	v30 =	vld [tilespmem:s21+$0x5840]  }
0x2d3: {  	v10 =	vadd.f32 v25, v10;
	v31 =	vld [tilespmem:s21+$0x5850]  }
.Ltmp9:
0x2d4: {  	v11 =	vadd.f32 v27, v11;
	v24 =	vld [tilespmem:s21+$0x5860];
	(pc) =	sbr.rel @p0 .LBB2_20-.Ltmp9, $4  }
0x2d5: {  	v12 =	vadd.f32 v28, v12;
	v26 =	vld [tilespmem:s21+$0x5870]  }
0x2d6: {  	v13 =	vadd.f32 v29, v13;
	v25 =	vld [tilespmem:s21+$0x5C00]  }
0x2d7: {  	v14 =	vadd.f32 v30, v14;
	v27 =	vld [tilespmem:s21+$0x5C10]  }
0x2d8: {  	s23 =	sshrl.u32 s22, $0x3;
	s22 =	sadd.s32 $0x1, s22;
	v17 =	vadd.f32 v31, v17;
	v28 =	vld [tilespmem:s21+$0x5C20]  }
0x2d9: {  	s22 =	smul.u32 $0x3000, s23;
	v29 =	vld [tilespmem:s21+$0x5C30]  }
0x2da: {  	v30 =	vld [tilespmem:s21+$0x5C40];
	s20 =	sadd.s32 $0x80, s20  }
0x2db: {  	v31 =	vld [tilespmem:s21+$0x5C50];
	s20 =	sand.u32 $0x380, s20;
	s22 =	sshra.s32 s22, $0x2  }
0x2dc: {  	v32 =	vld [tilespmem:s21+$0x5C60];
	s20 =	sor.u32 s20, s22  }
0x2dd: {  	v33 =	vld [tilespmem:s20+$0x5C70]  }
0x2de: {  	v34 =	vld [tilespmem:s20+$0x5400]  }
0x2df: {  	v35 =	vld [tilespmem:s20+$0x5410]  }
0x2e0: {  	v36 =	vld [tilespmem:s20+$0x5420]  }
0x2e1: {  	v37 =	vld [tilespmem:s20+$0x5430]  }
0x2e2: {  	v38 =	vld [tilespmem:s20+$0x5440]  }
0x2e3: {  	v39 =	vld [tilespmem:s20+$0x5450]  }
0x2e4: {  	v40 =	vld [tilespmem:s20+$0x5460]  }
0x2e5: {  	v41 =	vld [tilespmem:s20+$0x5470]  }
0x2e6: {  	v42 =	vld [tilespmem:s20+$0x5800]  }
0x2e7: {  	v43 =	vld [tilespmem:s20+$0x5810]  }
0x2e8: {  	v44 =	vld [tilespmem:s20+$0x5820]  }
0x2e9: {  	v45 =	vld [tilespmem:s20+$0x5830]  }
0x2ea: {  	v46 =	vld [tilespmem:s20+$0x5840]  }
0x2eb: {  	v47 =	vld [tilespmem:s20+$0x5850]  }
0x2ec: {  	v48 =	vld [tilespmem:s20+$0x5860]  }
0x2ed: {  	v49 =	vld [tilespmem:s20+$0x5870]  }
0x2ee: {  	v50 =	vld [tilespmem:s20+$0x5C00]  }
0x2ef: {  	v51 =	vld [tilespmem:s20+$0x5C10]  }
0x2f0: {  	v52 =	vld [tilespmem:s20+$0x5C20]  }
0x2f1: {  	v53 =	vld [tilespmem:s20+$0x5C30]  }
0x2f2: {  	v54 =	vld [tilespmem:s20+$0x5C40]  }
0x2f3: {  	s30 =	simm.s32 $0x0;
	v55 =	vld [tilespmem:s20+$0x5C50]  }
0x2f4: {  	s31 =	smul.u32 $0x3000, s30;
	v56 =	vld [tilespmem:s20+$0x5C60];
	s20 =	simm.s32 $0x0  }
0x2f5: {  	v18 =	vadd.f32 v24, v18;
	v19 =	vadd.f32 v26, v19;
	[tilespmem:s20], [sflag:$0x1] =	stream.linear.gather [hbm4b:s9+s20], $0xA800, $0x38;
	[tilespmem:$0x15180] =	vst v63  }
0x2f6: {  	v20 =	vadd.f32 v25, v20;
	v21 =	vadd.f32 v27, v21;
	_ =	swait.ge [sflag:s14], $0xA800  }
0x2f7: {  	s22 =	sshra.s32 s31, $0x2;
	v22 =	vadd.f32 v28, v22;
	v23 =	vadd.f32 v29, v23;
	s21 =	sand.u32 $0x380, s20;
	[sflag:s14] =	ssyncset.done $0x0  }
0x2f8: {  	v15 =	vadd.f32 v30, v15;
	v24 =	vadd.f32 v31, v16;
	s23 =	sor.u32 s21, s22;
	[sflag:s14] =	ssyncadd.s32 $0xFFFF5800  }
0x2f9: {  	v0 =	vadd.f32 v32, v0;
	v1 =	vadd.f32 v33, v1;
	v25 =	vld [tilespmem:s23+$0xB070]  }
0x2fa: {  	v2 =	vadd.f32 v34, v2;
	v26 =	vadd.f32 v35, v3;
	v3 =	vld [tilespmem:s23+$0xA800]  }
0x2fb: {  	v27 =	vadd.f32 v36, v4;
	v5 =	vadd.f32 v37, v5;
	v4 =	vld [tilespmem:s23+$0xA810]  }
0x2fc: {  	v28 =	vadd.f32 v38, v6;
	v29 =	vadd.f32 v39, v7;
	v30 =	vld [tilespmem:s23+$0xA820]  }
0x2fd: {  	v8 =	vadd.f32 v40, v8;
	v9 =	vadd.f32 v41, v9;
	v31 =	vld [tilespmem:s23+$0xA830]  }
0x2fe: {  	v10 =	vadd.f32 v42, v10;
	v11 =	vadd.f32 v43, v11;
	v32 =	vld [tilespmem:s23+$0xA840]  }
0x2ff: {  	v12 =	vadd.f32 v44, v12;
	v13 =	vadd.f32 v45, v13;
	v45 =	vld [tilespmem:s23+$0xA850]  }
0x300: {  	v14 =	vadd.f32 v46, v14;
	v57 =	vadd.f32 v47, v17;
	v58 =	vld [tilespmem:s23+$0xA860]  }
0x301: {  	v16 =	vadd.f32 v48, v18;
	v17 =	vadd.f32 v49, v19;
	v59 =	vld [tilespmem:s23+$0xA870]  }
0x302: {  	v18 =	vadd.f32 v50, v20;
	v19 =	vadd.f32 v51, v21;
	v60 =	vld [tilespmem:s23+$0xAC00]  }
0x303: {  	v20 =	vadd.f32 v52, v22;
	v21 =	vadd.f32 v53, v23;
	v61 =	vld [tilespmem:s23+$0xAC10]  }
0x304: {  	v22 =	vadd.f32 v54, v15;
	v23 =	vadd.f32 v55, v24;
	v15 =	vld [tilespmem:s23+$0xAC20]  }
0x305: {  	v6 =	vadd.f32 v56, v0;
	v62 =	vld [tilespmem:s23+$0xAC30];
	v7 =	vadd.f32 v25, v1  }
0x306: {  	v63 =	vld [tilespmem:s23+$0xAC40];
	v3 =	vadd.f32 v3, v2;
	v4 =	vadd.f32 v4, v26  }
0x307: {  	v0 =	vadd.f32 v30, v27;
	v1 =	vadd.f32 v31, v5;
	v30 =	vld [tilespmem:s23+$0xAC50]  }
0x308: {  	v24 =	vld [tilespmem:s23+$0xAC60];
	v2 =	vadd.f32 v32, v28;
	v5 =	vadd.f32 v45, v29  }
0x309: {  	v8 =	vadd.f32 v58, v8;
	v9 =	vadd.f32 v59, v9;
	v26 =	vld [tilespmem:s23+$0xAC70]  }
0x30a: {  	v10 =	vadd.f32 v60, v10;
	v11 =	vadd.f32 v61, v11;
	v25 =	vld [tilespmem:s23+$0xB000]  }
0x30b: {  	v12 =	vadd.f32 v15, v12;
	v13 =	vadd.f32 v62, v13;
	v27 =	vld [tilespmem:s23+$0xB010]  }
0x30c: {  	s26 =	simm.s32 $0x0;
	s25 =	simm.s32 $0x2;
	s24 =	simm.s32 $0x0;
	v14 =	vadd.f32 v63, v14;
	v28 =	vld [tilespmem:s23+$0xB020];
	v15 =	vadd.f32 v30, v57  }
.LBB2_22:
0x30d: {  	p0 =	sne.s32 s25, $0x37;
	s26 =	smul.u32 $0x3000, s26;
	v16 =	vadd.f32 v24, v16;
	v24 =	vld [tilespmem:s23+$0xB030]  }
0x30e: {  	s24 =	sadd.s32 $0x80, s24;
	v17 =	vadd.f32 v26, v17;
	v26 =	vld [tilespmem:s23+$0xB040]  }
0x30f: {  	s28 =	sand.u32 $0x380, s24;
	s26 =	sshra.s32 s26, $0x2;
	v18 =	vadd.f32 v25, v18;
	v25 =	vld [tilespmem:s23+$0xB050]  }
0x310: {  	v19 =	vadd.f32 v27, v19;
	v27 =	vld [tilespmem:s23+$0xB060];
	s23 =	sor.u32 s28, s26  }
0x311: {  	v29 =	vld [tilespmem:s23+$0xB070];
	v20 =	vadd.f32 v28, v20  }
0x312: {  	v28 =	vld [tilespmem:s23+$0xA800];
	v21 =	vadd.f32 v24, v21  }
0x313: {  	v24 =	vld [tilespmem:s23+$0xA810];
	v22 =	vadd.f32 v26, v22  }
0x314: {  	v26 =	vld [tilespmem:s23+$0xA820];
	v23 =	vadd.f32 v25, v23  }
0x315: {  	v25 =	vld [tilespmem:s23+$0xA830];
	v6 =	vadd.f32 v27, v6  }
0x316: {  	v27 =	vld [tilespmem:s23+$0xA840];
	v7 =	vadd.f32 v29, v7  }
0x317: {  	v3 =	vadd.f32 v28, v3;
	v28 =	vld [tilespmem:s23+$0xA850]  }
0x318: {  	v4 =	vadd.f32 v24, v4;
	v24 =	vld [tilespmem:s23+$0xA860]  }
0x319: {  	v0 =	vadd.f32 v26, v0;
	v26 =	vld [tilespmem:s23+$0xA870]  }
0x31a: {  	v1 =	vadd.f32 v25, v1;
	v25 =	vld [tilespmem:s23+$0xAC00]  }
0x31b: {  	v2 =	vadd.f32 v27, v2;
	v27 =	vld [tilespmem:s23+$0xAC10]  }
0x31c: {  	v5 =	vadd.f32 v28, v5;
	v28 =	vld [tilespmem:s23+$0xAC20]  }
0x31d: {  	v8 =	vadd.f32 v24, v8;
	v29 =	vld [tilespmem:s23+$0xAC30]  }
0x31e: {  	v9 =	vadd.f32 v26, v9;
	v30 =	vld [tilespmem:s23+$0xAC40]  }
0x31f: {  	v10 =	vadd.f32 v25, v10;
	v31 =	vld [tilespmem:s23+$0xAC50]  }
.Ltmp10:
0x320: {  	v11 =	vadd.f32 v27, v11;
	v24 =	vld [tilespmem:s23+$0xAC60];
	(pc) =	sbr.rel @p0 .LBB2_22-.Ltmp10, $4  }
0x321: {  	v12 =	vadd.f32 v28, v12;
	v26 =	vld [tilespmem:s23+$0xAC70]  }
0x322: {  	v13 =	vadd.f32 v29, v13;
	v25 =	vld [tilespmem:s23+$0xB000]  }
0x323: {  	v14 =	vadd.f32 v30, v14;
	v27 =	vld [tilespmem:s23+$0xB010]  }
0x324: {  	s26 =	sshrl.u32 s25, $0x3;
	s25 =	sadd.s32 $0x1, s25;
	v15 =	vadd.f32 v31, v15;
	v28 =	vld [tilespmem:s23+$0xB020]  }
0x325: {  	v29 =	vld [tilespmem:s23+$0xB030]  }
0x326: {  	v30 =	vld [tilespmem:s23+$0xB040]  }
0x327: {  	v31 =	vld [tilespmem:s23+$0xB050];
	s21 =	sor.u32 s21, s22  }
0x328: {  	v32 =	vld [tilespmem:s23+$0xB060];
	s22 =	sadd.s32 $0x10400, s21  }
0x329: {  	s31 =	sadd.s32 $0x10000, s21;
	v55 =	vld [tilespmem:s22+$0x70]  }
0x32a: {  	v56 =	vld [tilespmem:s31+$0x10]  }
0x32b: {  	v57 =	vld [tilespmem:s31+$0x20]  }
0x32c: {  	s25 =	smul.u32 $0x3000, s26;
	v58 =	vld [tilespmem:s31+$0x30]  }
0x32d: {  	s24 =	sadd.s32 $0x80, s24;
	v59 =	vld [tilespmem:s31+$0x40]  }
0x32e: {  	s24 =	sand.u32 $0x380, s24;
	s25 =	sshra.s32 s25, $0x2;
	v60 =	vld [tilespmem:s31+$0x50]  }
0x32f: {  	v61 =	vld [tilespmem:s31+$0x60];
	s24 =	sor.u32 s24, s25  }
0x330: {  	v33 =	vld [tilespmem:s24+$0xB070]  }
0x331: {  	v34 =	vld [tilespmem:s24+$0xA800]  }
0x332: {  	v35 =	vld [tilespmem:s24+$0xA810]  }
0x333: {  	v36 =	vld [tilespmem:s24+$0xA820]  }
0x334: {  	v37 =	vld [tilespmem:s24+$0xA830]  }
0x335: {  	v38 =	vld [tilespmem:s24+$0xA840]  }
0x336: {  	v39 =	vld [tilespmem:s24+$0xA850]  }
0x337: {  	v40 =	vld [tilespmem:s24+$0xA860]  }
0x338: {  	v41 =	vld [tilespmem:s24+$0xA870]  }
0x339: {  	v42 =	vld [tilespmem:s24+$0xAC00]  }
0x33a: {  	v43 =	vld [tilespmem:s24+$0xAC10]  }
0x33b: {  	v44 =	vld [tilespmem:s24+$0xAC20]  }
0x33c: {  	v45 =	vld [tilespmem:s24+$0xAC30]  }
0x33d: {  	v16 =	vadd.f32 v24, v16;
	v17 =	vadd.f32 v26, v17;
	v46 =	vld [tilespmem:s24+$0xAC40]  }
0x33e: {  	v18 =	vadd.f32 v25, v18;
	v19 =	vadd.f32 v27, v19;
	v47 =	vld [tilespmem:s24+$0xAC50]  }
0x33f: {  	v48 =	vld [tilespmem:s24+$0xAC60];
	v20 =	vadd.f32 v28, v20;
	v21 =	vadd.f32 v29, v21  }
0x340: {  	v49 =	vld [tilespmem:s24+$0xAC70];
	v22 =	vadd.f32 v30, v22;
	v23 =	vadd.f32 v31, v23  }
0x341: {  	v50 =	vld [tilespmem:s24+$0xB000];
	v28 =	vadd.f32 v32, v6;
	v29 =	vadd.f32 v33, v7  }
0x342: {  	v51 =	vld [tilespmem:s24+$0xB010];
	v31 =	vadd.f32 v34, v3;
	v3 =	vadd.f32 v35, v4  }
0x343: {  	v52 =	vld [tilespmem:s24+$0xB020];
	v7 =	vadd.f32 v36, v0;
	v4 =	vadd.f32 v37, v1  }
0x344: {  	v24 =	vld [tilespmem:s24+$0xB030];
	v6 =	vadd.f32 v38, v2;
	v2 =	vadd.f32 v39, v5  }
0x345: {  	v25 =	vld [tilespmem:s24+$0xB040];
	v5 =	vadd.f32 v40, v8;
	v0 =	vadd.f32 v41, v9  }
0x346: {  	v26 =	vld [tilespmem:s24+$0xB050];
	v1 =	vadd.f32 v42, v10;
	v11 =	vadd.f32 v43, v11  }
0x347: {  	v27 =	vld [tilespmem:s24+$0xB060];
	v12 =	vadd.f32 v44, v12;
	v13 =	vadd.f32 v45, v13  }
0x348: {  	v30 =	vld [tilespmem:s21+$0xFC00];
	v14 =	vadd.f32 v46, v14;
	v15 =	vadd.f32 v47, v15  }
0x349: {  	v62 =	vld [tilespmem:s31+$0x70];
	v16 =	vadd.f32 v48, v16;
	v17 =	vadd.f32 v49, v17  }
0x34a: {  	v8 =	vadd.f32 v50, v18;
	v18 =	vadd.f32 v51, v19;
	v19 =	vld [tilespmem:s22+$0x10]  }
0x34b: {  	v20 =	vadd.f32 v52, v20;
	v21 =	vadd.f32 v24, v21;
	v24 =	vld [tilespmem:s22+$0x20]  }
0x34c: {  	v22 =	vadd.f32 v25, v22;
	v23 =	vadd.f32 v26, v23;
	v26 =	vld [tilespmem:s22+$0x30]  }
0x34d: {  	v63 =	vadd.f32 v27, v28;
	v27 =	vld [tilespmem:s22+$0x40];
	v9 =	vadd.f32 v30, v31  }
0x34e: {  	v10 =	vadd.f32 v55, v29;
	v11 =	vadd.f32 v56, v11;
	v29 =	vld [tilespmem:s22+$0x50]  }
0x34f: {  	v12 =	vadd.f32 v57, v12;
	v13 =	vadd.f32 v58, v13;
	v30 =	vld [tilespmem:s22+$0x60]  }
0x350: {  	v25 =	vld [tilespmem:s21+$0xFC10];
	v14 =	vadd.f32 v59, v14;
	v15 =	vadd.f32 v60, v15  }
0x351: {  	v28 =	vld [tilespmem:s21+$0xFC20];
	v16 =	vadd.f32 v61, v16;
	v17 =	vadd.f32 v62, v17  }
0x352: {  	v18 =	vadd.f32 v19, v18;
	v19 =	vadd.f32 v24, v20;
	v24 =	vld [tilespmem:s21+$0xFC30]  }
0x353: {  	v20 =	vadd.f32 v26, v21;
	v21 =	vadd.f32 v27, v22;
	v27 =	vld [tilespmem:s21+$0xFC40]  }
0x354: {  	s23 =	simm.s32 $0x0;
	s22 =	simm.s32 $0x2;
	v26 =	vld [tilespmem:s21+$0xFC50];
	v22 =	vadd.f32 v29, v23;
	v23 =	vadd.f32 v30, v63  }
.LBB2_24:
0x355: {  	p0 =	sne.s32 s22, $0x37;
	s23 =	smul.u32 $0x3000, s23;
	v3 =	vadd.f32 v25, v3;
	v25 =	vld [tilespmem:s21+$0xFC60]  }
0x356: {  	s20 =	sadd.s32 $0x80, s20;
	v7 =	vadd.f32 v28, v7;
	v28 =	vld [tilespmem:s21+$0xFC70]  }
0x357: {  	s24 =	sand.u32 $0x380, s20;
	s23 =	sshra.s32 s23, $0x2;
	v4 =	vadd.f32 v24, v4;
	v24 =	vld [tilespmem:s21+$0x10000]  }
0x358: {  	v6 =	vadd.f32 v27, v6;
	v27 =	vld [tilespmem:s21+$0x10400];
	s21 =	sor.u32 s24, s23  }
0x359: {  	v29 =	vld [tilespmem:s21+$0xFC00];
	s23 =	sadd.s32 $0x10000, s21;
	s24 =	sadd.s32 $0x10400, s21;
	v2 =	vadd.f32 v26, v2  }
0x35a: {  	v26 =	vld [tilespmem:s24+$0x70];
	v5 =	vadd.f32 v25, v5  }
0x35b: {  	v25 =	vld [tilespmem:s23+$0x10];
	v0 =	vadd.f32 v28, v0  }
0x35c: {  	v28 =	vld [tilespmem:s23+$0x20];
	v1 =	vadd.f32 v24, v1  }
0x35d: {  	v24 =	vld [tilespmem:s23+$0x30];
	v8 =	vadd.f32 v27, v8  }
0x35e: {  	v9 =	vadd.f32 v29, v9;
	v27 =	vld [tilespmem:s23+$0x40]  }
0x35f: {  	v29 =	vld [tilespmem:s23+$0x50];
	v10 =	vadd.f32 v26, v10  }
0x360: {  	v11 =	vadd.f32 v25, v11;
	v25 =	vld [tilespmem:s23+$0x60]  }
0x361: {  	v12 =	vadd.f32 v28, v12;
	v26 =	vld [tilespmem:s23+$0x70]  }
0x362: {  	v13 =	vadd.f32 v24, v13;
	v24 =	vld [tilespmem:s24+$0x10]  }
0x363: {  	v14 =	vadd.f32 v27, v14;
	v27 =	vld [tilespmem:s24+$0x20]  }
0x364: {  	v15 =	vadd.f32 v29, v15;
	v29 =	vld [tilespmem:s24+$0x30]  }
0x365: {  	v16 =	vadd.f32 v25, v16;
	v30 =	vld [tilespmem:s24+$0x40]  }
0x366: {  	v17 =	vadd.f32 v26, v17;
	v26 =	vld [tilespmem:s24+$0x50]  }
0x367: {  	v18 =	vadd.f32 v24, v18;
	v31 =	vld [tilespmem:s24+$0x60]  }
.Ltmp11:
0x368: {  	v25 =	vld [tilespmem:s21+$0xFC10];
	v19 =	vadd.f32 v27, v19;
	(pc) =	sbr.rel @p0 .LBB2_24-.Ltmp11, $4  }
0x369: {  	v28 =	vld [tilespmem:s21+$0xFC20];
	v20 =	vadd.f32 v29, v20  }
0x36a: {  	v24 =	vld [tilespmem:s21+$0xFC30];
	v21 =	vadd.f32 v30, v21  }
0x36b: {  	v27 =	vld [tilespmem:s21+$0xFC40];
	v22 =	vadd.f32 v26, v22  }
0x36c: {  	s23 =	sshrl.u32 s22, $0x3;
	s22 =	sadd.s32 $0x1, s22;
	v26 =	vld [tilespmem:s21+$0xFC50];
	v23 =	vadd.f32 v31, v23  }
0x36d: {  	s22 =	smul.u32 $0x3000, s23;
	v29 =	vld [tilespmem:s21+$0xFC60]  }
0x36e: {  	v30 =	vld [tilespmem:s21+$0xFC70];
	s20 =	sadd.s32 $0x80, s20  }
0x36f: {  	v31 =	vld [tilespmem:s21+$0x10000];
	s20 =	sand.u32 $0x380, s20;
	s22 =	sshra.s32 s22, $0x2  }
0x370: {  	v32 =	vld [tilespmem:s21+$0x10400];
	s20 =	sor.u32 s20, s22  }
0x371: {  	v33 =	vld [tilespmem:s20+$0xFC00]  }
0x372: {  	v48 =	vld [tilespmem:s20+$0xFC10]  }
0x373: {  	v49 =	vld [tilespmem:s20+$0xFC20]  }
0x374: {  	v50 =	vld [tilespmem:s20+$0xFC30]  }
0x375: {  	v51 =	vld [tilespmem:s20+$0xFC40]  }
0x376: {  	v52 =	vld [tilespmem:s20+$0xFC50]  }
0x377: {  	v53 =	vld [tilespmem:s20+$0xFC60]  }
0x378: {  	v54 =	vld [tilespmem:s20+$0xFC70]  }
0x379: {  	v55 =	vld [tilespmem:s20+$0x10000]  }
0x37a: {  	s29 =	sadd.s32 $0x10400, s20;
	v56 =	vld [tilespmem:s20+$0x10400]  }
0x37b: {  	s22 =	sadd.s32 $0x10000, s20;
	v34 =	vld [tilespmem:s29+$0x70]  }
0x37c: {  	v35 =	vld [tilespmem:s22+$0x10]  }
0x37d: {  	v36 =	vld [tilespmem:s22+$0x20]  }
0x37e: {  	v37 =	vld [tilespmem:s22+$0x30]  }
0x37f: {  	v38 =	vld [tilespmem:s22+$0x40]  }
0x380: {  	v39 =	vld [tilespmem:s22+$0x50]  }
0x381: {  	v40 =	vld [tilespmem:s22+$0x60]  }
0x382: {  	v41 =	vld [tilespmem:s22+$0x70]  }
0x383: {  	v42 =	vld [tilespmem:s29+$0x10]  }
0x384: {  	v43 =	vld [tilespmem:s29+$0x20]  }
0x385: {  	v44 =	vld [tilespmem:s29+$0x30]  }
0x386: {  	s30 =	simm.s32 $0x0;
	v45 =	vld [tilespmem:s29+$0x40]  }
0x387: {  	v25 =	vadd.f32 v25, v3;
	v28 =	vadd.f32 v28, v7;
	s31 =	smul.u32 $0x3000, s30;
	v46 =	vld [tilespmem:s29+$0x50]  }
0x388: {  	v24 =	vadd.f32 v24, v4;
	v27 =	vadd.f32 v27, v6;
	s20 =	simm.s32 $0x0;
	v47 =	vld [tilespmem:s29+$0x60];
	_ =	swait.ge [sflag:s13], $0xA800  }
0x389: {  	v26 =	vadd.f32 v26, v2;
	v29 =	vadd.f32 v29, v5;
	s21 =	sand.u32 $0x380, s20;
	s22 =	sshra.s32 s31, $0x2;
	[sflag:s13] =	ssyncset.done $0x0  }
0x38a: {  	v30 =	vadd.f32 v30, v0;
	v31 =	vadd.f32 v31, v1;
	s23 =	sor.u32 s21, s22;
	[sflag:s13] =	ssyncadd.s32 $0xFFFF5800  }
0x38b: {  	v8 =	vadd.f32 v32, v8;
	v63 =	vld [tilespmem:s23+$0x870];
	v9 =	vadd.f32 v33, v9  }
0x38c: {  	v62 =	vld [tilespmem:s23+$0x440];
	v10 =	vadd.f32 v34, v10;
	v57 =	vadd.f32 v35, v11  }
0x38d: {  	v11 =	vld [tilespmem:s23+$0x0];
	v58 =	vadd.f32 v36, v12;
	v59 =	vadd.f32 v37, v13  }
0x38e: {  	v12 =	vld [tilespmem:s23+$0x10];
	v60 =	vadd.f32 v38, v14;
	v61 =	vadd.f32 v39, v15  }
0x38f: {  	v13 =	vld [tilespmem:s23+$0x20];
	v6 =	vadd.f32 v40, v16;
	v7 =	vadd.f32 v41, v17  }
0x390: {  	v14 =	vld [tilespmem:s23+$0x30];
	v3 =	vadd.f32 v42, v18;
	v1 =	vadd.f32 v43, v19  }
0x391: {  	v15 =	vld [tilespmem:s23+$0x40];
	v4 =	vadd.f32 v44, v20;
	v2 =	vadd.f32 v45, v21  }
0x392: {  	v16 =	vld [tilespmem:s23+$0x50];
	v5 =	vadd.f32 v46, v22;
	v0 =	vadd.f32 v47, v23  }
0x393: {  	v17 =	vld [tilespmem:s23+$0x60];
	v18 =	vadd.f32 v48, v25;
	v19 =	vadd.f32 v49, v28  }
0x394: {  	v20 =	vld [tilespmem:s23+$0x70];
	v21 =	vadd.f32 v50, v24;
	v22 =	vadd.f32 v51, v27  }
0x395: {  	v25 =	vld [tilespmem:s23+$0x400];
	v24 =	vadd.f32 v52, v26;
	v26 =	vadd.f32 v53, v29  }
0x396: {  	v27 =	vld [tilespmem:s23+$0x410];
	v28 =	vadd.f32 v54, v30;
	v29 =	vadd.f32 v55, v31  }
0x397: {  	v30 =	vld [tilespmem:s23+$0x420];
	v23 =	vadd.f32 v56, v8;
	v8 =	vadd.f32 v63, v10  }
0x398: {  	v31 =	vld [tilespmem:s23+$0x430];
	v9 =	vadd.f32 v11, v9;
	v10 =	vadd.f32 v12, v18  }
0x399: {  	v63 =	vld [tilespmem:s23+$0x450];
	v11 =	vadd.f32 v13, v19;
	v12 =	vadd.f32 v14, v21  }
0x39a: {  	v13 =	vadd.f32 v15, v22;
	v14 =	vadd.f32 v16, v24;
	v24 =	vld [tilespmem:s23+$0x460]  }
0x39b: {  	v15 =	vadd.f32 v17, v26;
	v16 =	vadd.f32 v20, v28;
	v26 =	vld [tilespmem:s23+$0x470]  }
0x39c: {  	v17 =	vadd.f32 v25, v29;
	v18 =	vadd.f32 v27, v57;
	v25 =	vld [tilespmem:s23+$0x800]  }
0x39d: {  	v19 =	vadd.f32 v30, v58;
	v20 =	vadd.f32 v31, v59;
	v27 =	vld [tilespmem:s23+$0x810]  }
0x39e: {  	s26 =	simm.s32 $0x0;
	s25 =	simm.s32 $0x2;
	s24 =	simm.s32 $0x0;
	v21 =	vadd.f32 v62, v60;
	v28 =	vld [tilespmem:s23+$0x820];
	v22 =	vadd.f32 v63, v61  }
.LBB2_26:
0x39f: {  	p0 =	sne.s32 s25, $0x37;
	s26 =	smul.u32 $0x3000, s26;
	v6 =	vadd.f32 v24, v6;
	v24 =	vld [tilespmem:s23+$0x830]  }
0x3a0: {  	s24 =	sadd.s32 $0x80, s24;
	v7 =	vadd.f32 v26, v7;
	v26 =	vld [tilespmem:s23+$0x840]  }
0x3a1: {  	s28 =	sand.u32 $0x380, s24;
	s26 =	sshra.s32 s26, $0x2;
	v23 =	vadd.f32 v25, v23;
	v25 =	vld [tilespmem:s23+$0x850]  }
0x3a2: {  	v3 =	vadd.f32 v27, v3;
	v27 =	vld [tilespmem:s23+$0x860];
	s23 =	sor.u32 s28, s26  }
0x3a3: {  	v29 =	vld [tilespmem:s23+$0x870];
	v1 =	vadd.f32 v28, v1  }
0x3a4: {  	v28 =	vld [tilespmem:s23+$0x0];
	v4 =	vadd.f32 v24, v4  }
0x3a5: {  	v24 =	vld [tilespmem:s23+$0x10];
	v2 =	vadd.f32 v26, v2  }
0x3a6: {  	v26 =	vld [tilespmem:s23+$0x20];
	v5 =	vadd.f32 v25, v5  }
0x3a7: {  	v25 =	vld [tilespmem:s23+$0x30];
	v0 =	vadd.f32 v27, v0  }
0x3a8: {  	v27 =	vld [tilespmem:s23+$0x40];
	v8 =	vadd.f32 v29, v8  }
0x3a9: {  	v9 =	vadd.f32 v28, v9;
	v28 =	vld [tilespmem:s23+$0x50]  }
0x3aa: {  	v10 =	vadd.f32 v24, v10;
	v24 =	vld [tilespmem:s23+$0x60]  }
0x3ab: {  	v11 =	vadd.f32 v26, v11;
	v26 =	vld [tilespmem:s23+$0x70]  }
0x3ac: {  	v12 =	vadd.f32 v25, v12;
	v25 =	vld [tilespmem:s23+$0x400]  }
0x3ad: {  	v13 =	vadd.f32 v27, v13;
	v27 =	vld [tilespmem:s23+$0x410]  }
0x3ae: {  	v14 =	vadd.f32 v28, v14;
	v28 =	vld [tilespmem:s23+$0x420]  }
0x3af: {  	v15 =	vadd.f32 v24, v15;
	v29 =	vld [tilespmem:s23+$0x430]  }
0x3b0: {  	v16 =	vadd.f32 v26, v16;
	v30 =	vld [tilespmem:s23+$0x440]  }
0x3b1: {  	v17 =	vadd.f32 v25, v17;
	v31 =	vld [tilespmem:s23+$0x450]  }
.Ltmp12:
0x3b2: {  	v18 =	vadd.f32 v27, v18;
	v24 =	vld [tilespmem:s23+$0x460];
	(pc) =	sbr.rel @p0 .LBB2_26-.Ltmp12, $4  }
0x3b3: {  	v19 =	vadd.f32 v28, v19;
	v26 =	vld [tilespmem:s23+$0x470]  }
0x3b4: {  	v20 =	vadd.f32 v29, v20;
	v25 =	vld [tilespmem:s23+$0x800]  }
0x3b5: {  	v21 =	vadd.f32 v30, v21;
	v27 =	vld [tilespmem:s23+$0x810]  }
0x3b6: {  	s26 =	sshrl.u32 s25, $0x3;
	s25 =	sadd.s32 $0x1, s25;
	v22 =	vadd.f32 v31, v22;
	v28 =	vld [tilespmem:s23+$0x820]  }
0x3b7: {  	v29 =	vld [tilespmem:s23+$0x830]  }
0x3b8: {  	v30 =	vld [tilespmem:s23+$0x840]  }
0x3b9: {  	v31 =	vld [tilespmem:s23+$0x850]  }
0x3ba: {  	v32 =	vld [tilespmem:s23+$0x860];
	s21 =	sor.u32 s21, s22  }
0x3bb: {  	v53 =	vld [tilespmem:s21+$0x5420]  }
0x3bc: {  	s25 =	smul.u32 $0x3000, s26;
	v54 =	vld [tilespmem:s21+$0x5430]  }
0x3bd: {  	s24 =	sadd.s32 $0x80, s24;
	v61 =	vld [tilespmem:s21+$0x5460]  }
0x3be: {  	s24 =	sand.u32 $0x380, s24;
	v62 =	vld [tilespmem:s21+$0x5470];
	s25 =	sshra.s32 s25, $0x2  }
0x3bf: {  	v63 =	vld [tilespmem:s21+$0x5800];
	s24 =	sor.u32 s24, s25  }
0x3c0: {  	v33 =	vld [tilespmem:s24+$0x870]  }
0x3c1: {  	v34 =	vld [tilespmem:s24+$0x0]  }
0x3c2: {  	v35 =	vld [tilespmem:s24+$0x10]  }
0x3c3: {  	v36 =	vld [tilespmem:s24+$0x20]  }
0x3c4: {  	v37 =	vld [tilespmem:s24+$0x30]  }
0x3c5: {  	v38 =	vld [tilespmem:s24+$0x40]  }
0x3c6: {  	v39 =	vld [tilespmem:s24+$0x50]  }
0x3c7: {  	v40 =	vld [tilespmem:s24+$0x60]  }
0x3c8: {  	v41 =	vld [tilespmem:s24+$0x70]  }
0x3c9: {  	v42 =	vld [tilespmem:s24+$0x400]  }
0x3ca: {  	v43 =	vld [tilespmem:s24+$0x410]  }
0x3cb: {  	v44 =	vld [tilespmem:s24+$0x420]  }
0x3cc: {  	v45 =	vld [tilespmem:s24+$0x430]  }
0x3cd: {  	v46 =	vld [tilespmem:s24+$0x440]  }
0x3ce: {  	v47 =	vld [tilespmem:s24+$0x450]  }
0x3cf: {  	v6 =	vadd.f32 v24, v6;
	v7 =	vadd.f32 v26, v7;
	v48 =	vld [tilespmem:s24+$0x460]  }
0x3d0: {  	v23 =	vadd.f32 v25, v23;
	v3 =	vadd.f32 v27, v3;
	v49 =	vld [tilespmem:s24+$0x470]  }
0x3d1: {  	v50 =	vld [tilespmem:s24+$0x800];
	v1 =	vadd.f32 v28, v1;
	v4 =	vadd.f32 v29, v4  }
0x3d2: {  	v51 =	vld [tilespmem:s24+$0x810];
	v2 =	vadd.f32 v30, v2;
	v27 =	vadd.f32 v31, v5  }
0x3d3: {  	v52 =	vld [tilespmem:s24+$0x820];
	v0 =	vadd.f32 v32, v0;
	v29 =	vadd.f32 v33, v8  }
0x3d4: {  	v24 =	vld [tilespmem:s24+$0x830];
	v31 =	vadd.f32 v34, v9;
	v10 =	vadd.f32 v35, v10  }
0x3d5: {  	v25 =	vld [tilespmem:s24+$0x840];
	v11 =	vadd.f32 v36, v11;
	v12 =	vadd.f32 v37, v12  }
0x3d6: {  	v26 =	vld [tilespmem:s24+$0x850];
	v13 =	vadd.f32 v38, v13;
	v14 =	vadd.f32 v39, v14  }
0x3d7: {  	v28 =	vld [tilespmem:s24+$0x860];
	v15 =	vadd.f32 v40, v15;
	v16 =	vadd.f32 v41, v16  }
0x3d8: {  	v30 =	vld [tilespmem:s21+$0x5C70];
	v55 =	vadd.f32 v42, v17;
	v56 =	vadd.f32 v43, v18  }
0x3d9: {  	v32 =	vld [tilespmem:s21+$0x5400];
	v57 =	vadd.f32 v44, v19;
	v58 =	vadd.f32 v45, v20  }
0x3da: {  	v33 =	vld [tilespmem:s21+$0x5410];
	v59 =	vadd.f32 v46, v21;
	v60 =	vadd.f32 v47, v22  }
0x3db: {  	v17 =	vld [tilespmem:s21+$0x5440];
	v9 =	vadd.f32 v48, v6;
	v8 =	vadd.f32 v49, v7  }
0x3dc: {  	v18 =	vld [tilespmem:s21+$0x5450];
	v7 =	vadd.f32 v50, v23;
	v6 =	vadd.f32 v51, v3  }
0x3dd: {  	v5 =	vadd.f32 v52, v1;
	v4 =	vadd.f32 v24, v4;
	v24 =	vld [tilespmem:s21+$0x5810]  }
0x3de: {  	v3 =	vadd.f32 v25, v2;
	v2 =	vadd.f32 v26, v27;
	v25 =	vld [tilespmem:s21+$0x5820]  }
0x3df: {  	v1 =	vadd.f32 v28, v0;
	v26 =	vld [tilespmem:s21+$0x5830];
	v0 =	vadd.f32 v30, v29  }
0x3e0: {  	v23 =	vadd.f32 v32, v31;
	v22 =	vadd.f32 v53, v11;
	v11 =	vld [tilespmem:s21+$0x5850]  }
0x3e1: {  	v19 =	vadd.f32 v54, v12;
	v21 =	vadd.f32 v33, v10;
	v10 =	vld [tilespmem:s21+$0x5840]  }
0x3e2: {  	v27 =	vld [tilespmem:s21+$0x5860];
	v20 =	vadd.f32 v17, v13;
	v17 =	vadd.f32 v18, v14  }
0x3e3: {  	v28 =	vld [tilespmem:s21+$0x5870];
	v18 =	vadd.f32 v61, v15;
	v15 =	vadd.f32 v62, v16  }
0x3e4: {  	v16 =	vadd.f32 v63, v55;
	v13 =	vadd.f32 v24, v56;
	v24 =	vld [tilespmem:s21+$0x5C00]  }
0x3e5: {  	v14 =	vadd.f32 v25, v57;
	v12 =	vadd.f32 v26, v58;
	v25 =	vld [tilespmem:s21+$0x5C10]  }
0x3e6: {  	s23 =	simm.s32 $0x0;
	s22 =	simm.s32 $0x2;
	v26 =	vld [tilespmem:s21+$0x5C20];
	v11 =	vadd.f32 v11, v60;
	v10 =	vadd.f32 v10, v59  }
.LBB2_28:
0x3e7: {  	p0 =	sne.s32 s22, $0x37;
	s23 =	smul.u32 $0x3000, s23;
	v9 =	vadd.f32 v27, v9;
	v27 =	vld [tilespmem:s21+$0x5C30]  }
0x3e8: {  	s20 =	sadd.s32 $0x80, s20;
	v8 =	vadd.f32 v28, v8;
	v28 =	vld [tilespmem:s21+$0x5C40]  }
0x3e9: {  	s24 =	sand.u32 $0x380, s20;
	s23 =	sshra.s32 s23, $0x2;
	v7 =	vadd.f32 v24, v7;
	v24 =	vld [tilespmem:s21+$0x5C50]  }
0x3ea: {  	v6 =	vadd.f32 v25, v6;
	v25 =	vld [tilespmem:s21+$0x5C60];
	s21 =	sor.u32 s24, s23  }
0x3eb: {  	v29 =	vld [tilespmem:s21+$0x5C70];
	v5 =	vadd.f32 v26, v5  }
0x3ec: {  	v26 =	vld [tilespmem:s21+$0x5400];
	v4 =	vadd.f32 v27, v4  }
0x3ed: {  	v27 =	vld [tilespmem:s21+$0x5410];
	v3 =	vadd.f32 v28, v3  }
0x3ee: {  	v28 =	vld [tilespmem:s21+$0x5420];
	v2 =	vadd.f32 v24, v2  }
0x3ef: {  	v24 =	vld [tilespmem:s21+$0x5430];
	v1 =	vadd.f32 v25, v1  }
0x3f0: {  	v25 =	vld [tilespmem:s21+$0x5440];
	v0 =	vadd.f32 v29, v0  }
0x3f1: {  	v23 =	vadd.f32 v26, v23;
	v26 =	vld [tilespmem:s21+$0x5450]  }
0x3f2: {  	v21 =	vadd.f32 v27, v21;
	v27 =	vld [tilespmem:s21+$0x5460]  }
0x3f3: {  	v22 =	vadd.f32 v28, v22;
	v28 =	vld [tilespmem:s21+$0x5470]  }
0x3f4: {  	v19 =	vadd.f32 v24, v19;
	v24 =	vld [tilespmem:s21+$0x5800]  }
0x3f5: {  	v20 =	vadd.f32 v25, v20;
	v25 =	vld [tilespmem:s21+$0x5810]  }
0x3f6: {  	v17 =	vadd.f32 v26, v17;
	v26 =	vld [tilespmem:s21+$0x5820]  }
0x3f7: {  	v18 =	vadd.f32 v27, v18;
	v29 =	vld [tilespmem:s21+$0x5830]  }
0x3f8: {  	v15 =	vadd.f32 v28, v15;
	v30 =	vld [tilespmem:s21+$0x5840]  }
0x3f9: {  	v16 =	vadd.f32 v24, v16;
	v31 =	vld [tilespmem:s21+$0x5850]  }
.Ltmp13:
0x3fa: {  	v13 =	vadd.f32 v25, v13;
	v27 =	vld [tilespmem:s21+$0x5860];
	(pc) =	sbr.rel @p0 .LBB2_28-.Ltmp13, $4  }
0x3fb: {  	v14 =	vadd.f32 v26, v14;
	v28 =	vld [tilespmem:s21+$0x5870]  }
0x3fc: {  	v12 =	vadd.f32 v29, v12;
	v24 =	vld [tilespmem:s21+$0x5C00]  }
0x3fd: {  	v10 =	vadd.f32 v30, v10;
	v25 =	vld [tilespmem:s21+$0x5C10]  }
0x3fe: {  	s23 =	sshrl.u32 s22, $0x3;
	s22 =	sadd.s32 $0x1, s22;
	v11 =	vadd.f32 v31, v11;
	v26 =	vld [tilespmem:s21+$0x5C20]  }
0x3ff: {  	s22 =	smul.u32 $0x3000, s23;
	v29 =	vld [tilespmem:s21+$0x5C30]  }
0x400: {  	v30 =	vld [tilespmem:s21+$0x5C40];
	s20 =	sadd.s32 $0x80, s20  }
0x401: {  	v31 =	vld [tilespmem:s21+$0x5C50];
	s20 =	sand.u32 $0x380, s20;
	s22 =	sshra.s32 s22, $0x2  }
0x402: {  	v32 =	vld [tilespmem:s21+$0x5C60];
	s20 =	sor.u32 s20, s22  }
0x403: {  	v33 =	vld [tilespmem:s20+$0x5C70]  }
0x404: {  	v34 =	vld [tilespmem:s20+$0x5400]  }
0x405: {  	v35 =	vld [tilespmem:s20+$0x5410]  }
0x406: {  	v36 =	vld [tilespmem:s20+$0x5420]  }
0x407: {  	v37 =	vld [tilespmem:s20+$0x5430]  }
0x408: {  	v38 =	vld [tilespmem:s20+$0x5440]  }
0x409: {  	v39 =	vld [tilespmem:s20+$0x5450]  }
0x40a: {  	v40 =	vld [tilespmem:s20+$0x5460]  }
0x40b: {  	v41 =	vld [tilespmem:s20+$0x5470]  }
0x40c: {  	v42 =	vld [tilespmem:s20+$0x5800]  }
0x40d: {  	v43 =	vld [tilespmem:s20+$0x5810]  }
0x40e: {  	v44 =	vld [tilespmem:s20+$0x5820]  }
0x40f: {  	v45 =	vld [tilespmem:s20+$0x5830]  }
0x410: {  	v46 =	vld [tilespmem:s20+$0x5840]  }
0x411: {  	v47 =	vld [tilespmem:s20+$0x5850]  }
0x412: {  	v48 =	vld [tilespmem:s20+$0x5860]  }
0x413: {  	v49 =	vld [tilespmem:s20+$0x5870]  }
0x414: {  	v50 =	vld [tilespmem:s20+$0x5C00]  }
0x415: {  	v51 =	vld [tilespmem:s20+$0x5C10]  }
0x416: {  	v52 =	vld [tilespmem:s20+$0x5C20]  }
0x417: {  	v53 =	vld [tilespmem:s20+$0x5C30]  }
0x418: {  	v54 =	vld [tilespmem:s20+$0x5C40];
	v23 =	vadd.f32 v34, v23  }
0x419: {  	v62 =	vld [tilespmem:s20+$0x5C50];
	v21 =	vadd.f32 v35, v21  }
0x41a: {  	v63 =	vld [tilespmem:s20+$0x5C60];
	v22 =	vadd.f32 v36, v22;
	[tilespmem:$0x15000] =	vst v23  }
0x41b: {  	v19 =	vadd.f32 v37, v19;
	[tilespmem:$0x15010] =	vst v21  }
0x41c: {  	v20 =	vadd.f32 v38, v20;
	[tilespmem:$0x15020] =	vst v22  }
0x41d: {  	v17 =	vadd.f32 v39, v17;
	[tilespmem:$0x15030] =	vst v19  }
0x41e: {  	v18 =	vadd.f32 v40, v18;
	[tilespmem:$0x15040] =	vst v20  }
0x41f: {  	v15 =	vadd.f32 v41, v15;
	[tilespmem:$0x15050] =	vst v17  }
0x420: {  	v16 =	vadd.f32 v42, v16;
	[tilespmem:$0x15060] =	vst v18  }
0x421: {  	v13 =	vadd.f32 v43, v13;
	[tilespmem:$0x15070] =	vst v15  }
0x422: {  	v14 =	vadd.f32 v44, v14;
	[tilespmem:$0x15080] =	vst v16  }
0x423: {  	v12 =	vadd.f32 v45, v12;
	[tilespmem:$0x15090] =	vst v13  }
0x424: {  	v9 =	vadd.f32 v27, v9;
	v10 =	vadd.f32 v46, v10;
	[tilespmem:$0x150A0] =	vst v14  }
0x425: {  	v8 =	vadd.f32 v28, v8;
	v11 =	vadd.f32 v47, v11;
	[tilespmem:$0x150B0] =	vst v12  }
0x426: {  	v7 =	vadd.f32 v24, v7;
	v9 =	vadd.f32 v48, v9;
	[tilespmem:$0x150C0] =	vst v10  }
0x427: {  	v6 =	vadd.f32 v25, v6;
	v8 =	vadd.f32 v49, v8;
	[tilespmem:$0x150D0] =	vst v11  }
0x428: {  	v5 =	vadd.f32 v26, v5;
	v7 =	vadd.f32 v50, v7;
	[tilespmem:$0x150E0] =	vst v9  }
0x429: {  	v4 =	vadd.f32 v29, v4;
	v6 =	vadd.f32 v51, v6;
	[tilespmem:$0x150F0] =	vst v8  }
0x42a: {  	v3 =	vadd.f32 v30, v3;
	v5 =	vadd.f32 v52, v5;
	[tilespmem:$0x15100] =	vst v7  }
0x42b: {  	v2 =	vadd.f32 v31, v2;
	v4 =	vadd.f32 v53, v4;
	[tilespmem:$0x15110] =	vst v6  }
0x42c: {  	v1 =	vadd.f32 v32, v1;
	v3 =	vadd.f32 v54, v3;
	[tilespmem:$0x15120] =	vst v5  }
0x42d: {  	v2 =	vadd.f32 v62, v2;
	[tilespmem:$0x15130] =	vst v4  }
0x42e: {  	v1 =	vadd.f32 v63, v1;
	[tilespmem:$0x15140] =	vst v3  }
0x42f: {  	s19 =	sadd.s32 $0x1, s19;
	v0 =	vadd.f32 v33, v0;
	[tilespmem:$0x15150] =	vst v2  }
0x430: {  	p0 =	sne.s32 s19, s11;
	[tilespmem:$0x15160] =	vst v1  }
.Ltmp14:
0x431: {  	[tilespmem:$0x15170] =	vst v0;
	(pc) =	sbr.rel @p0 .LBB2_1-.Ltmp14, $4  }
0x432: {  	[hbm4b:s10+s15] =	stream.strided.scatter [tilespmem:s17], [sflag:$0x3], $0x180, s16, s15, $0x38;
	[tilespmem:$0x15180] =	vst v63  }
0x433: {  	_ =	swait.ge [sflag:s18], $0x180  }
0x434: {  	[sflag:s18] =	ssyncset.done $0x0  }
0x435: {  	[sflag:s18] =	ssyncadd.s32 $0xFFFFFE80  }
0x436: {  	_ =	sfence.sel $0x180000  }
0x437: {  	[bflag:$0x0] =	sbarrier.arrive $0xFFFF  }
0x438: {  	p0 =	sne.s32 s0, $0x0;
	_ =	strace $0x90000047  }
0x439: {  	s0 =	sadd.s32 @!p0 $0x100000, s1;
	[bflag:$0x2] =	sbarrier.arrive $0xFFFF  }
0x43a: {  	[sflag:s0] =	ssyncadd.tile.s32 @!p0 $0x1;
	_ =	shalt  }
.Lfunc_end2:
_tile_overlayer_lowered:
.L_overlay_start_2:
0x43b: {  	(tag) =	ssettag $0x2  }
0x43c: {  	s0 =	rddreg [dreg:$0x0];
	s2 =	stileid.u32  }
0x43d: {  	s1 =	rddreg [dreg:$0x1];
	p0 =	sne.s32 s2, $0x0  }
0x43e: {  	s3 =	rddreg [dreg:$0x2];
	[bflag:$0x3] =	sbarrier.arrive $0xFFFF;
	s2 =	simm.s32 @!p0 $0x1C03  }
0x43f: {  	[timem:s3], [sflag:s2] =	dma.local @!p0 [hbm:s0], s1  }
0x440: {  	s0 =	simm.s32 @!p0 $0x3  }
0x441: {  	_ =	swait.ge @!p0 [sflag:s0], s1  }
0x442: {  	s1 =	ssub.s32 @!p0 $0x0, s1;
	[sflag:s0] =	ssyncset.done @!p0 $0x0  }
0x443: {  	[sflag:s0] =	ssyncadd.s32 @!p0 s1  }
0x444: {  	[bflag:$0x3] =	sbarrier.arrive $0xFFFF  }
0x445: {  	_ =	shalt  }

</sc_bundles>
